<compile_context>
chip_gen: v7x
topology: tpu7x:2x2x1
jax: 0.10.2.dev20260603
libtpu: 0.0.44.dev20260713+nightly
codegen_flags: <defaults>
</compile_context>

<pallas_src>
import functools

import jax
import jax.numpy as jnp
from jax import lax
from jax.experimental import pallas as pl
from jax.experimental.pallas import tpu as pltpu
from jax.experimental.pallas import tpu_sc as plsc

_EPS = 1e-12
_NW = 32
_CHUNK = 128


_NBUF = 5


def _sc_gather(word_emb, ids_flat, chunk):
    n = ids_flat.shape[0]
    hid = word_emb.shape[1]
    per_w = n // _NW
    steps = per_w // chunk
    nb = min(_NBUF, steps)
    mesh = plsc.VectorSubcoreMesh(core_axis_name="c", subcore_axis_name="s")

    scratch = [pltpu.VMEM((per_w,), jnp.int32)]
    scratch += [pltpu.VMEM((chunk, hid), jnp.float32) for _ in range(nb)]
    scratch += [pltpu.SemaphoreType.DMA for _ in range(2 * nb)]

    @functools.partial(
        pl.kernel,
        mesh=mesh,
        out_type=jax.ShapeDtypeStruct((n, hid), jnp.float32),
        scratch_types=scratch,
    )
    def k(tab_hbm, idx_hbm, out_hbm, idx_v, *rest):
        bufs = rest[:nb]
        gsems = rest[nb:2 * nb]
        wsems = rest[2 * nb:]
        wid = lax.axis_index("s") * 2 + lax.axis_index("c")
        base = pl.multiple_of(wid * per_w, 8)
        pltpu.sync_copy(idx_hbm.at[pl.ds(base, per_w)], idx_v)

        def gather(g):
            b = g % nb
            return pltpu.async_copy(
                tab_hbm.at[idx_v.at[pl.ds(g * chunk, chunk)]], bufs[b],
                gsems[b])

        def write(g):
            b = g % nb
            off = pl.multiple_of(base + g * chunk, 8)
            return pltpu.async_copy(bufs[b], out_hbm.at[pl.ds(off, chunk)],
                                    wsems[b])

        lead = max(nb - 2, 1)
        ghandles, whandles = {}, {}
        for g in range(min(lead, steps)):
            ghandles[g] = gather(g)
        for g in range(steps):
            ghandles.pop(g).wait()
            whandles[g] = write(g)
            ng = g + lead
            if ng < steps:
                prev_w = ng - nb
                if prev_w >= 0:
                    whandles.pop(prev_w).wait()
                ghandles[ng] = gather(ng)
        for g in sorted(whandles):
            whandles.pop(g).wait()

    return k(word_emb, ids_flat)


def _tc_ln(gathered, pos_tiled, gamma, beta, partial, split, total_rows, hid,
           rblk):
    rows = gathered.shape[0]
    nblk = rows // rblk
    nb2 = nblk // 2

    def norm(x, g, b):
        inv_h = 1.0 / hid
        mean = jnp.sum(x, axis=-1, keepdims=True) * inv_h
        sq = jnp.sum(x * x, axis=-1, keepdims=True) * inv_h
        var = sq - mean * mean
        r = lax.rsqrt(var + _EPS)
        return (x - mean) * (r * g) + b

    def body(x1_ref, x2_ref, pos_ref, g_ref, b_ref, *part_and_out):
        o_ref = part_and_out[-1]
        g = g_ref[...][0]
        b = b_ref[...][0]
        o_ref[:rblk] = norm(x1_ref[...] + pos_ref[...], g, b)
        o_ref[rblk:] = norm(x2_ref[...] + pos_ref[...], g, b)

    in_specs = [
        pl.BlockSpec((rblk, hid), lambda i: (2 * i, 0)),
        pl.BlockSpec((rblk, hid), lambda i: (2 * i + 1, 0)),
        pl.BlockSpec((rblk, hid), lambda i: (0, 0)),
        pl.BlockSpec((1, hid), lambda i: (0, 0)),
        pl.BlockSpec((1, hid), lambda i: (0, 0)),
    ]
    operands = [gathered, gathered, pos_tiled, gamma.reshape(1, hid),
                beta.reshape(1, hid)]
    aliases = {}
    if partial is not None:
        in_specs.append(pl.BlockSpec(memory_space=pl.ANY))
        operands.append(partial)
        aliases = {5: 0}

    return pl.pallas_call(
        body,
        grid=(nb2,),
        in_specs=in_specs,
        out_specs=pl.BlockSpec((2 * rblk, hid),
                               lambda i, s=split, n=nb2: (s * n + i, 0)),
        out_shape=jax.ShapeDtypeStruct((total_rows, hid), jnp.float32),
        input_output_aliases=aliases,
    )(*operands)


def kernel(input_ids, word_emb, pos_emb, ln_gamma, ln_beta):
    b, s = input_ids.shape
    hid = word_emb.shape[1]
    nsplit = 8
    ids = input_ids.reshape(nsplit, -1)
    rows = ids.shape[1]
    total_rows = b * s
    rblk = 16 * s
    pos_tiled = jnp.tile(pos_emb[:s], (16, 1))
    chunk = 160
    out = None
    for k in range(nsplit):
        gathered = _sc_gather(word_emb, ids[k], chunk)
        out = _tc_ln(gathered, pos_tiled, ln_gamma, ln_beta, out, k,
                     total_rows, hid, rblk)
    return out.reshape(b, s, hid)

# --- scband reference (transcript-rebuilt; emitter-appended) ---
"""Pipeline reference for scband-bert-embeddings-21715354649136 (READ-ONLY COPY).

The authoritative reference and input builder live on the scoring server;
editing this copy changes nothing except your own understanding.
"""

import jax, jax.numpy as jnp
import numpy as np

VOCAB = 100000
HID = 128
MAXPOS = 512
B = 1024
S = 200
EPS = 1e-12
PAD = 0


def setup_inputs(seed: int = 0) -> dict:
    key = jax.random.key(seed)
    k1, k2, k3 = jax.random.split(key, 3)
    input_ids = jax.random.randint(k1, (B, S), 0, VOCAB, dtype=jnp.int32)
    word_emb = jax.random.normal(k2, (VOCAB, HID), dtype=jnp.float32) * 0.02
    word_emb = word_emb.at[PAD].set(0.0)  # padding_idx row zeroed as in nn.Embedding
    pos_emb = jax.random.normal(k3, (MAXPOS, HID), dtype=jnp.float32) * 0.02
    ln_gamma = jnp.ones((HID,), dtype=jnp.float32)
    ln_beta = jnp.zeros((HID,), dtype=jnp.float32)
    return {
        "input_ids": input_ids,
        "word_emb": word_emb,
        "pos_emb": pos_emb,
        "ln_gamma": ln_gamma,
        "ln_beta": ln_beta,
    }


def reference(input_ids, word_emb, pos_emb, ln_gamma, ln_beta):
    seq_len = input_ids.shape[1]
    # word embedding lookup (gather)
    embeddings = jnp.take(word_emb, input_ids, axis=0)
    # absolute position embeddings, position_ids = arange(past_kv_len=0 : seq_len)
    position_ids = jnp.arange(seq_len, dtype=jnp.int32)
    position_embeddings = jnp.take(pos_emb, position_ids, axis=0)
    embeddings = embeddings + position_embeddings[None, :, :]
    # LayerNorm over hidden dim (biased variance, eps inside sqrt, as torch)
    mean = jnp.mean(embeddings, axis=-1, keepdims=True)
    var = jnp.var(embeddings, axis=-1, keepdims=True)
    normed = (embeddings - mean) / jnp.sqrt(var + EPS)
    out = normed * ln_gamma + ln_beta
    # dropout p=0.0 -> identity in eval/deterministic setting
    return out

if __name__ == "__main__":
    import jax
    _d = setup_inputs()
    print(jax.jit(kernel)(*tuple(_d.values())))

</pallas_src>

<mosaic_0001>
#map = affine_map<(d0, d1) -> (0, 0)>
#map1 = affine_map<(d0, d1) -> (0)>
module attributes {stable_mosaic.version = 14 : i64} {
  func.func @k(%arg0: i32, %arg1: i32, %arg2: memref<100000x128xf32, #tpu.memory_space<hbm>>, %arg3: memref<25600xi32, #tpu.memory_space<hbm>>, %arg4: memref<25600x128xf32, #tpu.memory_space<hbm>>, %arg5: memref<800xi32, #tpu.memory_space<vmem>>, %arg6: memref<160x128xf32, #tpu.memory_space<vmem>>, %arg7: memref<160x128xf32, #tpu.memory_space<vmem>>, %arg8: memref<160x128xf32, #tpu.memory_space<vmem>>, %arg9: memref<160x128xf32, #tpu.memory_space<vmem>>, %arg10: memref<160x128xf32, #tpu.memory_space<vmem>>, %arg11: memref<!tpu.dma_semaphore, #tpu.memory_space<semaphore_mem>>, %arg12: memref<!tpu.dma_semaphore, #tpu.memory_space<semaphore_mem>>, %arg13: memref<!tpu.dma_semaphore, #tpu.memory_space<semaphore_mem>>, %arg14: memref<!tpu.dma_semaphore, #tpu.memory_space<semaphore_mem>>, %arg15: memref<!tpu.dma_semaphore, #tpu.memory_space<semaphore_mem>>, %arg16: memref<!tpu.dma_semaphore, #tpu.memory_space<semaphore_mem>>, %arg17: memref<!tpu.dma_semaphore, #tpu.memory_space<semaphore_mem>>, %arg18: memref<!tpu.dma_semaphore, #tpu.memory_space<semaphore_mem>>, %arg19: memref<!tpu.dma_semaphore, #tpu.memory_space<semaphore_mem>>, %arg20: memref<!tpu.dma_semaphore, #tpu.memory_space<semaphore_mem>>) attributes {dimension_semantics = [#tpu.dimension_semantics<core_parallel>, #tpu.dimension_semantics<subcore_parallel>], iteration_bounds = array<i64: 2, 16>, scalar_prefetch = 0 : i64, scratch_operands = 16 : i64, tpu.core_type = #tpu.core_type<sc_vector_subcore>, window_params = [{transform_indices = #map}, {transform_indices = #map1}, {transform_indices = #map}]} {
    %mul3A = arith.constant 2 : i32
    %mul3A_0 = arith.muli %arg1, %mul3A : i32
    %add3A = arith.addi %mul3A_0, %arg0 : i32
    %mul3A_1 = arith.constant 800 : i32
    %mul3A_2 = arith.muli %add3A, %mul3A_1 : i32
    %multiple_of3A = tpu.assume_multiple %mul3A_2, 8 : i32
    "tpu.region"() ({
      %run_scoped3A = tpu.sem_alloc : memref<!tpu.dma_semaphore, #tpu.memory_space<semaphore_mem>>
      %dma_start3A_106 = tpu.memref_slice %arg3[%multiple_of3A] : memref<25600xi32, #tpu.memory_space<hbm>> -> memref<800xi32, #tpu.memory_space<hbm>>
      %dma_start3A_107 = tpu.memref_slice %arg3[%multiple_of3A] : memref<25600xi32, #tpu.memory_space<hbm>> -> memref<800xi32, #tpu.memory_space<hbm>>
      tpu.enqueue_dma source(%dma_start3A_107 : memref<800xi32, #tpu.memory_space<hbm>>) target(%arg5 : memref<800xi32, #tpu.memory_space<vmem>>) target_semaphore(%run_scoped3A : memref<!tpu.dma_semaphore, #tpu.memory_space<semaphore_mem>>)
      %dma_wait3A_108 = tpu.memref_slice %arg3[%multiple_of3A] : memref<25600xi32, #tpu.memory_space<hbm>> -> memref<800xi32, #tpu.memory_space<hbm>>
      %dma_wait3A_109 = tpu.memref_slice %arg3[%multiple_of3A] : memref<25600xi32, #tpu.memory_space<hbm>> -> memref<800xi32, #tpu.memory_space<hbm>>
      tpu.wait_dma2 semaphore(%run_scoped3A : memref<!tpu.dma_semaphore, #tpu.memory_space<semaphore_mem>>) src(%dma_wait3A_109 : memref<800xi32, #tpu.memory_space<hbm>>) dst(%arg5 : memref<800xi32, #tpu.memory_space<vmem>>)
      tpu.yield
    }) : () -> ()
    %dma_start3A = arith.constant 0 : i32
    %dma_start3A_3 = tpu.memref_slice %arg5[%dma_start3A] : memref<800xi32, #tpu.memory_space<vmem>> -> memref<160xi32, #tpu.memory_space<vmem>>
    %dma_start3A_4 = arith.constant 0 : i32
    %dma_start3A_5 = arith.constant 0 : i32
    %dma_start3A_6 = tpu.memref_slice %arg2[%dma_start3A_4, %dma_start3A_5] : memref<100000x128xf32, #tpu.memory_space<hbm>> -> memref<100000x128xf32, #tpu.memory_space<hbm>>
    tpu.enqueue_indirect_dma source(%dma_start3A_6 : memref<100000x128xf32, #tpu.memory_space<hbm>>) target(%arg6 : memref<160x128xf32, #tpu.memory_space<vmem>>) offsets(%dma_start3A_3 : memref<160xi32, #tpu.memory_space<vmem>>) semaphore(%arg11 : memref<!tpu.dma_semaphore, #tpu.memory_space<semaphore_mem>>)
    %dma_start3A_7 = arith.constant 160 : i32
    %dma_start3A_8 = tpu.memref_slice %arg5[%dma_start3A_7] : memref<800xi32, #tpu.memory_space<vmem>> -> memref<160xi32, #tpu.memory_space<vmem>>
    %dma_start3A_9 = arith.constant 0 : i32
    %dma_start3A_10 = arith.constant 0 : i32
    %dma_start3A_11 = tpu.memref_slice %arg2[%dma_start3A_9, %dma_start3A_10] : memref<100000x128xf32, #tpu.memory_space<hbm>> -> memref<100000x128xf32, #tpu.memory_space<hbm>>
    tpu.enqueue_indirect_dma source(%dma_start3A_11 : memref<100000x128xf32, #tpu.memory_space<hbm>>) target(%arg7 : memref<160x128xf32, #tpu.memory_space<vmem>>) offsets(%dma_start3A_8 : memref<160xi32, #tpu.memory_space<vmem>>) semaphore(%arg12 : memref<!tpu.dma_semaphore, #tpu.memory_space<semaphore_mem>>)
    %dma_start3A_12 = arith.constant 320 : i32
    %dma_start3A_13 = tpu.memref_slice %arg5[%dma_start3A_12] : memref<800xi32, #tpu.memory_space<vmem>> -> memref<160xi32, #tpu.memory_space<vmem>>
    %dma_start3A_14 = arith.constant 0 : i32
    %dma_start3A_15 = arith.constant 0 : i32
    %dma_start3A_16 = tpu.memref_slice %arg2[%dma_start3A_14, %dma_start3A_15] : memref<100000x128xf32, #tpu.memory_space<hbm>> -> memref<100000x128xf32, #tpu.memory_space<hbm>>
    tpu.enqueue_indirect_dma source(%dma_start3A_16 : memref<100000x128xf32, #tpu.memory_space<hbm>>) target(%arg8 : memref<160x128xf32, #tpu.memory_space<vmem>>) offsets(%dma_start3A_13 : memref<160xi32, #tpu.memory_space<vmem>>) semaphore(%arg13 : memref<!tpu.dma_semaphore, #tpu.memory_space<semaphore_mem>>)
    %dma_wait3A = arith.constant 0 : i32
    %dma_wait3A_17 = tpu.memref_slice %arg5[%dma_wait3A] : memref<800xi32, #tpu.memory_space<vmem>> -> memref<160xi32, #tpu.memory_space<vmem>>
    %dma_wait3A_18 = arith.constant 0 : i32
    %dma_wait3A_19 = arith.constant 0 : i32
    %dma_wait3A_20 = tpu.memref_slice %arg2[%dma_wait3A_18, %dma_wait3A_19] : memref<100000x128xf32, #tpu.memory_space<hbm>> -> memref<100000x128xf32, #tpu.memory_space<hbm>>
    tpu.wait_indirect_dma semaphore(%arg11 : memref<!tpu.dma_semaphore, #tpu.memory_space<semaphore_mem>>) src(%dma_wait3A_20 : memref<100000x128xf32, #tpu.memory_space<hbm>>) dst(%arg6 : memref<160x128xf32, #tpu.memory_space<vmem>>)
    %add3A_21 = arith.constant 0 : i32
    %add3A_22 = arith.addi %multiple_of3A, %add3A_21 : i32
    %multiple_of3A_23 = tpu.assume_multiple %add3A_22, 8 : i32
    %dma_start3A_24 = arith.constant 0 : i32
    %dma_start3A_25 = tpu.memref_slice %arg4[%multiple_of3A_23, %dma_start3A_24] : memref<25600x128xf32, #tpu.memory_space<hbm>> -> memref<160x128xf32, #tpu.memory_space<hbm>>
    %dma_start3A_26 = arith.constant 0 : i32
    %dma_start3A_27 = tpu.memref_slice %arg4[%multiple_of3A_23, %dma_start3A_26] : memref<25600x128xf32, #tpu.memory_space<hbm>> -> memref<160x128xf32, #tpu.memory_space<hbm>>
    tpu.enqueue_dma source(%arg6 : memref<160x128xf32, #tpu.memory_space<vmem>>) target(%dma_start3A_27 : memref<160x128xf32, #tpu.memory_space<hbm>>) target_semaphore(%arg16 : memref<!tpu.dma_semaphore, #tpu.memory_space<semaphore_mem>>)
    %dma_start3A_28 = arith.constant 480 : i32
    %dma_start3A_29 = tpu.memref_slice %arg5[%dma_start3A_28] : memref<800xi32, #tpu.memory_space<vmem>> -> memref<160xi32, #tpu.memory_space<vmem>>
    %dma_start3A_30 = arith.constant 0 : i32
    %dma_start3A_31 = arith.constant 0 : i32
    %dma_start3A_32 = tpu.memref_slice %arg2[%dma_start3A_30, %dma_start3A_31] : memref<100000x128xf32, #tpu.memory_space<hbm>> -> memref<100000x128xf32, #tpu.memory_space<hbm>>
    tpu.enqueue_indirect_dma source(%dma_start3A_32 : memref<100000x128xf32, #tpu.memory_space<hbm>>) target(%arg9 : memref<160x128xf32, #tpu.memory_space<vmem>>) offsets(%dma_start3A_29 : memref<160xi32, #tpu.memory_space<vmem>>) semaphore(%arg14 : memref<!tpu.dma_semaphore, #tpu.memory_space<semaphore_mem>>)
    %dma_wait3A_33 = arith.constant 160 : i32
    %dma_wait3A_34 = tpu.memref_slice %arg5[%dma_wait3A_33] : memref<800xi32, #tpu.memory_space<vmem>> -> memref<160xi32, #tpu.memory_space<vmem>>
    %dma_wait3A_35 = arith.constant 0 : i32
    %dma_wait3A_36 = arith.constant 0 : i32
    %dma_wait3A_37 = tpu.memref_slice %arg2[%dma_wait3A_35, %dma_wait3A_36] : memref<100000x128xf32, #tpu.memory_space<hbm>> -> memref<100000x128xf32, #tpu.memory_space<hbm>>
    tpu.wait_indirect_dma semaphore(%arg12 : memref<!tpu.dma_semaphore, #tpu.memory_space<semaphore_mem>>) src(%dma_wait3A_37 : memref<100000x128xf32, #tpu.memory_space<hbm>>) dst(%arg7 : memref<160x128xf32, #tpu.memory_space<vmem>>)
    %add3A_38 = arith.constant 160 : i32
    %add3A_39 = arith.addi %multiple_of3A, %add3A_38 : i32
    %multiple_of3A_40 = tpu.assume_multiple %add3A_39, 8 : i32
    %dma_start3A_41 = arith.constant 0 : i32
    %dma_start3A_42 = tpu.memref_slice %arg4[%multiple_of3A_40, %dma_start3A_41] : memref<25600x128xf32, #tpu.memory_space<hbm>> -> memref<160x128xf32, #tpu.memory_space<hbm>>
    %dma_start3A_43 = arith.constant 0 : i32
    %dma_start3A_44 = tpu.memref_slice %arg4[%multiple_of3A_40, %dma_start3A_43] : memref<25600x128xf32, #tpu.memory_space<hbm>> -> memref<160x128xf32, #tpu.memory_space<hbm>>
    tpu.enqueue_dma source(%arg7 : memref<160x128xf32, #tpu.memory_space<vmem>>) target(%dma_start3A_44 : memref<160x128xf32, #tpu.memory_space<hbm>>) target_semaphore(%arg17 : memref<!tpu.dma_semaphore, #tpu.memory_space<semaphore_mem>>)
    %dma_start3A_45 = arith.constant 640 : i32
    %dma_start3A_46 = tpu.memref_slice %arg5[%dma_start3A_45] : memref<800xi32, #tpu.memory_space<vmem>> -> memref<160xi32, #tpu.memory_space<vmem>>
    %dma_start3A_47 = arith.constant 0 : i32
    %dma_start3A_48 = arith.constant 0 : i32
    %dma_start3A_49 = tpu.memref_slice %arg2[%dma_start3A_47, %dma_start3A_48] : memref<100000x128xf32, #tpu.memory_space<hbm>> -> memref<100000x128xf32, #tpu.memory_space<hbm>>
    tpu.enqueue_indirect_dma source(%dma_start3A_49 : memref<100000x128xf32, #tpu.memory_space<hbm>>) target(%arg10 : memref<160x128xf32, #tpu.memory_space<vmem>>) offsets(%dma_start3A_46 : memref<160xi32, #tpu.memory_space<vmem>>) semaphore(%arg15 : memref<!tpu.dma_semaphore, #tpu.memory_space<semaphore_mem>>)
    %dma_wait3A_50 = arith.constant 320 : i32
    %dma_wait3A_51 = tpu.memref_slice %arg5[%dma_wait3A_50] : memref<800xi32, #tpu.memory_space<vmem>> -> memref<160xi32, #tpu.memory_space<vmem>>
    %dma_wait3A_52 = arith.constant 0 : i32
    %dma_wait3A_53 = arith.constant 0 : i32
    %dma_wait3A_54 = tpu.memref_slice %arg2[%dma_wait3A_52, %dma_wait3A_53] : memref<100000x128xf32, #tpu.memory_space<hbm>> -> memref<100000x128xf32, #tpu.memory_space<hbm>>
    tpu.wait_indirect_dma semaphore(%arg13 : memref<!tpu.dma_semaphore, #tpu.memory_space<semaphore_mem>>) src(%dma_wait3A_54 : memref<100000x128xf32, #tpu.memory_space<hbm>>) dst(%arg8 : memref<160x128xf32, #tpu.memory_space<vmem>>)
    %add3A_55 = arith.constant 320 : i32
    %add3A_56 = arith.addi %multiple_of3A, %add3A_55 : i32
    %multiple_of3A_57 = tpu.assume_multiple %add3A_56, 8 : i32
    %dma_start3A_58 = arith.constant 0 : i32
    %dma_start3A_59 = tpu.memref_slice %arg4[%multiple_of3A_57, %dma_start3A_58] : memref<25600x128xf32, #tpu.memory_space<hbm>> -> memref<160x128xf32, #tpu.memory_space<hbm>>
    %dma_start3A_60 = arith.constant 0 : i32
    %dma_start3A_61 = tpu.memref_slice %arg4[%multiple_of3A_57, %dma_start3A_60] : memref<25600x128xf32, #tpu.memory_space<hbm>> -> memref<160x128xf32, #tpu.memory_space<hbm>>
    tpu.enqueue_dma source(%arg8 : memref<160x128xf32, #tpu.memory_space<vmem>>) target(%dma_start3A_61 : memref<160x128xf32, #tpu.memory_space<hbm>>) target_semaphore(%arg18 : memref<!tpu.dma_semaphore, #tpu.memory_space<semaphore_mem>>)
    %dma_wait3A_62 = arith.constant 480 : i32
    %dma_wait3A_63 = tpu.memref_slice %arg5[%dma_wait3A_62] : memref<800xi32, #tpu.memory_space<vmem>> -> memref<160xi32, #tpu.memory_space<vmem>>
    %dma_wait3A_64 = arith.constant 0 : i32
    %dma_wait3A_65 = arith.constant 0 : i32
    %dma_wait3A_66 = tpu.memref_slice %arg2[%dma_wait3A_64, %dma_wait3A_65] : memref<100000x128xf32, #tpu.memory_space<hbm>> -> memref<100000x128xf32, #tpu.memory_space<hbm>>
    tpu.wait_indirect_dma semaphore(%arg14 : memref<!tpu.dma_semaphore, #tpu.memory_space<semaphore_mem>>) src(%dma_wait3A_66 : memref<100000x128xf32, #tpu.memory_space<hbm>>) dst(%arg9 : memref<160x128xf32, #tpu.memory_space<vmem>>)
    %add3A_67 = arith.constant 480 : i32
    %add3A_68 = arith.addi %multiple_of3A, %add3A_67 : i32
    %multiple_of3A_69 = tpu.assume_multiple %add3A_68, 8 : i32
    %dma_start3A_70 = arith.constant 0 : i32
    %dma_start3A_71 = tpu.memref_slice %arg4[%multiple_of3A_69, %dma_start3A_70] : memref<25600x128xf32, #tpu.memory_space<hbm>> -> memref<160x128xf32, #tpu.memory_space<hbm>>
    %dma_start3A_72 = arith.constant 0 : i32
    %dma_start3A_73 = tpu.memref_slice %arg4[%multiple_of3A_69, %dma_start3A_72] : memref<25600x128xf32, #tpu.memory_space<hbm>> -> memref<160x128xf32, #tpu.memory_space<hbm>>
    tpu.enqueue_dma source(%arg9 : memref<160x128xf32, #tpu.memory_space<vmem>>) target(%dma_start3A_73 : memref<160x128xf32, #tpu.memory_space<hbm>>) target_semaphore(%arg19 : memref<!tpu.dma_semaphore, #tpu.memory_space<semaphore_mem>>)
    %dma_wait3A_74 = arith.constant 640 : i32
    %dma_wait3A_75 = tpu.memref_slice %arg5[%dma_wait3A_74] : memref<800xi32, #tpu.memory_space<vmem>> -> memref<160xi32, #tpu.memory_space<vmem>>
    %dma_wait3A_76 = arith.constant 0 : i32
    %dma_wait3A_77 = arith.constant 0 : i32
    %dma_wait3A_78 = tpu.memref_slice %arg2[%dma_wait3A_76, %dma_wait3A_77] : memref<100000x128xf32, #tpu.memory_space<hbm>> -> memref<100000x128xf32, #tpu.memory_space<hbm>>
    tpu.wait_indirect_dma semaphore(%arg15 : memref<!tpu.dma_semaphore, #tpu.memory_space<semaphore_mem>>) src(%dma_wait3A_78 : memref<100000x128xf32, #tpu.memory_space<hbm>>) dst(%arg10 : memref<160x128xf32, #tpu.memory_space<vmem>>)
    %add3A_79 = arith.constant 640 : i32
    %add3A_80 = arith.addi %multiple_of3A, %add3A_79 : i32
    %multiple_of3A_81 = tpu.assume_multiple %add3A_80, 8 : i32
    %dma_start3A_82 = arith.constant 0 : i32
    %dma_start3A_83 = tpu.memref_slice %arg4[%multiple_of3A_81, %dma_start3A_82] : memref<25600x128xf32, #tpu.memory_space<hbm>> -> memref<160x128xf32, #tpu.memory_space<hbm>>
    %dma_start3A_84 = arith.constant 0 : i32
    %dma_start3A_85 = tpu.memref_slice %arg4[%multiple_of3A_81, %dma_start3A_84] : memref<25600x128xf32, #tpu.memory_space<hbm>> -> memref<160x128xf32, #tpu.memory_space<hbm>>
    tpu.enqueue_dma source(%arg10 : memref<160x128xf32, #tpu.memory_space<vmem>>) target(%dma_start3A_85 : memref<160x128xf32, #tpu.memory_space<hbm>>) target_semaphore(%arg20 : memref<!tpu.dma_semaphore, #tpu.memory_space<semaphore_mem>>)
    %dma_wait3A_86 = arith.constant 0 : i32
    %dma_wait3A_87 = tpu.memref_slice %arg4[%multiple_of3A_23, %dma_wait3A_86] : memref<25600x128xf32, #tpu.memory_space<hbm>> -> memref<160x128xf32, #tpu.memory_space<hbm>>
    %dma_wait3A_88 = arith.constant 0 : i32
    %dma_wait3A_89 = tpu.memref_slice %arg4[%multiple_of3A_23, %dma_wait3A_88] : memref<25600x128xf32, #tpu.memory_space<hbm>> -> memref<160x128xf32, #tpu.memory_space<hbm>>
    tpu.wait_dma2 semaphore(%arg16 : memref<!tpu.dma_semaphore, #tpu.memory_space<semaphore_mem>>) src(%arg6 : memref<160x128xf32, #tpu.memory_space<vmem>>) dst(%dma_wait3A_89 : memref<160x128xf32, #tpu.memory_space<hbm>>)
    %dma_wait3A_90 = arith.constant 0 : i32
    %dma_wait3A_91 = tpu.memref_slice %arg4[%multiple_of3A_40, %dma_wait3A_90] : memref<25600x128xf32, #tpu.memory_space<hbm>> -> memref<160x128xf32, #tpu.memory_space<hbm>>
    %dma_wait3A_92 = arith.constant 0 : i32
    %dma_wait3A_93 = tpu.memref_slice %arg4[%multiple_of3A_40, %dma_wait3A_92] : memref<25600x128xf32, #tpu.memory_space<hbm>> -> memref<160x128xf32, #tpu.memory_space<hbm>>
    tpu.wait_dma2 semaphore(%arg17 : memref<!tpu.dma_semaphore, #tpu.memory_space<semaphore_mem>>) src(%arg7 : memref<160x128xf32, #tpu.memory_space<vmem>>) dst(%dma_wait3A_93 : memref<160x128xf32, #tpu.memory_space<hbm>>)
    %dma_wait3A_94 = arith.constant 0 : i32
    %dma_wait3A_95 = tpu.memref_slice %arg4[%multiple_of3A_57, %dma_wait3A_94] : memref<25600x128xf32, #tpu.memory_space<hbm>> -> memref<160x128xf32, #tpu.memory_space<hbm>>
    %dma_wait3A_96 = arith.constant 0 : i32
    %dma_wait3A_97 = tpu.memref_slice %arg4[%multiple_of3A_57, %dma_wait3A_96] : memref<25600x128xf32, #tpu.memory_space<hbm>> -> memref<160x128xf32, #tpu.memory_space<hbm>>
    tpu.wait_dma2 semaphore(%arg18 : memref<!tpu.dma_semaphore, #tpu.memory_space<semaphore_mem>>) src(%arg8 : memref<160x128xf32, #tpu.memory_space<vmem>>) dst(%dma_wait3A_97 : memref<160x128xf32, #tpu.memory_space<hbm>>)
    %dma_wait3A_98 = arith.constant 0 : i32
    %dma_wait3A_99 = tpu.memref_slice %arg4[%multiple_of3A_69, %dma_wait3A_98] : memref<25600x128xf32, #tpu.memory_space<hbm>> -> memref<160x128xf32, #tpu.memory_space<hbm>>
    %dma_wait3A_100 = arith.constant 0 : i32
    %dma_wait3A_101 = tpu.memref_slice %arg4[%multiple_of3A_69, %dma_wait3A_100] : memref<25600x128xf32, #tpu.memory_space<hbm>> -> memref<160x128xf32, #tpu.memory_space<hbm>>
    tpu.wait_dma2 semaphore(%arg19 : memref<!tpu.dma_semaphore, #tpu.memory_space<semaphore_mem>>) src(%arg9 : memref<160x128xf32, #tpu.memory_space<vmem>>) dst(%dma_wait3A_101 : memref<160x128xf32, #tpu.memory_space<hbm>>)
    %dma_wait3A_102 = arith.constant 0 : i32
    %dma_wait3A_103 = tpu.memref_slice %arg4[%multiple_of3A_81, %dma_wait3A_102] : memref<25600x128xf32, #tpu.memory_space<hbm>> -> memref<160x128xf32, #tpu.memory_space<hbm>>
    %dma_wait3A_104 = arith.constant 0 : i32
    %dma_wait3A_105 = tpu.memref_slice %arg4[%multiple_of3A_81, %dma_wait3A_104] : memref<25600x128xf32, #tpu.memory_space<hbm>> -> memref<160x128xf32, #tpu.memory_space<hbm>>
    tpu.wait_dma2 semaphore(%arg20 : memref<!tpu.dma_semaphore, #tpu.memory_space<semaphore_mem>>) src(%arg10 : memref<160x128xf32, #tpu.memory_space<vmem>>) dst(%dma_wait3A_105 : memref<160x128xf32, #tpu.memory_space<hbm>>)
    return
  }
}

#map = affine_map<(d0, d1) -> (0, 0)>
#map1 = affine_map<(d0, d1) -> (0)>
module attributes {stable_mosaic.version = 14 : i64} {
  func.func @k(%arg0: i32, %arg1: i32, %arg2: memref<100000x128xf32, #tpu.memory_space<hbm>>, %arg3: memref<25600xi32, #tpu.memory_space<hbm>>, %arg4: memref<25600x128xf32, #tpu.memory_space<hbm>>, %arg5: memref<800xi32, #tpu.memory_space<vmem>>, %arg6: memref<160x128xf32, #tpu.memory_space<vmem>>, %arg7: memref<160x128xf32, #tpu.memory_space<vmem>>, %arg8: memref<160x128xf32, #tpu.memory_space<vmem>>, %arg9: memref<160x128xf32, #tpu.memory_space<vmem>>, %arg10: memref<160x128xf32, #tpu.memory_space<vmem>>, %arg11: memref<!tpu.dma_semaphore, #tpu.memory_space<semaphore_mem>>, %arg12: memref<!tpu.dma_semaphore, #tpu.memory_space<semaphore_mem>>, %arg13: memref<!tpu.dma_semaphore, #tpu.memory_space<semaphore_mem>>, %arg14: memref<!tpu.dma_semaphore, #tpu.memory_space<semaphore_mem>>, %arg15: memref<!tpu.dma_semaphore, #tpu.memory_space<semaphore_mem>>, %arg16: memref<!tpu.dma_semaphore, #tpu.memory_space<semaphore_mem>>, %arg17: memref<!tpu.dma_semaphore, #tpu.memory_space<semaphore_mem>>, %arg18: memref<!tpu.dma_semaphore, #tpu.memory_space<semaphore_mem>>, %arg19: memref<!tpu.dma_semaphore, #tpu.memory_space<semaphore_mem>>, %arg20: memref<!tpu.dma_semaphore, #tpu.memory_space<semaphore_mem>>) attributes {dimension_semantics = [#tpu.dimension_semantics<core_parallel>, #tpu.dimension_semantics<subcore_parallel>], iteration_bounds = array<i64: 2, 16>, scalar_prefetch = 0 : i64, scratch_operands = 16 : i64, tpu.core_type = #tpu.core_type<sc_vector_subcore>, window_params = [{transform_indices = #map}, {transform_indices = #map1}, {transform_indices = #map}]} {
    %mul3A = arith.constant 2 : i32
    %mul3A_0 = arith.muli %arg1, %mul3A : i32
    %add3A = arith.addi %mul3A_0, %arg0 : i32
    %mul3A_1 = arith.constant 800 : i32
    %mul3A_2 = arith.muli %add3A, %mul3A_1 : i32
    %multiple_of3A = tpu.assume_multiple %mul3A_2, 8 : i32
    "tpu.region"() ({
      %run_scoped3A = tpu.sem_alloc : memref<!tpu.dma_semaphore, #tpu.memory_space<semaphore_mem>>
      %dma_start3A_106 = tpu.memref_slice %arg3[%multiple_of3A] : memref<25600xi32, #tpu.memory_space<hbm>> -> memref<800xi32, #tpu.memory_space<hbm>>
      %dma_start3A_107 = tpu.memref_slice %arg3[%multiple_of3A] : memref<25600xi32, #tpu.memory_space<hbm>> -> memref<800xi32, #tpu.memory_space<hbm>>
      tpu.enqueue_dma source(%dma_start3A_107 : memref<800xi32, #tpu.memory_space<hbm>>) target(%arg5 : memref<800xi32, #tpu.memory_space<vmem>>) target_semaphore(%run_scoped3A : memref<!tpu.dma_semaphore, #tpu.memory_space<semaphore_mem>>)
      %dma_wait3A_108 = tpu.memref_slice %arg3[%multiple_of3A] : memref<25600xi32, #tpu.memory_space<hbm>> -> memref<800xi32, #tpu.memory_space<hbm>>
      %dma_wait3A_109 = tpu.memref_slice %arg3[%multiple_of3A] : memref<25600xi32, #tpu.memory_space<hbm>> -> memref<800xi32, #tpu.memory_space<hbm>>
      tpu.wait_dma2 semaphore(%run_scoped3A : memref<!tpu.dma_semaphore, #tpu.memory_space<semaphore_mem>>) src(%dma_wait3A_109 : memref<800xi32, #tpu.memory_space<hbm>>) dst(%arg5 : memref<800xi32, #tpu.memory_space<vmem>>)
      tpu.yield
    }) : () -> ()
    %dma_start3A = arith.constant 0 : i32
    %dma_start3A_3 = tpu.memref_slice %arg5[%dma_start3A] : memref<800xi32, #tpu.memory_space<vmem>> -> memref<160xi32, #tpu.memory_space<vmem>>
    %dma_start3A_4 = arith.constant 0 : i32
    %dma_start3A_5 = arith.constant 0 : i32
    %dma_start3A_6 = tpu.memref_slice %arg2[%dma_start3A_4, %dma_start3A_5] : memref<100000x128xf32, #tpu.memory_space<hbm>> -> memref<100000x128xf32, #tpu.memory_space<hbm>>
    tpu.enqueue_indirect_dma source(%dma_start3A_6 : memref<100000x128xf32, #tpu.memory_space<hbm>>) target(%arg6 : memref<160x128xf32, #tpu.memory_space<vmem>>) offsets(%dma_start3A_3 : memref<160xi32, #tpu.memory_space<vmem>>) semaphore(%arg11 : memref<!tpu.dma_semaphore, #tpu.memory_space<semaphore_mem>>)
    %dma_start3A_7 = arith.constant 160 : i32
    %dma_start3A_8 = tpu.memref_slice %arg5[%dma_start3A_7] : memref<800xi32, #tpu.memory_space<vmem>> -> memref<160xi32, #tpu.memory_space<vmem>>
    %dma_start3A_9 = arith.constant 0 : i32
    %dma_start3A_10 = arith.constant 0 : i32
    %dma_start3A_11 = tpu.memref_slice %arg2[%dma_start3A_9, %dma_start3A_10] : memref<100000x128xf32, #tpu.memory_space<hbm>> -> memref<100000x128xf32, #tpu.memory_space<hbm>>
    tpu.enqueue_indirect_dma source(%dma_start3A_11 : memref<100000x128xf32, #tpu.memory_space<hbm>>) target(%arg7 : memref<160x128xf32, #tpu.memory_space<vmem>>) offsets(%dma_start3A_8 : memref<160xi32, #tpu.memory_space<vmem>>) semaphore(%arg12 : memref<!tpu.dma_semaphore, #tpu.memory_space<semaphore_mem>>)
    %dma_start3A_12 = arith.constant 320 : i32
    %dma_start3A_13 = tpu.memref_slice %arg5[%dma_start3A_12] : memref<800xi32, #tpu.memory_space<vmem>> -> memref<160xi32, #tpu.memory_space<vmem>>
    %dma_start3A_14 = arith.constant 0 : i32
    %dma_start3A_15 = arith.constant 0 : i32
    %dma_start3A_16 = tpu.memref_slice %arg2[%dma_start3A_14, %dma_start3A_15] : memref<100000x128xf32, #tpu.memory_space<hbm>> -> memref<100000x128xf32, #tpu.memory_space<hbm>>
    tpu.enqueue_indirect_dma source(%dma_start3A_16 : memref<100000x128xf32, #tpu.memory_space<hbm>>) target(%arg8 : memref<160x128xf32, #tpu.memory_space<vmem>>) offsets(%dma_start3A_13 : memref<160xi32, #tpu.memory_space<vmem>>) semaphore(%arg13 : memref<!tpu.dma_semaphore, #tpu.memory_space<semaphore_mem>>)
    %dma_wait3A = arith.constant 0 : i32
    %dma_wait3A_17 = tpu.memref_slice %arg5[%dma_wait3A] : memref<800xi32, #tpu.memory_space<vmem>> -> memref<160xi32, #tpu.memory_space<vmem>>
    %dma_wait3A_18 = arith.constant 0 : i32
    %dma_wait3A_19 = arith.constant 0 : i32
    %dma_wait3A_20 = tpu.memref_slice %arg2[%dma_wait3A_18, %dma_wait3A_19] : memref<100000x128xf32, #tpu.memory_space<hbm>> -> memref<100000x128xf32, #tpu.memory_space<hbm>>
    tpu.wait_indirect_dma semaphore(%arg11 : memref<!tpu.dma_semaphore, #tpu.memory_space<semaphore_mem>>) src(%dma_wait3A_20 : memref<100000x128xf32, #tpu.memory_space<hbm>>) dst(%arg6 : memref<160x128xf32, #tpu.memory_space<vmem>>)
    %add3A_21 = arith.constant 0 : i32
    %add3A_22 = arith.addi %multiple_of3A, %add3A_21 : i32
    %multiple_of3A_23 = tpu.assume_multiple %add3A_22, 8 : i32
    %dma_start3A_24 = arith.constant 0 : i32
    %dma_start3A_25 = tpu.memref_slice %arg4[%multiple_of3A_23, %dma_start3A_24] : memref<25600x128xf32, #tpu.memory_space<hbm>> -> memref<160x128xf32, #tpu.memory_space<hbm>>
    %dma_start3A_26 = arith.constant 0 : i32
    %dma_start3A_27 = tpu.memref_slice %arg4[%multiple_of3A_23, %dma_start3A_26] : memref<25600x128xf32, #tpu.memory_space<hbm>> -> memref<160x128xf32, #tpu.memory_space<hbm>>
    tpu.enqueue_dma source(%arg6 : memref<160x128xf32, #tpu.memory_space<vmem>>) target(%dma_start3A_27 : memref<160x128xf32, #tpu.memory_space<hbm>>) target_semaphore(%arg16 : memref<!tpu.dma_semaphore, #tpu.memory_space<semaphore_mem>>)
    %dma_start3A_28 = arith.constant 480 : i32
    %dma_start3A_29 = tpu.memref_slice %arg5[%dma_start3A_28] : memref<800xi32, #tpu.memory_space<vmem>> -> memref<160xi32, #tpu.memory_space<vmem>>
    %dma_start3A_30 = arith.constant 0 : i32
    %dma_start3A_31 = arith.constant 0 : i32
    %dma_start3A_32 = tpu.memref_slice %arg2[%dma_start3A_30, %dma_start3A_31] : memref<100000x128xf32, #tpu.memory_space<hbm>> -> memref<100000x128xf32, #tpu.memory_space<hbm>>
    tpu.enqueue_indirect_dma source(%dma_start3A_32 : memref<100000x128xf32, #tpu.memory_space<hbm>>) target(%arg9 : memref<160x128xf32, #tpu.memory_space<vmem>>) offsets(%dma_start3A_29 : memref<160xi32, #tpu.memory_space<vmem>>) semaphore(%arg14 : memref<!tpu.dma_semaphore, #tpu.memory_space<semaphore_mem>>)
    %dma_wait3A_33 = arith.constant 160 : i32
    %dma_wait3A_34 = tpu.memref_slice %arg5[%dma_wait3A_33] : memref<800xi32, #tpu.memory_space<vmem>> -> memref<160xi32, #tpu.memory_space<vmem>>
    %dma_wait3A_35 = arith.constant 0 : i32
    %dma_wait3A_36 = arith.constant 0 : i32
    %dma_wait3A_37 = tpu.memref_slice %arg2[%dma_wait3A_35, %dma_wait3A_36] : memref<100000x128xf32, #tpu.memory_space<hbm>> -> memref<100000x128xf32, #tpu.memory_space<hbm>>
    tpu.wait_indirect_dma semaphore(%arg12 : memref<!tpu.dma_semaphore, #tpu.memory_space<semaphore_mem>>) src(%dma_wait3A_37 : memref<100000x128xf32, #tpu.memory_space<hbm>>) dst(%arg7 : memref<160x128xf32, #tpu.memory_space<vmem>>)
    %add3A_38 = arith.constant 160 : i32
    %add3A_39 = arith.addi %multiple_of3A, %add3A_38 : i32
    %multiple_of3A_40 = tpu.assume_multiple %add3A_39, 8 : i32
    %dma_start3A_41 = arith.constant 0 : i32
    %dma_start3A_42 = tpu.memref_slice %arg4[%multiple_of3A_40, %dma_start3A_41] : memref<25600x128xf32, #tpu.memory_space<hbm>> -> memref<160x128xf32, #tpu.memory_space<hbm>>
    %dma_start3A_43 = arith.constant 0 : i32
    %dma_start3A_44 = tpu.memref_slice %arg4[%multiple_of3A_40, %dma_start3A_43] : memref<25600x128xf32, #tpu.memory_space<hbm>> -> memref<160x128xf32, #tpu.memory_space<hbm>>
    tpu.enqueue_dma source(%arg7 : memref<160x128xf32, #tpu.memory_space<vmem>>) target(%dma_start3A_44 : memref<160x128xf32, #tpu.memory_space<hbm>>) target_semaphore(%arg17 : memref<!tpu.dma_semaphore, #tpu.memory_space<semaphore_mem>>)
    %dma_start3A_45 = arith.constant 640 : i32
    %dma_start3A_46 = tpu.memref_slice %arg5[%dma_start3A_45] : memref<800xi32, #tpu.memory_space<vmem>> -> memref<160xi32, #tpu.memory_space<vmem>>
    %dma_start3A_47 = arith.constant 0 : i32
    %dma_start3A_48 = arith.constant 0 : i32
    %dma_start3A_49 = tpu.memref_slice %arg2[%dma_start3A_47, %dma_start3A_48] : memref<100000x128xf32, #tpu.memory_space<hbm>> -> memref<100000x128xf32, #tpu.memory_space<hbm>>
    tpu.enqueue_indirect_dma source(%dma_start3A_49 : memref<100000x128xf32, #tpu.memory_space<hbm>>) target(%arg10 : memref<160x128xf32, #tpu.memory_space<vmem>>) offsets(%dma_start3A_46 : memref<160xi32, #tpu.memory_space<vmem>>) semaphore(%arg15 : memref<!tpu.dma_semaphore, #tpu.memory_space<semaphore_mem>>)
    %dma_wait3A_50 = arith.constant 320 : i32
    %dma_wait3A_51 = tpu.memref_slice %arg5[%dma_wait3A_50] : memref<800xi32, #tpu.memory_space<vmem>> -> memref<160xi32, #tpu.memory_space<vmem>>
    %dma_wait3A_52 = arith.constant 0 : i32
    %dma_wait3A_53 = arith.constant 0 : i32
    %dma_wait3A_54 = tpu.memref_slice %arg2[%dma_wait3A_52, %dma_wait3A_53] : memref<100000x128xf32, #tpu.memory_space<hbm>> -> memref<100000x128xf32, #tpu.memory_space<hbm>>
    tpu.wait_indirect_dma semaphore(%arg13 : memref<!tpu.dma_semaphore, #tpu.memory_space<semaphore_mem>>) src(%dma_wait3A_54 : memref<100000x128xf32, #tpu.memory_space<hbm>>) dst(%arg8 : memref<160x128xf32, #tpu.memory_space<vmem>>)
    %add3A_55 = arith.constant 320 : i32
    %add3A_56 = arith.addi %multiple_of3A, %add3A_55 : i32
    %multiple_of3A_57 = tpu.assume_multiple %add3A_56, 8 : i32
    %dma_start3A_58 = arith.constant 0 : i32
    %dma_start3A_59 = tpu.memref_slice %arg4[%multiple_of3A_57, %dma_start3A_58] : memref<25600x128xf32, #tpu.memory_space<hbm>> -> memref<160x128xf32, #tpu.memory_space<hbm>>
    %dma_start3A_60 = arith.constant 0 : i32
    %dma_start3A_61 = tpu.memref_slice %arg4[%multiple_of3A_57, %dma_start3A_60] : memref<25600x128xf32, #tpu.memory_space<hbm>> -> memref<160x128xf32, #tpu.memory_space<hbm>>
    tpu.enqueue_dma source(%arg8 : memref<160x128xf32, #tpu.memory_space<vmem>>) target(%dma_start3A_61 : memref<160x128xf32, #tpu.memory_space<hbm>>) target_semaphore(%arg18 : memref<!tpu.dma_semaphore, #tpu.memory_space<semaphore_mem>>)
    %dma_wait3A_62 = arith.constant 480 : i32
    %dma_wait3A_63 = tpu.memref_slice %arg5[%dma_wait3A_62] : memref<800xi32, #tpu.memory_space<vmem>> -> memref<160xi32, #tpu.memory_space<vmem>>
    %dma_wait3A_64 = arith.constant 0 : i32
    %dma_wait3A_65 = arith.constant 0 : i32
    %dma_wait3A_66 = tpu.memref_slice %arg2[%dma_wait3A_64, %dma_wait3A_65] : memref<100000x128xf32, #tpu.memory_space<hbm>> -> memref<100000x128xf32, #tpu.memory_space<hbm>>
    tpu.wait_indirect_dma semaphore(%arg14 : memref<!tpu.dma_semaphore, #tpu.memory_space<semaphore_mem>>) src(%dma_wait3A_66 : memref<100000x128xf32, #tpu.memory_space<hbm>>) dst(%arg9 : memref<160x128xf32, #tpu.memory_space<vmem>>)
    %add3A_67 = arith.constant 480 : i32
    %add3A_68 = arith.addi %multiple_of3A, %add3A_67 : i32
    %multiple_of3A_69 = tpu.assume_multiple %add3A_68, 8 : i32
    %dma_start3A_70 = arith.constant 0 : i32
    %dma_start3A_71 = tpu.memref_slice %arg4[%multiple_of3A_69, %dma_start3A_70] : memref<25600x128xf32, #tpu.memory_space<hbm>> -> memref<160x128xf32, #tpu.memory_space<hbm>>
    %dma_start3A_72 = arith.constant 0 : i32
    %dma_start3A_73 = tpu.memref_slice %arg4[%multiple_of3A_69, %dma_start3A_72] : memref<25600x128xf32, #tpu.memory_space<hbm>> -> memref<160x128xf32, #tpu.memory_space<hbm>>
    tpu.enqueue_dma source(%arg9 : memref<160x128xf32, #tpu.memory_space<vmem>>) target(%dma_start3A_73 : memref<160x128xf32, #tpu.memory_space<hbm>>) target_semaphore(%arg19 : memref<!tpu.dma_semaphore, #tpu.memory_space<semaphore_mem>>)
    %dma_wait3A_74 = arith.constant 640 : i32
    %dma_wait3A_75 = tpu.memref_slice %arg5[%dma_wait3A_74] : memref<800xi32, #tpu.memory_space<vmem>> -> memref<160xi32, #tpu.memory_space<vmem>>
    %dma_wait3A_76 = arith.constant 0 : i32
    %dma_wait3A_77 = arith.constant 0 : i32
    %dma_wait3A_78 = tpu.memref_slice %arg2[%dma_wait3A_76, %dma_wait3A_77] : memref<100000x128xf32, #tpu.memory_space<hbm>> -> memref<100000x128xf32, #tpu.memory_space<hbm>>
    tpu.wait_indirect_dma semaphore(%arg15 : memref<!tpu.dma_semaphore, #tpu.memory_space<semaphore_mem>>) src(%dma_wait3A_78 : memref<100000x128xf32, #tpu.memory_space<hbm>>) dst(%arg10 : memref<160x128xf32, #tpu.memory_space<vmem>>)
    %add3A_79 = arith.constant 640 : i32
    %add3A_80 = arith.addi %multiple_of3A, %add3A_79 : i32
    %multiple_of3A_81 = tpu.assume_multiple %add3A_80, 8 : i32
    %dma_start3A_82 = arith.constant 0 : i32
    %dma_start3A_83 = tpu.memref_slice %arg4[%multiple_of3A_81, %dma_start3A_82] : memref<25600x128xf32, #tpu.memory_space<hbm>> -> memref<160x128xf32, #tpu.memory_space<hbm>>
    %dma_start3A_84 = arith.constant 0 : i32
    %dma_start3A_85 = tpu.memref_slice %arg4[%multiple_of3A_81, %dma_start3A_84] : memref<25600x128xf32, #tpu.memory_space<hbm>> -> memref<160x128xf32, #tpu.memory_space<hbm>>
    tpu.enqueue_dma source(%arg10 : memref<160x128xf32, #tpu.memory_space<vmem>>) target(%dma_start3A_85 : memref<160x128xf32, #tpu.memory_space<hbm>>) target_semaphore(%arg20 : memref<!tpu.dma_semaphore, #tpu.memory_space<semaphore_mem>>)
    %dma_wait3A_86 = arith.constant 0 : i32
    %dma_wait3A_87 = tpu.memref_slice %arg4[%multiple_of3A_23, %dma_wait3A_86] : memref<25600x128xf32, #tpu.memory_space<hbm>> -> memref<160x128xf32, #tpu.memory_space<hbm>>
    %dma_wait3A_88 = arith.constant 0 : i32
    %dma_wait3A_89 = tpu.memref_slice %arg4[%multiple_of3A_23, %dma_wait3A_88] : memref<25600x128xf32, #tpu.memory_space<hbm>> -> memref<160x128xf32, #tpu.memory_space<hbm>>
    tpu.wait_dma2 semaphore(%arg16 : memref<!tpu.dma_semaphore, #tpu.memory_space<semaphore_mem>>) src(%arg6 : memref<160x128xf32, #tpu.memory_space<vmem>>) dst(%dma_wait3A_89 : memref<160x128xf32, #tpu.memory_space<hbm>>)
    %dma_wait3A_90 = arith.constant 0 : i32
    %dma_wait3A_91 = tpu.memref_slice %arg4[%multiple_of3A_40, %dma_wait3A_90] : memref<25600x128xf32, #tpu.memory_space<hbm>> -> memref<160x128xf32, #tpu.memory_space<hbm>>
    %dma_wait3A_92 = arith.constant 0 : i32
    %dma_wait3A_93 = tpu.memref_slice %arg4[%multiple_of3A_40, %dma_wait3A_92] : memref<25600x128xf32, #tpu.memory_space<hbm>> -> memref<160x128xf32, #tpu.memory_space<hbm>>
    tpu.wait_dma2 semaphore(%arg17 : memref<!tpu.dma_semaphore, #tpu.memory_space<semaphore_mem>>) src(%arg7 : memref<160x128xf32, #tpu.memory_space<vmem>>) dst(%dma_wait3A_93 : memref<160x128xf32, #tpu.memory_space<hbm>>)
    %dma_wait3A_94 = arith.constant 0 : i32
    %dma_wait3A_95 = tpu.memref_slice %arg4[%multiple_of3A_57, %dma_wait3A_94] : memref<25600x128xf32, #tpu.memory_space<hbm>> -> memref<160x128xf32, #tpu.memory_space<hbm>>
    %dma_wait3A_96 = arith.constant 0 : i32
    %dma_wait3A_97 = tpu.memref_slice %arg4[%multiple_of3A_57, %dma_wait3A_96] : memref<25600x128xf32, #tpu.memory_space<hbm>> -> memref<160x128xf32, #tpu.memory_space<hbm>>
    tpu.wait_dma2 semaphore(%arg18 : memref<!tpu.dma_semaphore, #tpu.memory_space<semaphore_mem>>) src(%arg8 : memref<160x128xf32, #tpu.memory_space<vmem>>) dst(%dma_wait3A_97 : memref<160x128xf32, #tpu.memory_space<hbm>>)
    %dma_wait3A_98 = arith.constant 0 : i32
    %dma_wait3A_99 = tpu.memref_slice %arg4[%multiple_of3A_69, %dma_wait3A_98] : memref<25600x128xf32, #tpu.memory_space<hbm>> -> memref<160x128xf32, #tpu.memory_space<hbm>>
    %dma_wait3A_100 = arith.constant 0 : i32
    %dma_wait3A_101 = tpu.memref_slice %arg4[%multiple_of3A_69, %dma_wait3A_100] : memref<25600x128xf32, #tpu.memory_space<hbm>> -> memref<160x128xf32, #tpu.memory_space<hbm>>
    tpu.wait_dma2 semaphore(%arg19 : memref<!tpu.dma_semaphore, #tpu.memory_space<semaphore_mem>>) src(%arg9 : memref<160x128xf32, #tpu.memory_space<vmem>>) dst(%dma_wait3A_101 : memref<160x128xf32, #tpu.memory_space<hbm>>)
    %dma_wait3A_102 = arith.constant 0 : i32
    %dma_wait3A_103 = tpu.memref_slice %arg4[%multiple_of3A_81, %dma_wait3A_102] : memref<25600x128xf32, #tpu.memory_space<hbm>> -> memref<160x128xf32, #tpu.memory_space<hbm>>
    %dma_wait3A_104 = arith.constant 0 : i32
    %dma_wait3A_105 = tpu.memref_slice %arg4[%multiple_of3A_81, %dma_wait3A_104] : memref<25600x128xf32, #tpu.memory_space<hbm>> -> memref<160x128xf32, #tpu.memory_space<hbm>>
    tpu.wait_dma2 semaphore(%arg20 : memref<!tpu.dma_semaphore, #tpu.memory_space<semaphore_mem>>) src(%arg10 : memref<160x128xf32, #tpu.memory_space<vmem>>) dst(%dma_wait3A_105 : memref<160x128xf32, #tpu.memory_space<hbm>>)
    return
  }
}

#map = affine_map<(d0, d1) -> (0, 0)>
#map1 = affine_map<(d0, d1) -> (0)>
module attributes {stable_mosaic.version = 14 : i64} {
  func.func @k(%arg0: i32, %arg1: i32, %arg2: memref<100000x128xf32, #tpu.memory_space<hbm>>, %arg3: memref<25600xi32, #tpu.memory_space<hbm>>, %arg4: memref<25600x128xf32, #tpu.memory_space<hbm>>, %arg5: memref<800xi32, #tpu.memory_space<vmem>>, %arg6: memref<160x128xf32, #tpu.memory_space<vmem>>, %arg7: memref<160x128xf32, #tpu.memory_space<vmem>>, %arg8: memref<160x128xf32, #tpu.memory_space<vmem>>, %arg9: memref<160x128xf32, #tpu.memory_space<vmem>>, %arg10: memref<160x128xf32, #tpu.memory_space<vmem>>, %arg11: memref<!tpu.dma_semaphore, #tpu.memory_space<semaphore_mem>>, %arg12: memref<!tpu.dma_semaphore, #tpu.memory_space<semaphore_mem>>, %arg13: memref<!tpu.dma_semaphore, #tpu.memory_space<semaphore_mem>>, %arg14: memref<!tpu.dma_semaphore, #tpu.memory_space<semaphore_mem>>, %arg15: memref<!tpu.dma_semaphore, #tpu.memory_space<semaphore_mem>>, %arg16: memref<!tpu.dma_semaphore, #tpu.memory_space<semaphore_mem>>, %arg17: memref<!tpu.dma_semaphore, #tpu.memory_space<semaphore_mem>>, %arg18: memref<!tpu.dma_semaphore, #tpu.memory_space<semaphore_mem>>, %arg19: memref<!tpu.dma_semaphore, #tpu.memory_space<semaphore_mem>>, %arg20: memref<!tpu.dma_semaphore, #tpu.memory_space<semaphore_mem>>) attributes {dimension_semantics = [#tpu.dimension_semantics<core_parallel>, #tpu.dimension_semantics<subcore_parallel>], iteration_bounds = array<i64: 2, 16>, scalar_prefetch = 0 : i64, scratch_operands = 16 : i64, tpu.core_type = #tpu.core_type<sc_vector_subcore>, window_params = [{transform_indices = #map}, {transform_indices = #map1}, {transform_indices = #map}]} {
    %mul3A = arith.constant 2 : i32
    %mul3A_0 = arith.muli %arg1, %mul3A : i32
    %add3A = arith.addi %mul3A_0, %arg0 : i32
    %mul3A_1 = arith.constant 800 : i32
    %mul3A_2 = arith.muli %add3A, %mul3A_1 : i32
    %multiple_of3A = tpu.assume_multiple %mul3A_2, 8 : i32
    "tpu.region"() ({
      %run_scoped3A = tpu.sem_alloc : memref<!tpu.dma_semaphore, #tpu.memory_space<semaphore_mem>>
      %dma_start3A_106 = tpu.memref_slice %arg3[%multiple_of3A] : memref<25600xi32, #tpu.memory_space<hbm>> -> memref<800xi32, #tpu.memory_space<hbm>>
      %dma_start3A_107 = tpu.memref_slice %arg3[%multiple_of3A] : memref<25600xi32, #tpu.memory_space<hbm>> -> memref<800xi32, #tpu.memory_space<hbm>>
      tpu.enqueue_dma source(%dma_start3A_107 : memref<800xi32, #tpu.memory_space<hbm>>) target(%arg5 : memref<800xi32, #tpu.memory_space<vmem>>) target_semaphore(%run_scoped3A : memref<!tpu.dma_semaphore, #tpu.memory_space<semaphore_mem>>)
      %dma_wait3A_108 = tpu.memref_slice %arg3[%multiple_of3A] : memref<25600xi32, #tpu.memory_space<hbm>> -> memref<800xi32, #tpu.memory_space<hbm>>
      %dma_wait3A_109 = tpu.memref_slice %arg3[%multiple_of3A] : memref<25600xi32, #tpu.memory_space<hbm>> -> memref<800xi32, #tpu.memory_space<hbm>>
      tpu.wait_dma2 semaphore(%run_scoped3A : memref<!tpu.dma_semaphore, #tpu.memory_space<semaphore_mem>>) src(%dma_wait3A_109 : memref<800xi32, #tpu.memory_space<hbm>>) dst(%arg5 : memref<800xi32, #tpu.memory_space<vmem>>)
      tpu.yield
    }) : () -> ()
    %dma_start3A = arith.constant 0 : i32
    %dma_start3A_3 = tpu.memref_slice %arg5[%dma_start3A] : memref<800xi32, #tpu.memory_space<vmem>> -> memref<160xi32, #tpu.memory_space<vmem>>
    %dma_start3A_4 = arith.constant 0 : i32
    %dma_start3A_5 = arith.constant 0 : i32
    %dma_start3A_6 = tpu.memref_slice %arg2[%dma_start3A_4, %dma_start3A_5] : memref<100000x128xf32, #tpu.memory_space<hbm>> -> memref<100000x128xf32, #tpu.memory_space<hbm>>
    tpu.enqueue_indirect_dma source(%dma_start3A_6 : memref<100000x128xf32, #tpu.memory_space<hbm>>) target(%arg6 : memref<160x128xf32, #tpu.memory_space<vmem>>) offsets(%dma_start3A_3 : memref<160xi32, #tpu.memory_space<vmem>>) semaphore(%arg11 : memref<!tpu.dma_semaphore, #tpu.memory_space<semaphore_mem>>)
    %dma_start3A_7 = arith.constant 160 : i32
    %dma_start3A_8 = tpu.memref_slice %arg5[%dma_start3A_7] : memref<800xi32, #tpu.memory_space<vmem>> -> memref<160xi32, #tpu.memory_space<vmem>>
    %dma_start3A_9 = arith.constant 0 : i32
    %dma_start3A_10 = arith.constant 0 : i32
    %dma_start3A_11 = tpu.memref_slice %arg2[%dma_start3A_9, %dma_start3A_10] : memref<100000x128xf32, #tpu.memory_space<hbm>> -> memref<100000x128xf32, #tpu.memory_space<hbm>>
    tpu.enqueue_indirect_dma source(%dma_start3A_11 : memref<100000x128xf32, #tpu.memory_space<hbm>>) target(%arg7 : memref<160x128xf32, #tpu.memory_space<vmem>>) offsets(%dma_start3A_8 : memref<160xi32, #tpu.memory_space<vmem>>) semaphore(%arg12 : memref<!tpu.dma_semaphore, #tpu.memory_space<semaphore_mem>>)
    %dma_start3A_12 = arith.constant 320 : i32
    %dma_start3A_13 = tpu.memref_slice %arg5[%dma_start3A_12] : memref<800xi32, #tpu.memory_space<vmem>> -> memref<160xi32, #tpu.memory_space<vmem>>
    %dma_start3A_14 = arith.constant 0 : i32
    %dma_start3A_15 = arith.constant 0 : i32
    %dma_start3A_16 = tpu.memref_slice %arg2[%dma_start3A_14, %dma_start3A_15] : memref<100000x128xf32, #tpu.memory_space<hbm>> -> memref<100000x128xf32, #tpu.memory_space<hbm>>
    tpu.enqueue_indirect_dma source(%dma_start3A_16 : memref<100000x128xf32, #tpu.memory_space<hbm>>) target(%arg8 : memref<160x128xf32, #tpu.memory_space<vmem>>) offsets(%dma_start3A_13 : memref<160xi32, #tpu.memory_space<vmem>>) semaphore(%arg13 : memref<!tpu.dma_semaphore, #tpu.memory_space<semaphore_mem>>)
    %dma_wait3A = arith.constant 0 : i32
    %dma_wait3A_17 = tpu.memref_slice %arg5[%dma_wait3A] : memref<800xi32, #tpu.memory_space<vmem>> -> memref<160xi32, #tpu.memory_space<vmem>>
    %dma_wait3A_18 = arith.constant 0 : i32
    %dma_wait3A_19 = arith.constant 0 : i32
    %dma_wait3A_20 = tpu.memref_slice %arg2[%dma_wait3A_18, %dma_wait3A_19] : memref<100000x128xf32, #tpu.memory_space<hbm>> -> memref<100000x128xf32, #tpu.memory_space<hbm>>
    tpu.wait_indirect_dma semaphore(%arg11 : memref<!tpu.dma_semaphore, #tpu.memory_space<semaphore_mem>>) src(%dma_wait3A_20 : memref<100000x128xf32, #tpu.memory_space<hbm>>) dst(%arg6 : memref<160x128xf32, #tpu.memory_space<vmem>>)
    %add3A_21 = arith.constant 0 : i32
    %add3A_22 = arith.addi %multiple_of3A, %add3A_21 : i32
    %multiple_of3A_23 = tpu.assume_multiple %add3A_22, 8 : i32
    %dma_start3A_24 = arith.constant 0 : i32
    %dma_start3A_25 = tpu.memref_slice %arg4[%multiple_of3A_23, %dma_start3A_24] : memref<25600x128xf32, #tpu.memory_space<hbm>> -> memref<160x128xf32, #tpu.memory_space<hbm>>
    %dma_start3A_26 = arith.constant 0 : i32
    %dma_start3A_27 = tpu.memref_slice %arg4[%multiple_of3A_23, %dma_start3A_26] : memref<25600x128xf32, #tpu.memory_space<hbm>> -> memref<160x128xf32, #tpu.memory_space<hbm>>
    tpu.enqueue_dma source(%arg6 : memref<160x128xf32, #tpu.memory_space<vmem>>) target(%dma_start3A_27 : memref<160x128xf32, #tpu.memory_space<hbm>>) target_semaphore(%arg16 : memref<!tpu.dma_semaphore, #tpu.memory_space<semaphore_mem>>)
    %dma_start3A_28 = arith.constant 480 : i32
    %dma_start3A_29 = tpu.memref_slice %arg5[%dma_start3A_28] : memref<800xi32, #tpu.memory_space<vmem>> -> memref<160xi32, #tpu.memory_space<vmem>>
    %dma_start3A_30 = arith.constant 0 : i32
    %dma_start3A_31 = arith.constant 0 : i32
    %dma_start3A_32 = tpu.memref_slice %arg2[%dma_start3A_30, %dma_start3A_31] : memref<100000x128xf32, #tpu.memory_space<hbm>> -> memref<100000x128xf32, #tpu.memory_space<hbm>>
    tpu.enqueue_indirect_dma source(%dma_start3A_32 : memref<100000x128xf32, #tpu.memory_space<hbm>>) target(%arg9 : memref<160x128xf32, #tpu.memory_space<vmem>>) offsets(%dma_start3A_29 : memref<160xi32, #tpu.memory_space<vmem>>) semaphore(%arg14 : memref<!tpu.dma_semaphore, #tpu.memory_space<semaphore_mem>>)
    %dma_wait3A_33 = arith.constant 160 : i32
    %dma_wait3A_34 = tpu.memref_slice %arg5[%dma_wait3A_33] : memref<800xi32, #tpu.memory_space<vmem>> -> memref<160xi32, #tpu.memory_space<vmem>>
    %dma_wait3A_35 = arith.constant 0 : i32
    %dma_wait3A_36 = arith.constant 0 : i32
    %dma_wait3A_37 = tpu.memref_slice %arg2[%dma_wait3A_35, %dma_wait3A_36] : memref<100000x128xf32, #tpu.memory_space<hbm>> -> memref<100000x128xf32, #tpu.memory_space<hbm>>
    tpu.wait_indirect_dma semaphore(%arg12 : memref<!tpu.dma_semaphore, #tpu.memory_space<semaphore_mem>>) src(%dma_wait3A_37 : memref<100000x128xf32, #tpu.memory_space<hbm>>) dst(%arg7 : memref<160x128xf32, #tpu.memory_space<vmem>>)
    %add3A_38 = arith.constant 160 : i32
    %add3A_39 = arith.addi %multiple_of3A, %add3A_38 : i32
    %multiple_of3A_40 = tpu.assume_multiple %add3A_39, 8 : i32
    %dma_start3A_41 = arith.constant 0 : i32
    %dma_start3A_42 = tpu.memref_slice %arg4[%multiple_of3A_40, %dma_start3A_41] : memref<25600x128xf32, #tpu.memory_space<hbm>> -> memref<160x128xf32, #tpu.memory_space<hbm>>
    %dma_start3A_43 = arith.constant 0 : i32
    %dma_start3A_44 = tpu.memref_slice %arg4[%multiple_of3A_40, %dma_start3A_43] : memref<25600x128xf32, #tpu.memory_space<hbm>> -> memref<160x128xf32, #tpu.memory_space<hbm>>
    tpu.enqueue_dma source(%arg7 : memref<160x128xf32, #tpu.memory_space<vmem>>) target(%dma_start3A_44 : memref<160x128xf32, #tpu.memory_space<hbm>>) target_semaphore(%arg17 : memref<!tpu.dma_semaphore, #tpu.memory_space<semaphore_mem>>)
    %dma_start3A_45 = arith.constant 640 : i32
    %dma_start3A_46 = tpu.memref_slice %arg5[%dma_start3A_45] : memref<800xi32, #tpu.memory_space<vmem>> -> memref<160xi32, #tpu.memory_space<vmem>>
    %dma_start3A_47 = arith.constant 0 : i32
    %dma_start3A_48 = arith.constant 0 : i32
    %dma_start3A_49 = tpu.memref_slice %arg2[%dma_start3A_47, %dma_start3A_48] : memref<100000x128xf32, #tpu.memory_space<hbm>> -> memref<100000x128xf32, #tpu.memory_space<hbm>>
    tpu.enqueue_indirect_dma source(%dma_start3A_49 : memref<100000x128xf32, #tpu.memory_space<hbm>>) target(%arg10 : memref<160x128xf32, #tpu.memory_space<vmem>>) offsets(%dma_start3A_46 : memref<160xi32, #tpu.memory_space<vmem>>) semaphore(%arg15 : memref<!tpu.dma_semaphore, #tpu.memory_space<semaphore_mem>>)
    %dma_wait3A_50 = arith.constant 320 : i32
    %dma_wait3A_51 = tpu.memref_slice %arg5[%dma_wait3A_50] : memref<800xi32, #tpu.memory_space<vmem>> -> memref<160xi32, #tpu.memory_space<vmem>>
    %dma_wait3A_52 = arith.constant 0 : i32
    %dma_wait3A_53 = arith.constant 0 : i32
    %dma_wait3A_54 = tpu.memref_slice %arg2[%dma_wait3A_52, %dma_wait3A_53] : memref<100000x128xf32, #tpu.memory_space<hbm>> -> memref<100000x128xf32, #tpu.memory_space<hbm>>
    tpu.wait_indirect_dma semaphore(%arg13 : memref<!tpu.dma_semaphore, #tpu.memory_space<semaphore_mem>>) src(%dma_wait3A_54 : memref<100000x128xf32, #tpu.memory_space<hbm>>) dst(%arg8 : memref<160x128xf32, #tpu.memory_space<vmem>>)
    %add3A_55 = arith.constant 320 : i32
    %add3A_56 = arith.addi %multiple_of3A, %add3A_55 : i32
    %multiple_of3A_57 = tpu.assume_multiple %add3A_56, 8 : i32
    %dma_start3A_58 = arith.constant 0 : i32
    %dma_start3A_59 = tpu.memref_slice %arg4[%multiple_of3A_57, %dma_start3A_58] : memref<25600x128xf32, #tpu.memory_space<hbm>> -> memref<160x128xf32, #tpu.memory_space<hbm>>
    %dma_start3A_60 = arith.constant 0 : i32
    %dma_start3A_61 = tpu.memref_slice %arg4[%multiple_of3A_57, %dma_start3A_60] : memref<25600x128xf32, #tpu.memory_space<hbm>> -> memref<160x128xf32, #tpu.memory_space<hbm>>
    tpu.enqueue_dma source(%arg8 : memref<160x128xf32, #tpu.memory_space<vmem>>) target(%dma_start3A_61 : memref<160x128xf32, #tpu.memory_space<hbm>>) target_semaphore(%arg18 : memref<!tpu.dma_semaphore, #tpu.memory_space<semaphore_mem>>)
    %dma_wait3A_62 = arith.constant 480 : i32
    %dma_wait3A_63 = tpu.memref_slice %arg5[%dma_wait3A_62] : memref<800xi32, #tpu.memory_space<vmem>> -> memref<160xi32, #tpu.memory_space<vmem>>
    %dma_wait3A_64 = arith.constant 0 : i32
    %dma_wait3A_65 = arith.constant 0 : i32
    %dma_wait3A_66 = tpu.memref_slice %arg2[%dma_wait3A_64, %dma_wait3A_65] : memref<100000x128xf32, #tpu.memory_space<hbm>> -> memref<100000x128xf32, #tpu.memory_space<hbm>>
    tpu.wait_indirect_dma semaphore(%arg14 : memref<!tpu.dma_semaphore, #tpu.memory_space<semaphore_mem>>) src(%dma_wait3A_66 : memref<100000x128xf32, #tpu.memory_space<hbm>>) dst(%arg9 : memref<160x128xf32, #tpu.memory_space<vmem>>)
    %add3A_67 = arith.constant 480 : i32
    %add3A_68 = arith.addi %multiple_of3A, %add3A_67 : i32
    %multiple_of3A_69 = tpu.assume_multiple %add3A_68, 8 : i32
    %dma_start3A_70 = arith.constant 0 : i32
    %dma_start3A_71 = tpu.memref_slice %arg4[%multiple_of3A_69, %dma_start3A_70] : memref<25600x128xf32, #tpu.memory_space<hbm>> -> memref<160x128xf32, #tpu.memory_space<hbm>>
    %dma_start3A_72 = arith.constant 0 : i32
    %dma_start3A_73 = tpu.memref_slice %arg4[%multiple_of3A_69, %dma_start3A_72] : memref<25600x128xf32, #tpu.memory_space<hbm>> -> memref<160x128xf32, #tpu.memory_space<hbm>>
    tpu.enqueue_dma source(%arg9 : memref<160x128xf32, #tpu.memory_space<vmem>>) target(%dma_start3A_73 : memref<160x128xf32, #tpu.memory_space<hbm>>) target_semaphore(%arg19 : memref<!tpu.dma_semaphore, #tpu.memory_space<semaphore_mem>>)
    %dma_wait3A_74 = arith.constant 640 : i32
    %dma_wait3A_75 = tpu.memref_slice %arg5[%dma_wait3A_74] : memref<800xi32, #tpu.memory_space<vmem>> -> memref<160xi32, #tpu.memory_space<vmem>>
    %dma_wait3A_76 = arith.constant 0 : i32
    %dma_wait3A_77 = arith.constant 0 : i32
    %dma_wait3A_78 = tpu.memref_slice %arg2[%dma_wait3A_76, %dma_wait3A_77] : memref<100000x128xf32, #tpu.memory_space<hbm>> -> memref<100000x128xf32, #tpu.memory_space<hbm>>
    tpu.wait_indirect_dma semaphore(%arg15 : memref<!tpu.dma_semaphore, #tpu.memory_space<semaphore_mem>>) src(%dma_wait3A_78 : memref<100000x128xf32, #tpu.memory_space<hbm>>) dst(%arg10 : memref<160x128xf32, #tpu.memory_space<vmem>>)
    %add3A_79 = arith.constant 640 : i32
    %add3A_80 = arith.addi %multiple_of3A, %add3A_79 : i32
    %multiple_of3A_81 = tpu.assume_multiple %add3A_80, 8 : i32
    %dma_start3A_82 = arith.constant 0 : i32
    %dma_start3A_83 = tpu.memref_slice %arg4[%multiple_of3A_81, %dma_start3A_82] : memref<25600x128xf32, #tpu.memory_space<hbm>> -> memref<160x128xf32, #tpu.memory_space<hbm>>
    %dma_start3A_84 = arith.constant 0 : i32
    %dma_start3A_85 = tpu.memref_slice %arg4[%multiple_of3A_81, %dma_start3A_84] : memref<25600x128xf32, #tpu.memory_space<hbm>> -> memref<160x128xf32, #tpu.memory_space<hbm>>
    tpu.enqueue_dma source(%arg10 : memref<160x128xf32, #tpu.memory_space<vmem>>) target(%dma_start3A_85 : memref<160x128xf32, #tpu.memory_space<hbm>>) target_semaphore(%arg20 : memref<!tpu.dma_semaphore, #tpu.memory_space<semaphore_mem>>)
    %dma_wait3A_86 = arith.constant 0 : i32
    %dma_wait3A_87 = tpu.memref_slice %arg4[%multiple_of3A_23, %dma_wait3A_86] : memref<25600x128xf32, #tpu.memory_space<hbm>> -> memref<160x128xf32, #tpu.memory_space<hbm>>
    %dma_wait3A_88 = arith.constant 0 : i32
    %dma_wait3A_89 = tpu.memref_slice %arg4[%multiple_of3A_23, %dma_wait3A_88] : memref<25600x128xf32, #tpu.memory_space<hbm>> -> memref<160x128xf32, #tpu.memory_space<hbm>>
    tpu.wait_dma2 semaphore(%arg16 : memref<!tpu.dma_semaphore, #tpu.memory_space<semaphore_mem>>) src(%arg6 : memref<160x128xf32, #tpu.memory_space<vmem>>) dst(%dma_wait3A_89 : memref<160x128xf32, #tpu.memory_space<hbm>>)
    %dma_wait3A_90 = arith.constant 0 : i32
    %dma_wait3A_91 = tpu.memref_slice %arg4[%multiple_of3A_40, %dma_wait3A_90] : memref<25600x128xf32, #tpu.memory_space<hbm>> -> memref<160x128xf32, #tpu.memory_space<hbm>>
    %dma_wait3A_92 = arith.constant 0 : i32
    %dma_wait3A_93 = tpu.memref_slice %arg4[%multiple_of3A_40, %dma_wait3A_92] : memref<25600x128xf32, #tpu.memory_space<hbm>> -> memref<160x128xf32, #tpu.memory_space<hbm>>
    tpu.wait_dma2 semaphore(%arg17 : memref<!tpu.dma_semaphore, #tpu.memory_space<semaphore_mem>>) src(%arg7 : memref<160x128xf32, #tpu.memory_space<vmem>>) dst(%dma_wait3A_93 : memref<160x128xf32, #tpu.memory_space<hbm>>)
    %dma_wait3A_94 = arith.constant 0 : i32
    %dma_wait3A_95 = tpu.memref_slice %arg4[%multiple_of3A_57, %dma_wait3A_94] : memref<25600x128xf32, #tpu.memory_space<hbm>> -> memref<160x128xf32, #tpu.memory_space<hbm>>
    %dma_wait3A_96 = arith.constant 0 : i32
    %dma_wait3A_97 = tpu.memref_slice %arg4[%multiple_of3A_57, %dma_wait3A_96] : memref<25600x128xf32, #tpu.memory_space<hbm>> -> memref<160x128xf32, #tpu.memory_space<hbm>>
    tpu.wait_dma2 semaphore(%arg18 : memref<!tpu.dma_semaphore, #tpu.memory_space<semaphore_mem>>) src(%arg8 : memref<160x128xf32, #tpu.memory_space<vmem>>) dst(%dma_wait3A_97 : memref<160x128xf32, #tpu.memory_space<hbm>>)
    %dma_wait3A_98 = arith.constant 0 : i32
    %dma_wait3A_99 = tpu.memref_slice %arg4[%multiple_of3A_69, %dma_wait3A_98] : memref<25600x128xf32, #tpu.memory_space<hbm>> -> memref<160x128xf32, #tpu.memory_space<hbm>>
    %dma_wait3A_100 = arith.constant 0 : i32
    %dma_wait3A_101 = tpu.memref_slice %arg4[%multiple_of3A_69, %dma_wait3A_100] : memref<25600x128xf32, #tpu.memory_space<hbm>> -> memref<160x128xf32, #tpu.memory_space<hbm>>
    tpu.wait_dma2 semaphore(%arg19 : memref<!tpu.dma_semaphore, #tpu.memory_space<semaphore_mem>>) src(%arg9 : memref<160x128xf32, #tpu.memory_space<vmem>>) dst(%dma_wait3A_101 : memref<160x128xf32, #tpu.memory_space<hbm>>)
    %dma_wait3A_102 = arith.constant 0 : i32
    %dma_wait3A_103 = tpu.memref_slice %arg4[%multiple_of3A_81, %dma_wait3A_102] : memref<25600x128xf32, #tpu.memory_space<hbm>> -> memref<160x128xf32, #tpu.memory_space<hbm>>
    %dma_wait3A_104 = arith.constant 0 : i32
    %dma_wait3A_105 = tpu.memref_slice %arg4[%multiple_of3A_81, %dma_wait3A_104] : memref<25600x128xf32, #tpu.memory_space<hbm>> -> memref<160x128xf32, #tpu.memory_space<hbm>>
    tpu.wait_dma2 semaphore(%arg20 : memref<!tpu.dma_semaphore, #tpu.memory_space<semaphore_mem>>) src(%arg10 : memref<160x128xf32, #tpu.memory_space<vmem>>) dst(%dma_wait3A_105 : memref<160x128xf32, #tpu.memory_space<hbm>>)
    return
  }
}

#map = affine_map<(d0, d1) -> (0, 0)>
#map1 = affine_map<(d0, d1) -> (0)>
module attributes {stable_mosaic.version = 14 : i64} {
  func.func @k(%arg0: i32, %arg1: i32, %arg2: memref<100000x128xf32, #tpu.memory_space<hbm>>, %arg3: memref<25600xi32, #tpu.memory_space<hbm>>, %arg4: memref<25600x128xf32, #tpu.memory_space<hbm>>, %arg5: memref<800xi32, #tpu.memory_space<vmem>>, %arg6: memref<160x128xf32, #tpu.memory_space<vmem>>, %arg7: memref<160x128xf32, #tpu.memory_space<vmem>>, %arg8: memref<160x128xf32, #tpu.memory_space<vmem>>, %arg9: memref<160x128xf32, #tpu.memory_space<vmem>>, %arg10: memref<160x128xf32, #tpu.memory_space<vmem>>, %arg11: memref<!tpu.dma_semaphore, #tpu.memory_space<semaphore_mem>>, %arg12: memref<!tpu.dma_semaphore, #tpu.memory_space<semaphore_mem>>, %arg13: memref<!tpu.dma_semaphore, #tpu.memory_space<semaphore_mem>>, %arg14: memref<!tpu.dma_semaphore, #tpu.memory_space<semaphore_mem>>, %arg15: memref<!tpu.dma_semaphore, #tpu.memory_space<semaphore_mem>>, %arg16: memref<!tpu.dma_semaphore, #tpu.memory_space<semaphore_mem>>, %arg17: memref<!tpu.dma_semaphore, #tpu.memory_space<semaphore_mem>>, %arg18: memref<!tpu.dma_semaphore, #tpu.memory_space<semaphore_mem>>, %arg19: memref<!tpu.dma_semaphore, #tpu.memory_space<semaphore_mem>>, %arg20: memref<!tpu.dma_semaphore, #tpu.memory_space<semaphore_mem>>) attributes {dimension_semantics = [#tpu.dimension_semantics<core_parallel>, #tpu.dimension_semantics<subcore_parallel>], iteration_bounds = array<i64: 2, 16>, scalar_prefetch = 0 : i64, scratch_operands = 16 : i64, tpu.core_type = #tpu.core_type<sc_vector_subcore>, window_params = [{transform_indices = #map}, {transform_indices = #map1}, {transform_indices = #map}]} {
    %mul3A = arith.constant 2 : i32
    %mul3A_0 = arith.muli %arg1, %mul3A : i32
    %add3A = arith.addi %mul3A_0, %arg0 : i32
    %mul3A_1 = arith.constant 800 : i32
    %mul3A_2 = arith.muli %add3A, %mul3A_1 : i32
    %multiple_of3A = tpu.assume_multiple %mul3A_2, 8 : i32
    "tpu.region"() ({
      %run_scoped3A = tpu.sem_alloc : memref<!tpu.dma_semaphore, #tpu.memory_space<semaphore_mem>>
      %dma_start3A_106 = tpu.memref_slice %arg3[%multiple_of3A] : memref<25600xi32, #tpu.memory_space<hbm>> -> memref<800xi32, #tpu.memory_space<hbm>>
      %dma_start3A_107 = tpu.memref_slice %arg3[%multiple_of3A] : memref<25600xi32, #tpu.memory_space<hbm>> -> memref<800xi32, #tpu.memory_space<hbm>>
      tpu.enqueue_dma source(%dma_start3A_107 : memref<800xi32, #tpu.memory_space<hbm>>) target(%arg5 : memref<800xi32, #tpu.memory_space<vmem>>) target_semaphore(%run_scoped3A : memref<!tpu.dma_semaphore, #tpu.memory_space<semaphore_mem>>)
      %dma_wait3A_108 = tpu.memref_slice %arg3[%multiple_of3A] : memref<25600xi32, #tpu.memory_space<hbm>> -> memref<800xi32, #tpu.memory_space<hbm>>
      %dma_wait3A_109 = tpu.memref_slice %arg3[%multiple_of3A] : memref<25600xi32, #tpu.memory_space<hbm>> -> memref<800xi32, #tpu.memory_space<hbm>>
      tpu.wait_dma2 semaphore(%run_scoped3A : memref<!tpu.dma_semaphore, #tpu.memory_space<semaphore_mem>>) src(%dma_wait3A_109 : memref<800xi32, #tpu.memory_space<hbm>>) dst(%arg5 : memref<800xi32, #tpu.memory_space<vmem>>)
      tpu.yield
    }) : () -> ()
    %dma_start3A = arith.constant 0 : i32
    %dma_start3A_3 = tpu.memref_slice %arg5[%dma_start3A] : memref<800xi32, #tpu.memory_space<vmem>> -> memref<160xi32, #tpu.memory_space<vmem>>
    %dma_start3A_4 = arith.constant 0 : i32
    %dma_start3A_5 = arith.constant 0 : i32
    %dma_start3A_6 = tpu.memref_slice %arg2[%dma_start3A_4, %dma_start3A_5] : memref<100000x128xf32, #tpu.memory_space<hbm>> -> memref<100000x128xf32, #tpu.memory_space<hbm>>
    tpu.enqueue_indirect_dma source(%dma_start3A_6 : memref<100000x128xf32, #tpu.memory_space<hbm>>) target(%arg6 : memref<160x128xf32, #tpu.memory_space<vmem>>) offsets(%dma_start3A_3 : memref<160xi32, #tpu.memory_space<vmem>>) semaphore(%arg11 : memref<!tpu.dma_semaphore, #tpu.memory_space<semaphore_mem>>)
    %dma_start3A_7 = arith.constant 160 : i32
    %dma_start3A_8 = tpu.memref_slice %arg5[%dma_start3A_7] : memref<800xi32, #tpu.memory_space<vmem>> -> memref<160xi32, #tpu.memory_space<vmem>>
    %dma_start3A_9 = arith.constant 0 : i32
    %dma_start3A_10 = arith.constant 0 : i32
    %dma_start3A_11 = tpu.memref_slice %arg2[%dma_start3A_9, %dma_start3A_10] : memref<100000x128xf32, #tpu.memory_space<hbm>> -> memref<100000x128xf32, #tpu.memory_space<hbm>>
    tpu.enqueue_indirect_dma source(%dma_start3A_11 : memref<100000x128xf32, #tpu.memory_space<hbm>>) target(%arg7 : memref<160x128xf32, #tpu.memory_space<vmem>>) offsets(%dma_start3A_8 : memref<160xi32, #tpu.memory_space<vmem>>) semaphore(%arg12 : memref<!tpu.dma_semaphore, #tpu.memory_space<semaphore_mem>>)
    %dma_start3A_12 = arith.constant 320 : i32
    %dma_start3A_13 = tpu.memref_slice %arg5[%dma_start3A_12] : memref<800xi32, #tpu.memory_space<vmem>> -> memref<160xi32, #tpu.memory_space<vmem>>
    %dma_start3A_14 = arith.constant 0 : i32
    %dma_start3A_15 = arith.constant 0 : i32
    %dma_start3A_16 = tpu.memref_slice %arg2[%dma_start3A_14, %dma_start3A_15] : memref<100000x128xf32, #tpu.memory_space<hbm>> -> memref<100000x128xf32, #tpu.memory_space<hbm>>
    tpu.enqueue_indirect_dma source(%dma_start3A_16 : memref<100000x128xf32, #tpu.memory_space<hbm>>) target(%arg8 : memref<160x128xf32, #tpu.memory_space<vmem>>) offsets(%dma_start3A_13 : memref<160xi32, #tpu.memory_space<vmem>>) semaphore(%arg13 : memref<!tpu.dma_semaphore, #tpu.memory_space<semaphore_mem>>)
    %dma_wait3A = arith.constant 0 : i32
    %dma_wait3A_17 = tpu.memref_slice %arg5[%dma_wait3A] : memref<800xi32, #tpu.memory_space<vmem>> -> memref<160xi32, #tpu.memory_space<vmem>>
    %dma_wait3A_18 = arith.constant 0 : i32
    %dma_wait3A_19 = arith.constant 0 : i32
    %dma_wait3A_20 = tpu.memref_slice %arg2[%dma_wait3A_18, %dma_wait3A_19] : memref<100000x128xf32, #tpu.memory_space<hbm>> -> memref<100000x128xf32, #tpu.memory_space<hbm>>
    tpu.wait_indirect_dma semaphore(%arg11 : memref<!tpu.dma_semaphore, #tpu.memory_space<semaphore_mem>>) src(%dma_wait3A_20 : memref<100000x128xf32, #tpu.memory_space<hbm>>) dst(%arg6 : memref<160x128xf32, #tpu.memory_space<vmem>>)
    %add3A_21 = arith.constant 0 : i32
    %add3A_22 = arith.addi %multiple_of3A, %add3A_21 : i32
    %multiple_of3A_23 = tpu.assume_multiple %add3A_22, 8 : i32
    %dma_start3A_24 = arith.constant 0 : i32
    %dma_start3A_25 = tpu.memref_slice %arg4[%multiple_of3A_23, %dma_start3A_24] : memref<25600x128xf32, #tpu.memory_space<hbm>> -> memref<160x128xf32, #tpu.memory_space<hbm>>
    %dma_start3A_26 = arith.constant 0 : i32
    %dma_start3A_27 = tpu.memref_slice %arg4[%multiple_of3A_23, %dma_start3A_26] : memref<25600x128xf32, #tpu.memory_space<hbm>> -> memref<160x128xf32, #tpu.memory_space<hbm>>
    tpu.enqueue_dma source(%arg6 : memref<160x128xf32, #tpu.memory_space<vmem>>) target(%dma_start3A_27 : memref<160x128xf32, #tpu.memory_space<hbm>>) target_semaphore(%arg16 : memref<!tpu.dma_semaphore, #tpu.memory_space<semaphore_mem>>)
    %dma_start3A_28 = arith.constant 480 : i32
    %dma_start3A_29 = tpu.memref_slice %arg5[%dma_start3A_28] : memref<800xi32, #tpu.memory_space<vmem>> -> memref<160xi32, #tpu.memory_space<vmem>>
    %dma_start3A_30 = arith.constant 0 : i32
    %dma_start3A_31 = arith.constant 0 : i32
    %dma_start3A_32 = tpu.memref_slice %arg2[%dma_start3A_30, %dma_start3A_31] : memref<100000x128xf32, #tpu.memory_space<hbm>> -> memref<100000x128xf32, #tpu.memory_space<hbm>>
    tpu.enqueue_indirect_dma source(%dma_start3A_32 : memref<100000x128xf32, #tpu.memory_space<hbm>>) target(%arg9 : memref<160x128xf32, #tpu.memory_space<vmem>>) offsets(%dma_start3A_29 : memref<160xi32, #tpu.memory_space<vmem>>) semaphore(%arg14 : memref<!tpu.dma_semaphore, #tpu.memory_space<semaphore_mem>>)
    %dma_wait3A_33 = arith.constant 160 : i32
    %dma_wait3A_34 = tpu.memref_slice %arg5[%dma_wait3A_33] : memref<800xi32, #tpu.memory_space<vmem>> -> memref<160xi32, #tpu.memory_space<vmem>>
    %dma_wait3A_35 = arith.constant 0 : i32
    %dma_wait3A_36 = arith.constant 0 : i32
    %dma_wait3A_37 = tpu.memref_slice %arg2[%dma_wait3A_35, %dma_wait3A_36] : memref<100000x128xf32, #tpu.memory_space<hbm>> -> memref<100000x128xf32, #tpu.memory_space<hbm>>
    tpu.wait_indirect_dma semaphore(%arg12 : memref<!tpu.dma_semaphore, #tpu.memory_space<semaphore_mem>>) src(%dma_wait3A_37 : memref<100000x128xf32, #tpu.memory_space<hbm>>) dst(%arg7 : memref<160x128xf32, #tpu.memory_space<vmem>>)
    %add3A_38 = arith.constant 160 : i32
    %add3A_39 = arith.addi %multiple_of3A, %add3A_38 : i32
    %multiple_of3A_40 = tpu.assume_multiple %add3A_39, 8 : i32
    %dma_start3A_41 = arith.constant 0 : i32
    %dma_start3A_42 = tpu.memref_slice %arg4[%multiple_of3A_40, %dma_start3A_41] : memref<25600x128xf32, #tpu.memory_space<hbm>> -> memref<160x128xf32, #tpu.memory_space<hbm>>
    %dma_start3A_43 = arith.constant 0 : i32
    %dma_start3A_44 = tpu.memref_slice %arg4[%multiple_of3A_40, %dma_start3A_43] : memref<25600x128xf32, #tpu.memory_space<hbm>> -> memref<160x128xf32, #tpu.memory_space<hbm>>
    tpu.enqueue_dma source(%arg7 : memref<160x128xf32, #tpu.memory_space<vmem>>) target(%dma_start3A_44 : memref<160x128xf32, #tpu.memory_space<hbm>>) target_semaphore(%arg17 : memref<!tpu.dma_semaphore, #tpu.memory_space<semaphore_mem>>)
    %dma_start3A_45 = arith.constant 640 : i32
    %dma_start3A_46 = tpu.memref_slice %arg5[%dma_start3A_45] : memref<800xi32, #tpu.memory_space<vmem>> -> memref<160xi32, #tpu.memory_space<vmem>>
    %dma_start3A_47 = arith.constant 0 : i32
    %dma_start3A_48 = arith.constant 0 : i32
    %dma_start3A_49 = tpu.memref_slice %arg2[%dma_start3A_47, %dma_start3A_48] : memref<100000x128xf32, #tpu.memory_space<hbm>> -> memref<100000x128xf32, #tpu.memory_space<hbm>>
    tpu.enqueue_indirect_dma source(%dma_start3A_49 : memref<100000x128xf32, #tpu.memory_space<hbm>>) target(%arg10 : memref<160x128xf32, #tpu.memory_space<vmem>>) offsets(%dma_start3A_46 : memref<160xi32, #tpu.memory_space<vmem>>) semaphore(%arg15 : memref<!tpu.dma_semaphore, #tpu.memory_space<semaphore_mem>>)
    %dma_wait3A_50 = arith.constant 320 : i32
    %dma_wait3A_51 = tpu.memref_slice %arg5[%dma_wait3A_50] : memref<800xi32, #tpu.memory_space<vmem>> -> memref<160xi32, #tpu.memory_space<vmem>>
    %dma_wait3A_52 = arith.constant 0 : i32
    %dma_wait3A_53 = arith.constant 0 : i32
    %dma_wait3A_54 = tpu.memref_slice %arg2[%dma_wait3A_52, %dma_wait3A_53] : memref<100000x128xf32, #tpu.memory_space<hbm>> -> memref<100000x128xf32, #tpu.memory_space<hbm>>
    tpu.wait_indirect_dma semaphore(%arg13 : memref<!tpu.dma_semaphore, #tpu.memory_space<semaphore_mem>>) src(%dma_wait3A_54 : memref<100000x128xf32, #tpu.memory_space<hbm>>) dst(%arg8 : memref<160x128xf32, #tpu.memory_space<vmem>>)
    %add3A_55 = arith.constant 320 : i32
    %add3A_56 = arith.addi %multiple_of3A, %add3A_55 : i32
    %multiple_of3A_57 = tpu.assume_multiple %add3A_56, 8 : i32
    %dma_start3A_58 = arith.constant 0 : i32
    %dma_start3A_59 = tpu.memref_slice %arg4[%multiple_of3A_57, %dma_start3A_58] : memref<25600x128xf32, #tpu.memory_space<hbm>> -> memref<160x128xf32, #tpu.memory_space<hbm>>
    %dma_start3A_60 = arith.constant 0 : i32
    %dma_start3A_61 = tpu.memref_slice %arg4[%multiple_of3A_57, %dma_start3A_60] : memref<25600x128xf32, #tpu.memory_space<hbm>> -> memref<160x128xf32, #tpu.memory_space<hbm>>
    tpu.enqueue_dma source(%arg8 : memref<160x128xf32, #tpu.memory_space<vmem>>) target(%dma_start3A_61 : memref<160x128xf32, #tpu.memory_space<hbm>>) target_semaphore(%arg18 : memref<!tpu.dma_semaphore, #tpu.memory_space<semaphore_mem>>)
    %dma_wait3A_62 = arith.constant 480 : i32
    %dma_wait3A_63 = tpu.memref_slice %arg5[%dma_wait3A_62] : memref<800xi32, #tpu.memory_space<vmem>> -> memref<160xi32, #tpu.memory_space<vmem>>
    %dma_wait3A_64 = arith.constant 0 : i32
    %dma_wait3A_65 = arith.constant 0 : i32
    %dma_wait3A_66 = tpu.memref_slice %arg2[%dma_wait3A_64, %dma_wait3A_65] : memref<100000x128xf32, #tpu.memory_space<hbm>> -> memref<100000x128xf32, #tpu.memory_space<hbm>>
    tpu.wait_indirect_dma semaphore(%arg14 : memref<!tpu.dma_semaphore, #tpu.memory_space<semaphore_mem>>) src(%dma_wait3A_66 : memref<100000x128xf32, #tpu.memory_space<hbm>>) dst(%arg9 : memref<160x128xf32, #tpu.memory_space<vmem>>)
    %add3A_67 = arith.constant 480 : i32
    %add3A_68 = arith.addi %multiple_of3A, %add3A_67 : i32
    %multiple_of3A_69 = tpu.assume_multiple %add3A_68, 8 : i32
    %dma_start3A_70 = arith.constant 0 : i32
    %dma_start3A_71 = tpu.memref_slice %arg4[%multiple_of3A_69, %dma_start3A_70] : memref<25600x128xf32, #tpu.memory_space<hbm>> -> memref<160x128xf32, #tpu.memory_space<hbm>>
    %dma_start3A_72 = arith.constant 0 : i32
    %dma_start3A_73 = tpu.memref_slice %arg4[%multiple_of3A_69, %dma_start3A_72] : memref<25600x128xf32, #tpu.memory_space<hbm>> -> memref<160x128xf32, #tpu.memory_space<hbm>>
    tpu.enqueue_dma source(%arg9 : memref<160x128xf32, #tpu.memory_space<vmem>>) target(%dma_start3A_73 : memref<160x128xf32, #tpu.memory_space<hbm>>) target_semaphore(%arg19 : memref<!tpu.dma_semaphore, #tpu.memory_space<semaphore_mem>>)
    %dma_wait3A_74 = arith.constant 640 : i32
    %dma_wait3A_75 = tpu.memref_slice %arg5[%dma_wait3A_74] : memref<800xi32, #tpu.memory_space<vmem>> -> memref<160xi32, #tpu.memory_space<vmem>>
    %dma_wait3A_76 = arith.constant 0 : i32
    %dma_wait3A_77 = arith.constant 0 : i32
    %dma_wait3A_78 = tpu.memref_slice %arg2[%dma_wait3A_76, %dma_wait3A_77] : memref<100000x128xf32, #tpu.memory_space<hbm>> -> memref<100000x128xf32, #tpu.memory_space<hbm>>
    tpu.wait_indirect_dma semaphore(%arg15 : memref<!tpu.dma_semaphore, #tpu.memory_space<semaphore_mem>>) src(%dma_wait3A_78 : memref<100000x128xf32, #tpu.memory_space<hbm>>) dst(%arg10 : memref<160x128xf32, #tpu.memory_space<vmem>>)
    %add3A_79 = arith.constant 640 : i32
    %add3A_80 = arith.addi %multiple_of3A, %add3A_79 : i32
    %multiple_of3A_81 = tpu.assume_multiple %add3A_80, 8 : i32
    %dma_start3A_82 = arith.constant 0 : i32
    %dma_start3A_83 = tpu.memref_slice %arg4[%multiple_of3A_81, %dma_start3A_82] : memref<25600x128xf32, #tpu.memory_space<hbm>> -> memref<160x128xf32, #tpu.memory_space<hbm>>
    %dma_start3A_84 = arith.constant 0 : i32
    %dma_start3A_85 = tpu.memref_slice %arg4[%multiple_of3A_81, %dma_start3A_84] : memref<25600x128xf32, #tpu.memory_space<hbm>> -> memref<160x128xf32, #tpu.memory_space<hbm>>
    tpu.enqueue_dma source(%arg10 : memref<160x128xf32, #tpu.memory_space<vmem>>) target(%dma_start3A_85 : memref<160x128xf32, #tpu.memory_space<hbm>>) target_semaphore(%arg20 : memref<!tpu.dma_semaphore, #tpu.memory_space<semaphore_mem>>)
    %dma_wait3A_86 = arith.constant 0 : i32
    %dma_wait3A_87 = tpu.memref_slice %arg4[%multiple_of3A_23, %dma_wait3A_86] : memref<25600x128xf32, #tpu.memory_space<hbm>> -> memref<160x128xf32, #tpu.memory_space<hbm>>
    %dma_wait3A_88 = arith.constant 0 : i32
    %dma_wait3A_89 = tpu.memref_slice %arg4[%multiple_of3A_23, %dma_wait3A_88] : memref<25600x128xf32, #tpu.memory_space<hbm>> -> memref<160x128xf32, #tpu.memory_space<hbm>>
    tpu.wait_dma2 semaphore(%arg16 : memref<!tpu.dma_semaphore, #tpu.memory_space<semaphore_mem>>) src(%arg6 : memref<160x128xf32, #tpu.memory_space<vmem>>) dst(%dma_wait3A_89 : memref<160x128xf32, #tpu.memory_space<hbm>>)
    %dma_wait3A_90 = arith.constant 0 : i32
    %dma_wait3A_91 = tpu.memref_slice %arg4[%multiple_of3A_40, %dma_wait3A_90] : memref<25600x128xf32, #tpu.memory_space<hbm>> -> memref<160x128xf32, #tpu.memory_space<hbm>>
    %dma_wait3A_92 = arith.constant 0 : i32
    %dma_wait3A_93 = tpu.memref_slice %arg4[%multiple_of3A_40, %dma_wait3A_92] : memref<25600x128xf32, #tpu.memory_space<hbm>> -> memref<160x128xf32, #tpu.memory_space<hbm>>
    tpu.wait_dma2 semaphore(%arg17 : memref<!tpu.dma_semaphore, #tpu.memory_space<semaphore_mem>>) src(%arg7 : memref<160x128xf32, #tpu.memory_space<vmem>>) dst(%dma_wait3A_93 : memref<160x128xf32, #tpu.memory_space<hbm>>)
    %dma_wait3A_94 = arith.constant 0 : i32
    %dma_wait3A_95 = tpu.memref_slice %arg4[%multiple_of3A_57, %dma_wait3A_94] : memref<25600x128xf32, #tpu.memory_space<hbm>> -> memref<160x128xf32, #tpu.memory_space<hbm>>
    %dma_wait3A_96 = arith.constant 0 : i32
    %dma_wait3A_97 = tpu.memref_slice %arg4[%multiple_of3A_57, %dma_wait3A_96] : memref<25600x128xf32, #tpu.memory_space<hbm>> -> memref<160x128xf32, #tpu.memory_space<hbm>>
    tpu.wait_dma2 semaphore(%arg18 : memref<!tpu.dma_semaphore, #tpu.memory_space<semaphore_mem>>) src(%arg8 : memref<160x128xf32, #tpu.memory_space<vmem>>) dst(%dma_wait3A_97 : memref<160x128xf32, #tpu.memory_space<hbm>>)
    %dma_wait3A_98 = arith.constant 0 : i32
    %dma_wait3A_99 = tpu.memref_slice %arg4[%multiple_of3A_69, %dma_wait3A_98] : memref<25600x128xf32, #tpu.memory_space<hbm>> -> memref<160x128xf32, #tpu.memory_space<hbm>>
    %dma_wait3A_100 = arith.constant 0 : i32
    %dma_wait3A_101 = tpu.memref_slice %arg4[%multiple_of3A_69, %dma_wait3A_100] : memref<25600x128xf32, #tpu.memory_space<hbm>> -> memref<160x128xf32, #tpu.memory_space<hbm>>
    tpu.wait_dma2 semaphore(%arg19 : memref<!tpu.dma_semaphore, #tpu.memory_space<semaphore_mem>>) src(%arg9 : memref<160x128xf32, #tpu.memory_space<vmem>>) dst(%dma_wait3A_101 : memref<160x128xf32, #tpu.memory_space<hbm>>)
    %dma_wait3A_102 = arith.constant 0 : i32
    %dma_wait3A_103 = tpu.memref_slice %arg4[%multiple_of3A_81, %dma_wait3A_102] : memref<25600x128xf32, #tpu.memory_space<hbm>> -> memref<160x128xf32, #tpu.memory_space<hbm>>
    %dma_wait3A_104 = arith.constant 0 : i32
    %dma_wait3A_105 = tpu.memref_slice %arg4[%multiple_of3A_81, %dma_wait3A_104] : memref<25600x128xf32, #tpu.memory_space<hbm>> -> memref<160x128xf32, #tpu.memory_space<hbm>>
    tpu.wait_dma2 semaphore(%arg20 : memref<!tpu.dma_semaphore, #tpu.memory_space<semaphore_mem>>) src(%arg10 : memref<160x128xf32, #tpu.memory_space<vmem>>) dst(%dma_wait3A_105 : memref<160x128xf32, #tpu.memory_space<hbm>>)
    return
  }
}

#map = affine_map<(d0, d1) -> (0, 0)>
#map1 = affine_map<(d0, d1) -> (0)>
module attributes {stable_mosaic.version = 14 : i64} {
  func.func @k(%arg0: i32, %arg1: i32, %arg2: memref<100000x128xf32, #tpu.memory_space<hbm>>, %arg3: memref<25600xi32, #tpu.memory_space<hbm>>, %arg4: memref<25600x128xf32, #tpu.memory_space<hbm>>, %arg5: memref<800xi32, #tpu.memory_space<vmem>>, %arg6: memref<160x128xf32, #tpu.memory_space<vmem>>, %arg7: memref<160x128xf32, #tpu.memory_space<vmem>>, %arg8: memref<160x128xf32, #tpu.memory_space<vmem>>, %arg9: memref<160x128xf32, #tpu.memory_space<vmem>>, %arg10: memref<160x128xf32, #tpu.memory_space<vmem>>, %arg11: memref<!tpu.dma_semaphore, #tpu.memory_space<semaphore_mem>>, %arg12: memref<!tpu.dma_semaphore, #tpu.memory_space<semaphore_mem>>, %arg13: memref<!tpu.dma_semaphore, #tpu.memory_space<semaphore_mem>>, %arg14: memref<!tpu.dma_semaphore, #tpu.memory_space<semaphore_mem>>, %arg15: memref<!tpu.dma_semaphore, #tpu.memory_space<semaphore_mem>>, %arg16: memref<!tpu.dma_semaphore, #tpu.memory_space<semaphore_mem>>, %arg17: memref<!tpu.dma_semaphore, #tpu.memory_space<semaphore_mem>>, %arg18: memref<!tpu.dma_semaphore, #tpu.memory_space<semaphore_mem>>, %arg19: memref<!tpu.dma_semaphore, #tpu.memory_space<semaphore_mem>>, %arg20: memref<!tpu.dma_semaphore, #tpu.memory_space<semaphore_mem>>) attributes {dimension_semantics = [#tpu.dimension_semantics<core_parallel>, #tpu.dimension_semantics<subcore_parallel>], iteration_bounds = array<i64: 2, 16>, scalar_prefetch = 0 : i64, scratch_operands = 16 : i64, tpu.core_type = #tpu.core_type<sc_vector_subcore>, window_params = [{transform_indices = #map}, {transform_indices = #map1}, {transform_indices = #map}]} {
    %mul3A = arith.constant 2 : i32
    %mul3A_0 = arith.muli %arg1, %mul3A : i32
    %add3A = arith.addi %mul3A_0, %arg0 : i32
    %mul3A_1 = arith.constant 800 : i32
    %mul3A_2 = arith.muli %add3A, %mul3A_1 : i32
    %multiple_of3A = tpu.assume_multiple %mul3A_2, 8 : i32
    "tpu.region"() ({
      %run_scoped3A = tpu.sem_alloc : memref<!tpu.dma_semaphore, #tpu.memory_space<semaphore_mem>>
      %dma_start3A_106 = tpu.memref_slice %arg3[%multiple_of3A] : memref<25600xi32, #tpu.memory_space<hbm>> -> memref<800xi32, #tpu.memory_space<hbm>>
      %dma_start3A_107 = tpu.memref_slice %arg3[%multiple_of3A] : memref<25600xi32, #tpu.memory_space<hbm>> -> memref<800xi32, #tpu.memory_space<hbm>>
      tpu.enqueue_dma source(%dma_start3A_107 : memref<800xi32, #tpu.memory_space<hbm>>) target(%arg5 : memref<800xi32, #tpu.memory_space<vmem>>) target_semaphore(%run_scoped3A : memref<!tpu.dma_semaphore, #tpu.memory_space<semaphore_mem>>)
      %dma_wait3A_108 = tpu.memref_slice %arg3[%multiple_of3A] : memref<25600xi32, #tpu.memory_space<hbm>> -> memref<800xi32, #tpu.memory_space<hbm>>
      %dma_wait3A_109 = tpu.memref_slice %arg3[%multiple_of3A] : memref<25600xi32, #tpu.memory_space<hbm>> -> memref<800xi32, #tpu.memory_space<hbm>>
      tpu.wait_dma2 semaphore(%run_scoped3A : memref<!tpu.dma_semaphore, #tpu.memory_space<semaphore_mem>>) src(%dma_wait3A_109 : memref<800xi32, #tpu.memory_space<hbm>>) dst(%arg5 : memref<800xi32, #tpu.memory_space<vmem>>)
      tpu.yield
    }) : () -> ()
    %dma_start3A = arith.constant 0 : i32
    %dma_start3A_3 = tpu.memref_slice %arg5[%dma_start3A] : memref<800xi32, #tpu.memory_space<vmem>> -> memref<160xi32, #tpu.memory_space<vmem>>
    %dma_start3A_4 = arith.constant 0 : i32
    %dma_start3A_5 = arith.constant 0 : i32
    %dma_start3A_6 = tpu.memref_slice %arg2[%dma_start3A_4, %dma_start3A_5] : memref<100000x128xf32, #tpu.memory_space<hbm>> -> memref<100000x128xf32, #tpu.memory_space<hbm>>
    tpu.enqueue_indirect_dma source(%dma_start3A_6 : memref<100000x128xf32, #tpu.memory_space<hbm>>) target(%arg6 : memref<160x128xf32, #tpu.memory_space<vmem>>) offsets(%dma_start3A_3 : memref<160xi32, #tpu.memory_space<vmem>>) semaphore(%arg11 : memref<!tpu.dma_semaphore, #tpu.memory_space<semaphore_mem>>)
    %dma_start3A_7 = arith.constant 160 : i32
    %dma_start3A_8 = tpu.memref_slice %arg5[%dma_start3A_7] : memref<800xi32, #tpu.memory_space<vmem>> -> memref<160xi32, #tpu.memory_space<vmem>>
    %dma_start3A_9 = arith.constant 0 : i32
    %dma_start3A_10 = arith.constant 0 : i32
    %dma_start3A_11 = tpu.memref_slice %arg2[%dma_start3A_9, %dma_start3A_10] : memref<100000x128xf32, #tpu.memory_space<hbm>> -> memref<100000x128xf32, #tpu.memory_space<hbm>>
    tpu.enqueue_indirect_dma source(%dma_start3A_11 : memref<100000x128xf32, #tpu.memory_space<hbm>>) target(%arg7 : memref<160x128xf32, #tpu.memory_space<vmem>>) offsets(%dma_start3A_8 : memref<160xi32, #tpu.memory_space<vmem>>) semaphore(%arg12 : memref<!tpu.dma_semaphore, #tpu.memory_space<semaphore_mem>>)
    %dma_start3A_12 = arith.constant 320 : i32
    %dma_start3A_13 = tpu.memref_slice %arg5[%dma_start3A_12] : memref<800xi32, #tpu.memory_space<vmem>> -> memref<160xi32, #tpu.memory_space<vmem>>
    %dma_start3A_14 = arith.constant 0 : i32
    %dma_start3A_15 = arith.constant 0 : i32
    %dma_start3A_16 = tpu.memref_slice %arg2[%dma_start3A_14, %dma_start3A_15] : memref<100000x128xf32, #tpu.memory_space<hbm>> -> memref<100000x128xf32, #tpu.memory_space<hbm>>
    tpu.enqueue_indirect_dma source(%dma_start3A_16 : memref<100000x128xf32, #tpu.memory_space<hbm>>) target(%arg8 : memref<160x128xf32, #tpu.memory_space<vmem>>) offsets(%dma_start3A_13 : memref<160xi32, #tpu.memory_space<vmem>>) semaphore(%arg13 : memref<!tpu.dma_semaphore, #tpu.memory_space<semaphore_mem>>)
    %dma_wait3A = arith.constant 0 : i32
    %dma_wait3A_17 = tpu.memref_slice %arg5[%dma_wait3A] : memref<800xi32, #tpu.memory_space<vmem>> -> memref<160xi32, #tpu.memory_space<vmem>>
    %dma_wait3A_18 = arith.constant 0 : i32
    %dma_wait3A_19 = arith.constant 0 : i32
    %dma_wait3A_20 = tpu.memref_slice %arg2[%dma_wait3A_18, %dma_wait3A_19] : memref<100000x128xf32, #tpu.memory_space<hbm>> -> memref<100000x128xf32, #tpu.memory_space<hbm>>
    tpu.wait_indirect_dma semaphore(%arg11 : memref<!tpu.dma_semaphore, #tpu.memory_space<semaphore_mem>>) src(%dma_wait3A_20 : memref<100000x128xf32, #tpu.memory_space<hbm>>) dst(%arg6 : memref<160x128xf32, #tpu.memory_space<vmem>>)
    %add3A_21 = arith.constant 0 : i32
    %add3A_22 = arith.addi %multiple_of3A, %add3A_21 : i32
    %multiple_of3A_23 = tpu.assume_multiple %add3A_22, 8 : i32
    %dma_start3A_24 = arith.constant 0 : i32
    %dma_start3A_25 = tpu.memref_slice %arg4[%multiple_of3A_23, %dma_start3A_24] : memref<25600x128xf32, #tpu.memory_space<hbm>> -> memref<160x128xf32, #tpu.memory_space<hbm>>
    %dma_start3A_26 = arith.constant 0 : i32
    %dma_start3A_27 = tpu.memref_slice %arg4[%multiple_of3A_23, %dma_start3A_26] : memref<25600x128xf32, #tpu.memory_space<hbm>> -> memref<160x128xf32, #tpu.memory_space<hbm>>
    tpu.enqueue_dma source(%arg6 : memref<160x128xf32, #tpu.memory_space<vmem>>) target(%dma_start3A_27 : memref<160x128xf32, #tpu.memory_space<hbm>>) target_semaphore(%arg16 : memref<!tpu.dma_semaphore, #tpu.memory_space<semaphore_mem>>)
    %dma_start3A_28 = arith.constant 480 : i32
    %dma_start3A_29 = tpu.memref_slice %arg5[%dma_start3A_28] : memref<800xi32, #tpu.memory_space<vmem>> -> memref<160xi32, #tpu.memory_space<vmem>>
    %dma_start3A_30 = arith.constant 0 : i32
    %dma_start3A_31 = arith.constant 0 : i32
    %dma_start3A_32 = tpu.memref_slice %arg2[%dma_start3A_30, %dma_start3A_31] : memref<100000x128xf32, #tpu.memory_space<hbm>> -> memref<100000x128xf32, #tpu.memory_space<hbm>>
    tpu.enqueue_indirect_dma source(%dma_start3A_32 : memref<100000x128xf32, #tpu.memory_space<hbm>>) target(%arg9 : memref<160x128xf32, #tpu.memory_space<vmem>>) offsets(%dma_start3A_29 : memref<160xi32, #tpu.memory_space<vmem>>) semaphore(%arg14 : memref<!tpu.dma_semaphore, #tpu.memory_space<semaphore_mem>>)
    %dma_wait3A_33 = arith.constant 160 : i32
    %dma_wait3A_34 = tpu.memref_slice %arg5[%dma_wait3A_33] : memref<800xi32, #tpu.memory_space<vmem>> -> memref<160xi32, #tpu.memory_space<vmem>>
    %dma_wait3A_35 = arith.constant 0 : i32
    %dma_wait3A_36 = arith.constant 0 : i32
    %dma_wait3A_37 = tpu.memref_slice %arg2[%dma_wait3A_35, %dma_wait3A_36] : memref<100000x128xf32, #tpu.memory_space<hbm>> -> memref<100000x128xf32, #tpu.memory_space<hbm>>
    tpu.wait_indirect_dma semaphore(%arg12 : memref<!tpu.dma_semaphore, #tpu.memory_space<semaphore_mem>>) src(%dma_wait3A_37 : memref<100000x128xf32, #tpu.memory_space<hbm>>) dst(%arg7 : memref<160x128xf32, #tpu.memory_space<vmem>>)
    %add3A_38 = arith.constant 160 : i32
    %add3A_39 = arith.addi %multiple_of3A, %add3A_38 : i32
    %multiple_of3A_40 = tpu.assume_multiple %add3A_39, 8 : i32
    %dma_start3A_41 = arith.constant 0 : i32
    %dma_start3A_42 = tpu.memref_slice %arg4[%multiple_of3A_40, %dma_start3A_41] : memref<25600x128xf32, #tpu.memory_space<hbm>> -> memref<160x128xf32, #tpu.memory_space<hbm>>
    %dma_start3A_43 = arith.constant 0 : i32
    %dma_start3A_44 = tpu.memref_slice %arg4[%multiple_of3A_40, %dma_start3A_43] : memref<25600x128xf32, #tpu.memory_space<hbm>> -> memref<160x128xf32, #tpu.memory_space<hbm>>
    tpu.enqueue_dma source(%arg7 : memref<160x128xf32, #tpu.memory_space<vmem>>) target(%dma_start3A_44 : memref<160x128xf32, #tpu.memory_space<hbm>>) target_semaphore(%arg17 : memref<!tpu.dma_semaphore, #tpu.memory_space<semaphore_mem>>)
    %dma_start3A_45 = arith.constant 640 : i32
    %dma_start3A_46 = tpu.memref_slice %arg5[%dma_start3A_45] : memref<800xi32, #tpu.memory_space<vmem>> -> memref<160xi32, #tpu.memory_space<vmem>>
    %dma_start3A_47 = arith.constant 0 : i32
    %dma_start3A_48 = arith.constant 0 : i32
    %dma_start3A_49 = tpu.memref_slice %arg2[%dma_start3A_47, %dma_start3A_48] : memref<100000x128xf32, #tpu.memory_space<hbm>> -> memref<100000x128xf32, #tpu.memory_space<hbm>>
    tpu.enqueue_indirect_dma source(%dma_start3A_49 : memref<100000x128xf32, #tpu.memory_space<hbm>>) target(%arg10 : memref<160x128xf32, #tpu.memory_space<vmem>>) offsets(%dma_start3A_46 : memref<160xi32, #tpu.memory_space<vmem>>) semaphore(%arg15 : memref<!tpu.dma_semaphore, #tpu.memory_space<semaphore_mem>>)
    %dma_wait3A_50 = arith.constant 320 : i32
    %dma_wait3A_51 = tpu.memref_slice %arg5[%dma_wait3A_50] : memref<800xi32, #tpu.memory_space<vmem>> -> memref<160xi32, #tpu.memory_space<vmem>>
    %dma_wait3A_52 = arith.constant 0 : i32
    %dma_wait3A_53 = arith.constant 0 : i32
    %dma_wait3A_54 = tpu.memref_slice %arg2[%dma_wait3A_52, %dma_wait3A_53] : memref<100000x128xf32, #tpu.memory_space<hbm>> -> memref<100000x128xf32, #tpu.memory_space<hbm>>
    tpu.wait_indirect_dma semaphore(%arg13 : memref<!tpu.dma_semaphore, #tpu.memory_space<semaphore_mem>>) src(%dma_wait3A_54 : memref<100000x128xf32, #tpu.memory_space<hbm>>) dst(%arg8 : memref<160x128xf32, #tpu.memory_space<vmem>>)
    %add3A_55 = arith.constant 320 : i32
    %add3A_56 = arith.addi %multiple_of3A, %add3A_55 : i32
    %multiple_of3A_57 = tpu.assume_multiple %add3A_56, 8 : i32
    %dma_start3A_58 = arith.constant 0 : i32
    %dma_start3A_59 = tpu.memref_slice %arg4[%multiple_of3A_57, %dma_start3A_58] : memref<25600x128xf32, #tpu.memory_space<hbm>> -> memref<160x128xf32, #tpu.memory_space<hbm>>
    %dma_start3A_60 = arith.constant 0 : i32
    %dma_start3A_61 = tpu.memref_slice %arg4[%multiple_of3A_57, %dma_start3A_60] : memref<25600x128xf32, #tpu.memory_space<hbm>> -> memref<160x128xf32, #tpu.memory_space<hbm>>
    tpu.enqueue_dma source(%arg8 : memref<160x128xf32, #tpu.memory_space<vmem>>) target(%dma_start3A_61 : memref<160x128xf32, #tpu.memory_space<hbm>>) target_semaphore(%arg18 : memref<!tpu.dma_semaphore, #tpu.memory_space<semaphore_mem>>)
    %dma_wait3A_62 = arith.constant 480 : i32
    %dma_wait3A_63 = tpu.memref_slice %arg5[%dma_wait3A_62] : memref<800xi32, #tpu.memory_space<vmem>> -> memref<160xi32, #tpu.memory_space<vmem>>
    %dma_wait3A_64 = arith.constant 0 : i32
    %dma_wait3A_65 = arith.constant 0 : i32
    %dma_wait3A_66 = tpu.memref_slice %arg2[%dma_wait3A_64, %dma_wait3A_65] : memref<100000x128xf32, #tpu.memory_space<hbm>> -> memref<100000x128xf32, #tpu.memory_space<hbm>>
    tpu.wait_indirect_dma semaphore(%arg14 : memref<!tpu.dma_semaphore, #tpu.memory_space<semaphore_mem>>) src(%dma_wait3A_66 : memref<100000x128xf32, #tpu.memory_space<hbm>>) dst(%arg9 : memref<160x128xf32, #tpu.memory_space<vmem>>)
    %add3A_67 = arith.constant 480 : i32
    %add3A_68 = arith.addi %multiple_of3A, %add3A_67 : i32
    %multiple_of3A_69 = tpu.assume_multiple %add3A_68, 8 : i32
    %dma_start3A_70 = arith.constant 0 : i32
    %dma_start3A_71 = tpu.memref_slice %arg4[%multiple_of3A_69, %dma_start3A_70] : memref<25600x128xf32, #tpu.memory_space<hbm>> -> memref<160x128xf32, #tpu.memory_space<hbm>>
    %dma_start3A_72 = arith.constant 0 : i32
    %dma_start3A_73 = tpu.memref_slice %arg4[%multiple_of3A_69, %dma_start3A_72] : memref<25600x128xf32, #tpu.memory_space<hbm>> -> memref<160x128xf32, #tpu.memory_space<hbm>>
    tpu.enqueue_dma source(%arg9 : memref<160x128xf32, #tpu.memory_space<vmem>>) target(%dma_start3A_73 : memref<160x128xf32, #tpu.memory_space<hbm>>) target_semaphore(%arg19 : memref<!tpu.dma_semaphore, #tpu.memory_space<semaphore_mem>>)
    %dma_wait3A_74 = arith.constant 640 : i32
    %dma_wait3A_75 = tpu.memref_slice %arg5[%dma_wait3A_74] : memref<800xi32, #tpu.memory_space<vmem>> -> memref<160xi32, #tpu.memory_space<vmem>>
    %dma_wait3A_76 = arith.constant 0 : i32
    %dma_wait3A_77 = arith.constant 0 : i32
    %dma_wait3A_78 = tpu.memref_slice %arg2[%dma_wait3A_76, %dma_wait3A_77] : memref<100000x128xf32, #tpu.memory_space<hbm>> -> memref<100000x128xf32, #tpu.memory_space<hbm>>
    tpu.wait_indirect_dma semaphore(%arg15 : memref<!tpu.dma_semaphore, #tpu.memory_space<semaphore_mem>>) src(%dma_wait3A_78 : memref<100000x128xf32, #tpu.memory_space<hbm>>) dst(%arg10 : memref<160x128xf32, #tpu.memory_space<vmem>>)
    %add3A_79 = arith.constant 640 : i32
    %add3A_80 = arith.addi %multiple_of3A, %add3A_79 : i32
    %multiple_of3A_81 = tpu.assume_multiple %add3A_80, 8 : i32
    %dma_start3A_82 = arith.constant 0 : i32
    %dma_start3A_83 = tpu.memref_slice %arg4[%multiple_of3A_81, %dma_start3A_82] : memref<25600x128xf32, #tpu.memory_space<hbm>> -> memref<160x128xf32, #tpu.memory_space<hbm>>
    %dma_start3A_84 = arith.constant 0 : i32
    %dma_start3A_85 = tpu.memref_slice %arg4[%multiple_of3A_81, %dma_start3A_84] : memref<25600x128xf32, #tpu.memory_space<hbm>> -> memref<160x128xf32, #tpu.memory_space<hbm>>
    tpu.enqueue_dma source(%arg10 : memref<160x128xf32, #tpu.memory_space<vmem>>) target(%dma_start3A_85 : memref<160x128xf32, #tpu.memory_space<hbm>>) target_semaphore(%arg20 : memref<!tpu.dma_semaphore, #tpu.memory_space<semaphore_mem>>)
    %dma_wait3A_86 = arith.constant 0 : i32
    %dma_wait3A_87 = tpu.memref_slice %arg4[%multiple_of3A_23, %dma_wait3A_86] : memref<25600x128xf32, #tpu.memory_space<hbm>> -> memref<160x128xf32, #tpu.memory_space<hbm>>
    %dma_wait3A_88 = arith.constant 0 : i32
    %dma_wait3A_89 = tpu.memref_slice %arg4[%multiple_of3A_23, %dma_wait3A_88] : memref<25600x128xf32, #tpu.memory_space<hbm>> -> memref<160x128xf32, #tpu.memory_space<hbm>>
    tpu.wait_dma2 semaphore(%arg16 : memref<!tpu.dma_semaphore, #tpu.memory_space<semaphore_mem>>) src(%arg6 : memref<160x128xf32, #tpu.memory_space<vmem>>) dst(%dma_wait3A_89 : memref<160x128xf32, #tpu.memory_space<hbm>>)
    %dma_wait3A_90 = arith.constant 0 : i32
    %dma_wait3A_91 = tpu.memref_slice %arg4[%multiple_of3A_40, %dma_wait3A_90] : memref<25600x128xf32, #tpu.memory_space<hbm>> -> memref<160x128xf32, #tpu.memory_space<hbm>>
    %dma_wait3A_92 = arith.constant 0 : i32
    %dma_wait3A_93 = tpu.memref_slice %arg4[%multiple_of3A_40, %dma_wait3A_92] : memref<25600x128xf32, #tpu.memory_space<hbm>> -> memref<160x128xf32, #tpu.memory_space<hbm>>
    tpu.wait_dma2 semaphore(%arg17 : memref<!tpu.dma_semaphore, #tpu.memory_space<semaphore_mem>>) src(%arg7 : memref<160x128xf32, #tpu.memory_space<vmem>>) dst(%dma_wait3A_93 : memref<160x128xf32, #tpu.memory_space<hbm>>)
    %dma_wait3A_94 = arith.constant 0 : i32
    %dma_wait3A_95 = tpu.memref_slice %arg4[%multiple_of3A_57, %dma_wait3A_94] : memref<25600x128xf32, #tpu.memory_space<hbm>> -> memref<160x128xf32, #tpu.memory_space<hbm>>
    %dma_wait3A_96 = arith.constant 0 : i32
    %dma_wait3A_97 = tpu.memref_slice %arg4[%multiple_of3A_57, %dma_wait3A_96] : memref<25600x128xf32, #tpu.memory_space<hbm>> -> memref<160x128xf32, #tpu.memory_space<hbm>>
    tpu.wait_dma2 semaphore(%arg18 : memref<!tpu.dma_semaphore, #tpu.memory_space<semaphore_mem>>) src(%arg8 : memref<160x128xf32, #tpu.memory_space<vmem>>) dst(%dma_wait3A_97 : memref<160x128xf32, #tpu.memory_space<hbm>>)
    %dma_wait3A_98 = arith.constant 0 : i32
    %dma_wait3A_99 = tpu.memref_slice %arg4[%multiple_of3A_69, %dma_wait3A_98] : memref<25600x128xf32, #tpu.memory_space<hbm>> -> memref<160x128xf32, #tpu.memory_space<hbm>>
    %dma_wait3A_100 = arith.constant 0 : i32
    %dma_wait3A_101 = tpu.memref_slice %arg4[%multiple_of3A_69, %dma_wait3A_100] : memref<25600x128xf32, #tpu.memory_space<hbm>> -> memref<160x128xf32, #tpu.memory_space<hbm>>
    tpu.wait_dma2 semaphore(%arg19 : memref<!tpu.dma_semaphore, #tpu.memory_space<semaphore_mem>>) src(%arg9 : memref<160x128xf32, #tpu.memory_space<vmem>>) dst(%dma_wait3A_101 : memref<160x128xf32, #tpu.memory_space<hbm>>)
    %dma_wait3A_102 = arith.constant 0 : i32
    %dma_wait3A_103 = tpu.memref_slice %arg4[%multiple_of3A_81, %dma_wait3A_102] : memref<25600x128xf32, #tpu.memory_space<hbm>> -> memref<160x128xf32, #tpu.memory_space<hbm>>
    %dma_wait3A_104 = arith.constant 0 : i32
    %dma_wait3A_105 = tpu.memref_slice %arg4[%multiple_of3A_81, %dma_wait3A_104] : memref<25600x128xf32, #tpu.memory_space<hbm>> -> memref<160x128xf32, #tpu.memory_space<hbm>>
    tpu.wait_dma2 semaphore(%arg20 : memref<!tpu.dma_semaphore, #tpu.memory_space<semaphore_mem>>) src(%arg10 : memref<160x128xf32, #tpu.memory_space<vmem>>) dst(%dma_wait3A_105 : memref<160x128xf32, #tpu.memory_space<hbm>>)
    return
  }
}

#map = affine_map<(d0, d1) -> (0, 0)>
#map1 = affine_map<(d0, d1) -> (0)>
module attributes {stable_mosaic.version = 14 : i64} {
  func.func @k(%arg0: i32, %arg1: i32, %arg2: memref<100000x128xf32, #tpu.memory_space<hbm>>, %arg3: memref<25600xi32, #tpu.memory_space<hbm>>, %arg4: memref<25600x128xf32, #tpu.memory_space<hbm>>, %arg5: memref<800xi32, #tpu.memory_space<vmem>>, %arg6: memref<160x128xf32, #tpu.memory_space<vmem>>, %arg7: memref<160x128xf32, #tpu.memory_space<vmem>>, %arg8: memref<160x128xf32, #tpu.memory_space<vmem>>, %arg9: memref<160x128xf32, #tpu.memory_space<vmem>>, %arg10: memref<160x128xf32, #tpu.memory_space<vmem>>, %arg11: memref<!tpu.dma_semaphore, #tpu.memory_space<semaphore_mem>>, %arg12: memref<!tpu.dma_semaphore, #tpu.memory_space<semaphore_mem>>, %arg13: memref<!tpu.dma_semaphore, #tpu.memory_space<semaphore_mem>>, %arg14: memref<!tpu.dma_semaphore, #tpu.memory_space<semaphore_mem>>, %arg15: memref<!tpu.dma_semaphore, #tpu.memory_space<semaphore_mem>>, %arg16: memref<!tpu.dma_semaphore, #tpu.memory_space<semaphore_mem>>, %arg17: memref<!tpu.dma_semaphore, #tpu.memory_space<semaphore_mem>>, %arg18: memref<!tpu.dma_semaphore, #tpu.memory_space<semaphore_mem>>, %arg19: memref<!tpu.dma_semaphore, #tpu.memory_space<semaphore_mem>>, %arg20: memref<!tpu.dma_semaphore, #tpu.memory_space<semaphore_mem>>) attributes {dimension_semantics = [#tpu.dimension_semantics<core_parallel>, #tpu.dimension_semantics<subcore_parallel>], iteration_bounds = array<i64: 2, 16>, scalar_prefetch = 0 : i64, scratch_operands = 16 : i64, tpu.core_type = #tpu.core_type<sc_vector_subcore>, window_params = [{transform_indices = #map}, {transform_indices = #map1}, {transform_indices = #map}]} {
    %mul3A = arith.constant 2 : i32
    %mul3A_0 = arith.muli %arg1, %mul3A : i32
    %add3A = arith.addi %mul3A_0, %arg0 : i32
    %mul3A_1 = arith.constant 800 : i32
    %mul3A_2 = arith.muli %add3A, %mul3A_1 : i32
    %multiple_of3A = tpu.assume_multiple %mul3A_2, 8 : i32
    "tpu.region"() ({
      %run_scoped3A = tpu.sem_alloc : memref<!tpu.dma_semaphore, #tpu.memory_space<semaphore_mem>>
      %dma_start3A_106 = tpu.memref_slice %arg3[%multiple_of3A] : memref<25600xi32, #tpu.memory_space<hbm>> -> memref<800xi32, #tpu.memory_space<hbm>>
      %dma_start3A_107 = tpu.memref_slice %arg3[%multiple_of3A] : memref<25600xi32, #tpu.memory_space<hbm>> -> memref<800xi32, #tpu.memory_space<hbm>>
      tpu.enqueue_dma source(%dma_start3A_107 : memref<800xi32, #tpu.memory_space<hbm>>) target(%arg5 : memref<800xi32, #tpu.memory_space<vmem>>) target_semaphore(%run_scoped3A : memref<!tpu.dma_semaphore, #tpu.memory_space<semaphore_mem>>)
      %dma_wait3A_108 = tpu.memref_slice %arg3[%multiple_of3A] : memref<25600xi32, #tpu.memory_space<hbm>> -> memref<800xi32, #tpu.memory_space<hbm>>
      %dma_wait3A_109 = tpu.memref_slice %arg3[%multiple_of3A] : memref<25600xi32, #tpu.memory_space<hbm>> -> memref<800xi32, #tpu.memory_space<hbm>>
      tpu.wait_dma2 semaphore(%run_scoped3A : memref<!tpu.dma_semaphore, #tpu.memory_space<semaphore_mem>>) src(%dma_wait3A_109 : memref<800xi32, #tpu.memory_space<hbm>>) dst(%arg5 : memref<800xi32, #tpu.memory_space<vmem>>)
      tpu.yield
    }) : () -> ()
    %dma_start3A = arith.constant 0 : i32
    %dma_start3A_3 = tpu.memref_slice %arg5[%dma_start3A] : memref<800xi32, #tpu.memory_space<vmem>> -> memref<160xi32, #tpu.memory_space<vmem>>
    %dma_start3A_4 = arith.constant 0 : i32
    %dma_start3A_5 = arith.constant 0 : i32
    %dma_start3A_6 = tpu.memref_slice %arg2[%dma_start3A_4, %dma_start3A_5] : memref<100000x128xf32, #tpu.memory_space<hbm>> -> memref<100000x128xf32, #tpu.memory_space<hbm>>
    tpu.enqueue_indirect_dma source(%dma_start3A_6 : memref<100000x128xf32, #tpu.memory_space<hbm>>) target(%arg6 : memref<160x128xf32, #tpu.memory_space<vmem>>) offsets(%dma_start3A_3 : memref<160xi32, #tpu.memory_space<vmem>>) semaphore(%arg11 : memref<!tpu.dma_semaphore, #tpu.memory_space<semaphore_mem>>)
    %dma_start3A_7 = arith.constant 160 : i32
    %dma_start3A_8 = tpu.memref_slice %arg5[%dma_start3A_7] : memref<800xi32, #tpu.memory_space<vmem>> -> memref<160xi32, #tpu.memory_space<vmem>>
    %dma_start3A_9 = arith.constant 0 : i32
    %dma_start3A_10 = arith.constant 0 : i32
    %dma_start3A_11 = tpu.memref_slice %arg2[%dma_start3A_9, %dma_start3A_10] : memref<100000x128xf32, #tpu.memory_space<hbm>> -> memref<100000x128xf32, #tpu.memory_space<hbm>>
    tpu.enqueue_indirect_dma source(%dma_start3A_11 : memref<100000x128xf32, #tpu.memory_space<hbm>>) target(%arg7 : memref<160x128xf32, #tpu.memory_space<vmem>>) offsets(%dma_start3A_8 : memref<160xi32, #tpu.memory_space<vmem>>) semaphore(%arg12 : memref<!tpu.dma_semaphore, #tpu.memory_space<semaphore_mem>>)
    %dma_start3A_12 = arith.constant 320 : i32
    %dma_start3A_13 = tpu.memref_slice %arg5[%dma_start3A_12] : memref<800xi32, #tpu.memory_space<vmem>> -> memref<160xi32, #tpu.memory_space<vmem>>
    %dma_start3A_14 = arith.constant 0 : i32
    %dma_start3A_15 = arith.constant 0 : i32
    %dma_start3A_16 = tpu.memref_slice %arg2[%dma_start3A_14, %dma_start3A_15] : memref<100000x128xf32, #tpu.memory_space<hbm>> -> memref<100000x128xf32, #tpu.memory_space<hbm>>
    tpu.enqueue_indirect_dma source(%dma_start3A_16 : memref<100000x128xf32, #tpu.memory_space<hbm>>) target(%arg8 : memref<160x128xf32, #tpu.memory_space<vmem>>) offsets(%dma_start3A_13 : memref<160xi32, #tpu.memory_space<vmem>>) semaphore(%arg13 : memref<!tpu.dma_semaphore, #tpu.memory_space<semaphore_mem>>)
    %dma_wait3A = arith.constant 0 : i32
    %dma_wait3A_17 = tpu.memref_slice %arg5[%dma_wait3A] : memref<800xi32, #tpu.memory_space<vmem>> -> memref<160xi32, #tpu.memory_space<vmem>>
    %dma_wait3A_18 = arith.constant 0 : i32
    %dma_wait3A_19 = arith.constant 0 : i32
    %dma_wait3A_20 = tpu.memref_slice %arg2[%dma_wait3A_18, %dma_wait3A_19] : memref<100000x128xf32, #tpu.memory_space<hbm>> -> memref<100000x128xf32, #tpu.memory_space<hbm>>
    tpu.wait_indirect_dma semaphore(%arg11 : memref<!tpu.dma_semaphore, #tpu.memory_space<semaphore_mem>>) src(%dma_wait3A_20 : memref<100000x128xf32, #tpu.memory_space<hbm>>) dst(%arg6 : memref<160x128xf32, #tpu.memory_space<vmem>>)
    %add3A_21 = arith.constant 0 : i32
    %add3A_22 = arith.addi %multiple_of3A, %add3A_21 : i32
    %multiple_of3A_23 = tpu.assume_multiple %add3A_22, 8 : i32
    %dma_start3A_24 = arith.constant 0 : i32
    %dma_start3A_25 = tpu.memref_slice %arg4[%multiple_of3A_23, %dma_start3A_24] : memref<25600x128xf32, #tpu.memory_space<hbm>> -> memref<160x128xf32, #tpu.memory_space<hbm>>
    %dma_start3A_26 = arith.constant 0 : i32
    %dma_start3A_27 = tpu.memref_slice %arg4[%multiple_of3A_23, %dma_start3A_26] : memref<25600x128xf32, #tpu.memory_space<hbm>> -> memref<160x128xf32, #tpu.memory_space<hbm>>
    tpu.enqueue_dma source(%arg6 : memref<160x128xf32, #tpu.memory_space<vmem>>) target(%dma_start3A_27 : memref<160x128xf32, #tpu.memory_space<hbm>>) target_semaphore(%arg16 : memref<!tpu.dma_semaphore, #tpu.memory_space<semaphore_mem>>)
    %dma_start3A_28 = arith.constant 480 : i32
    %dma_start3A_29 = tpu.memref_slice %arg5[%dma_start3A_28] : memref<800xi32, #tpu.memory_space<vmem>> -> memref<160xi32, #tpu.memory_space<vmem>>
    %dma_start3A_30 = arith.constant 0 : i32
    %dma_start3A_31 = arith.constant 0 : i32
    %dma_start3A_32 = tpu.memref_slice %arg2[%dma_start3A_30, %dma_start3A_31] : memref<100000x128xf32, #tpu.memory_space<hbm>> -> memref<100000x128xf32, #tpu.memory_space<hbm>>
    tpu.enqueue_indirect_dma source(%dma_start3A_32 : memref<100000x128xf32, #tpu.memory_space<hbm>>) target(%arg9 : memref<160x128xf32, #tpu.memory_space<vmem>>) offsets(%dma_start3A_29 : memref<160xi32, #tpu.memory_space<vmem>>) semaphore(%arg14 : memref<!tpu.dma_semaphore, #tpu.memory_space<semaphore_mem>>)
    %dma_wait3A_33 = arith.constant 160 : i32
    %dma_wait3A_34 = tpu.memref_slice %arg5[%dma_wait3A_33] : memref<800xi32, #tpu.memory_space<vmem>> -> memref<160xi32, #tpu.memory_space<vmem>>
    %dma_wait3A_35 = arith.constant 0 : i32
    %dma_wait3A_36 = arith.constant 0 : i32
    %dma_wait3A_37 = tpu.memref_slice %arg2[%dma_wait3A_35, %dma_wait3A_36] : memref<100000x128xf32, #tpu.memory_space<hbm>> -> memref<100000x128xf32, #tpu.memory_space<hbm>>
    tpu.wait_indirect_dma semaphore(%arg12 : memref<!tpu.dma_semaphore, #tpu.memory_space<semaphore_mem>>) src(%dma_wait3A_37 : memref<100000x128xf32, #tpu.memory_space<hbm>>) dst(%arg7 : memref<160x128xf32, #tpu.memory_space<vmem>>)
    %add3A_38 = arith.constant 160 : i32
    %add3A_39 = arith.addi %multiple_of3A, %add3A_38 : i32
    %multiple_of3A_40 = tpu.assume_multiple %add3A_39, 8 : i32
    %dma_start3A_41 = arith.constant 0 : i32
    %dma_start3A_42 = tpu.memref_slice %arg4[%multiple_of3A_40, %dma_start3A_41] : memref<25600x128xf32, #tpu.memory_space<hbm>> -> memref<160x128xf32, #tpu.memory_space<hbm>>
    %dma_start3A_43 = arith.constant 0 : i32
    %dma_start3A_44 = tpu.memref_slice %arg4[%multiple_of3A_40, %dma_start3A_43] : memref<25600x128xf32, #tpu.memory_space<hbm>> -> memref<160x128xf32, #tpu.memory_space<hbm>>
    tpu.enqueue_dma source(%arg7 : memref<160x128xf32, #tpu.memory_space<vmem>>) target(%dma_start3A_44 : memref<160x128xf32, #tpu.memory_space<hbm>>) target_semaphore(%arg17 : memref<!tpu.dma_semaphore, #tpu.memory_space<semaphore_mem>>)
    %dma_start3A_45 = arith.constant 640 : i32
    %dma_start3A_46 = tpu.memref_slice %arg5[%dma_start3A_45] : memref<800xi32, #tpu.memory_space<vmem>> -> memref<160xi32, #tpu.memory_space<vmem>>
    %dma_start3A_47 = arith.constant 0 : i32
    %dma_start3A_48 = arith.constant 0 : i32
    %dma_start3A_49 = tpu.memref_slice %arg2[%dma_start3A_47, %dma_start3A_48] : memref<100000x128xf32, #tpu.memory_space<hbm>> -> memref<100000x128xf32, #tpu.memory_space<hbm>>
    tpu.enqueue_indirect_dma source(%dma_start3A_49 : memref<100000x128xf32, #tpu.memory_space<hbm>>) target(%arg10 : memref<160x128xf32, #tpu.memory_space<vmem>>) offsets(%dma_start3A_46 : memref<160xi32, #tpu.memory_space<vmem>>) semaphore(%arg15 : memref<!tpu.dma_semaphore, #tpu.memory_space<semaphore_mem>>)
    %dma_wait3A_50 = arith.constant 320 : i32
    %dma_wait3A_51 = tpu.memref_slice %arg5[%dma_wait3A_50] : memref<800xi32, #tpu.memory_space<vmem>> -> memref<160xi32, #tpu.memory_space<vmem>>
    %dma_wait3A_52 = arith.constant 0 : i32
    %dma_wait3A_53 = arith.constant 0 : i32
    %dma_wait3A_54 = tpu.memref_slice %arg2[%dma_wait3A_52, %dma_wait3A_53] : memref<100000x128xf32, #tpu.memory_space<hbm>> -> memref<100000x128xf32, #tpu.memory_space<hbm>>
    tpu.wait_indirect_dma semaphore(%arg13 : memref<!tpu.dma_semaphore, #tpu.memory_space<semaphore_mem>>) src(%dma_wait3A_54 : memref<100000x128xf32, #tpu.memory_space<hbm>>) dst(%arg8 : memref<160x128xf32, #tpu.memory_space<vmem>>)
    %add3A_55 = arith.constant 320 : i32
    %add3A_56 = arith.addi %multiple_of3A, %add3A_55 : i32
    %multiple_of3A_57 = tpu.assume_multiple %add3A_56, 8 : i32
    %dma_start3A_58 = arith.constant 0 : i32
    %dma_start3A_59 = tpu.memref_slice %arg4[%multiple_of3A_57, %dma_start3A_58] : memref<25600x128xf32, #tpu.memory_space<hbm>> -> memref<160x128xf32, #tpu.memory_space<hbm>>
    %dma_start3A_60 = arith.constant 0 : i32
    %dma_start3A_61 = tpu.memref_slice %arg4[%multiple_of3A_57, %dma_start3A_60] : memref<25600x128xf32, #tpu.memory_space<hbm>> -> memref<160x128xf32, #tpu.memory_space<hbm>>
    tpu.enqueue_dma source(%arg8 : memref<160x128xf32, #tpu.memory_space<vmem>>) target(%dma_start3A_61 : memref<160x128xf32, #tpu.memory_space<hbm>>) target_semaphore(%arg18 : memref<!tpu.dma_semaphore, #tpu.memory_space<semaphore_mem>>)
    %dma_wait3A_62 = arith.constant 480 : i32
    %dma_wait3A_63 = tpu.memref_slice %arg5[%dma_wait3A_62] : memref<800xi32, #tpu.memory_space<vmem>> -> memref<160xi32, #tpu.memory_space<vmem>>
    %dma_wait3A_64 = arith.constant 0 : i32
    %dma_wait3A_65 = arith.constant 0 : i32
    %dma_wait3A_66 = tpu.memref_slice %arg2[%dma_wait3A_64, %dma_wait3A_65] : memref<100000x128xf32, #tpu.memory_space<hbm>> -> memref<100000x128xf32, #tpu.memory_space<hbm>>
    tpu.wait_indirect_dma semaphore(%arg14 : memref<!tpu.dma_semaphore, #tpu.memory_space<semaphore_mem>>) src(%dma_wait3A_66 : memref<100000x128xf32, #tpu.memory_space<hbm>>) dst(%arg9 : memref<160x128xf32, #tpu.memory_space<vmem>>)
    %add3A_67 = arith.constant 480 : i32
    %add3A_68 = arith.addi %multiple_of3A, %add3A_67 : i32
    %multiple_of3A_69 = tpu.assume_multiple %add3A_68, 8 : i32
    %dma_start3A_70 = arith.constant 0 : i32
    %dma_start3A_71 = tpu.memref_slice %arg4[%multiple_of3A_69, %dma_start3A_70] : memref<25600x128xf32, #tpu.memory_space<hbm>> -> memref<160x128xf32, #tpu.memory_space<hbm>>
    %dma_start3A_72 = arith.constant 0 : i32
    %dma_start3A_73 = tpu.memref_slice %arg4[%multiple_of3A_69, %dma_start3A_72] : memref<25600x128xf32, #tpu.memory_space<hbm>> -> memref<160x128xf32, #tpu.memory_space<hbm>>
    tpu.enqueue_dma source(%arg9 : memref<160x128xf32, #tpu.memory_space<vmem>>) target(%dma_start3A_73 : memref<160x128xf32, #tpu.memory_space<hbm>>) target_semaphore(%arg19 : memref<!tpu.dma_semaphore, #tpu.memory_space<semaphore_mem>>)
    %dma_wait3A_74 = arith.constant 640 : i32
    %dma_wait3A_75 = tpu.memref_slice %arg5[%dma_wait3A_74] : memref<800xi32, #tpu.memory_space<vmem>> -> memref<160xi32, #tpu.memory_space<vmem>>
    %dma_wait3A_76 = arith.constant 0 : i32
    %dma_wait3A_77 = arith.constant 0 : i32
    %dma_wait3A_78 = tpu.memref_slice %arg2[%dma_wait3A_76, %dma_wait3A_77] : memref<100000x128xf32, #tpu.memory_space<hbm>> -> memref<100000x128xf32, #tpu.memory_space<hbm>>
    tpu.wait_indirect_dma semaphore(%arg15 : memref<!tpu.dma_semaphore, #tpu.memory_space<semaphore_mem>>) src(%dma_wait3A_78 : memref<100000x128xf32, #tpu.memory_space<hbm>>) dst(%arg10 : memref<160x128xf32, #tpu.memory_space<vmem>>)
    %add3A_79 = arith.constant 640 : i32
    %add3A_80 = arith.addi %multiple_of3A, %add3A_79 : i32
    %multiple_of3A_81 = tpu.assume_multiple %add3A_80, 8 : i32
    %dma_start3A_82 = arith.constant 0 : i32
    %dma_start3A_83 = tpu.memref_slice %arg4[%multiple_of3A_81, %dma_start3A_82] : memref<25600x128xf32, #tpu.memory_space<hbm>> -> memref<160x128xf32, #tpu.memory_space<hbm>>
    %dma_start3A_84 = arith.constant 0 : i32
    %dma_start3A_85 = tpu.memref_slice %arg4[%multiple_of3A_81, %dma_start3A_84] : memref<25600x128xf32, #tpu.memory_space<hbm>> -> memref<160x128xf32, #tpu.memory_space<hbm>>
    tpu.enqueue_dma source(%arg10 : memref<160x128xf32, #tpu.memory_space<vmem>>) target(%dma_start3A_85 : memref<160x128xf32, #tpu.memory_space<hbm>>) target_semaphore(%arg20 : memref<!tpu.dma_semaphore, #tpu.memory_space<semaphore_mem>>)
    %dma_wait3A_86 = arith.constant 0 : i32
    %dma_wait3A_87 = tpu.memref_slice %arg4[%multiple_of3A_23, %dma_wait3A_86] : memref<25600x128xf32, #tpu.memory_space<hbm>> -> memref<160x128xf32, #tpu.memory_space<hbm>>
    %dma_wait3A_88 = arith.constant 0 : i32
    %dma_wait3A_89 = tpu.memref_slice %arg4[%multiple_of3A_23, %dma_wait3A_88] : memref<25600x128xf32, #tpu.memory_space<hbm>> -> memref<160x128xf32, #tpu.memory_space<hbm>>
    tpu.wait_dma2 semaphore(%arg16 : memref<!tpu.dma_semaphore, #tpu.memory_space<semaphore_mem>>) src(%arg6 : memref<160x128xf32, #tpu.memory_space<vmem>>) dst(%dma_wait3A_89 : memref<160x128xf32, #tpu.memory_space<hbm>>)
    %dma_wait3A_90 = arith.constant 0 : i32
    %dma_wait3A_91 = tpu.memref_slice %arg4[%multiple_of3A_40, %dma_wait3A_90] : memref<25600x128xf32, #tpu.memory_space<hbm>> -> memref<160x128xf32, #tpu.memory_space<hbm>>
    %dma_wait3A_92 = arith.constant 0 : i32
    %dma_wait3A_93 = tpu.memref_slice %arg4[%multiple_of3A_40, %dma_wait3A_92] : memref<25600x128xf32, #tpu.memory_space<hbm>> -> memref<160x128xf32, #tpu.memory_space<hbm>>
    tpu.wait_dma2 semaphore(%arg17 : memref<!tpu.dma_semaphore, #tpu.memory_space<semaphore_mem>>) src(%arg7 : memref<160x128xf32, #tpu.memory_space<vmem>>) dst(%dma_wait3A_93 : memref<160x128xf32, #tpu.memory_space<hbm>>)
    %dma_wait3A_94 = arith.constant 0 : i32
    %dma_wait3A_95 = tpu.memref_slice %arg4[%multiple_of3A_57, %dma_wait3A_94] : memref<25600x128xf32, #tpu.memory_space<hbm>> -> memref<160x128xf32, #tpu.memory_space<hbm>>
    %dma_wait3A_96 = arith.constant 0 : i32
    %dma_wait3A_97 = tpu.memref_slice %arg4[%multiple_of3A_57, %dma_wait3A_96] : memref<25600x128xf32, #tpu.memory_space<hbm>> -> memref<160x128xf32, #tpu.memory_space<hbm>>
    tpu.wait_dma2 semaphore(%arg18 : memref<!tpu.dma_semaphore, #tpu.memory_space<semaphore_mem>>) src(%arg8 : memref<160x128xf32, #tpu.memory_space<vmem>>) dst(%dma_wait3A_97 : memref<160x128xf32, #tpu.memory_space<hbm>>)
    %dma_wait3A_98 = arith.constant 0 : i32
    %dma_wait3A_99 = tpu.memref_slice %arg4[%multiple_of3A_69, %dma_wait3A_98] : memref<25600x128xf32, #tpu.memory_space<hbm>> -> memref<160x128xf32, #tpu.memory_space<hbm>>
    %dma_wait3A_100 = arith.constant 0 : i32
    %dma_wait3A_101 = tpu.memref_slice %arg4[%multiple_of3A_69, %dma_wait3A_100] : memref<25600x128xf32, #tpu.memory_space<hbm>> -> memref<160x128xf32, #tpu.memory_space<hbm>>
    tpu.wait_dma2 semaphore(%arg19 : memref<!tpu.dma_semaphore, #tpu.memory_space<semaphore_mem>>) src(%arg9 : memref<160x128xf32, #tpu.memory_space<vmem>>) dst(%dma_wait3A_101 : memref<160x128xf32, #tpu.memory_space<hbm>>)
    %dma_wait3A_102 = arith.constant 0 : i32
    %dma_wait3A_103 = tpu.memref_slice %arg4[%multiple_of3A_81, %dma_wait3A_102] : memref<25600x128xf32, #tpu.memory_space<hbm>> -> memref<160x128xf32, #tpu.memory_space<hbm>>
    %dma_wait3A_104 = arith.constant 0 : i32
    %dma_wait3A_105 = tpu.memref_slice %arg4[%multiple_of3A_81, %dma_wait3A_104] : memref<25600x128xf32, #tpu.memory_space<hbm>> -> memref<160x128xf32, #tpu.memory_space<hbm>>
    tpu.wait_dma2 semaphore(%arg20 : memref<!tpu.dma_semaphore, #tpu.memory_space<semaphore_mem>>) src(%arg10 : memref<160x128xf32, #tpu.memory_space<vmem>>) dst(%dma_wait3A_105 : memref<160x128xf32, #tpu.memory_space<hbm>>)
    return
  }
}

#map = affine_map<(d0, d1) -> (0, 0)>
#map1 = affine_map<(d0, d1) -> (0)>
module attributes {stable_mosaic.version = 14 : i64} {
  func.func @k(%arg0: i32, %arg1: i32, %arg2: memref<100000x128xf32, #tpu.memory_space<hbm>>, %arg3: memref<25600xi32, #tpu.memory_space<hbm>>, %arg4: memref<25600x128xf32, #tpu.memory_space<hbm>>, %arg5: memref<800xi32, #tpu.memory_space<vmem>>, %arg6: memref<160x128xf32, #tpu.memory_space<vmem>>, %arg7: memref<160x128xf32, #tpu.memory_space<vmem>>, %arg8: memref<160x128xf32, #tpu.memory_space<vmem>>, %arg9: memref<160x128xf32, #tpu.memory_space<vmem>>, %arg10: memref<160x128xf32, #tpu.memory_space<vmem>>, %arg11: memref<!tpu.dma_semaphore, #tpu.memory_space<semaphore_mem>>, %arg12: memref<!tpu.dma_semaphore, #tpu.memory_space<semaphore_mem>>, %arg13: memref<!tpu.dma_semaphore, #tpu.memory_space<semaphore_mem>>, %arg14: memref<!tpu.dma_semaphore, #tpu.memory_space<semaphore_mem>>, %arg15: memref<!tpu.dma_semaphore, #tpu.memory_space<semaphore_mem>>, %arg16: memref<!tpu.dma_semaphore, #tpu.memory_space<semaphore_mem>>, %arg17: memref<!tpu.dma_semaphore, #tpu.memory_space<semaphore_mem>>, %arg18: memref<!tpu.dma_semaphore, #tpu.memory_space<semaphore_mem>>, %arg19: memref<!tpu.dma_semaphore, #tpu.memory_space<semaphore_mem>>, %arg20: memref<!tpu.dma_semaphore, #tpu.memory_space<semaphore_mem>>) attributes {dimension_semantics = [#tpu.dimension_semantics<core_parallel>, #tpu.dimension_semantics<subcore_parallel>], iteration_bounds = array<i64: 2, 16>, scalar_prefetch = 0 : i64, scratch_operands = 16 : i64, tpu.core_type = #tpu.core_type<sc_vector_subcore>, window_params = [{transform_indices = #map}, {transform_indices = #map1}, {transform_indices = #map}]} {
    %mul3A = arith.constant 2 : i32
    %mul3A_0 = arith.muli %arg1, %mul3A : i32
    %add3A = arith.addi %mul3A_0, %arg0 : i32
    %mul3A_1 = arith.constant 800 : i32
    %mul3A_2 = arith.muli %add3A, %mul3A_1 : i32
    %multiple_of3A = tpu.assume_multiple %mul3A_2, 8 : i32
    "tpu.region"() ({
      %run_scoped3A = tpu.sem_alloc : memref<!tpu.dma_semaphore, #tpu.memory_space<semaphore_mem>>
      %dma_start3A_106 = tpu.memref_slice %arg3[%multiple_of3A] : memref<25600xi32, #tpu.memory_space<hbm>> -> memref<800xi32, #tpu.memory_space<hbm>>
      %dma_start3A_107 = tpu.memref_slice %arg3[%multiple_of3A] : memref<25600xi32, #tpu.memory_space<hbm>> -> memref<800xi32, #tpu.memory_space<hbm>>
      tpu.enqueue_dma source(%dma_start3A_107 : memref<800xi32, #tpu.memory_space<hbm>>) target(%arg5 : memref<800xi32, #tpu.memory_space<vmem>>) target_semaphore(%run_scoped3A : memref<!tpu.dma_semaphore, #tpu.memory_space<semaphore_mem>>)
      %dma_wait3A_108 = tpu.memref_slice %arg3[%multiple_of3A] : memref<25600xi32, #tpu.memory_space<hbm>> -> memref<800xi32, #tpu.memory_space<hbm>>
      %dma_wait3A_109 = tpu.memref_slice %arg3[%multiple_of3A] : memref<25600xi32, #tpu.memory_space<hbm>> -> memref<800xi32, #tpu.memory_space<hbm>>
      tpu.wait_dma2 semaphore(%run_scoped3A : memref<!tpu.dma_semaphore, #tpu.memory_space<semaphore_mem>>) src(%dma_wait3A_109 : memref<800xi32, #tpu.memory_space<hbm>>) dst(%arg5 : memref<800xi32, #tpu.memory_space<vmem>>)
      tpu.yield
    }) : () -> ()
    %dma_start3A = arith.constant 0 : i32
    %dma_start3A_3 = tpu.memref_slice %arg5[%dma_start3A] : memref<800xi32, #tpu.memory_space<vmem>> -> memref<160xi32, #tpu.memory_space<vmem>>
    %dma_start3A_4 = arith.constant 0 : i32
    %dma_start3A_5 = arith.constant 0 : i32
    %dma_start3A_6 = tpu.memref_slice %arg2[%dma_start3A_4, %dma_start3A_5] : memref<100000x128xf32, #tpu.memory_space<hbm>> -> memref<100000x128xf32, #tpu.memory_space<hbm>>
    tpu.enqueue_indirect_dma source(%dma_start3A_6 : memref<100000x128xf32, #tpu.memory_space<hbm>>) target(%arg6 : memref<160x128xf32, #tpu.memory_space<vmem>>) offsets(%dma_start3A_3 : memref<160xi32, #tpu.memory_space<vmem>>) semaphore(%arg11 : memref<!tpu.dma_semaphore, #tpu.memory_space<semaphore_mem>>)
    %dma_start3A_7 = arith.constant 160 : i32
    %dma_start3A_8 = tpu.memref_slice %arg5[%dma_start3A_7] : memref<800xi32, #tpu.memory_space<vmem>> -> memref<160xi32, #tpu.memory_space<vmem>>
    %dma_start3A_9 = arith.constant 0 : i32
    %dma_start3A_10 = arith.constant 0 : i32
    %dma_start3A_11 = tpu.memref_slice %arg2[%dma_start3A_9, %dma_start3A_10] : memref<100000x128xf32, #tpu.memory_space<hbm>> -> memref<100000x128xf32, #tpu.memory_space<hbm>>
    tpu.enqueue_indirect_dma source(%dma_start3A_11 : memref<100000x128xf32, #tpu.memory_space<hbm>>) target(%arg7 : memref<160x128xf32, #tpu.memory_space<vmem>>) offsets(%dma_start3A_8 : memref<160xi32, #tpu.memory_space<vmem>>) semaphore(%arg12 : memref<!tpu.dma_semaphore, #tpu.memory_space<semaphore_mem>>)
    %dma_start3A_12 = arith.constant 320 : i32
    %dma_start3A_13 = tpu.memref_slice %arg5[%dma_start3A_12] : memref<800xi32, #tpu.memory_space<vmem>> -> memref<160xi32, #tpu.memory_space<vmem>>
    %dma_start3A_14 = arith.constant 0 : i32
    %dma_start3A_15 = arith.constant 0 : i32
    %dma_start3A_16 = tpu.memref_slice %arg2[%dma_start3A_14, %dma_start3A_15] : memref<100000x128xf32, #tpu.memory_space<hbm>> -> memref<100000x128xf32, #tpu.memory_space<hbm>>
    tpu.enqueue_indirect_dma source(%dma_start3A_16 : memref<100000x128xf32, #tpu.memory_space<hbm>>) target(%arg8 : memref<160x128xf32, #tpu.memory_space<vmem>>) offsets(%dma_start3A_13 : memref<160xi32, #tpu.memory_space<vmem>>) semaphore(%arg13 : memref<!tpu.dma_semaphore, #tpu.memory_space<semaphore_mem>>)
    %dma_wait3A = arith.constant 0 : i32
    %dma_wait3A_17 = tpu.memref_slice %arg5[%dma_wait3A] : memref<800xi32, #tpu.memory_space<vmem>> -> memref<160xi32, #tpu.memory_space<vmem>>
    %dma_wait3A_18 = arith.constant 0 : i32
    %dma_wait3A_19 = arith.constant 0 : i32
    %dma_wait3A_20 = tpu.memref_slice %arg2[%dma_wait3A_18, %dma_wait3A_19] : memref<100000x128xf32, #tpu.memory_space<hbm>> -> memref<100000x128xf32, #tpu.memory_space<hbm>>
    tpu.wait_indirect_dma semaphore(%arg11 : memref<!tpu.dma_semaphore, #tpu.memory_space<semaphore_mem>>) src(%dma_wait3A_20 : memref<100000x128xf32, #tpu.memory_space<hbm>>) dst(%arg6 : memref<160x128xf32, #tpu.memory_space<vmem>>)
    %add3A_21 = arith.constant 0 : i32
    %add3A_22 = arith.addi %multiple_of3A, %add3A_21 : i32
    %multiple_of3A_23 = tpu.assume_multiple %add3A_22, 8 : i32
    %dma_start3A_24 = arith.constant 0 : i32
    %dma_start3A_25 = tpu.memref_slice %arg4[%multiple_of3A_23, %dma_start3A_24] : memref<25600x128xf32, #tpu.memory_space<hbm>> -> memref<160x128xf32, #tpu.memory_space<hbm>>
    %dma_start3A_26 = arith.constant 0 : i32
    %dma_start3A_27 = tpu.memref_slice %arg4[%multiple_of3A_23, %dma_start3A_26] : memref<25600x128xf32, #tpu.memory_space<hbm>> -> memref<160x128xf32, #tpu.memory_space<hbm>>
    tpu.enqueue_dma source(%arg6 : memref<160x128xf32, #tpu.memory_space<vmem>>) target(%dma_start3A_27 : memref<160x128xf32, #tpu.memory_space<hbm>>) target_semaphore(%arg16 : memref<!tpu.dma_semaphore, #tpu.memory_space<semaphore_mem>>)
    %dma_start3A_28 = arith.constant 480 : i32
    %dma_start3A_29 = tpu.memref_slice %arg5[%dma_start3A_28] : memref<800xi32, #tpu.memory_space<vmem>> -> memref<160xi32, #tpu.memory_space<vmem>>
    %dma_start3A_30 = arith.constant 0 : i32
    %dma_start3A_31 = arith.constant 0 : i32
    %dma_start3A_32 = tpu.memref_slice %arg2[%dma_start3A_30, %dma_start3A_31] : memref<100000x128xf32, #tpu.memory_space<hbm>> -> memref<100000x128xf32, #tpu.memory_space<hbm>>
    tpu.enqueue_indirect_dma source(%dma_start3A_32 : memref<100000x128xf32, #tpu.memory_space<hbm>>) target(%arg9 : memref<160x128xf32, #tpu.memory_space<vmem>>) offsets(%dma_start3A_29 : memref<160xi32, #tpu.memory_space<vmem>>) semaphore(%arg14 : memref<!tpu.dma_semaphore, #tpu.memory_space<semaphore_mem>>)
    %dma_wait3A_33 = arith.constant 160 : i32
    %dma_wait3A_34 = tpu.memref_slice %arg5[%dma_wait3A_33] : memref<800xi32, #tpu.memory_space<vmem>> -> memref<160xi32, #tpu.memory_space<vmem>>
    %dma_wait3A_35 = arith.constant 0 : i32
    %dma_wait3A_36 = arith.constant 0 : i32
    %dma_wait3A_37 = tpu.memref_slice %arg2[%dma_wait3A_35, %dma_wait3A_36] : memref<100000x128xf32, #tpu.memory_space<hbm>> -> memref<100000x128xf32, #tpu.memory_space<hbm>>
    tpu.wait_indirect_dma semaphore(%arg12 : memref<!tpu.dma_semaphore, #tpu.memory_space<semaphore_mem>>) src(%dma_wait3A_37 : memref<100000x128xf32, #tpu.memory_space<hbm>>) dst(%arg7 : memref<160x128xf32, #tpu.memory_space<vmem>>)
    %add3A_38 = arith.constant 160 : i32
    %add3A_39 = arith.addi %multiple_of3A, %add3A_38 : i32
    %multiple_of3A_40 = tpu.assume_multiple %add3A_39, 8 : i32
    %dma_start3A_41 = arith.constant 0 : i32
    %dma_start3A_42 = tpu.memref_slice %arg4[%multiple_of3A_40, %dma_start3A_41] : memref<25600x128xf32, #tpu.memory_space<hbm>> -> memref<160x128xf32, #tpu.memory_space<hbm>>
    %dma_start3A_43 = arith.constant 0 : i32
    %dma_start3A_44 = tpu.memref_slice %arg4[%multiple_of3A_40, %dma_start3A_43] : memref<25600x128xf32, #tpu.memory_space<hbm>> -> memref<160x128xf32, #tpu.memory_space<hbm>>
    tpu.enqueue_dma source(%arg7 : memref<160x128xf32, #tpu.memory_space<vmem>>) target(%dma_start3A_44 : memref<160x128xf32, #tpu.memory_space<hbm>>) target_semaphore(%arg17 : memref<!tpu.dma_semaphore, #tpu.memory_space<semaphore_mem>>)
    %dma_start3A_45 = arith.constant 640 : i32
    %dma_start3A_46 = tpu.memref_slice %arg5[%dma_start3A_45] : memref<800xi32, #tpu.memory_space<vmem>> -> memref<160xi32, #tpu.memory_space<vmem>>
    %dma_start3A_47 = arith.constant 0 : i32
    %dma_start3A_48 = arith.constant 0 : i32
    %dma_start3A_49 = tpu.memref_slice %arg2[%dma_start3A_47, %dma_start3A_48] : memref<100000x128xf32, #tpu.memory_space<hbm>> -> memref<100000x128xf32, #tpu.memory_space<hbm>>
    tpu.enqueue_indirect_dma source(%dma_start3A_49 : memref<100000x128xf32, #tpu.memory_space<hbm>>) target(%arg10 : memref<160x128xf32, #tpu.memory_space<vmem>>) offsets(%dma_start3A_46 : memref<160xi32, #tpu.memory_space<vmem>>) semaphore(%arg15 : memref<!tpu.dma_semaphore, #tpu.memory_space<semaphore_mem>>)
    %dma_wait3A_50 = arith.constant 320 : i32
    %dma_wait3A_51 = tpu.memref_slice %arg5[%dma_wait3A_50] : memref<800xi32, #tpu.memory_space<vmem>> -> memref<160xi32, #tpu.memory_space<vmem>>
    %dma_wait3A_52 = arith.constant 0 : i32
    %dma_wait3A_53 = arith.constant 0 : i32
    %dma_wait3A_54 = tpu.memref_slice %arg2[%dma_wait3A_52, %dma_wait3A_53] : memref<100000x128xf32, #tpu.memory_space<hbm>> -> memref<100000x128xf32, #tpu.memory_space<hbm>>
    tpu.wait_indirect_dma semaphore(%arg13 : memref<!tpu.dma_semaphore, #tpu.memory_space<semaphore_mem>>) src(%dma_wait3A_54 : memref<100000x128xf32, #tpu.memory_space<hbm>>) dst(%arg8 : memref<160x128xf32, #tpu.memory_space<vmem>>)
    %add3A_55 = arith.constant 320 : i32
    %add3A_56 = arith.addi %multiple_of3A, %add3A_55 : i32
    %multiple_of3A_57 = tpu.assume_multiple %add3A_56, 8 : i32
    %dma_start3A_58 = arith.constant 0 : i32
    %dma_start3A_59 = tpu.memref_slice %arg4[%multiple_of3A_57, %dma_start3A_58] : memref<25600x128xf32, #tpu.memory_space<hbm>> -> memref<160x128xf32, #tpu.memory_space<hbm>>
    %dma_start3A_60 = arith.constant 0 : i32
    %dma_start3A_61 = tpu.memref_slice %arg4[%multiple_of3A_57, %dma_start3A_60] : memref<25600x128xf32, #tpu.memory_space<hbm>> -> memref<160x128xf32, #tpu.memory_space<hbm>>
    tpu.enqueue_dma source(%arg8 : memref<160x128xf32, #tpu.memory_space<vmem>>) target(%dma_start3A_61 : memref<160x128xf32, #tpu.memory_space<hbm>>) target_semaphore(%arg18 : memref<!tpu.dma_semaphore, #tpu.memory_space<semaphore_mem>>)
    %dma_wait3A_62 = arith.constant 480 : i32
    %dma_wait3A_63 = tpu.memref_slice %arg5[%dma_wait3A_62] : memref<800xi32, #tpu.memory_space<vmem>> -> memref<160xi32, #tpu.memory_space<vmem>>
    %dma_wait3A_64 = arith.constant 0 : i32
    %dma_wait3A_65 = arith.constant 0 : i32
    %dma_wait3A_66 = tpu.memref_slice %arg2[%dma_wait3A_64, %dma_wait3A_65] : memref<100000x128xf32, #tpu.memory_space<hbm>> -> memref<100000x128xf32, #tpu.memory_space<hbm>>
    tpu.wait_indirect_dma semaphore(%arg14 : memref<!tpu.dma_semaphore, #tpu.memory_space<semaphore_mem>>) src(%dma_wait3A_66 : memref<100000x128xf32, #tpu.memory_space<hbm>>) dst(%arg9 : memref<160x128xf32, #tpu.memory_space<vmem>>)
    %add3A_67 = arith.constant 480 : i32
    %add3A_68 = arith.addi %multiple_of3A, %add3A_67 : i32
    %multiple_of3A_69 = tpu.assume_multiple %add3A_68, 8 : i32
    %dma_start3A_70 = arith.constant 0 : i32
    %dma_start3A_71 = tpu.memref_slice %arg4[%multiple_of3A_69, %dma_start3A_70] : memref<25600x128xf32, #tpu.memory_space<hbm>> -> memref<160x128xf32, #tpu.memory_space<hbm>>
    %dma_start3A_72 = arith.constant 0 : i32
    %dma_start3A_73 = tpu.memref_slice %arg4[%multiple_of3A_69, %dma_start3A_72] : memref<25600x128xf32, #tpu.memory_space<hbm>> -> memref<160x128xf32, #tpu.memory_space<hbm>>
    tpu.enqueue_dma source(%arg9 : memref<160x128xf32, #tpu.memory_space<vmem>>) target(%dma_start3A_73 : memref<160x128xf32, #tpu.memory_space<hbm>>) target_semaphore(%arg19 : memref<!tpu.dma_semaphore, #tpu.memory_space<semaphore_mem>>)
    %dma_wait3A_74 = arith.constant 640 : i32
    %dma_wait3A_75 = tpu.memref_slice %arg5[%dma_wait3A_74] : memref<800xi32, #tpu.memory_space<vmem>> -> memref<160xi32, #tpu.memory_space<vmem>>
    %dma_wait3A_76 = arith.constant 0 : i32
    %dma_wait3A_77 = arith.constant 0 : i32
    %dma_wait3A_78 = tpu.memref_slice %arg2[%dma_wait3A_76, %dma_wait3A_77] : memref<100000x128xf32, #tpu.memory_space<hbm>> -> memref<100000x128xf32, #tpu.memory_space<hbm>>
    tpu.wait_indirect_dma semaphore(%arg15 : memref<!tpu.dma_semaphore, #tpu.memory_space<semaphore_mem>>) src(%dma_wait3A_78 : memref<100000x128xf32, #tpu.memory_space<hbm>>) dst(%arg10 : memref<160x128xf32, #tpu.memory_space<vmem>>)
    %add3A_79 = arith.constant 640 : i32
    %add3A_80 = arith.addi %multiple_of3A, %add3A_79 : i32
    %multiple_of3A_81 = tpu.assume_multiple %add3A_80, 8 : i32
    %dma_start3A_82 = arith.constant 0 : i32
    %dma_start3A_83 = tpu.memref_slice %arg4[%multiple_of3A_81, %dma_start3A_82] : memref<25600x128xf32, #tpu.memory_space<hbm>> -> memref<160x128xf32, #tpu.memory_space<hbm>>
    %dma_start3A_84 = arith.constant 0 : i32
    %dma_start3A_85 = tpu.memref_slice %arg4[%multiple_of3A_81, %dma_start3A_84] : memref<25600x128xf32, #tpu.memory_space<hbm>> -> memref<160x128xf32, #tpu.memory_space<hbm>>
    tpu.enqueue_dma source(%arg10 : memref<160x128xf32, #tpu.memory_space<vmem>>) target(%dma_start3A_85 : memref<160x128xf32, #tpu.memory_space<hbm>>) target_semaphore(%arg20 : memref<!tpu.dma_semaphore, #tpu.memory_space<semaphore_mem>>)
    %dma_wait3A_86 = arith.constant 0 : i32
    %dma_wait3A_87 = tpu.memref_slice %arg4[%multiple_of3A_23, %dma_wait3A_86] : memref<25600x128xf32, #tpu.memory_space<hbm>> -> memref<160x128xf32, #tpu.memory_space<hbm>>
    %dma_wait3A_88 = arith.constant 0 : i32
    %dma_wait3A_89 = tpu.memref_slice %arg4[%multiple_of3A_23, %dma_wait3A_88] : memref<25600x128xf32, #tpu.memory_space<hbm>> -> memref<160x128xf32, #tpu.memory_space<hbm>>
    tpu.wait_dma2 semaphore(%arg16 : memref<!tpu.dma_semaphore, #tpu.memory_space<semaphore_mem>>) src(%arg6 : memref<160x128xf32, #tpu.memory_space<vmem>>) dst(%dma_wait3A_89 : memref<160x128xf32, #tpu.memory_space<hbm>>)
    %dma_wait3A_90 = arith.constant 0 : i32
    %dma_wait3A_91 = tpu.memref_slice %arg4[%multiple_of3A_40, %dma_wait3A_90] : memref<25600x128xf32, #tpu.memory_space<hbm>> -> memref<160x128xf32, #tpu.memory_space<hbm>>
    %dma_wait3A_92 = arith.constant 0 : i32
    %dma_wait3A_93 = tpu.memref_slice %arg4[%multiple_of3A_40, %dma_wait3A_92] : memref<25600x128xf32, #tpu.memory_space<hbm>> -> memref<160x128xf32, #tpu.memory_space<hbm>>
    tpu.wait_dma2 semaphore(%arg17 : memref<!tpu.dma_semaphore, #tpu.memory_space<semaphore_mem>>) src(%arg7 : memref<160x128xf32, #tpu.memory_space<vmem>>) dst(%dma_wait3A_93 : memref<160x128xf32, #tpu.memory_space<hbm>>)
    %dma_wait3A_94 = arith.constant 0 : i32
    %dma_wait3A_95 = tpu.memref_slice %arg4[%multiple_of3A_57, %dma_wait3A_94] : memref<25600x128xf32, #tpu.memory_space<hbm>> -> memref<160x128xf32, #tpu.memory_space<hbm>>
    %dma_wait3A_96 = arith.constant 0 : i32
    %dma_wait3A_97 = tpu.memref_slice %arg4[%multiple_of3A_57, %dma_wait3A_96] : memref<25600x128xf32, #tpu.memory_space<hbm>> -> memref<160x128xf32, #tpu.memory_space<hbm>>
    tpu.wait_dma2 semaphore(%arg18 : memref<!tpu.dma_semaphore, #tpu.memory_space<semaphore_mem>>) src(%arg8 : memref<160x128xf32, #tpu.memory_space<vmem>>) dst(%dma_wait3A_97 : memref<160x128xf32, #tpu.memory_space<hbm>>)
    %dma_wait3A_98 = arith.constant 0 : i32
    %dma_wait3A_99 = tpu.memref_slice %arg4[%multiple_of3A_69, %dma_wait3A_98] : memref<25600x128xf32, #tpu.memory_space<hbm>> -> memref<160x128xf32, #tpu.memory_space<hbm>>
    %dma_wait3A_100 = arith.constant 0 : i32
    %dma_wait3A_101 = tpu.memref_slice %arg4[%multiple_of3A_69, %dma_wait3A_100] : memref<25600x128xf32, #tpu.memory_space<hbm>> -> memref<160x128xf32, #tpu.memory_space<hbm>>
    tpu.wait_dma2 semaphore(%arg19 : memref<!tpu.dma_semaphore, #tpu.memory_space<semaphore_mem>>) src(%arg9 : memref<160x128xf32, #tpu.memory_space<vmem>>) dst(%dma_wait3A_101 : memref<160x128xf32, #tpu.memory_space<hbm>>)
    %dma_wait3A_102 = arith.constant 0 : i32
    %dma_wait3A_103 = tpu.memref_slice %arg4[%multiple_of3A_81, %dma_wait3A_102] : memref<25600x128xf32, #tpu.memory_space<hbm>> -> memref<160x128xf32, #tpu.memory_space<hbm>>
    %dma_wait3A_104 = arith.constant 0 : i32
    %dma_wait3A_105 = tpu.memref_slice %arg4[%multiple_of3A_81, %dma_wait3A_104] : memref<25600x128xf32, #tpu.memory_space<hbm>> -> memref<160x128xf32, #tpu.memory_space<hbm>>
    tpu.wait_dma2 semaphore(%arg20 : memref<!tpu.dma_semaphore, #tpu.memory_space<semaphore_mem>>) src(%arg10 : memref<160x128xf32, #tpu.memory_space<vmem>>) dst(%dma_wait3A_105 : memref<160x128xf32, #tpu.memory_space<hbm>>)
    return
  }
}

#map = affine_map<(d0, d1) -> (0, 0)>
#map1 = affine_map<(d0, d1) -> (0)>
module attributes {stable_mosaic.version = 14 : i64} {
  func.func @k(%arg0: i32, %arg1: i32, %arg2: memref<100000x128xf32, #tpu.memory_space<hbm>>, %arg3: memref<25600xi32, #tpu.memory_space<hbm>>, %arg4: memref<25600x128xf32, #tpu.memory_space<hbm>>, %arg5: memref<800xi32, #tpu.memory_space<vmem>>, %arg6: memref<160x128xf32, #tpu.memory_space<vmem>>, %arg7: memref<160x128xf32, #tpu.memory_space<vmem>>, %arg8: memref<160x128xf32, #tpu.memory_space<vmem>>, %arg9: memref<160x128xf32, #tpu.memory_space<vmem>>, %arg10: memref<160x128xf32, #tpu.memory_space<vmem>>, %arg11: memref<!tpu.dma_semaphore, #tpu.memory_space<semaphore_mem>>, %arg12: memref<!tpu.dma_semaphore, #tpu.memory_space<semaphore_mem>>, %arg13: memref<!tpu.dma_semaphore, #tpu.memory_space<semaphore_mem>>, %arg14: memref<!tpu.dma_semaphore, #tpu.memory_space<semaphore_mem>>, %arg15: memref<!tpu.dma_semaphore, #tpu.memory_space<semaphore_mem>>, %arg16: memref<!tpu.dma_semaphore, #tpu.memory_space<semaphore_mem>>, %arg17: memref<!tpu.dma_semaphore, #tpu.memory_space<semaphore_mem>>, %arg18: memref<!tpu.dma_semaphore, #tpu.memory_space<semaphore_mem>>, %arg19: memref<!tpu.dma_semaphore, #tpu.memory_space<semaphore_mem>>, %arg20: memref<!tpu.dma_semaphore, #tpu.memory_space<semaphore_mem>>) attributes {dimension_semantics = [#tpu.dimension_semantics<core_parallel>, #tpu.dimension_semantics<subcore_parallel>], iteration_bounds = array<i64: 2, 16>, scalar_prefetch = 0 : i64, scratch_operands = 16 : i64, tpu.core_type = #tpu.core_type<sc_vector_subcore>, window_params = [{transform_indices = #map}, {transform_indices = #map1}, {transform_indices = #map}]} {
    %mul3A = arith.constant 2 : i32
    %mul3A_0 = arith.muli %arg1, %mul3A : i32
    %add3A = arith.addi %mul3A_0, %arg0 : i32
    %mul3A_1 = arith.constant 800 : i32
    %mul3A_2 = arith.muli %add3A, %mul3A_1 : i32
    %multiple_of3A = tpu.assume_multiple %mul3A_2, 8 : i32
    "tpu.region"() ({
      %run_scoped3A = tpu.sem_alloc : memref<!tpu.dma_semaphore, #tpu.memory_space<semaphore_mem>>
      %dma_start3A_106 = tpu.memref_slice %arg3[%multiple_of3A] : memref<25600xi32, #tpu.memory_space<hbm>> -> memref<800xi32, #tpu.memory_space<hbm>>
      %dma_start3A_107 = tpu.memref_slice %arg3[%multiple_of3A] : memref<25600xi32, #tpu.memory_space<hbm>> -> memref<800xi32, #tpu.memory_space<hbm>>
      tpu.enqueue_dma source(%dma_start3A_107 : memref<800xi32, #tpu.memory_space<hbm>>) target(%arg5 : memref<800xi32, #tpu.memory_space<vmem>>) target_semaphore(%run_scoped3A : memref<!tpu.dma_semaphore, #tpu.memory_space<semaphore_mem>>)
      %dma_wait3A_108 = tpu.memref_slice %arg3[%multiple_of3A] : memref<25600xi32, #tpu.memory_space<hbm>> -> memref<800xi32, #tpu.memory_space<hbm>>
      %dma_wait3A_109 = tpu.memref_slice %arg3[%multiple_of3A] : memref<25600xi32, #tpu.memory_space<hbm>> -> memref<800xi32, #tpu.memory_space<hbm>>
      tpu.wait_dma2 semaphore(%run_scoped3A : memref<!tpu.dma_semaphore, #tpu.memory_space<semaphore_mem>>) src(%dma_wait3A_109 : memref<800xi32, #tpu.memory_space<hbm>>) dst(%arg5 : memref<800xi32, #tpu.memory_space<vmem>>)
      tpu.yield
    }) : () -> ()
    %dma_start3A = arith.constant 0 : i32
    %dma_start3A_3 = tpu.memref_slice %arg5[%dma_start3A] : memref<800xi32, #tpu.memory_space<vmem>> -> memref<160xi32, #tpu.memory_space<vmem>>
    %dma_start3A_4 = arith.constant 0 : i32
    %dma_start3A_5 = arith.constant 0 : i32
    %dma_start3A_6 = tpu.memref_slice %arg2[%dma_start3A_4, %dma_start3A_5] : memref<100000x128xf32, #tpu.memory_space<hbm>> -> memref<100000x128xf32, #tpu.memory_space<hbm>>
    tpu.enqueue_indirect_dma source(%dma_start3A_6 : memref<100000x128xf32, #tpu.memory_space<hbm>>) target(%arg6 : memref<160x128xf32, #tpu.memory_space<vmem>>) offsets(%dma_start3A_3 : memref<160xi32, #tpu.memory_space<vmem>>) semaphore(%arg11 : memref<!tpu.dma_semaphore, #tpu.memory_space<semaphore_mem>>)
    %dma_start3A_7 = arith.constant 160 : i32
    %dma_start3A_8 = tpu.memref_slice %arg5[%dma_start3A_7] : memref<800xi32, #tpu.memory_space<vmem>> -> memref<160xi32, #tpu.memory_space<vmem>>
    %dma_start3A_9 = arith.constant 0 : i32
    %dma_start3A_10 = arith.constant 0 : i32
    %dma_start3A_11 = tpu.memref_slice %arg2[%dma_start3A_9, %dma_start3A_10] : memref<100000x128xf32, #tpu.memory_space<hbm>> -> memref<100000x128xf32, #tpu.memory_space<hbm>>
    tpu.enqueue_indirect_dma source(%dma_start3A_11 : memref<100000x128xf32, #tpu.memory_space<hbm>>) target(%arg7 : memref<160x128xf32, #tpu.memory_space<vmem>>) offsets(%dma_start3A_8 : memref<160xi32, #tpu.memory_space<vmem>>) semaphore(%arg12 : memref<!tpu.dma_semaphore, #tpu.memory_space<semaphore_mem>>)
    %dma_start3A_12 = arith.constant 320 : i32
    %dma_start3A_13 = tpu.memref_slice %arg5[%dma_start3A_12] : memref<800xi32, #tpu.memory_space<vmem>> -> memref<160xi32, #tpu.memory_space<vmem>>
    %dma_start3A_14 = arith.constant 0 : i32
    %dma_start3A_15 = arith.constant 0 : i32
    %dma_start3A_16 = tpu.memref_slice %arg2[%dma_start3A_14, %dma_start3A_15] : memref<100000x128xf32, #tpu.memory_space<hbm>> -> memref<100000x128xf32, #tpu.memory_space<hbm>>
    tpu.enqueue_indirect_dma source(%dma_start3A_16 : memref<100000x128xf32, #tpu.memory_space<hbm>>) target(%arg8 : memref<160x128xf32, #tpu.memory_space<vmem>>) offsets(%dma_start3A_13 : memref<160xi32, #tpu.memory_space<vmem>>) semaphore(%arg13 : memref<!tpu.dma_semaphore, #tpu.memory_space<semaphore_mem>>)
    %dma_wait3A = arith.constant 0 : i32
    %dma_wait3A_17 = tpu.memref_slice %arg5[%dma_wait3A] : memref<800xi32, #tpu.memory_space<vmem>> -> memref<160xi32, #tpu.memory_space<vmem>>
    %dma_wait3A_18 = arith.constant 0 : i32
    %dma_wait3A_19 = arith.constant 0 : i32
    %dma_wait3A_20 = tpu.memref_slice %arg2[%dma_wait3A_18, %dma_wait3A_19] : memref<100000x128xf32, #tpu.memory_space<hbm>> -> memref<100000x128xf32, #tpu.memory_space<hbm>>
    tpu.wait_indirect_dma semaphore(%arg11 : memref<!tpu.dma_semaphore, #tpu.memory_space<semaphore_mem>>) src(%dma_wait3A_20 : memref<100000x128xf32, #tpu.memory_space<hbm>>) dst(%arg6 : memref<160x128xf32, #tpu.memory_space<vmem>>)
    %add3A_21 = arith.constant 0 : i32
    %add3A_22 = arith.addi %multiple_of3A, %add3A_21 : i32
    %multiple_of3A_23 = tpu.assume_multiple %add3A_22, 8 : i32
    %dma_start3A_24 = arith.constant 0 : i32
    %dma_start3A_25 = tpu.memref_slice %arg4[%multiple_of3A_23, %dma_start3A_24] : memref<25600x128xf32, #tpu.memory_space<hbm>> -> memref<160x128xf32, #tpu.memory_space<hbm>>
    %dma_start3A_26 = arith.constant 0 : i32
    %dma_start3A_27 = tpu.memref_slice %arg4[%multiple_of3A_23, %dma_start3A_26] : memref<25600x128xf32, #tpu.memory_space<hbm>> -> memref<160x128xf32, #tpu.memory_space<hbm>>
    tpu.enqueue_dma source(%arg6 : memref<160x128xf32, #tpu.memory_space<vmem>>) target(%dma_start3A_27 : memref<160x128xf32, #tpu.memory_space<hbm>>) target_semaphore(%arg16 : memref<!tpu.dma_semaphore, #tpu.memory_space<semaphore_mem>>)
    %dma_start3A_28 = arith.constant 480 : i32
    %dma_start3A_29 = tpu.memref_slice %arg5[%dma_start3A_28] : memref<800xi32, #tpu.memory_space<vmem>> -> memref<160xi32, #tpu.memory_space<vmem>>
    %dma_start3A_30 = arith.constant 0 : i32
    %dma_start3A_31 = arith.constant 0 : i32
    %dma_start3A_32 = tpu.memref_slice %arg2[%dma_start3A_30, %dma_start3A_31] : memref<100000x128xf32, #tpu.memory_space<hbm>> -> memref<100000x128xf32, #tpu.memory_space<hbm>>
    tpu.enqueue_indirect_dma source(%dma_start3A_32 : memref<100000x128xf32, #tpu.memory_space<hbm>>) target(%arg9 : memref<160x128xf32, #tpu.memory_space<vmem>>) offsets(%dma_start3A_29 : memref<160xi32, #tpu.memory_space<vmem>>) semaphore(%arg14 : memref<!tpu.dma_semaphore, #tpu.memory_space<semaphore_mem>>)
    %dma_wait3A_33 = arith.constant 160 : i32
    %dma_wait3A_34 = tpu.memref_slice %arg5[%dma_wait3A_33] : memref<800xi32, #tpu.memory_space<vmem>> -> memref<160xi32, #tpu.memory_space<vmem>>
    %dma_wait3A_35 = arith.constant 0 : i32
    %dma_wait3A_36 = arith.constant 0 : i32
    %dma_wait3A_37 = tpu.memref_slice %arg2[%dma_wait3A_35, %dma_wait3A_36] : memref<100000x128xf32, #tpu.memory_space<hbm>> -> memref<100000x128xf32, #tpu.memory_space<hbm>>
    tpu.wait_indirect_dma semaphore(%arg12 : memref<!tpu.dma_semaphore, #tpu.memory_space<semaphore_mem>>) src(%dma_wait3A_37 : memref<100000x128xf32, #tpu.memory_space<hbm>>) dst(%arg7 : memref<160x128xf32, #tpu.memory_space<vmem>>)
    %add3A_38 = arith.constant 160 : i32
    %add3A_39 = arith.addi %multiple_of3A, %add3A_38 : i32
    %multiple_of3A_40 = tpu.assume_multiple %add3A_39, 8 : i32
    %dma_start3A_41 = arith.constant 0 : i32
    %dma_start3A_42 = tpu.memref_slice %arg4[%multiple_of3A_40, %dma_start3A_41] : memref<25600x128xf32, #tpu.memory_space<hbm>> -> memref<160x128xf32, #tpu.memory_space<hbm>>
    %dma_start3A_43 = arith.constant 0 : i32
    %dma_start3A_44 = tpu.memref_slice %arg4[%multiple_of3A_40, %dma_start3A_43] : memref<25600x128xf32, #tpu.memory_space<hbm>> -> memref<160x128xf32, #tpu.memory_space<hbm>>
    tpu.enqueue_dma source(%arg7 : memref<160x128xf32, #tpu.memory_space<vmem>>) target(%dma_start3A_44 : memref<160x128xf32, #tpu.memory_space<hbm>>) target_semaphore(%arg17 : memref<!tpu.dma_semaphore, #tpu.memory_space<semaphore_mem>>)
    %dma_start3A_45 = arith.constant 640 : i32
    %dma_start3A_46 = tpu.memref_slice %arg5[%dma_start3A_45] : memref<800xi32, #tpu.memory_space<vmem>> -> memref<160xi32, #tpu.memory_space<vmem>>
    %dma_start3A_47 = arith.constant 0 : i32
    %dma_start3A_48 = arith.constant 0 : i32
    %dma_start3A_49 = tpu.memref_slice %arg2[%dma_start3A_47, %dma_start3A_48] : memref<100000x128xf32, #tpu.memory_space<hbm>> -> memref<100000x128xf32, #tpu.memory_space<hbm>>
    tpu.enqueue_indirect_dma source(%dma_start3A_49 : memref<100000x128xf32, #tpu.memory_space<hbm>>) target(%arg10 : memref<160x128xf32, #tpu.memory_space<vmem>>) offsets(%dma_start3A_46 : memref<160xi32, #tpu.memory_space<vmem>>) semaphore(%arg15 : memref<!tpu.dma_semaphore, #tpu.memory_space<semaphore_mem>>)
    %dma_wait3A_50 = arith.constant 320 : i32
    %dma_wait3A_51 = tpu.memref_slice %arg5[%dma_wait3A_50] : memref<800xi32, #tpu.memory_space<vmem>> -> memref<160xi32, #tpu.memory_space<vmem>>
    %dma_wait3A_52 = arith.constant 0 : i32
    %dma_wait3A_53 = arith.constant 0 : i32
    %dma_wait3A_54 = tpu.memref_slice %arg2[%dma_wait3A_52, %dma_wait3A_53] : memref<100000x128xf32, #tpu.memory_space<hbm>> -> memref<100000x128xf32, #tpu.memory_space<hbm>>
    tpu.wait_indirect_dma semaphore(%arg13 : memref<!tpu.dma_semaphore, #tpu.memory_space<semaphore_mem>>) src(%dma_wait3A_54 : memref<100000x128xf32, #tpu.memory_space<hbm>>) dst(%arg8 : memref<160x128xf32, #tpu.memory_space<vmem>>)
    %add3A_55 = arith.constant 320 : i32
    %add3A_56 = arith.addi %multiple_of3A, %add3A_55 : i32
    %multiple_of3A_57 = tpu.assume_multiple %add3A_56, 8 : i32
    %dma_start3A_58 = arith.constant 0 : i32
    %dma_start3A_59 = tpu.memref_slice %arg4[%multiple_of3A_57, %dma_start3A_58] : memref<25600x128xf32, #tpu.memory_space<hbm>> -> memref<160x128xf32, #tpu.memory_space<hbm>>
    %dma_start3A_60 = arith.constant 0 : i32
    %dma_start3A_61 = tpu.memref_slice %arg4[%multiple_of3A_57, %dma_start3A_60] : memref<25600x128xf32, #tpu.memory_space<hbm>> -> memref<160x128xf32, #tpu.memory_space<hbm>>
    tpu.enqueue_dma source(%arg8 : memref<160x128xf32, #tpu.memory_space<vmem>>) target(%dma_start3A_61 : memref<160x128xf32, #tpu.memory_space<hbm>>) target_semaphore(%arg18 : memref<!tpu.dma_semaphore, #tpu.memory_space<semaphore_mem>>)
    %dma_wait3A_62 = arith.constant 480 : i32
    %dma_wait3A_63 = tpu.memref_slice %arg5[%dma_wait3A_62] : memref<800xi32, #tpu.memory_space<vmem>> -> memref<160xi32, #tpu.memory_space<vmem>>
    %dma_wait3A_64 = arith.constant 0 : i32
    %dma_wait3A_65 = arith.constant 0 : i32
    %dma_wait3A_66 = tpu.memref_slice %arg2[%dma_wait3A_64, %dma_wait3A_65] : memref<100000x128xf32, #tpu.memory_space<hbm>> -> memref<100000x128xf32, #tpu.memory_space<hbm>>
    tpu.wait_indirect_dma semaphore(%arg14 : memref<!tpu.dma_semaphore, #tpu.memory_space<semaphore_mem>>) src(%dma_wait3A_66 : memref<100000x128xf32, #tpu.memory_space<hbm>>) dst(%arg9 : memref<160x128xf32, #tpu.memory_space<vmem>>)
    %add3A_67 = arith.constant 480 : i32
    %add3A_68 = arith.addi %multiple_of3A, %add3A_67 : i32
    %multiple_of3A_69 = tpu.assume_multiple %add3A_68, 8 : i32
    %dma_start3A_70 = arith.constant 0 : i32
    %dma_start3A_71 = tpu.memref_slice %arg4[%multiple_of3A_69, %dma_start3A_70] : memref<25600x128xf32, #tpu.memory_space<hbm>> -> memref<160x128xf32, #tpu.memory_space<hbm>>
    %dma_start3A_72 = arith.constant 0 : i32
    %dma_start3A_73 = tpu.memref_slice %arg4[%multiple_of3A_69, %dma_start3A_72] : memref<25600x128xf32, #tpu.memory_space<hbm>> -> memref<160x128xf32, #tpu.memory_space<hbm>>
    tpu.enqueue_dma source(%arg9 : memref<160x128xf32, #tpu.memory_space<vmem>>) target(%dma_start3A_73 : memref<160x128xf32, #tpu.memory_space<hbm>>) target_semaphore(%arg19 : memref<!tpu.dma_semaphore, #tpu.memory_space<semaphore_mem>>)
    %dma_wait3A_74 = arith.constant 640 : i32
    %dma_wait3A_75 = tpu.memref_slice %arg5[%dma_wait3A_74] : memref<800xi32, #tpu.memory_space<vmem>> -> memref<160xi32, #tpu.memory_space<vmem>>
    %dma_wait3A_76 = arith.constant 0 : i32
    %dma_wait3A_77 = arith.constant 0 : i32
    %dma_wait3A_78 = tpu.memref_slice %arg2[%dma_wait3A_76, %dma_wait3A_77] : memref<100000x128xf32, #tpu.memory_space<hbm>> -> memref<100000x128xf32, #tpu.memory_space<hbm>>
    tpu.wait_indirect_dma semaphore(%arg15 : memref<!tpu.dma_semaphore, #tpu.memory_space<semaphore_mem>>) src(%dma_wait3A_78 : memref<100000x128xf32, #tpu.memory_space<hbm>>) dst(%arg10 : memref<160x128xf32, #tpu.memory_space<vmem>>)
    %add3A_79 = arith.constant 640 : i32
    %add3A_80 = arith.addi %multiple_of3A, %add3A_79 : i32
    %multiple_of3A_81 = tpu.assume_multiple %add3A_80, 8 : i32
    %dma_start3A_82 = arith.constant 0 : i32
    %dma_start3A_83 = tpu.memref_slice %arg4[%multiple_of3A_81, %dma_start3A_82] : memref<25600x128xf32, #tpu.memory_space<hbm>> -> memref<160x128xf32, #tpu.memory_space<hbm>>
    %dma_start3A_84 = arith.constant 0 : i32
    %dma_start3A_85 = tpu.memref_slice %arg4[%multiple_of3A_81, %dma_start3A_84] : memref<25600x128xf32, #tpu.memory_space<hbm>> -> memref<160x128xf32, #tpu.memory_space<hbm>>
    tpu.enqueue_dma source(%arg10 : memref<160x128xf32, #tpu.memory_space<vmem>>) target(%dma_start3A_85 : memref<160x128xf32, #tpu.memory_space<hbm>>) target_semaphore(%arg20 : memref<!tpu.dma_semaphore, #tpu.memory_space<semaphore_mem>>)
    %dma_wait3A_86 = arith.constant 0 : i32
    %dma_wait3A_87 = tpu.memref_slice %arg4[%multiple_of3A_23, %dma_wait3A_86] : memref<25600x128xf32, #tpu.memory_space<hbm>> -> memref<160x128xf32, #tpu.memory_space<hbm>>
    %dma_wait3A_88 = arith.constant 0 : i32
    %dma_wait3A_89 = tpu.memref_slice %arg4[%multiple_of3A_23, %dma_wait3A_88] : memref<25600x128xf32, #tpu.memory_space<hbm>> -> memref<160x128xf32, #tpu.memory_space<hbm>>
    tpu.wait_dma2 semaphore(%arg16 : memref<!tpu.dma_semaphore, #tpu.memory_space<semaphore_mem>>) src(%arg6 : memref<160x128xf32, #tpu.memory_space<vmem>>) dst(%dma_wait3A_89 : memref<160x128xf32, #tpu.memory_space<hbm>>)
    %dma_wait3A_90 = arith.constant 0 : i32
    %dma_wait3A_91 = tpu.memref_slice %arg4[%multiple_of3A_40, %dma_wait3A_90] : memref<25600x128xf32, #tpu.memory_space<hbm>> -> memref<160x128xf32, #tpu.memory_space<hbm>>
    %dma_wait3A_92 = arith.constant 0 : i32
    %dma_wait3A_93 = tpu.memref_slice %arg4[%multiple_of3A_40, %dma_wait3A_92] : memref<25600x128xf32, #tpu.memory_space<hbm>> -> memref<160x128xf32, #tpu.memory_space<hbm>>
    tpu.wait_dma2 semaphore(%arg17 : memref<!tpu.dma_semaphore, #tpu.memory_space<semaphore_mem>>) src(%arg7 : memref<160x128xf32, #tpu.memory_space<vmem>>) dst(%dma_wait3A_93 : memref<160x128xf32, #tpu.memory_space<hbm>>)
    %dma_wait3A_94 = arith.constant 0 : i32
    %dma_wait3A_95 = tpu.memref_slice %arg4[%multiple_of3A_57, %dma_wait3A_94] : memref<25600x128xf32, #tpu.memory_space<hbm>> -> memref<160x128xf32, #tpu.memory_space<hbm>>
    %dma_wait3A_96 = arith.constant 0 : i32
    %dma_wait3A_97 = tpu.memref_slice %arg4[%multiple_of3A_57, %dma_wait3A_96] : memref<25600x128xf32, #tpu.memory_space<hbm>> -> memref<160x128xf32, #tpu.memory_space<hbm>>
    tpu.wait_dma2 semaphore(%arg18 : memref<!tpu.dma_semaphore, #tpu.memory_space<semaphore_mem>>) src(%arg8 : memref<160x128xf32, #tpu.memory_space<vmem>>) dst(%dma_wait3A_97 : memref<160x128xf32, #tpu.memory_space<hbm>>)
    %dma_wait3A_98 = arith.constant 0 : i32
    %dma_wait3A_99 = tpu.memref_slice %arg4[%multiple_of3A_69, %dma_wait3A_98] : memref<25600x128xf32, #tpu.memory_space<hbm>> -> memref<160x128xf32, #tpu.memory_space<hbm>>
    %dma_wait3A_100 = arith.constant 0 : i32
    %dma_wait3A_101 = tpu.memref_slice %arg4[%multiple_of3A_69, %dma_wait3A_100] : memref<25600x128xf32, #tpu.memory_space<hbm>> -> memref<160x128xf32, #tpu.memory_space<hbm>>
    tpu.wait_dma2 semaphore(%arg19 : memref<!tpu.dma_semaphore, #tpu.memory_space<semaphore_mem>>) src(%arg9 : memref<160x128xf32, #tpu.memory_space<vmem>>) dst(%dma_wait3A_101 : memref<160x128xf32, #tpu.memory_space<hbm>>)
    %dma_wait3A_102 = arith.constant 0 : i32
    %dma_wait3A_103 = tpu.memref_slice %arg4[%multiple_of3A_81, %dma_wait3A_102] : memref<25600x128xf32, #tpu.memory_space<hbm>> -> memref<160x128xf32, #tpu.memory_space<hbm>>
    %dma_wait3A_104 = arith.constant 0 : i32
    %dma_wait3A_105 = tpu.memref_slice %arg4[%multiple_of3A_81, %dma_wait3A_104] : memref<25600x128xf32, #tpu.memory_space<hbm>> -> memref<160x128xf32, #tpu.memory_space<hbm>>
    tpu.wait_dma2 semaphore(%arg20 : memref<!tpu.dma_semaphore, #tpu.memory_space<semaphore_mem>>) src(%arg10 : memref<160x128xf32, #tpu.memory_space<vmem>>) dst(%dma_wait3A_105 : memref<160x128xf32, #tpu.memory_space<hbm>>)
    return
  }
}

module attributes {stable_mosaic.version = 14 : i64} {
  func.func @body(%arg0: i32, %arg1: memref<3200x128xf32, #tpu.memory_space<vmem>>, %arg2: memref<3200x128xf32, #tpu.memory_space<vmem>>, %arg3: memref<3200x128xf32, #tpu.memory_space<vmem>>, %arg4: memref<1x128xf32, #tpu.memory_space<vmem>>, %arg5: memref<1x128xf32, #tpu.memory_space<vmem>>, %arg6: memref<6400x128xf32, #tpu.memory_space<vmem>>) attributes {dimension_semantics = [#tpu.dimension_semantics<arbitrary>], iteration_bounds = array<i64: 4>, scalar_prefetch = 0 : i64, scratch_operands = 0 : i64, tpu.core_type = #tpu.core_type<tc>, window_params = [{transform_indices = @transform_0, window_bounds = array<i64: 3200, 128>}, {transform_indices = @transform_1, window_bounds = array<i64: 3200, 128>}, {pipeline_mode = #tpu.pipeline_mode<synchronous>, transform_indices = @transform_2, window_bounds = array<i64: 3200, 128>}, {pipeline_mode = #tpu.pipeline_mode<synchronous>, transform_indices = @transform_3, window_bounds = array<i64: 1, 128>}, {pipeline_mode = #tpu.pipeline_mode<synchronous>, transform_indices = @transform_4, window_bounds = array<i64: 1, 128>}, {transform_indices = @transform_5, window_bounds = array<i64: 6400, 128>}]} {
    %get3A = arith.constant 0 : index
    %get3A_0 = arith.constant 0 : index
    %get3A_1 = vector.load %arg4[%get3A, %get3A_0] : memref<1x128xf32, #tpu.memory_space<vmem>>, vector<1x128xf32>
    %squeeze3A = vector.shape_cast %get3A_1 : vector<1x128xf32> to vector<128xf32>
    %get3A_2 = arith.constant 0 : index
    %get3A_3 = arith.constant 0 : index
    %get3A_4 = vector.load %arg5[%get3A_2, %get3A_3] : memref<1x128xf32, #tpu.memory_space<vmem>>, vector<1x128xf32>
    %squeeze3A_5 = vector.shape_cast %get3A_4 : vector<1x128xf32> to vector<128xf32>
    %get3A_6 = arith.constant 0 : index
    %get3A_7 = arith.constant 0 : index
    %get3A_8 = vector.load %arg1[%get3A_6, %get3A_7] : memref<3200x128xf32, #tpu.memory_space<vmem>>, vector<3200x128xf32>
    %get3A_9 = arith.constant 0 : index
    %get3A_10 = arith.constant 0 : index
    %get3A_11 = vector.load %arg3[%get3A_9, %get3A_10] : memref<3200x128xf32, #tpu.memory_space<vmem>>, vector<3200x128xf32>
    %add3A = arith.addf %get3A_8, %get3A_11 : vector<3200x128xf32>
    %reduce_sum3A = arith.constant dense<0.000000e+00> : vector<3200xf32>
    %reduce_sum3A_12 = vector.multi_reduction <add>, %add3A, %reduce_sum3A [1] : vector<3200x128xf32> to vector<3200xf32>
    %broadcast_in_dim3A = vector.shape_cast %reduce_sum3A_12 : vector<3200xf32> to vector<3200x1xf32>
    %mul3A = arith.constant 7.812500e-03 : f32
    %mul3A_13 = vector.broadcast %mul3A : f32 to vector<3200x1xf32>
    %mul3A_14 = arith.mulf %broadcast_in_dim3A, %mul3A_13 : vector<3200x1xf32>
    %mul3A_15 = arith.mulf %add3A, %add3A : vector<3200x128xf32>
    %reduce_sum3A_16 = arith.constant dense<0.000000e+00> : vector<3200xf32>
    %reduce_sum3A_17 = vector.multi_reduction <add>, %mul3A_15, %reduce_sum3A_16 [1] : vector<3200x128xf32> to vector<3200xf32>
    %broadcast_in_dim3A_18 = vector.shape_cast %reduce_sum3A_17 : vector<3200xf32> to vector<3200x1xf32>
    %mul3A_19 = arith.constant 7.812500e-03 : f32
    %mul3A_20 = vector.broadcast %mul3A_19 : f32 to vector<3200x1xf32>
    %mul3A_21 = arith.mulf %broadcast_in_dim3A_18, %mul3A_20 : vector<3200x1xf32>
    %mul3A_22 = arith.mulf %mul3A_14, %mul3A_14 : vector<3200x1xf32>
    %sub3A = arith.subf %mul3A_21, %mul3A_22 : vector<3200x1xf32>
    %add3A_23 = arith.constant 9.99999996E-13 : f32
    %add3A_24 = vector.broadcast %add3A_23 : f32 to vector<3200x1xf32>
    %add3A_25 = arith.addf %sub3A, %add3A_24 : vector<3200x1xf32>
    %rsqrt3A = math.rsqrt %add3A_25 : vector<3200x1xf32>
    %sub3A_26 = vector.broadcast %mul3A_14 : vector<3200x1xf32> to vector<3200x128xf32>
    %sub3A_27 = arith.subf %add3A, %sub3A_26 : vector<3200x128xf32>
    %broadcast_in_dim3A_28 = vector.shape_cast %squeeze3A : vector<128xf32> to vector<1x128xf32>
    %mul3A_29 = vector.broadcast %rsqrt3A : vector<3200x1xf32> to vector<3200x128xf32>
    %mul3A_30 = vector.broadcast %broadcast_in_dim3A_28 : vector<1x128xf32> to vector<3200x128xf32>
    %mul3A_31 = arith.mulf %mul3A_29, %mul3A_30 : vector<3200x128xf32>
    %mul3A_32 = arith.mulf %sub3A_27, %mul3A_31 : vector<3200x128xf32>
    %broadcast_in_dim3A_33 = vector.shape_cast %squeeze3A_5 : vector<128xf32> to vector<1x128xf32>
    %add3A_34 = vector.broadcast %broadcast_in_dim3A_33 : vector<1x128xf32> to vector<3200x128xf32>
    %add3A_35 = arith.addf %mul3A_32, %add3A_34 : vector<3200x128xf32>
    %swap3A = arith.constant 0 : index
    %swap3A_36 = arith.constant 0 : index
    %swap3A_37 = vector.load %arg6[%swap3A, %swap3A_36] : memref<6400x128xf32, #tpu.memory_space<vmem>>, vector<3200x128xf32>
    tpu.vector_store %arg6[%swap3A, %swap3A_36], %add3A_35 {strides = array<i32>} : memref<6400x128xf32, #tpu.memory_space<vmem>>, vector<3200x128xf32>,
    %get3A_38 = arith.constant 0 : index
    %get3A_39 = arith.constant 0 : index
    %get3A_40 = vector.load %arg2[%get3A_38, %get3A_39] : memref<3200x128xf32, #tpu.memory_space<vmem>>, vector<3200x128xf32>
    %get3A_41 = arith.constant 0 : index
    %get3A_42 = arith.constant 0 : index
    %get3A_43 = vector.load %arg3[%get3A_41, %get3A_42] : memref<3200x128xf32, #tpu.memory_space<vmem>>, vector<3200x128xf32>
    %add3A_44 = arith.addf %get3A_40, %get3A_43 : vector<3200x128xf32>
    %reduce_sum3A_45 = arith.constant dense<0.000000e+00> : vector<3200xf32>
    %reduce_sum3A_46 = vector.multi_reduction <add>, %add3A_44, %reduce_sum3A_45 [1] : vector<3200x128xf32> to vector<3200xf32>
    %broadcast_in_dim3A_47 = vector.shape_cast %reduce_sum3A_46 : vector<3200xf32> to vector<3200x1xf32>
    %mul3A_48 = arith.constant 7.812500e-03 : f32
    %mul3A_49 = vector.broadcast %mul3A_48 : f32 to vector<3200x1xf32>
    %mul3A_50 = arith.mulf %broadcast_in_dim3A_47, %mul3A_49 : vector<3200x1xf32>
    %mul3A_51 = arith.mulf %add3A_44, %add3A_44 : vector<3200x128xf32>
    %reduce_sum3A_52 = arith.constant dense<0.000000e+00> : vector<3200xf32>
    %reduce_sum3A_53 = vector.multi_reduction <add>, %mul3A_51, %reduce_sum3A_52 [1] : vector<3200x128xf32> to vector<3200xf32>
    %broadcast_in_dim3A_54 = vector.shape_cast %reduce_sum3A_53 : vector<3200xf32> to vector<3200x1xf32>
    %mul3A_55 = arith.constant 7.812500e-03 : f32
    %mul3A_56 = vector.broadcast %mul3A_55 : f32 to vector<3200x1xf32>
    %mul3A_57 = arith.mulf %broadcast_in_dim3A_54, %mul3A_56 : vector<3200x1xf32>
    %mul3A_58 = arith.mulf %mul3A_50, %mul3A_50 : vector<3200x1xf32>
    %sub3A_59 = arith.subf %mul3A_57, %mul3A_58 : vector<3200x1xf32>
    %add3A_60 = arith.constant 9.99999996E-13 : f32
    %add3A_61 = vector.broadcast %add3A_60 : f32 to vector<3200x1xf32>
    %add3A_62 = arith.addf %sub3A_59, %add3A_61 : vector<3200x1xf32>
    %rsqrt3A_63 = math.rsqrt %add3A_62 : vector<3200x1xf32>
    %sub3A_64 = vector.broadcast %mul3A_50 : vector<3200x1xf32> to vector<3200x128xf32>
    %sub3A_65 = arith.subf %add3A_44, %sub3A_64 : vector<3200x128xf32>
    %broadcast_in_dim3A_66 = vector.shape_cast %squeeze3A : vector<128xf32> to vector<1x128xf32>
    %mul3A_67 = vector.broadcast %rsqrt3A_63 : vector<3200x1xf32> to vector<3200x128xf32>
    %mul3A_68 = vector.broadcast %broadcast_in_dim3A_66 : vector<1x128xf32> to vector<3200x128xf32>
    %mul3A_69 = arith.mulf %mul3A_67, %mul3A_68 : vector<3200x128xf32>
    %mul3A_70 = arith.mulf %sub3A_65, %mul3A_69 : vector<3200x128xf32>
    %broadcast_in_dim3A_71 = vector.shape_cast %squeeze3A_5 : vector<128xf32> to vector<1x128xf32>
    %add3A_72 = vector.broadcast %broadcast_in_dim3A_71 : vector<1x128xf32> to vector<3200x128xf32>
    %add3A_73 = arith.addf %mul3A_70, %add3A_72 : vector<3200x128xf32>
    %swap3A_74 = arith.constant 3200 : index
    %swap3A_75 = arith.constant 0 : index
    %swap3A_76 = vector.load %arg6[%swap3A_74, %swap3A_75] : memref<6400x128xf32, #tpu.memory_space<vmem>>, vector<3200x128xf32>
    tpu.vector_store %arg6[%swap3A_74, %swap3A_75], %add3A_73 {strides = array<i32>} : memref<6400x128xf32, #tpu.memory_space<vmem>>, vector<3200x128xf32>,
    return
  }
  func.func @transform_0(%arg0: i32) -> (i32, i32) {
    %mul3A = arith.constant 2 : i32
    %mul3A_0 = arith.muli %mul3A, %arg0 : i32
    %c0_i32 = arith.constant 0 : i32
    %c0_i32_1 = arith.constant 0 : i32
    return %mul3A_0, %c0_i32 : i32, i32
  }
  func.func @transform_1(%arg0: i32) -> (i32, i32) {
    %mul3A = arith.constant 2 : i32
    %mul3A_0 = arith.muli %mul3A, %arg0 : i32
    %add3A = arith.constant 1 : i32
    %add3A_1 = arith.addi %mul3A_0, %add3A : i32
    %c0_i32 = arith.constant 0 : i32
    %c0_i32_2 = arith.constant 0 : i32
    return %add3A_1, %c0_i32 : i32, i32
  }
  func.func @transform_2(%arg0: i32) -> (i32, i32) {
    %c0_i32 = arith.constant 0 : i32
    %c0_i32_0 = arith.constant 0 : i32
    %c0_i32_1 = arith.constant 0 : i32
    return %c0_i32, %c0_i32_0 : i32, i32
  }
  func.func @transform_3(%arg0: i32) -> (i32, i32) {
    %c0_i32 = arith.constant 0 : i32
    %c0_i32_0 = arith.constant 0 : i32
    %c0_i32_1 = arith.constant 0 : i32
    return %c0_i32, %c0_i32_0 : i32, i32
  }
  func.func @transform_4(%arg0: i32) -> (i32, i32) {
    %c0_i32 = arith.constant 0 : i32
    %c0_i32_0 = arith.constant 0 : i32
    %c0_i32_1 = arith.constant 0 : i32
    return %c0_i32, %c0_i32_0 : i32, i32
  }
  func.func @transform_5(%arg0: i32) -> (i32, i32) {
    %add3A = arith.constant 0 : i32
    %add3A_0 = arith.addi %add3A, %arg0 : i32
    %c0_i32 = arith.constant 0 : i32
    %c0_i32_1 = arith.constant 0 : i32
    return %add3A_0, %c0_i32 : i32, i32
  }
}

module attributes {stable_mosaic.version = 14 : i64} {
  func.func @body(%arg0: i32, %arg1: memref<3200x128xf32, #tpu.memory_space<vmem>>, %arg2: memref<3200x128xf32, #tpu.memory_space<vmem>>, %arg3: memref<3200x128xf32, #tpu.memory_space<vmem>>, %arg4: memref<1x128xf32, #tpu.memory_space<vmem>>, %arg5: memref<1x128xf32, #tpu.memory_space<vmem>>, %arg6: memref<204800x128xf32, #tpu.memory_space<any>>, %arg7: memref<6400x128xf32, #tpu.memory_space<vmem>>) attributes {dimension_semantics = [#tpu.dimension_semantics<arbitrary>], iteration_bounds = array<i64: 4>, scalar_prefetch = 0 : i64, scratch_operands = 0 : i64, tpu.core_type = #tpu.core_type<tc>, window_params = [{transform_indices = @transform_0, window_bounds = array<i64: 3200, 128>}, {transform_indices = @transform_1, window_bounds = array<i64: 3200, 128>}, {pipeline_mode = #tpu.pipeline_mode<synchronous>, transform_indices = @transform_2, window_bounds = array<i64: 3200, 128>}, {pipeline_mode = #tpu.pipeline_mode<synchronous>, transform_indices = @transform_3, window_bounds = array<i64: 1, 128>}, {pipeline_mode = #tpu.pipeline_mode<synchronous>, transform_indices = @transform_4, window_bounds = array<i64: 1, 128>}, {}, {transform_indices = @transform_6, window_bounds = array<i64: 6400, 128>}]} {
    %get3A = arith.constant 0 : index
    %get3A_0 = arith.constant 0 : index
    %get3A_1 = vector.load %arg4[%get3A, %get3A_0] : memref<1x128xf32, #tpu.memory_space<vmem>>, vector<1x128xf32>
    %squeeze3A = vector.shape_cast %get3A_1 : vector<1x128xf32> to vector<128xf32>
    %get3A_2 = arith.constant 0 : index
    %get3A_3 = arith.constant 0 : index
    %get3A_4 = vector.load %arg5[%get3A_2, %get3A_3] : memref<1x128xf32, #tpu.memory_space<vmem>>, vector<1x128xf32>
    %squeeze3A_5 = vector.shape_cast %get3A_4 : vector<1x128xf32> to vector<128xf32>
    %get3A_6 = arith.constant 0 : index
    %get3A_7 = arith.constant 0 : index
    %get3A_8 = vector.load %arg1[%get3A_6, %get3A_7] : memref<3200x128xf32, #tpu.memory_space<vmem>>, vector<3200x128xf32>
    %get3A_9 = arith.constant 0 : index
    %get3A_10 = arith.constant 0 : index
    %get3A_11 = vector.load %arg3[%get3A_9, %get3A_10] : memref<3200x128xf32, #tpu.memory_space<vmem>>, vector<3200x128xf32>
    %add3A = arith.addf %get3A_8, %get3A_11 : vector<3200x128xf32>
    %reduce_sum3A = arith.constant dense<0.000000e+00> : vector<3200xf32>
    %reduce_sum3A_12 = vector.multi_reduction <add>, %add3A, %reduce_sum3A [1] : vector<3200x128xf32> to vector<3200xf32>
    %broadcast_in_dim3A = vector.shape_cast %reduce_sum3A_12 : vector<3200xf32> to vector<3200x1xf32>
    %mul3A = arith.constant 7.812500e-03 : f32
    %mul3A_13 = vector.broadcast %mul3A : f32 to vector<3200x1xf32>
    %mul3A_14 = arith.mulf %broadcast_in_dim3A, %mul3A_13 : vector<3200x1xf32>
    %mul3A_15 = arith.mulf %add3A, %add3A : vector<3200x128xf32>
    %reduce_sum3A_16 = arith.constant dense<0.000000e+00> : vector<3200xf32>
    %reduce_sum3A_17 = vector.multi_reduction <add>, %mul3A_15, %reduce_sum3A_16 [1] : vector<3200x128xf32> to vector<3200xf32>
    %broadcast_in_dim3A_18 = vector.shape_cast %reduce_sum3A_17 : vector<3200xf32> to vector<3200x1xf32>
    %mul3A_19 = arith.constant 7.812500e-03 : f32
    %mul3A_20 = vector.broadcast %mul3A_19 : f32 to vector<3200x1xf32>
    %mul3A_21 = arith.mulf %broadcast_in_dim3A_18, %mul3A_20 : vector<3200x1xf32>
    %mul3A_22 = arith.mulf %mul3A_14, %mul3A_14 : vector<3200x1xf32>
    %sub3A = arith.subf %mul3A_21, %mul3A_22 : vector<3200x1xf32>
    %add3A_23 = arith.constant 9.99999996E-13 : f32
    %add3A_24 = vector.broadcast %add3A_23 : f32 to vector<3200x1xf32>
    %add3A_25 = arith.addf %sub3A, %add3A_24 : vector<3200x1xf32>
    %rsqrt3A = math.rsqrt %add3A_25 : vector<3200x1xf32>
    %sub3A_26 = vector.broadcast %mul3A_14 : vector<3200x1xf32> to vector<3200x128xf32>
    %sub3A_27 = arith.subf %add3A, %sub3A_26 : vector<3200x128xf32>
    %broadcast_in_dim3A_28 = vector.shape_cast %squeeze3A : vector<128xf32> to vector<1x128xf32>
    %mul3A_29 = vector.broadcast %rsqrt3A : vector<3200x1xf32> to vector<3200x128xf32>
    %mul3A_30 = vector.broadcast %broadcast_in_dim3A_28 : vector<1x128xf32> to vector<3200x128xf32>
    %mul3A_31 = arith.mulf %mul3A_29, %mul3A_30 : vector<3200x128xf32>
    %mul3A_32 = arith.mulf %sub3A_27, %mul3A_31 : vector<3200x128xf32>
    %broadcast_in_dim3A_33 = vector.shape_cast %squeeze3A_5 : vector<128xf32> to vector<1x128xf32>
    %add3A_34 = vector.broadcast %broadcast_in_dim3A_33 : vector<1x128xf32> to vector<3200x128xf32>
    %add3A_35 = arith.addf %mul3A_32, %add3A_34 : vector<3200x128xf32>
    %swap3A = arith.constant 0 : index
    %swap3A_36 = arith.constant 0 : index
    %swap3A_37 = vector.load %arg7[%swap3A, %swap3A_36] : memref<6400x128xf32, #tpu.memory_space<vmem>>, vector<3200x128xf32>
    tpu.vector_store %arg7[%swap3A, %swap3A_36], %add3A_35 {strides = array<i32>} : memref<6400x128xf32, #tpu.memory_space<vmem>>, vector<3200x128xf32>,
    %get3A_38 = arith.constant 0 : index
    %get3A_39 = arith.constant 0 : index
    %get3A_40 = vector.load %arg2[%get3A_38, %get3A_39] : memref<3200x128xf32, #tpu.memory_space<vmem>>, vector<3200x128xf32>
    %get3A_41 = arith.constant 0 : index
    %get3A_42 = arith.constant 0 : index
    %get3A_43 = vector.load %arg3[%get3A_41, %get3A_42] : memref<3200x128xf32, #tpu.memory_space<vmem>>, vector<3200x128xf32>
    %add3A_44 = arith.addf %get3A_40, %get3A_43 : vector<3200x128xf32>
    %reduce_sum3A_45 = arith.constant dense<0.000000e+00> : vector<3200xf32>
    %reduce_sum3A_46 = vector.multi_reduction <add>, %add3A_44, %reduce_sum3A_45 [1] : vector<3200x128xf32> to vector<3200xf32>
    %broadcast_in_dim3A_47 = vector.shape_cast %reduce_sum3A_46 : vector<3200xf32> to vector<3200x1xf32>
    %mul3A_48 = arith.constant 7.812500e-03 : f32
    %mul3A_49 = vector.broadcast %mul3A_48 : f32 to vector<3200x1xf32>
    %mul3A_50 = arith.mulf %broadcast_in_dim3A_47, %mul3A_49 : vector<3200x1xf32>
    %mul3A_51 = arith.mulf %add3A_44, %add3A_44 : vector<3200x128xf32>
    %reduce_sum3A_52 = arith.constant dense<0.000000e+00> : vector<3200xf32>
    %reduce_sum3A_53 = vector.multi_reduction <add>, %mul3A_51, %reduce_sum3A_52 [1] : vector<3200x128xf32> to vector<3200xf32>
    %broadcast_in_dim3A_54 = vector.shape_cast %reduce_sum3A_53 : vector<3200xf32> to vector<3200x1xf32>
    %mul3A_55 = arith.constant 7.812500e-03 : f32
    %mul3A_56 = vector.broadcast %mul3A_55 : f32 to vector<3200x1xf32>
    %mul3A_57 = arith.mulf %broadcast_in_dim3A_54, %mul3A_56 : vector<3200x1xf32>
    %mul3A_58 = arith.mulf %mul3A_50, %mul3A_50 : vector<3200x1xf32>
    %sub3A_59 = arith.subf %mul3A_57, %mul3A_58 : vector<3200x1xf32>
    %add3A_60 = arith.constant 9.99999996E-13 : f32
    %add3A_61 = vector.broadcast %add3A_60 : f32 to vector<3200x1xf32>
    %add3A_62 = arith.addf %sub3A_59, %add3A_61 : vector<3200x1xf32>
    %rsqrt3A_63 = math.rsqrt %add3A_62 : vector<3200x1xf32>
    %sub3A_64 = vector.broadcast %mul3A_50 : vector<3200x1xf32> to vector<3200x128xf32>
    %sub3A_65 = arith.subf %add3A_44, %sub3A_64 : vector<3200x128xf32>
    %broadcast_in_dim3A_66 = vector.shape_cast %squeeze3A : vector<128xf32> to vector<1x128xf32>
    %mul3A_67 = vector.broadcast %rsqrt3A_63 : vector<3200x1xf32> to vector<3200x128xf32>
    %mul3A_68 = vector.broadcast %broadcast_in_dim3A_66 : vector<1x128xf32> to vector<3200x128xf32>
    %mul3A_69 = arith.mulf %mul3A_67, %mul3A_68 : vector<3200x128xf32>
    %mul3A_70 = arith.mulf %sub3A_65, %mul3A_69 : vector<3200x128xf32>
    %broadcast_in_dim3A_71 = vector.shape_cast %squeeze3A_5 : vector<128xf32> to vector<1x128xf32>
    %add3A_72 = vector.broadcast %broadcast_in_dim3A_71 : vector<1x128xf32> to vector<3200x128xf32>
    %add3A_73 = arith.addf %mul3A_70, %add3A_72 : vector<3200x128xf32>
    %swap3A_74 = arith.constant 3200 : index
    %swap3A_75 = arith.constant 0 : index
    %swap3A_76 = vector.load %arg7[%swap3A_74, %swap3A_75] : memref<6400x128xf32, #tpu.memory_space<vmem>>, vector<3200x128xf32>
    tpu.vector_store %arg7[%swap3A_74, %swap3A_75], %add3A_73 {strides = array<i32>} : memref<6400x128xf32, #tpu.memory_space<vmem>>, vector<3200x128xf32>,
    return
  }
  func.func @transform_0(%arg0: i32) -> (i32, i32) {
    %mul3A = arith.constant 2 : i32
    %mul3A_0 = arith.muli %mul3A, %arg0 : i32
    %c0_i32 = arith.constant 0 : i32
    %c0_i32_1 = arith.constant 0 : i32
    return %mul3A_0, %c0_i32 : i32, i32
  }
  func.func @transform_1(%arg0: i32) -> (i32, i32) {
    %mul3A = arith.constant 2 : i32
    %mul3A_0 = arith.muli %mul3A, %arg0 : i32
    %add3A = arith.constant 1 : i32
    %add3A_1 = arith.addi %mul3A_0, %add3A : i32
    %c0_i32 = arith.constant 0 : i32
    %c0_i32_2 = arith.constant 0 : i32
    return %add3A_1, %c0_i32 : i32, i32
  }
  func.func @transform_2(%arg0: i32) -> (i32, i32) {
    %c0_i32 = arith.constant 0 : i32
    %c0_i32_0 = arith.constant 0 : i32
    %c0_i32_1 = arith.constant 0 : i32
    return %c0_i32, %c0_i32_0 : i32, i32
  }
  func.func @transform_3(%arg0: i32) -> (i32, i32) {
    %c0_i32 = arith.constant 0 : i32
    %c0_i32_0 = arith.constant 0 : i32
    %c0_i32_1 = arith.constant 0 : i32
    return %c0_i32, %c0_i32_0 : i32, i32
  }
  func.func @transform_4(%arg0: i32) -> (i32, i32) {
    %c0_i32 = arith.constant 0 : i32
    %c0_i32_0 = arith.constant 0 : i32
    %c0_i32_1 = arith.constant 0 : i32
    return %c0_i32, %c0_i32_0 : i32, i32
  }
  func.func @transform_6(%arg0: i32) -> (i32, i32) {
    %add3A = arith.constant 4 : i32
    %add3A_0 = arith.addi %add3A, %arg0 : i32
    %c0_i32 = arith.constant 0 : i32
    %c0_i32_1 = arith.constant 0 : i32
    return %add3A_0, %c0_i32 : i32, i32
  }
}

module attributes {stable_mosaic.version = 14 : i64} {
  func.func @body(%arg0: i32, %arg1: memref<3200x128xf32, #tpu.memory_space<vmem>>, %arg2: memref<3200x128xf32, #tpu.memory_space<vmem>>, %arg3: memref<3200x128xf32, #tpu.memory_space<vmem>>, %arg4: memref<1x128xf32, #tpu.memory_space<vmem>>, %arg5: memref<1x128xf32, #tpu.memory_space<vmem>>, %arg6: memref<204800x128xf32, #tpu.memory_space<any>>, %arg7: memref<6400x128xf32, #tpu.memory_space<vmem>>) attributes {dimension_semantics = [#tpu.dimension_semantics<arbitrary>], iteration_bounds = array<i64: 4>, scalar_prefetch = 0 : i64, scratch_operands = 0 : i64, tpu.core_type = #tpu.core_type<tc>, window_params = [{transform_indices = @transform_0, window_bounds = array<i64: 3200, 128>}, {transform_indices = @transform_1, window_bounds = array<i64: 3200, 128>}, {pipeline_mode = #tpu.pipeline_mode<synchronous>, transform_indices = @transform_2, window_bounds = array<i64: 3200, 128>}, {pipeline_mode = #tpu.pipeline_mode<synchronous>, transform_indices = @transform_3, window_bounds = array<i64: 1, 128>}, {pipeline_mode = #tpu.pipeline_mode<synchronous>, transform_indices = @transform_4, window_bounds = array<i64: 1, 128>}, {}, {transform_indices = @transform_6, window_bounds = array<i64: 6400, 128>}]} {
    %get3A = arith.constant 0 : index
    %get3A_0 = arith.constant 0 : index
    %get3A_1 = vector.load %arg4[%get3A, %get3A_0] : memref<1x128xf32, #tpu.memory_space<vmem>>, vector<1x128xf32>
    %squeeze3A = vector.shape_cast %get3A_1 : vector<1x128xf32> to vector<128xf32>
    %get3A_2 = arith.constant 0 : index
    %get3A_3 = arith.constant 0 : index
    %get3A_4 = vector.load %arg5[%get3A_2, %get3A_3] : memref<1x128xf32, #tpu.memory_space<vmem>>, vector<1x128xf32>
    %squeeze3A_5 = vector.shape_cast %get3A_4 : vector<1x128xf32> to vector<128xf32>
    %get3A_6 = arith.constant 0 : index
    %get3A_7 = arith.constant 0 : index
    %get3A_8 = vector.load %arg1[%get3A_6, %get3A_7] : memref<3200x128xf32, #tpu.memory_space<vmem>>, vector<3200x128xf32>
    %get3A_9 = arith.constant 0 : index
    %get3A_10 = arith.constant 0 : index
    %get3A_11 = vector.load %arg3[%get3A_9, %get3A_10] : memref<3200x128xf32, #tpu.memory_space<vmem>>, vector<3200x128xf32>
    %add3A = arith.addf %get3A_8, %get3A_11 : vector<3200x128xf32>
    %reduce_sum3A = arith.constant dense<0.000000e+00> : vector<3200xf32>
    %reduce_sum3A_12 = vector.multi_reduction <add>, %add3A, %reduce_sum3A [1] : vector<3200x128xf32> to vector<3200xf32>
    %broadcast_in_dim3A = vector.shape_cast %reduce_sum3A_12 : vector<3200xf32> to vector<3200x1xf32>
    %mul3A = arith.constant 7.812500e-03 : f32
    %mul3A_13 = vector.broadcast %mul3A : f32 to vector<3200x1xf32>
    %mul3A_14 = arith.mulf %broadcast_in_dim3A, %mul3A_13 : vector<3200x1xf32>
    %mul3A_15 = arith.mulf %add3A, %add3A : vector<3200x128xf32>
    %reduce_sum3A_16 = arith.constant dense<0.000000e+00> : vector<3200xf32>
    %reduce_sum3A_17 = vector.multi_reduction <add>, %mul3A_15, %reduce_sum3A_16 [1] : vector<3200x128xf32> to vector<3200xf32>
    %broadcast_in_dim3A_18 = vector.shape_cast %reduce_sum3A_17 : vector<3200xf32> to vector<3200x1xf32>
    %mul3A_19 = arith.constant 7.812500e-03 : f32
    %mul3A_20 = vector.broadcast %mul3A_19 : f32 to vector<3200x1xf32>
    %mul3A_21 = arith.mulf %broadcast_in_dim3A_18, %mul3A_20 : vector<3200x1xf32>
    %mul3A_22 = arith.mulf %mul3A_14, %mul3A_14 : vector<3200x1xf32>
    %sub3A = arith.subf %mul3A_21, %mul3A_22 : vector<3200x1xf32>
    %add3A_23 = arith.constant 9.99999996E-13 : f32
    %add3A_24 = vector.broadcast %add3A_23 : f32 to vector<3200x1xf32>
    %add3A_25 = arith.addf %sub3A, %add3A_24 : vector<3200x1xf32>
    %rsqrt3A = math.rsqrt %add3A_25 : vector<3200x1xf32>
    %sub3A_26 = vector.broadcast %mul3A_14 : vector<3200x1xf32> to vector<3200x128xf32>
    %sub3A_27 = arith.subf %add3A, %sub3A_26 : vector<3200x128xf32>
    %broadcast_in_dim3A_28 = vector.shape_cast %squeeze3A : vector<128xf32> to vector<1x128xf32>
    %mul3A_29 = vector.broadcast %rsqrt3A : vector<3200x1xf32> to vector<3200x128xf32>
    %mul3A_30 = vector.broadcast %broadcast_in_dim3A_28 : vector<1x128xf32> to vector<3200x128xf32>
    %mul3A_31 = arith.mulf %mul3A_29, %mul3A_30 : vector<3200x128xf32>
    %mul3A_32 = arith.mulf %sub3A_27, %mul3A_31 : vector<3200x128xf32>
    %broadcast_in_dim3A_33 = vector.shape_cast %squeeze3A_5 : vector<128xf32> to vector<1x128xf32>
    %add3A_34 = vector.broadcast %broadcast_in_dim3A_33 : vector<1x128xf32> to vector<3200x128xf32>
    %add3A_35 = arith.addf %mul3A_32, %add3A_34 : vector<3200x128xf32>
    %swap3A = arith.constant 0 : index
    %swap3A_36 = arith.constant 0 : index
    %swap3A_37 = vector.load %arg7[%swap3A, %swap3A_36] : memref<6400x128xf32, #tpu.memory_space<vmem>>, vector<3200x128xf32>
    tpu.vector_store %arg7[%swap3A, %swap3A_36], %add3A_35 {strides = array<i32>} : memref<6400x128xf32, #tpu.memory_space<vmem>>, vector<3200x128xf32>,
    %get3A_38 = arith.constant 0 : index
    %get3A_39 = arith.constant 0 : index
    %get3A_40 = vector.load %arg2[%get3A_38, %get3A_39] : memref<3200x128xf32, #tpu.memory_space<vmem>>, vector<3200x128xf32>
    %get3A_41 = arith.constant 0 : index
    %get3A_42 = arith.constant 0 : index
    %get3A_43 = vector.load %arg3[%get3A_41, %get3A_42] : memref<3200x128xf32, #tpu.memory_space<vmem>>, vector<3200x128xf32>
    %add3A_44 = arith.addf %get3A_40, %get3A_43 : vector<3200x128xf32>
    %reduce_sum3A_45 = arith.constant dense<0.000000e+00> : vector<3200xf32>
    %reduce_sum3A_46 = vector.multi_reduction <add>, %add3A_44, %reduce_sum3A_45 [1] : vector<3200x128xf32> to vector<3200xf32>
    %broadcast_in_dim3A_47 = vector.shape_cast %reduce_sum3A_46 : vector<3200xf32> to vector<3200x1xf32>
    %mul3A_48 = arith.constant 7.812500e-03 : f32
    %mul3A_49 = vector.broadcast %mul3A_48 : f32 to vector<3200x1xf32>
    %mul3A_50 = arith.mulf %broadcast_in_dim3A_47, %mul3A_49 : vector<3200x1xf32>
    %mul3A_51 = arith.mulf %add3A_44, %add3A_44 : vector<3200x128xf32>
    %reduce_sum3A_52 = arith.constant dense<0.000000e+00> : vector<3200xf32>
    %reduce_sum3A_53 = vector.multi_reduction <add>, %mul3A_51, %reduce_sum3A_52 [1] : vector<3200x128xf32> to vector<3200xf32>
    %broadcast_in_dim3A_54 = vector.shape_cast %reduce_sum3A_53 : vector<3200xf32> to vector<3200x1xf32>
    %mul3A_55 = arith.constant 7.812500e-03 : f32
    %mul3A_56 = vector.broadcast %mul3A_55 : f32 to vector<3200x1xf32>
    %mul3A_57 = arith.mulf %broadcast_in_dim3A_54, %mul3A_56 : vector<3200x1xf32>
    %mul3A_58 = arith.mulf %mul3A_50, %mul3A_50 : vector<3200x1xf32>
    %sub3A_59 = arith.subf %mul3A_57, %mul3A_58 : vector<3200x1xf32>
    %add3A_60 = arith.constant 9.99999996E-13 : f32
    %add3A_61 = vector.broadcast %add3A_60 : f32 to vector<3200x1xf32>
    %add3A_62 = arith.addf %sub3A_59, %add3A_61 : vector<3200x1xf32>
    %rsqrt3A_63 = math.rsqrt %add3A_62 : vector<3200x1xf32>
    %sub3A_64 = vector.broadcast %mul3A_50 : vector<3200x1xf32> to vector<3200x128xf32>
    %sub3A_65 = arith.subf %add3A_44, %sub3A_64 : vector<3200x128xf32>
    %broadcast_in_dim3A_66 = vector.shape_cast %squeeze3A : vector<128xf32> to vector<1x128xf32>
    %mul3A_67 = vector.broadcast %rsqrt3A_63 : vector<3200x1xf32> to vector<3200x128xf32>
    %mul3A_68 = vector.broadcast %broadcast_in_dim3A_66 : vector<1x128xf32> to vector<3200x128xf32>
    %mul3A_69 = arith.mulf %mul3A_67, %mul3A_68 : vector<3200x128xf32>
    %mul3A_70 = arith.mulf %sub3A_65, %mul3A_69 : vector<3200x128xf32>
    %broadcast_in_dim3A_71 = vector.shape_cast %squeeze3A_5 : vector<128xf32> to vector<1x128xf32>
    %add3A_72 = vector.broadcast %broadcast_in_dim3A_71 : vector<1x128xf32> to vector<3200x128xf32>
    %add3A_73 = arith.addf %mul3A_70, %add3A_72 : vector<3200x128xf32>
    %swap3A_74 = arith.constant 3200 : index
    %swap3A_75 = arith.constant 0 : index
    %swap3A_76 = vector.load %arg7[%swap3A_74, %swap3A_75] : memref<6400x128xf32, #tpu.memory_space<vmem>>, vector<3200x128xf32>
    tpu.vector_store %arg7[%swap3A_74, %swap3A_75], %add3A_73 {strides = array<i32>} : memref<6400x128xf32, #tpu.memory_space<vmem>>, vector<3200x128xf32>,
    return
  }
  func.func @transform_0(%arg0: i32) -> (i32, i32) {
    %mul3A = arith.constant 2 : i32
    %mul3A_0 = arith.muli %mul3A, %arg0 : i32
    %c0_i32 = arith.constant 0 : i32
    %c0_i32_1 = arith.constant 0 : i32
    return %mul3A_0, %c0_i32 : i32, i32
  }
  func.func @transform_1(%arg0: i32) -> (i32, i32) {
    %mul3A = arith.constant 2 : i32
    %mul3A_0 = arith.muli %mul3A, %arg0 : i32
    %add3A = arith.constant 1 : i32
    %add3A_1 = arith.addi %mul3A_0, %add3A : i32
    %c0_i32 = arith.constant 0 : i32
    %c0_i32_2 = arith.constant 0 : i32
    return %add3A_1, %c0_i32 : i32, i32
  }
  func.func @transform_2(%arg0: i32) -> (i32, i32) {
    %c0_i32 = arith.constant 0 : i32
    %c0_i32_0 = arith.constant 0 : i32
    %c0_i32_1 = arith.constant 0 : i32
    return %c0_i32, %c0_i32_0 : i32, i32
  }
  func.func @transform_3(%arg0: i32) -> (i32, i32) {
    %c0_i32 = arith.constant 0 : i32
    %c0_i32_0 = arith.constant 0 : i32
    %c0_i32_1 = arith.constant 0 : i32
    return %c0_i32, %c0_i32_0 : i32, i32
  }
  func.func @transform_4(%arg0: i32) -> (i32, i32) {
    %c0_i32 = arith.constant 0 : i32
    %c0_i32_0 = arith.constant 0 : i32
    %c0_i32_1 = arith.constant 0 : i32
    return %c0_i32, %c0_i32_0 : i32, i32
  }
  func.func @transform_6(%arg0: i32) -> (i32, i32) {
    %add3A = arith.constant 8 : i32
    %add3A_0 = arith.addi %add3A, %arg0 : i32
    %c0_i32 = arith.constant 0 : i32
    %c0_i32_1 = arith.constant 0 : i32
    return %add3A_0, %c0_i32 : i32, i32
  }
}

module attributes {stable_mosaic.version = 14 : i64} {
  func.func @body(%arg0: i32, %arg1: memref<3200x128xf32, #tpu.memory_space<vmem>>, %arg2: memref<3200x128xf32, #tpu.memory_space<vmem>>, %arg3: memref<3200x128xf32, #tpu.memory_space<vmem>>, %arg4: memref<1x128xf32, #tpu.memory_space<vmem>>, %arg5: memref<1x128xf32, #tpu.memory_space<vmem>>, %arg6: memref<204800x128xf32, #tpu.memory_space<any>>, %arg7: memref<6400x128xf32, #tpu.memory_space<vmem>>) attributes {dimension_semantics = [#tpu.dimension_semantics<arbitrary>], iteration_bounds = array<i64: 4>, scalar_prefetch = 0 : i64, scratch_operands = 0 : i64, tpu.core_type = #tpu.core_type<tc>, window_params = [{transform_indices = @transform_0, window_bounds = array<i64: 3200, 128>}, {transform_indices = @transform_1, window_bounds = array<i64: 3200, 128>}, {pipeline_mode = #tpu.pipeline_mode<synchronous>, transform_indices = @transform_2, window_bounds = array<i64: 3200, 128>}, {pipeline_mode = #tpu.pipeline_mode<synchronous>, transform_indices = @transform_3, window_bounds = array<i64: 1, 128>}, {pipeline_mode = #tpu.pipeline_mode<synchronous>, transform_indices = @transform_4, window_bounds = array<i64: 1, 128>}, {}, {transform_indices = @transform_6, window_bounds = array<i64: 6400, 128>}]} {
    %get3A = arith.constant 0 : index
    %get3A_0 = arith.constant 0 : index
    %get3A_1 = vector.load %arg4[%get3A, %get3A_0] : memref<1x128xf32, #tpu.memory_space<vmem>>, vector<1x128xf32>
    %squeeze3A = vector.shape_cast %get3A_1 : vector<1x128xf32> to vector<128xf32>
    %get3A_2 = arith.constant 0 : index
    %get3A_3 = arith.constant 0 : index
    %get3A_4 = vector.load %arg5[%get3A_2, %get3A_3] : memref<1x128xf32, #tpu.memory_space<vmem>>, vector<1x128xf32>
    %squeeze3A_5 = vector.shape_cast %get3A_4 : vector<1x128xf32> to vector<128xf32>
    %get3A_6 = arith.constant 0 : index
    %get3A_7 = arith.constant 0 : index
    %get3A_8 = vector.load %arg1[%get3A_6, %get3A_7] : memref<3200x128xf32, #tpu.memory_space<vmem>>, vector<3200x128xf32>
    %get3A_9 = arith.constant 0 : index
    %get3A_10 = arith.constant 0 : index
    %get3A_11 = vector.load %arg3[%get3A_9, %get3A_10] : memref<3200x128xf32, #tpu.memory_space<vmem>>, vector<3200x128xf32>
    %add3A = arith.addf %get3A_8, %get3A_11 : vector<3200x128xf32>
    %reduce_sum3A = arith.constant dense<0.000000e+00> : vector<3200xf32>
    %reduce_sum3A_12 = vector.multi_reduction <add>, %add3A, %reduce_sum3A [1] : vector<3200x128xf32> to vector<3200xf32>
    %broadcast_in_dim3A = vector.shape_cast %reduce_sum3A_12 : vector<3200xf32> to vector<3200x1xf32>
    %mul3A = arith.constant 7.812500e-03 : f32
    %mul3A_13 = vector.broadcast %mul3A : f32 to vector<3200x1xf32>
    %mul3A_14 = arith.mulf %broadcast_in_dim3A, %mul3A_13 : vector<3200x1xf32>
    %mul3A_15 = arith.mulf %add3A, %add3A : vector<3200x128xf32>
    %reduce_sum3A_16 = arith.constant dense<0.000000e+00> : vector<3200xf32>
    %reduce_sum3A_17 = vector.multi_reduction <add>, %mul3A_15, %reduce_sum3A_16 [1] : vector<3200x128xf32> to vector<3200xf32>
    %broadcast_in_dim3A_18 = vector.shape_cast %reduce_sum3A_17 : vector<3200xf32> to vector<3200x1xf32>
    %mul3A_19 = arith.constant 7.812500e-03 : f32
    %mul3A_20 = vector.broadcast %mul3A_19 : f32 to vector<3200x1xf32>
    %mul3A_21 = arith.mulf %broadcast_in_dim3A_18, %mul3A_20 : vector<3200x1xf32>
    %mul3A_22 = arith.mulf %mul3A_14, %mul3A_14 : vector<3200x1xf32>
    %sub3A = arith.subf %mul3A_21, %mul3A_22 : vector<3200x1xf32>
    %add3A_23 = arith.constant 9.99999996E-13 : f32
    %add3A_24 = vector.broadcast %add3A_23 : f32 to vector<3200x1xf32>
    %add3A_25 = arith.addf %sub3A, %add3A_24 : vector<3200x1xf32>
    %rsqrt3A = math.rsqrt %add3A_25 : vector<3200x1xf32>
    %sub3A_26 = vector.broadcast %mul3A_14 : vector<3200x1xf32> to vector<3200x128xf32>
    %sub3A_27 = arith.subf %add3A, %sub3A_26 : vector<3200x128xf32>
    %broadcast_in_dim3A_28 = vector.shape_cast %squeeze3A : vector<128xf32> to vector<1x128xf32>
    %mul3A_29 = vector.broadcast %rsqrt3A : vector<3200x1xf32> to vector<3200x128xf32>
    %mul3A_30 = vector.broadcast %broadcast_in_dim3A_28 : vector<1x128xf32> to vector<3200x128xf32>
    %mul3A_31 = arith.mulf %mul3A_29, %mul3A_30 : vector<3200x128xf32>
    %mul3A_32 = arith.mulf %sub3A_27, %mul3A_31 : vector<3200x128xf32>
    %broadcast_in_dim3A_33 = vector.shape_cast %squeeze3A_5 : vector<128xf32> to vector<1x128xf32>
    %add3A_34 = vector.broadcast %broadcast_in_dim3A_33 : vector<1x128xf32> to vector<3200x128xf32>
    %add3A_35 = arith.addf %mul3A_32, %add3A_34 : vector<3200x128xf32>
    %swap3A = arith.constant 0 : index
    %swap3A_36 = arith.constant 0 : index
    %swap3A_37 = vector.load %arg7[%swap3A, %swap3A_36] : memref<6400x128xf32, #tpu.memory_space<vmem>>, vector<3200x128xf32>
    tpu.vector_store %arg7[%swap3A, %swap3A_36], %add3A_35 {strides = array<i32>} : memref<6400x128xf32, #tpu.memory_space<vmem>>, vector<3200x128xf32>,
    %get3A_38 = arith.constant 0 : index
    %get3A_39 = arith.constant 0 : index
    %get3A_40 = vector.load %arg2[%get3A_38, %get3A_39] : memref<3200x128xf32, #tpu.memory_space<vmem>>, vector<3200x128xf32>
    %get3A_41 = arith.constant 0 : index
    %get3A_42 = arith.constant 0 : index
    %get3A_43 = vector.load %arg3[%get3A_41, %get3A_42] : memref<3200x128xf32, #tpu.memory_space<vmem>>, vector<3200x128xf32>
    %add3A_44 = arith.addf %get3A_40, %get3A_43 : vector<3200x128xf32>
    %reduce_sum3A_45 = arith.constant dense<0.000000e+00> : vector<3200xf32>
    %reduce_sum3A_46 = vector.multi_reduction <add>, %add3A_44, %reduce_sum3A_45 [1] : vector<3200x128xf32> to vector<3200xf32>
    %broadcast_in_dim3A_47 = vector.shape_cast %reduce_sum3A_46 : vector<3200xf32> to vector<3200x1xf32>
    %mul3A_48 = arith.constant 7.812500e-03 : f32
    %mul3A_49 = vector.broadcast %mul3A_48 : f32 to vector<3200x1xf32>
    %mul3A_50 = arith.mulf %broadcast_in_dim3A_47, %mul3A_49 : vector<3200x1xf32>
    %mul3A_51 = arith.mulf %add3A_44, %add3A_44 : vector<3200x128xf32>
    %reduce_sum3A_52 = arith.constant dense<0.000000e+00> : vector<3200xf32>
    %reduce_sum3A_53 = vector.multi_reduction <add>, %mul3A_51, %reduce_sum3A_52 [1] : vector<3200x128xf32> to vector<3200xf32>
    %broadcast_in_dim3A_54 = vector.shape_cast %reduce_sum3A_53 : vector<3200xf32> to vector<3200x1xf32>
    %mul3A_55 = arith.constant 7.812500e-03 : f32
    %mul3A_56 = vector.broadcast %mul3A_55 : f32 to vector<3200x1xf32>
    %mul3A_57 = arith.mulf %broadcast_in_dim3A_54, %mul3A_56 : vector<3200x1xf32>
    %mul3A_58 = arith.mulf %mul3A_50, %mul3A_50 : vector<3200x1xf32>
    %sub3A_59 = arith.subf %mul3A_57, %mul3A_58 : vector<3200x1xf32>
    %add3A_60 = arith.constant 9.99999996E-13 : f32
    %add3A_61 = vector.broadcast %add3A_60 : f32 to vector<3200x1xf32>
    %add3A_62 = arith.addf %sub3A_59, %add3A_61 : vector<3200x1xf32>
    %rsqrt3A_63 = math.rsqrt %add3A_62 : vector<3200x1xf32>
    %sub3A_64 = vector.broadcast %mul3A_50 : vector<3200x1xf32> to vector<3200x128xf32>
    %sub3A_65 = arith.subf %add3A_44, %sub3A_64 : vector<3200x128xf32>
    %broadcast_in_dim3A_66 = vector.shape_cast %squeeze3A : vector<128xf32> to vector<1x128xf32>
    %mul3A_67 = vector.broadcast %rsqrt3A_63 : vector<3200x1xf32> to vector<3200x128xf32>
    %mul3A_68 = vector.broadcast %broadcast_in_dim3A_66 : vector<1x128xf32> to vector<3200x128xf32>
    %mul3A_69 = arith.mulf %mul3A_67, %mul3A_68 : vector<3200x128xf32>
    %mul3A_70 = arith.mulf %sub3A_65, %mul3A_69 : vector<3200x128xf32>
    %broadcast_in_dim3A_71 = vector.shape_cast %squeeze3A_5 : vector<128xf32> to vector<1x128xf32>
    %add3A_72 = vector.broadcast %broadcast_in_dim3A_71 : vector<1x128xf32> to vector<3200x128xf32>
    %add3A_73 = arith.addf %mul3A_70, %add3A_72 : vector<3200x128xf32>
    %swap3A_74 = arith.constant 3200 : index
    %swap3A_75 = arith.constant 0 : index
    %swap3A_76 = vector.load %arg7[%swap3A_74, %swap3A_75] : memref<6400x128xf32, #tpu.memory_space<vmem>>, vector<3200x128xf32>
    tpu.vector_store %arg7[%swap3A_74, %swap3A_75], %add3A_73 {strides = array<i32>} : memref<6400x128xf32, #tpu.memory_space<vmem>>, vector<3200x128xf32>,
    return
  }
  func.func @transform_0(%arg0: i32) -> (i32, i32) {
    %mul3A = arith.constant 2 : i32
    %mul3A_0 = arith.muli %mul3A, %arg0 : i32
    %c0_i32 = arith.constant 0 : i32
    %c0_i32_1 = arith.constant 0 : i32
    return %mul3A_0, %c0_i32 : i32, i32
  }
  func.func @transform_1(%arg0: i32) -> (i32, i32) {
    %mul3A = arith.constant 2 : i32
    %mul3A_0 = arith.muli %mul3A, %arg0 : i32
    %add3A = arith.constant 1 : i32
    %add3A_1 = arith.addi %mul3A_0, %add3A : i32
    %c0_i32 = arith.constant 0 : i32
    %c0_i32_2 = arith.constant 0 : i32
    return %add3A_1, %c0_i32 : i32, i32
  }
  func.func @transform_2(%arg0: i32) -> (i32, i32) {
    %c0_i32 = arith.constant 0 : i32
    %c0_i32_0 = arith.constant 0 : i32
    %c0_i32_1 = arith.constant 0 : i32
    return %c0_i32, %c0_i32_0 : i32, i32
  }
  func.func @transform_3(%arg0: i32) -> (i32, i32) {
    %c0_i32 = arith.constant 0 : i32
    %c0_i32_0 = arith.constant 0 : i32
    %c0_i32_1 = arith.constant 0 : i32
    return %c0_i32, %c0_i32_0 : i32, i32
  }
  func.func @transform_4(%arg0: i32) -> (i32, i32) {
    %c0_i32 = arith.constant 0 : i32
    %c0_i32_0 = arith.constant 0 : i32
    %c0_i32_1 = arith.constant 0 : i32
    return %c0_i32, %c0_i32_0 : i32, i32
  }
  func.func @transform_6(%arg0: i32) -> (i32, i32) {
    %add3A = arith.constant 12 : i32
    %add3A_0 = arith.addi %add3A, %arg0 : i32
    %c0_i32 = arith.constant 0 : i32
    %c0_i32_1 = arith.constant 0 : i32
    return %add3A_0, %c0_i32 : i32, i32
  }
}

module attributes {stable_mosaic.version = 14 : i64} {
  func.func @body(%arg0: i32, %arg1: memref<3200x128xf32, #tpu.memory_space<vmem>>, %arg2: memref<3200x128xf32, #tpu.memory_space<vmem>>, %arg3: memref<3200x128xf32, #tpu.memory_space<vmem>>, %arg4: memref<1x128xf32, #tpu.memory_space<vmem>>, %arg5: memref<1x128xf32, #tpu.memory_space<vmem>>, %arg6: memref<204800x128xf32, #tpu.memory_space<any>>, %arg7: memref<6400x128xf32, #tpu.memory_space<vmem>>) attributes {dimension_semantics = [#tpu.dimension_semantics<arbitrary>], iteration_bounds = array<i64: 4>, scalar_prefetch = 0 : i64, scratch_operands = 0 : i64, tpu.core_type = #tpu.core_type<tc>, window_params = [{transform_indices = @transform_0, window_bounds = array<i64: 3200, 128>}, {transform_indices = @transform_1, window_bounds = array<i64: 3200, 128>}, {pipeline_mode = #tpu.pipeline_mode<synchronous>, transform_indices = @transform_2, window_bounds = array<i64: 3200, 128>}, {pipeline_mode = #tpu.pipeline_mode<synchronous>, transform_indices = @transform_3, window_bounds = array<i64: 1, 128>}, {pipeline_mode = #tpu.pipeline_mode<synchronous>, transform_indices = @transform_4, window_bounds = array<i64: 1, 128>}, {}, {transform_indices = @transform_6, window_bounds = array<i64: 6400, 128>}]} {
    %get3A = arith.constant 0 : index
    %get3A_0 = arith.constant 0 : index
    %get3A_1 = vector.load %arg4[%get3A, %get3A_0] : memref<1x128xf32, #tpu.memory_space<vmem>>, vector<1x128xf32>
    %squeeze3A = vector.shape_cast %get3A_1 : vector<1x128xf32> to vector<128xf32>
    %get3A_2 = arith.constant 0 : index
    %get3A_3 = arith.constant 0 : index
    %get3A_4 = vector.load %arg5[%get3A_2, %get3A_3] : memref<1x128xf32, #tpu.memory_space<vmem>>, vector<1x128xf32>
    %squeeze3A_5 = vector.shape_cast %get3A_4 : vector<1x128xf32> to vector<128xf32>
    %get3A_6 = arith.constant 0 : index
    %get3A_7 = arith.constant 0 : index
    %get3A_8 = vector.load %arg1[%get3A_6, %get3A_7] : memref<3200x128xf32, #tpu.memory_space<vmem>>, vector<3200x128xf32>
    %get3A_9 = arith.constant 0 : index
    %get3A_10 = arith.constant 0 : index
    %get3A_11 = vector.load %arg3[%get3A_9, %get3A_10] : memref<3200x128xf32, #tpu.memory_space<vmem>>, vector<3200x128xf32>
    %add3A = arith.addf %get3A_8, %get3A_11 : vector<3200x128xf32>
    %reduce_sum3A = arith.constant dense<0.000000e+00> : vector<3200xf32>
    %reduce_sum3A_12 = vector.multi_reduction <add>, %add3A, %reduce_sum3A [1] : vector<3200x128xf32> to vector<3200xf32>
    %broadcast_in_dim3A = vector.shape_cast %reduce_sum3A_12 : vector<3200xf32> to vector<3200x1xf32>
    %mul3A = arith.constant 7.812500e-03 : f32
    %mul3A_13 = vector.broadcast %mul3A : f32 to vector<3200x1xf32>
    %mul3A_14 = arith.mulf %broadcast_in_dim3A, %mul3A_13 : vector<3200x1xf32>
    %mul3A_15 = arith.mulf %add3A, %add3A : vector<3200x128xf32>
    %reduce_sum3A_16 = arith.constant dense<0.000000e+00> : vector<3200xf32>
    %reduce_sum3A_17 = vector.multi_reduction <add>, %mul3A_15, %reduce_sum3A_16 [1] : vector<3200x128xf32> to vector<3200xf32>
    %broadcast_in_dim3A_18 = vector.shape_cast %reduce_sum3A_17 : vector<3200xf32> to vector<3200x1xf32>
    %mul3A_19 = arith.constant 7.812500e-03 : f32
    %mul3A_20 = vector.broadcast %mul3A_19 : f32 to vector<3200x1xf32>
    %mul3A_21 = arith.mulf %broadcast_in_dim3A_18, %mul3A_20 : vector<3200x1xf32>
    %mul3A_22 = arith.mulf %mul3A_14, %mul3A_14 : vector<3200x1xf32>
    %sub3A = arith.subf %mul3A_21, %mul3A_22 : vector<3200x1xf32>
    %add3A_23 = arith.constant 9.99999996E-13 : f32
    %add3A_24 = vector.broadcast %add3A_23 : f32 to vector<3200x1xf32>
    %add3A_25 = arith.addf %sub3A, %add3A_24 : vector<3200x1xf32>
    %rsqrt3A = math.rsqrt %add3A_25 : vector<3200x1xf32>
    %sub3A_26 = vector.broadcast %mul3A_14 : vector<3200x1xf32> to vector<3200x128xf32>
    %sub3A_27 = arith.subf %add3A, %sub3A_26 : vector<3200x128xf32>
    %broadcast_in_dim3A_28 = vector.shape_cast %squeeze3A : vector<128xf32> to vector<1x128xf32>
    %mul3A_29 = vector.broadcast %rsqrt3A : vector<3200x1xf32> to vector<3200x128xf32>
    %mul3A_30 = vector.broadcast %broadcast_in_dim3A_28 : vector<1x128xf32> to vector<3200x128xf32>
    %mul3A_31 = arith.mulf %mul3A_29, %mul3A_30 : vector<3200x128xf32>
    %mul3A_32 = arith.mulf %sub3A_27, %mul3A_31 : vector<3200x128xf32>
    %broadcast_in_dim3A_33 = vector.shape_cast %squeeze3A_5 : vector<128xf32> to vector<1x128xf32>
    %add3A_34 = vector.broadcast %broadcast_in_dim3A_33 : vector<1x128xf32> to vector<3200x128xf32>
    %add3A_35 = arith.addf %mul3A_32, %add3A_34 : vector<3200x128xf32>
    %swap3A = arith.constant 0 : index
    %swap3A_36 = arith.constant 0 : index
    %swap3A_37 = vector.load %arg7[%swap3A, %swap3A_36] : memref<6400x128xf32, #tpu.memory_space<vmem>>, vector<3200x128xf32>
    tpu.vector_store %arg7[%swap3A, %swap3A_36], %add3A_35 {strides = array<i32>} : memref<6400x128xf32, #tpu.memory_space<vmem>>, vector<3200x128xf32>,
    %get3A_38 = arith.constant 0 : index
    %get3A_39 = arith.constant 0 : index
    %get3A_40 = vector.load %arg2[%get3A_38, %get3A_39] : memref<3200x128xf32, #tpu.memory_space<vmem>>, vector<3200x128xf32>
    %get3A_41 = arith.constant 0 : index
    %get3A_42 = arith.constant 0 : index
    %get3A_43 = vector.load %arg3[%get3A_41, %get3A_42] : memref<3200x128xf32, #tpu.memory_space<vmem>>, vector<3200x128xf32>
    %add3A_44 = arith.addf %get3A_40, %get3A_43 : vector<3200x128xf32>
    %reduce_sum3A_45 = arith.constant dense<0.000000e+00> : vector<3200xf32>
    %reduce_sum3A_46 = vector.multi_reduction <add>, %add3A_44, %reduce_sum3A_45 [1] : vector<3200x128xf32> to vector<3200xf32>
    %broadcast_in_dim3A_47 = vector.shape_cast %reduce_sum3A_46 : vector<3200xf32> to vector<3200x1xf32>
    %mul3A_48 = arith.constant 7.812500e-03 : f32
    %mul3A_49 = vector.broadcast %mul3A_48 : f32 to vector<3200x1xf32>
    %mul3A_50 = arith.mulf %broadcast_in_dim3A_47, %mul3A_49 : vector<3200x1xf32>
    %mul3A_51 = arith.mulf %add3A_44, %add3A_44 : vector<3200x128xf32>
    %reduce_sum3A_52 = arith.constant dense<0.000000e+00> : vector<3200xf32>
    %reduce_sum3A_53 = vector.multi_reduction <add>, %mul3A_51, %reduce_sum3A_52 [1] : vector<3200x128xf32> to vector<3200xf32>
    %broadcast_in_dim3A_54 = vector.shape_cast %reduce_sum3A_53 : vector<3200xf32> to vector<3200x1xf32>
    %mul3A_55 = arith.constant 7.812500e-03 : f32
    %mul3A_56 = vector.broadcast %mul3A_55 : f32 to vector<3200x1xf32>
    %mul3A_57 = arith.mulf %broadcast_in_dim3A_54, %mul3A_56 : vector<3200x1xf32>
    %mul3A_58 = arith.mulf %mul3A_50, %mul3A_50 : vector<3200x1xf32>
    %sub3A_59 = arith.subf %mul3A_57, %mul3A_58 : vector<3200x1xf32>
    %add3A_60 = arith.constant 9.99999996E-13 : f32
    %add3A_61 = vector.broadcast %add3A_60 : f32 to vector<3200x1xf32>
    %add3A_62 = arith.addf %sub3A_59, %add3A_61 : vector<3200x1xf32>
    %rsqrt3A_63 = math.rsqrt %add3A_62 : vector<3200x1xf32>
    %sub3A_64 = vector.broadcast %mul3A_50 : vector<3200x1xf32> to vector<3200x128xf32>
    %sub3A_65 = arith.subf %add3A_44, %sub3A_64 : vector<3200x128xf32>
    %broadcast_in_dim3A_66 = vector.shape_cast %squeeze3A : vector<128xf32> to vector<1x128xf32>
    %mul3A_67 = vector.broadcast %rsqrt3A_63 : vector<3200x1xf32> to vector<3200x128xf32>
    %mul3A_68 = vector.broadcast %broadcast_in_dim3A_66 : vector<1x128xf32> to vector<3200x128xf32>
    %mul3A_69 = arith.mulf %mul3A_67, %mul3A_68 : vector<3200x128xf32>
    %mul3A_70 = arith.mulf %sub3A_65, %mul3A_69 : vector<3200x128xf32>
    %broadcast_in_dim3A_71 = vector.shape_cast %squeeze3A_5 : vector<128xf32> to vector<1x128xf32>
    %add3A_72 = vector.broadcast %broadcast_in_dim3A_71 : vector<1x128xf32> to vector<3200x128xf32>
    %add3A_73 = arith.addf %mul3A_70, %add3A_72 : vector<3200x128xf32>
    %swap3A_74 = arith.constant 3200 : index
    %swap3A_75 = arith.constant 0 : index
    %swap3A_76 = vector.load %arg7[%swap3A_74, %swap3A_75] : memref<6400x128xf32, #tpu.memory_space<vmem>>, vector<3200x128xf32>
    tpu.vector_store %arg7[%swap3A_74, %swap3A_75], %add3A_73 {strides = array<i32>} : memref<6400x128xf32, #tpu.memory_space<vmem>>, vector<3200x128xf32>,
    return
  }
  func.func @transform_0(%arg0: i32) -> (i32, i32) {
    %mul3A = arith.constant 2 : i32
    %mul3A_0 = arith.muli %mul3A, %arg0 : i32
    %c0_i32 = arith.constant 0 : i32
    %c0_i32_1 = arith.constant 0 : i32
    return %mul3A_0, %c0_i32 : i32, i32
  }
  func.func @transform_1(%arg0: i32) -> (i32, i32) {
    %mul3A = arith.constant 2 : i32
    %mul3A_0 = arith.muli %mul3A, %arg0 : i32
    %add3A = arith.constant 1 : i32
    %add3A_1 = arith.addi %mul3A_0, %add3A : i32
    %c0_i32 = arith.constant 0 : i32
    %c0_i32_2 = arith.constant 0 : i32
    return %add3A_1, %c0_i32 : i32, i32
  }
  func.func @transform_2(%arg0: i32) -> (i32, i32) {
    %c0_i32 = arith.constant 0 : i32
    %c0_i32_0 = arith.constant 0 : i32
    %c0_i32_1 = arith.constant 0 : i32
    return %c0_i32, %c0_i32_0 : i32, i32
  }
  func.func @transform_3(%arg0: i32) -> (i32, i32) {
    %c0_i32 = arith.constant 0 : i32
    %c0_i32_0 = arith.constant 0 : i32
    %c0_i32_1 = arith.constant 0 : i32
    return %c0_i32, %c0_i32_0 : i32, i32
  }
  func.func @transform_4(%arg0: i32) -> (i32, i32) {
    %c0_i32 = arith.constant 0 : i32
    %c0_i32_0 = arith.constant 0 : i32
    %c0_i32_1 = arith.constant 0 : i32
    return %c0_i32, %c0_i32_0 : i32, i32
  }
  func.func @transform_6(%arg0: i32) -> (i32, i32) {
    %add3A = arith.constant 16 : i32
    %add3A_0 = arith.addi %add3A, %arg0 : i32
    %c0_i32 = arith.constant 0 : i32
    %c0_i32_1 = arith.constant 0 : i32
    return %add3A_0, %c0_i32 : i32, i32
  }
}

module attributes {stable_mosaic.version = 14 : i64} {
  func.func @body(%arg0: i32, %arg1: memref<3200x128xf32, #tpu.memory_space<vmem>>, %arg2: memref<3200x128xf32, #tpu.memory_space<vmem>>, %arg3: memref<3200x128xf32, #tpu.memory_space<vmem>>, %arg4: memref<1x128xf32, #tpu.memory_space<vmem>>, %arg5: memref<1x128xf32, #tpu.memory_space<vmem>>, %arg6: memref<204800x128xf32, #tpu.memory_space<any>>, %arg7: memref<6400x128xf32, #tpu.memory_space<vmem>>) attributes {dimension_semantics = [#tpu.dimension_semantics<arbitrary>], iteration_bounds = array<i64: 4>, scalar_prefetch = 0 : i64, scratch_operands = 0 : i64, tpu.core_type = #tpu.core_type<tc>, window_params = [{transform_indices = @transform_0, window_bounds = array<i64: 3200, 128>}, {transform_indices = @transform_1, window_bounds = array<i64: 3200, 128>}, {pipeline_mode = #tpu.pipeline_mode<synchronous>, transform_indices = @transform_2, window_bounds = array<i64: 3200, 128>}, {pipeline_mode = #tpu.pipeline_mode<synchronous>, transform_indices = @transform_3, window_bounds = array<i64: 1, 128>}, {pipeline_mode = #tpu.pipeline_mode<synchronous>, transform_indices = @transform_4, window_bounds = array<i64: 1, 128>}, {}, {transform_indices = @transform_6, window_bounds = array<i64: 6400, 128>}]} {
    %get3A = arith.constant 0 : index
    %get3A_0 = arith.constant 0 : index
    %get3A_1 = vector.load %arg4[%get3A, %get3A_0] : memref<1x128xf32, #tpu.memory_space<vmem>>, vector<1x128xf32>
    %squeeze3A = vector.shape_cast %get3A_1 : vector<1x128xf32> to vector<128xf32>
    %get3A_2 = arith.constant 0 : index
    %get3A_3 = arith.constant 0 : index
    %get3A_4 = vector.load %arg5[%get3A_2, %get3A_3] : memref<1x128xf32, #tpu.memory_space<vmem>>, vector<1x128xf32>
    %squeeze3A_5 = vector.shape_cast %get3A_4 : vector<1x128xf32> to vector<128xf32>
    %get3A_6 = arith.constant 0 : index
    %get3A_7 = arith.constant 0 : index
    %get3A_8 = vector.load %arg1[%get3A_6, %get3A_7] : memref<3200x128xf32, #tpu.memory_space<vmem>>, vector<3200x128xf32>
    %get3A_9 = arith.constant 0 : index
    %get3A_10 = arith.constant 0 : index
    %get3A_11 = vector.load %arg3[%get3A_9, %get3A_10] : memref<3200x128xf32, #tpu.memory_space<vmem>>, vector<3200x128xf32>
    %add3A = arith.addf %get3A_8, %get3A_11 : vector<3200x128xf32>
    %reduce_sum3A = arith.constant dense<0.000000e+00> : vector<3200xf32>
    %reduce_sum3A_12 = vector.multi_reduction <add>, %add3A, %reduce_sum3A [1] : vector<3200x128xf32> to vector<3200xf32>
    %broadcast_in_dim3A = vector.shape_cast %reduce_sum3A_12 : vector<3200xf32> to vector<3200x1xf32>
    %mul3A = arith.constant 7.812500e-03 : f32
    %mul3A_13 = vector.broadcast %mul3A : f32 to vector<3200x1xf32>
    %mul3A_14 = arith.mulf %broadcast_in_dim3A, %mul3A_13 : vector<3200x1xf32>
    %mul3A_15 = arith.mulf %add3A, %add3A : vector<3200x128xf32>
    %reduce_sum3A_16 = arith.constant dense<0.000000e+00> : vector<3200xf32>
    %reduce_sum3A_17 = vector.multi_reduction <add>, %mul3A_15, %reduce_sum3A_16 [1] : vector<3200x128xf32> to vector<3200xf32>
    %broadcast_in_dim3A_18 = vector.shape_cast %reduce_sum3A_17 : vector<3200xf32> to vector<3200x1xf32>
    %mul3A_19 = arith.constant 7.812500e-03 : f32
    %mul3A_20 = vector.broadcast %mul3A_19 : f32 to vector<3200x1xf32>
    %mul3A_21 = arith.mulf %broadcast_in_dim3A_18, %mul3A_20 : vector<3200x1xf32>
    %mul3A_22 = arith.mulf %mul3A_14, %mul3A_14 : vector<3200x1xf32>
    %sub3A = arith.subf %mul3A_21, %mul3A_22 : vector<3200x1xf32>
    %add3A_23 = arith.constant 9.99999996E-13 : f32
    %add3A_24 = vector.broadcast %add3A_23 : f32 to vector<3200x1xf32>
    %add3A_25 = arith.addf %sub3A, %add3A_24 : vector<3200x1xf32>
    %rsqrt3A = math.rsqrt %add3A_25 : vector<3200x1xf32>
    %sub3A_26 = vector.broadcast %mul3A_14 : vector<3200x1xf32> to vector<3200x128xf32>
    %sub3A_27 = arith.subf %add3A, %sub3A_26 : vector<3200x128xf32>
    %broadcast_in_dim3A_28 = vector.shape_cast %squeeze3A : vector<128xf32> to vector<1x128xf32>
    %mul3A_29 = vector.broadcast %rsqrt3A : vector<3200x1xf32> to vector<3200x128xf32>
    %mul3A_30 = vector.broadcast %broadcast_in_dim3A_28 : vector<1x128xf32> to vector<3200x128xf32>
    %mul3A_31 = arith.mulf %mul3A_29, %mul3A_30 : vector<3200x128xf32>
    %mul3A_32 = arith.mulf %sub3A_27, %mul3A_31 : vector<3200x128xf32>
    %broadcast_in_dim3A_33 = vector.shape_cast %squeeze3A_5 : vector<128xf32> to vector<1x128xf32>
    %add3A_34 = vector.broadcast %broadcast_in_dim3A_33 : vector<1x128xf32> to vector<3200x128xf32>
    %add3A_35 = arith.addf %mul3A_32, %add3A_34 : vector<3200x128xf32>
    %swap3A = arith.constant 0 : index
    %swap3A_36 = arith.constant 0 : index
    %swap3A_37 = vector.load %arg7[%swap3A, %swap3A_36] : memref<6400x128xf32, #tpu.memory_space<vmem>>, vector<3200x128xf32>
    tpu.vector_store %arg7[%swap3A, %swap3A_36], %add3A_35 {strides = array<i32>} : memref<6400x128xf32, #tpu.memory_space<vmem>>, vector<3200x128xf32>,
    %get3A_38 = arith.constant 0 : index
    %get3A_39 = arith.constant 0 : index
    %get3A_40 = vector.load %arg2[%get3A_38, %get3A_39] : memref<3200x128xf32, #tpu.memory_space<vmem>>, vector<3200x128xf32>
    %get3A_41 = arith.constant 0 : index
    %get3A_42 = arith.constant 0 : index
    %get3A_43 = vector.load %arg3[%get3A_41, %get3A_42] : memref<3200x128xf32, #tpu.memory_space<vmem>>, vector<3200x128xf32>
    %add3A_44 = arith.addf %get3A_40, %get3A_43 : vector<3200x128xf32>
    %reduce_sum3A_45 = arith.constant dense<0.000000e+00> : vector<3200xf32>
    %reduce_sum3A_46 = vector.multi_reduction <add>, %add3A_44, %reduce_sum3A_45 [1] : vector<3200x128xf32> to vector<3200xf32>
    %broadcast_in_dim3A_47 = vector.shape_cast %reduce_sum3A_46 : vector<3200xf32> to vector<3200x1xf32>
    %mul3A_48 = arith.constant 7.812500e-03 : f32
    %mul3A_49 = vector.broadcast %mul3A_48 : f32 to vector<3200x1xf32>
    %mul3A_50 = arith.mulf %broadcast_in_dim3A_47, %mul3A_49 : vector<3200x1xf32>
    %mul3A_51 = arith.mulf %add3A_44, %add3A_44 : vector<3200x128xf32>
    %reduce_sum3A_52 = arith.constant dense<0.000000e+00> : vector<3200xf32>
    %reduce_sum3A_53 = vector.multi_reduction <add>, %mul3A_51, %reduce_sum3A_52 [1] : vector<3200x128xf32> to vector<3200xf32>
    %broadcast_in_dim3A_54 = vector.shape_cast %reduce_sum3A_53 : vector<3200xf32> to vector<3200x1xf32>
    %mul3A_55 = arith.constant 7.812500e-03 : f32
    %mul3A_56 = vector.broadcast %mul3A_55 : f32 to vector<3200x1xf32>
    %mul3A_57 = arith.mulf %broadcast_in_dim3A_54, %mul3A_56 : vector<3200x1xf32>
    %mul3A_58 = arith.mulf %mul3A_50, %mul3A_50 : vector<3200x1xf32>
    %sub3A_59 = arith.subf %mul3A_57, %mul3A_58 : vector<3200x1xf32>
    %add3A_60 = arith.constant 9.99999996E-13 : f32
    %add3A_61 = vector.broadcast %add3A_60 : f32 to vector<3200x1xf32>
    %add3A_62 = arith.addf %sub3A_59, %add3A_61 : vector<3200x1xf32>
    %rsqrt3A_63 = math.rsqrt %add3A_62 : vector<3200x1xf32>
    %sub3A_64 = vector.broadcast %mul3A_50 : vector<3200x1xf32> to vector<3200x128xf32>
    %sub3A_65 = arith.subf %add3A_44, %sub3A_64 : vector<3200x128xf32>
    %broadcast_in_dim3A_66 = vector.shape_cast %squeeze3A : vector<128xf32> to vector<1x128xf32>
    %mul3A_67 = vector.broadcast %rsqrt3A_63 : vector<3200x1xf32> to vector<3200x128xf32>
    %mul3A_68 = vector.broadcast %broadcast_in_dim3A_66 : vector<1x128xf32> to vector<3200x128xf32>
    %mul3A_69 = arith.mulf %mul3A_67, %mul3A_68 : vector<3200x128xf32>
    %mul3A_70 = arith.mulf %sub3A_65, %mul3A_69 : vector<3200x128xf32>
    %broadcast_in_dim3A_71 = vector.shape_cast %squeeze3A_5 : vector<128xf32> to vector<1x128xf32>
    %add3A_72 = vector.broadcast %broadcast_in_dim3A_71 : vector<1x128xf32> to vector<3200x128xf32>
    %add3A_73 = arith.addf %mul3A_70, %add3A_72 : vector<3200x128xf32>
    %swap3A_74 = arith.constant 3200 : index
    %swap3A_75 = arith.constant 0 : index
    %swap3A_76 = vector.load %arg7[%swap3A_74, %swap3A_75] : memref<6400x128xf32, #tpu.memory_space<vmem>>, vector<3200x128xf32>
    tpu.vector_store %arg7[%swap3A_74, %swap3A_75], %add3A_73 {strides = array<i32>} : memref<6400x128xf32, #tpu.memory_space<vmem>>, vector<3200x128xf32>,
    return
  }
  func.func @transform_0(%arg0: i32) -> (i32, i32) {
    %mul3A = arith.constant 2 : i32
    %mul3A_0 = arith.muli %mul3A, %arg0 : i32
    %c0_i32 = arith.constant 0 : i32
    %c0_i32_1 = arith.constant 0 : i32
    return %mul3A_0, %c0_i32 : i32, i32
  }
  func.func @transform_1(%arg0: i32) -> (i32, i32) {
    %mul3A = arith.constant 2 : i32
    %mul3A_0 = arith.muli %mul3A, %arg0 : i32
    %add3A = arith.constant 1 : i32
    %add3A_1 = arith.addi %mul3A_0, %add3A : i32
    %c0_i32 = arith.constant 0 : i32
    %c0_i32_2 = arith.constant 0 : i32
    return %add3A_1, %c0_i32 : i32, i32
  }
  func.func @transform_2(%arg0: i32) -> (i32, i32) {
    %c0_i32 = arith.constant 0 : i32
    %c0_i32_0 = arith.constant 0 : i32
    %c0_i32_1 = arith.constant 0 : i32
    return %c0_i32, %c0_i32_0 : i32, i32
  }
  func.func @transform_3(%arg0: i32) -> (i32, i32) {
    %c0_i32 = arith.constant 0 : i32
    %c0_i32_0 = arith.constant 0 : i32
    %c0_i32_1 = arith.constant 0 : i32
    return %c0_i32, %c0_i32_0 : i32, i32
  }
  func.func @transform_4(%arg0: i32) -> (i32, i32) {
    %c0_i32 = arith.constant 0 : i32
    %c0_i32_0 = arith.constant 0 : i32
    %c0_i32_1 = arith.constant 0 : i32
    return %c0_i32, %c0_i32_0 : i32, i32
  }
  func.func @transform_6(%arg0: i32) -> (i32, i32) {
    %add3A = arith.constant 20 : i32
    %add3A_0 = arith.addi %add3A, %arg0 : i32
    %c0_i32 = arith.constant 0 : i32
    %c0_i32_1 = arith.constant 0 : i32
    return %add3A_0, %c0_i32 : i32, i32
  }
}

module attributes {stable_mosaic.version = 14 : i64} {
  func.func @body(%arg0: i32, %arg1: memref<3200x128xf32, #tpu.memory_space<vmem>>, %arg2: memref<3200x128xf32, #tpu.memory_space<vmem>>, %arg3: memref<3200x128xf32, #tpu.memory_space<vmem>>, %arg4: memref<1x128xf32, #tpu.memory_space<vmem>>, %arg5: memref<1x128xf32, #tpu.memory_space<vmem>>, %arg6: memref<204800x128xf32, #tpu.memory_space<any>>, %arg7: memref<6400x128xf32, #tpu.memory_space<vmem>>) attributes {dimension_semantics = [#tpu.dimension_semantics<arbitrary>], iteration_bounds = array<i64: 4>, scalar_prefetch = 0 : i64, scratch_operands = 0 : i64, tpu.core_type = #tpu.core_type<tc>, window_params = [{transform_indices = @transform_0, window_bounds = array<i64: 3200, 128>}, {transform_indices = @transform_1, window_bounds = array<i64: 3200, 128>}, {pipeline_mode = #tpu.pipeline_mode<synchronous>, transform_indices = @transform_2, window_bounds = array<i64: 3200, 128>}, {pipeline_mode = #tpu.pipeline_mode<synchronous>, transform_indices = @transform_3, window_bounds = array<i64: 1, 128>}, {pipeline_mode = #tpu.pipeline_mode<synchronous>, transform_indices = @transform_4, window_bounds = array<i64: 1, 128>}, {}, {transform_indices = @transform_6, window_bounds = array<i64: 6400, 128>}]} {
    %get3A = arith.constant 0 : index
    %get3A_0 = arith.constant 0 : index
    %get3A_1 = vector.load %arg4[%get3A, %get3A_0] : memref<1x128xf32, #tpu.memory_space<vmem>>, vector<1x128xf32>
    %squeeze3A = vector.shape_cast %get3A_1 : vector<1x128xf32> to vector<128xf32>
    %get3A_2 = arith.constant 0 : index
    %get3A_3 = arith.constant 0 : index
    %get3A_4 = vector.load %arg5[%get3A_2, %get3A_3] : memref<1x128xf32, #tpu.memory_space<vmem>>, vector<1x128xf32>
    %squeeze3A_5 = vector.shape_cast %get3A_4 : vector<1x128xf32> to vector<128xf32>
    %get3A_6 = arith.constant 0 : index
    %get3A_7 = arith.constant 0 : index
    %get3A_8 = vector.load %arg1[%get3A_6, %get3A_7] : memref<3200x128xf32, #tpu.memory_space<vmem>>, vector<3200x128xf32>
    %get3A_9 = arith.constant 0 : index
    %get3A_10 = arith.constant 0 : index
    %get3A_11 = vector.load %arg3[%get3A_9, %get3A_10] : memref<3200x128xf32, #tpu.memory_space<vmem>>, vector<3200x128xf32>
    %add3A = arith.addf %get3A_8, %get3A_11 : vector<3200x128xf32>
    %reduce_sum3A = arith.constant dense<0.000000e+00> : vector<3200xf32>
    %reduce_sum3A_12 = vector.multi_reduction <add>, %add3A, %reduce_sum3A [1] : vector<3200x128xf32> to vector<3200xf32>
    %broadcast_in_dim3A = vector.shape_cast %reduce_sum3A_12 : vector<3200xf32> to vector<3200x1xf32>
    %mul3A = arith.constant 7.812500e-03 : f32
    %mul3A_13 = vector.broadcast %mul3A : f32 to vector<3200x1xf32>
    %mul3A_14 = arith.mulf %broadcast_in_dim3A, %mul3A_13 : vector<3200x1xf32>
    %mul3A_15 = arith.mulf %add3A, %add3A : vector<3200x128xf32>
    %reduce_sum3A_16 = arith.constant dense<0.000000e+00> : vector<3200xf32>
    %reduce_sum3A_17 = vector.multi_reduction <add>, %mul3A_15, %reduce_sum3A_16 [1] : vector<3200x128xf32> to vector<3200xf32>
    %broadcast_in_dim3A_18 = vector.shape_cast %reduce_sum3A_17 : vector<3200xf32> to vector<3200x1xf32>
    %mul3A_19 = arith.constant 7.812500e-03 : f32
    %mul3A_20 = vector.broadcast %mul3A_19 : f32 to vector<3200x1xf32>
    %mul3A_21 = arith.mulf %broadcast_in_dim3A_18, %mul3A_20 : vector<3200x1xf32>
    %mul3A_22 = arith.mulf %mul3A_14, %mul3A_14 : vector<3200x1xf32>
    %sub3A = arith.subf %mul3A_21, %mul3A_22 : vector<3200x1xf32>
    %add3A_23 = arith.constant 9.99999996E-13 : f32
    %add3A_24 = vector.broadcast %add3A_23 : f32 to vector<3200x1xf32>
    %add3A_25 = arith.addf %sub3A, %add3A_24 : vector<3200x1xf32>
    %rsqrt3A = math.rsqrt %add3A_25 : vector<3200x1xf32>
    %sub3A_26 = vector.broadcast %mul3A_14 : vector<3200x1xf32> to vector<3200x128xf32>
    %sub3A_27 = arith.subf %add3A, %sub3A_26 : vector<3200x128xf32>
    %broadcast_in_dim3A_28 = vector.shape_cast %squeeze3A : vector<128xf32> to vector<1x128xf32>
    %mul3A_29 = vector.broadcast %rsqrt3A : vector<3200x1xf32> to vector<3200x128xf32>
    %mul3A_30 = vector.broadcast %broadcast_in_dim3A_28 : vector<1x128xf32> to vector<3200x128xf32>
    %mul3A_31 = arith.mulf %mul3A_29, %mul3A_30 : vector<3200x128xf32>
    %mul3A_32 = arith.mulf %sub3A_27, %mul3A_31 : vector<3200x128xf32>
    %broadcast_in_dim3A_33 = vector.shape_cast %squeeze3A_5 : vector<128xf32> to vector<1x128xf32>
    %add3A_34 = vector.broadcast %broadcast_in_dim3A_33 : vector<1x128xf32> to vector<3200x128xf32>
    %add3A_35 = arith.addf %mul3A_32, %add3A_34 : vector<3200x128xf32>
    %swap3A = arith.constant 0 : index
    %swap3A_36 = arith.constant 0 : index
    %swap3A_37 = vector.load %arg7[%swap3A, %swap3A_36] : memref<6400x128xf32, #tpu.memory_space<vmem>>, vector<3200x128xf32>
    tpu.vector_store %arg7[%swap3A, %swap3A_36], %add3A_35 {strides = array<i32>} : memref<6400x128xf32, #tpu.memory_space<vmem>>, vector<3200x128xf32>,
    %get3A_38 = arith.constant 0 : index
    %get3A_39 = arith.constant 0 : index
    %get3A_40 = vector.load %arg2[%get3A_38, %get3A_39] : memref<3200x128xf32, #tpu.memory_space<vmem>>, vector<3200x128xf32>
    %get3A_41 = arith.constant 0 : index
    %get3A_42 = arith.constant 0 : index
    %get3A_43 = vector.load %arg3[%get3A_41, %get3A_42] : memref<3200x128xf32, #tpu.memory_space<vmem>>, vector<3200x128xf32>
    %add3A_44 = arith.addf %get3A_40, %get3A_43 : vector<3200x128xf32>
    %reduce_sum3A_45 = arith.constant dense<0.000000e+00> : vector<3200xf32>
    %reduce_sum3A_46 = vector.multi_reduction <add>, %add3A_44, %reduce_sum3A_45 [1] : vector<3200x128xf32> to vector<3200xf32>
    %broadcast_in_dim3A_47 = vector.shape_cast %reduce_sum3A_46 : vector<3200xf32> to vector<3200x1xf32>
    %mul3A_48 = arith.constant 7.812500e-03 : f32
    %mul3A_49 = vector.broadcast %mul3A_48 : f32 to vector<3200x1xf32>
    %mul3A_50 = arith.mulf %broadcast_in_dim3A_47, %mul3A_49 : vector<3200x1xf32>
    %mul3A_51 = arith.mulf %add3A_44, %add3A_44 : vector<3200x128xf32>
    %reduce_sum3A_52 = arith.constant dense<0.000000e+00> : vector<3200xf32>
    %reduce_sum3A_53 = vector.multi_reduction <add>, %mul3A_51, %reduce_sum3A_52 [1] : vector<3200x128xf32> to vector<3200xf32>
    %broadcast_in_dim3A_54 = vector.shape_cast %reduce_sum3A_53 : vector<3200xf32> to vector<3200x1xf32>
    %mul3A_55 = arith.constant 7.812500e-03 : f32
    %mul3A_56 = vector.broadcast %mul3A_55 : f32 to vector<3200x1xf32>
    %mul3A_57 = arith.mulf %broadcast_in_dim3A_54, %mul3A_56 : vector<3200x1xf32>
    %mul3A_58 = arith.mulf %mul3A_50, %mul3A_50 : vector<3200x1xf32>
    %sub3A_59 = arith.subf %mul3A_57, %mul3A_58 : vector<3200x1xf32>
    %add3A_60 = arith.constant 9.99999996E-13 : f32
    %add3A_61 = vector.broadcast %add3A_60 : f32 to vector<3200x1xf32>
    %add3A_62 = arith.addf %sub3A_59, %add3A_61 : vector<3200x1xf32>
    %rsqrt3A_63 = math.rsqrt %add3A_62 : vector<3200x1xf32>
    %sub3A_64 = vector.broadcast %mul3A_50 : vector<3200x1xf32> to vector<3200x128xf32>
    %sub3A_65 = arith.subf %add3A_44, %sub3A_64 : vector<3200x128xf32>
    %broadcast_in_dim3A_66 = vector.shape_cast %squeeze3A : vector<128xf32> to vector<1x128xf32>
    %mul3A_67 = vector.broadcast %rsqrt3A_63 : vector<3200x1xf32> to vector<3200x128xf32>
    %mul3A_68 = vector.broadcast %broadcast_in_dim3A_66 : vector<1x128xf32> to vector<3200x128xf32>
    %mul3A_69 = arith.mulf %mul3A_67, %mul3A_68 : vector<3200x128xf32>
    %mul3A_70 = arith.mulf %sub3A_65, %mul3A_69 : vector<3200x128xf32>
    %broadcast_in_dim3A_71 = vector.shape_cast %squeeze3A_5 : vector<128xf32> to vector<1x128xf32>
    %add3A_72 = vector.broadcast %broadcast_in_dim3A_71 : vector<1x128xf32> to vector<3200x128xf32>
    %add3A_73 = arith.addf %mul3A_70, %add3A_72 : vector<3200x128xf32>
    %swap3A_74 = arith.constant 3200 : index
    %swap3A_75 = arith.constant 0 : index
    %swap3A_76 = vector.load %arg7[%swap3A_74, %swap3A_75] : memref<6400x128xf32, #tpu.memory_space<vmem>>, vector<3200x128xf32>
    tpu.vector_store %arg7[%swap3A_74, %swap3A_75], %add3A_73 {strides = array<i32>} : memref<6400x128xf32, #tpu.memory_space<vmem>>, vector<3200x128xf32>,
    return
  }
  func.func @transform_0(%arg0: i32) -> (i32, i32) {
    %mul3A = arith.constant 2 : i32
    %mul3A_0 = arith.muli %mul3A, %arg0 : i32
    %c0_i32 = arith.constant 0 : i32
    %c0_i32_1 = arith.constant 0 : i32
    return %mul3A_0, %c0_i32 : i32, i32
  }
  func.func @transform_1(%arg0: i32) -> (i32, i32) {
    %mul3A = arith.constant 2 : i32
    %mul3A_0 = arith.muli %mul3A, %arg0 : i32
    %add3A = arith.constant 1 : i32
    %add3A_1 = arith.addi %mul3A_0, %add3A : i32
    %c0_i32 = arith.constant 0 : i32
    %c0_i32_2 = arith.constant 0 : i32
    return %add3A_1, %c0_i32 : i32, i32
  }
  func.func @transform_2(%arg0: i32) -> (i32, i32) {
    %c0_i32 = arith.constant 0 : i32
    %c0_i32_0 = arith.constant 0 : i32
    %c0_i32_1 = arith.constant 0 : i32
    return %c0_i32, %c0_i32_0 : i32, i32
  }
  func.func @transform_3(%arg0: i32) -> (i32, i32) {
    %c0_i32 = arith.constant 0 : i32
    %c0_i32_0 = arith.constant 0 : i32
    %c0_i32_1 = arith.constant 0 : i32
    return %c0_i32, %c0_i32_0 : i32, i32
  }
  func.func @transform_4(%arg0: i32) -> (i32, i32) {
    %c0_i32 = arith.constant 0 : i32
    %c0_i32_0 = arith.constant 0 : i32
    %c0_i32_1 = arith.constant 0 : i32
    return %c0_i32, %c0_i32_0 : i32, i32
  }
  func.func @transform_6(%arg0: i32) -> (i32, i32) {
    %add3A = arith.constant 24 : i32
    %add3A_0 = arith.addi %add3A, %arg0 : i32
    %c0_i32 = arith.constant 0 : i32
    %c0_i32_1 = arith.constant 0 : i32
    return %add3A_0, %c0_i32 : i32, i32
  }
}

module attributes {stable_mosaic.version = 14 : i64} {
  func.func @body(%arg0: i32, %arg1: memref<3200x128xf32, #tpu.memory_space<vmem>>, %arg2: memref<3200x128xf32, #tpu.memory_space<vmem>>, %arg3: memref<3200x128xf32, #tpu.memory_space<vmem>>, %arg4: memref<1x128xf32, #tpu.memory_space<vmem>>, %arg5: memref<1x128xf32, #tpu.memory_space<vmem>>, %arg6: memref<204800x128xf32, #tpu.memory_space<any>>, %arg7: memref<6400x128xf32, #tpu.memory_space<vmem>>) attributes {dimension_semantics = [#tpu.dimension_semantics<arbitrary>], iteration_bounds = array<i64: 4>, scalar_prefetch = 0 : i64, scratch_operands = 0 : i64, tpu.core_type = #tpu.core_type<tc>, window_params = [{transform_indices = @transform_0, window_bounds = array<i64: 3200, 128>}, {transform_indices = @transform_1, window_bounds = array<i64: 3200, 128>}, {pipeline_mode = #tpu.pipeline_mode<synchronous>, transform_indices = @transform_2, window_bounds = array<i64: 3200, 128>}, {pipeline_mode = #tpu.pipeline_mode<synchronous>, transform_indices = @transform_3, window_bounds = array<i64: 1, 128>}, {pipeline_mode = #tpu.pipeline_mode<synchronous>, transform_indices = @transform_4, window_bounds = array<i64: 1, 128>}, {}, {transform_indices = @transform_6, window_bounds = array<i64: 6400, 128>}]} {
    %get3A = arith.constant 0 : index
    %get3A_0 = arith.constant 0 : index
    %get3A_1 = vector.load %arg4[%get3A, %get3A_0] : memref<1x128xf32, #tpu.memory_space<vmem>>, vector<1x128xf32>
    %squeeze3A = vector.shape_cast %get3A_1 : vector<1x128xf32> to vector<128xf32>
    %get3A_2 = arith.constant 0 : index
    %get3A_3 = arith.constant 0 : index
    %get3A_4 = vector.load %arg5[%get3A_2, %get3A_3] : memref<1x128xf32, #tpu.memory_space<vmem>>, vector<1x128xf32>
    %squeeze3A_5 = vector.shape_cast %get3A_4 : vector<1x128xf32> to vector<128xf32>
    %get3A_6 = arith.constant 0 : index
    %get3A_7 = arith.constant 0 : index
    %get3A_8 = vector.load %arg1[%get3A_6, %get3A_7] : memref<3200x128xf32, #tpu.memory_space<vmem>>, vector<3200x128xf32>
    %get3A_9 = arith.constant 0 : index
    %get3A_10 = arith.constant 0 : index
    %get3A_11 = vector.load %arg3[%get3A_9, %get3A_10] : memref<3200x128xf32, #tpu.memory_space<vmem>>, vector<3200x128xf32>
    %add3A = arith.addf %get3A_8, %get3A_11 : vector<3200x128xf32>
    %reduce_sum3A = arith.constant dense<0.000000e+00> : vector<3200xf32>
    %reduce_sum3A_12 = vector.multi_reduction <add>, %add3A, %reduce_sum3A [1] : vector<3200x128xf32> to vector<3200xf32>
    %broadcast_in_dim3A = vector.shape_cast %reduce_sum3A_12 : vector<3200xf32> to vector<3200x1xf32>
    %mul3A = arith.constant 7.812500e-03 : f32
    %mul3A_13 = vector.broadcast %mul3A : f32 to vector<3200x1xf32>
    %mul3A_14 = arith.mulf %broadcast_in_dim3A, %mul3A_13 : vector<3200x1xf32>
    %mul3A_15 = arith.mulf %add3A, %add3A : vector<3200x128xf32>
    %reduce_sum3A_16 = arith.constant dense<0.000000e+00> : vector<3200xf32>
    %reduce_sum3A_17 = vector.multi_reduction <add>, %mul3A_15, %reduce_sum3A_16 [1] : vector<3200x128xf32> to vector<3200xf32>
    %broadcast_in_dim3A_18 = vector.shape_cast %reduce_sum3A_17 : vector<3200xf32> to vector<3200x1xf32>
    %mul3A_19 = arith.constant 7.812500e-03 : f32
    %mul3A_20 = vector.broadcast %mul3A_19 : f32 to vector<3200x1xf32>
    %mul3A_21 = arith.mulf %broadcast_in_dim3A_18, %mul3A_20 : vector<3200x1xf32>
    %mul3A_22 = arith.mulf %mul3A_14, %mul3A_14 : vector<3200x1xf32>
    %sub3A = arith.subf %mul3A_21, %mul3A_22 : vector<3200x1xf32>
    %add3A_23 = arith.constant 9.99999996E-13 : f32
    %add3A_24 = vector.broadcast %add3A_23 : f32 to vector<3200x1xf32>
    %add3A_25 = arith.addf %sub3A, %add3A_24 : vector<3200x1xf32>
    %rsqrt3A = math.rsqrt %add3A_25 : vector<3200x1xf32>
    %sub3A_26 = vector.broadcast %mul3A_14 : vector<3200x1xf32> to vector<3200x128xf32>
    %sub3A_27 = arith.subf %add3A, %sub3A_26 : vector<3200x128xf32>
    %broadcast_in_dim3A_28 = vector.shape_cast %squeeze3A : vector<128xf32> to vector<1x128xf32>
    %mul3A_29 = vector.broadcast %rsqrt3A : vector<3200x1xf32> to vector<3200x128xf32>
    %mul3A_30 = vector.broadcast %broadcast_in_dim3A_28 : vector<1x128xf32> to vector<3200x128xf32>
    %mul3A_31 = arith.mulf %mul3A_29, %mul3A_30 : vector<3200x128xf32>
    %mul3A_32 = arith.mulf %sub3A_27, %mul3A_31 : vector<3200x128xf32>
    %broadcast_in_dim3A_33 = vector.shape_cast %squeeze3A_5 : vector<128xf32> to vector<1x128xf32>
    %add3A_34 = vector.broadcast %broadcast_in_dim3A_33 : vector<1x128xf32> to vector<3200x128xf32>
    %add3A_35 = arith.addf %mul3A_32, %add3A_34 : vector<3200x128xf32>
    %swap3A = arith.constant 0 : index
    %swap3A_36 = arith.constant 0 : index
    %swap3A_37 = vector.load %arg7[%swap3A, %swap3A_36] : memref<6400x128xf32, #tpu.memory_space<vmem>>, vector<3200x128xf32>
    tpu.vector_store %arg7[%swap3A, %swap3A_36], %add3A_35 {strides = array<i32>} : memref<6400x128xf32, #tpu.memory_space<vmem>>, vector<3200x128xf32>,
    %get3A_38 = arith.constant 0 : index
    %get3A_39 = arith.constant 0 : index
    %get3A_40 = vector.load %arg2[%get3A_38, %get3A_39] : memref<3200x128xf32, #tpu.memory_space<vmem>>, vector<3200x128xf32>
    %get3A_41 = arith.constant 0 : index
    %get3A_42 = arith.constant 0 : index
    %get3A_43 = vector.load %arg3[%get3A_41, %get3A_42] : memref<3200x128xf32, #tpu.memory_space<vmem>>, vector<3200x128xf32>
    %add3A_44 = arith.addf %get3A_40, %get3A_43 : vector<3200x128xf32>
    %reduce_sum3A_45 = arith.constant dense<0.000000e+00> : vector<3200xf32>
    %reduce_sum3A_46 = vector.multi_reduction <add>, %add3A_44, %reduce_sum3A_45 [1] : vector<3200x128xf32> to vector<3200xf32>
    %broadcast_in_dim3A_47 = vector.shape_cast %reduce_sum3A_46 : vector<3200xf32> to vector<3200x1xf32>
    %mul3A_48 = arith.constant 7.812500e-03 : f32
    %mul3A_49 = vector.broadcast %mul3A_48 : f32 to vector<3200x1xf32>
    %mul3A_50 = arith.mulf %broadcast_in_dim3A_47, %mul3A_49 : vector<3200x1xf32>
    %mul3A_51 = arith.mulf %add3A_44, %add3A_44 : vector<3200x128xf32>
    %reduce_sum3A_52 = arith.constant dense<0.000000e+00> : vector<3200xf32>
    %reduce_sum3A_53 = vector.multi_reduction <add>, %mul3A_51, %reduce_sum3A_52 [1] : vector<3200x128xf32> to vector<3200xf32>
    %broadcast_in_dim3A_54 = vector.shape_cast %reduce_sum3A_53 : vector<3200xf32> to vector<3200x1xf32>
    %mul3A_55 = arith.constant 7.812500e-03 : f32
    %mul3A_56 = vector.broadcast %mul3A_55 : f32 to vector<3200x1xf32>
    %mul3A_57 = arith.mulf %broadcast_in_dim3A_54, %mul3A_56 : vector<3200x1xf32>
    %mul3A_58 = arith.mulf %mul3A_50, %mul3A_50 : vector<3200x1xf32>
    %sub3A_59 = arith.subf %mul3A_57, %mul3A_58 : vector<3200x1xf32>
    %add3A_60 = arith.constant 9.99999996E-13 : f32
    %add3A_61 = vector.broadcast %add3A_60 : f32 to vector<3200x1xf32>
    %add3A_62 = arith.addf %sub3A_59, %add3A_61 : vector<3200x1xf32>
    %rsqrt3A_63 = math.rsqrt %add3A_62 : vector<3200x1xf32>
    %sub3A_64 = vector.broadcast %mul3A_50 : vector<3200x1xf32> to vector<3200x128xf32>
    %sub3A_65 = arith.subf %add3A_44, %sub3A_64 : vector<3200x128xf32>
    %broadcast_in_dim3A_66 = vector.shape_cast %squeeze3A : vector<128xf32> to vector<1x128xf32>
    %mul3A_67 = vector.broadcast %rsqrt3A_63 : vector<3200x1xf32> to vector<3200x128xf32>
    %mul3A_68 = vector.broadcast %broadcast_in_dim3A_66 : vector<1x128xf32> to vector<3200x128xf32>
    %mul3A_69 = arith.mulf %mul3A_67, %mul3A_68 : vector<3200x128xf32>
    %mul3A_70 = arith.mulf %sub3A_65, %mul3A_69 : vector<3200x128xf32>
    %broadcast_in_dim3A_71 = vector.shape_cast %squeeze3A_5 : vector<128xf32> to vector<1x128xf32>
    %add3A_72 = vector.broadcast %broadcast_in_dim3A_71 : vector<1x128xf32> to vector<3200x128xf32>
    %add3A_73 = arith.addf %mul3A_70, %add3A_72 : vector<3200x128xf32>
    %swap3A_74 = arith.constant 3200 : index
    %swap3A_75 = arith.constant 0 : index
    %swap3A_76 = vector.load %arg7[%swap3A_74, %swap3A_75] : memref<6400x128xf32, #tpu.memory_space<vmem>>, vector<3200x128xf32>
    tpu.vector_store %arg7[%swap3A_74, %swap3A_75], %add3A_73 {strides = array<i32>} : memref<6400x128xf32, #tpu.memory_space<vmem>>, vector<3200x128xf32>,
    return
  }
  func.func @transform_0(%arg0: i32) -> (i32, i32) {
    %mul3A = arith.constant 2 : i32
    %mul3A_0 = arith.muli %mul3A, %arg0 : i32
    %c0_i32 = arith.constant 0 : i32
    %c0_i32_1 = arith.constant 0 : i32
    return %mul3A_0, %c0_i32 : i32, i32
  }
  func.func @transform_1(%arg0: i32) -> (i32, i32) {
    %mul3A = arith.constant 2 : i32
    %mul3A_0 = arith.muli %mul3A, %arg0 : i32
    %add3A = arith.constant 1 : i32
    %add3A_1 = arith.addi %mul3A_0, %add3A : i32
    %c0_i32 = arith.constant 0 : i32
    %c0_i32_2 = arith.constant 0 : i32
    return %add3A_1, %c0_i32 : i32, i32
  }
  func.func @transform_2(%arg0: i32) -> (i32, i32) {
    %c0_i32 = arith.constant 0 : i32
    %c0_i32_0 = arith.constant 0 : i32
    %c0_i32_1 = arith.constant 0 : i32
    return %c0_i32, %c0_i32_0 : i32, i32
  }
  func.func @transform_3(%arg0: i32) -> (i32, i32) {
    %c0_i32 = arith.constant 0 : i32
    %c0_i32_0 = arith.constant 0 : i32
    %c0_i32_1 = arith.constant 0 : i32
    return %c0_i32, %c0_i32_0 : i32, i32
  }
  func.func @transform_4(%arg0: i32) -> (i32, i32) {
    %c0_i32 = arith.constant 0 : i32
    %c0_i32_0 = arith.constant 0 : i32
    %c0_i32_1 = arith.constant 0 : i32
    return %c0_i32, %c0_i32_0 : i32, i32
  }
  func.func @transform_6(%arg0: i32) -> (i32, i32) {
    %add3A = arith.constant 28 : i32
    %add3A_0 = arith.addi %add3A, %arg0 : i32
    %c0_i32 = arith.constant 0 : i32
    %c0_i32_1 = arith.constant 0 : i32
    return %add3A_0, %c0_i32 : i32, i32
  }
}

</mosaic_0001>

<sc_bundles>
// kernel: kernel.18.cloned.1.call-start
scs
__scs_entry_jumppad:
0x0: {  	(pc) =	sbr.rel $0x88, $3  }
0x1: {  	(tag) =	ssettag $0x0;
	lr =	simm.s32 $0x1  }
0x2: {  	[smem:$0x3F9C] =	sst lr;
	_ =	strace $0xD0000000  }
0x3: {  	_ = 	snop  }
0x4: {  	_ = 	snop  }
0x5: {  	_ = 	snop  }
0x6: {  	_ = 	snop  }
0x7: {  	_ = 	snop  }
__scs_overlays_trampoline_lowered:
0x8: {  	[smem:$0x3FAB] =	sst s0  }
0x9: {  	[smem:$0x3FAC] =	sst s1  }
0xa: {  	[smem:$0x3FAD] =	sst s2  }
0xb: {  	[smem:$0x3FAE] =	sst s3  }
0xc: {  	[smem:$0x3FAF] =	sst s4  }
0xd: {  	[smem:$0x3FB0] =	sst s5  }
0xe: {  	[smem:$0x3FB1] =	sst s6  }
0xf: {  	[smem:$0x3FB2] =	sst s7  }
0x10: {  	[smem:$0x3FB3] =	sst s8  }
0x11: {  	[smem:$0x3FB4] =	sst s9;
	s0 =	simm.s32 @!p0 $0x0  }
0x12: {  	s1 =	sld [smem:$0x3F9A];
	s0 =	simm.s32 @p0 $0x1  }
0x13: {  	[smem:$0x3FB5] =	sst s0;
	s0 =	simm.s32 @!p1 $0x0  }
0x14: {  	s2 =	sld [smem:$0x3F99];
	s0 =	simm.s32 @p1 $0x1  }
0x15: {  	[smem:$0x3FB6] =	sst s0;
	s0 =	simm.s32 @!p2 $0x0  }
0x16: {  	s3 =	sld [smem:$0x3FDB];
	s0 =	simm.s32 @p2 $0x1  }
0x17: {  	s4 =	simm.s32 $0x1BF5;
	[smem:$0x3FB8] =	sst s0  }
0x18: {  	s0 =	sld [smem:$0x3F9B];
	_ =	swait.ge [sflag:s4], $0x0  }
0x19: {  	s7 =	sld [smem:$0x3F9C]  }
0x1a: {  	s8 =	sadd.s32 $0xFFFFE003, lr  }
0x1b: {  	s9 =	sadd.s32 $0xFFFFFEF7, lr;
	s5 =	simm.s32 $0xFFFFFFFF;
	p2 =	slt.u32 s8, $0xFFFFF086  }
0x1c: {  	p1 =	slt.u32 s9, $0xF7A;
	s5 =	simm.s32 @!p2 $0x0  }
0x1d: {  	s5 =	simm.s32 @p1 $0x1;
	p0 =	seq.s32 s7, s2  }
0x1e: {  	s7 =	smul.u32 @!p0 $0xF7A, s2;
	p2 =	seq.s32 @!p0 s5, $0x0  }
0x1f: {  	s9 =	smul.u32 $0xF7A, s1;
	s8 =	simm.s32 @!p0 $0x1BF5;
	p2 =	por !p2, p0  }
0x20: {  	[sflag:s8] =	ssyncset.s32 @!p0 $0xFFFFF086;
	s6 =	sadd.s32 @!p0 s3, s7;
	s7 =	simm.s32 @!p0 $0x108  }
0x21: {  	s3 =	sadd.s32 s3, s9;
	s6 =	sadd.s32 @!p0 $0x88, s6;
	s7 =	simm.s32 @p2 $0x1082  }
0x22: {  	[simem:s7], [sflag:s8] =	dma.local @!p0 [hbm:s6], $0xF7A  }
0x23: {  	s9 =	sor.u32 $0xD0000000, s2;
	s6 =	simm.s32 $0x108;
	_ =	swait.ge @!p0 [sflag:s8], $0x0  }
0x24: {  	s3 =	sadd.s32 $0x88, s3;
	s6 =	simm.s32 @!p1 $0x1082;
	[sflag:s4] =	ssyncset.s32 $0xFFFFF086  }
0x25: {  	[simem:s6], [sflag:s4] =	dma.local [hbm:s3], $0xF7A  }
0x26: {  	[smem:$0x3F9C] =	sst s1;
	(tag) =	ssettag s2;
	_ =	strace s9  }
0x27: {  	s1 =	sld [smem:$0x3FAC]  }
0x28: {  	s2 =	sld [smem:$0x3FAD]  }
0x29: {  	s4 =	sld [smem:$0x3FAF]  }
0x2a: {  	p0 =	seq.s32 s5, $0x0;
	s5 =	sld [smem:$0x3FB0]  }
0x2b: {  	s6 =	sld [smem:$0x3FB1]  }
0x2c: {  	s7 =	sld [smem:$0x3FB2]  }
0x2d: {  	s3 =	simm.s32 $0x108;
	s8 =	sld [smem:$0x3FB3]  }
0x2e: {  	s3 =	simm.s32 @!p0 $0x1082;
	s9 =	sld [smem:$0x3FB4]  }
0x2f: {  	lr =	sadd.s32 s0, s3;
	s0 =	sld [smem:$0x3FAB]  }
0x30: {  	s3 =	sld [smem:$0x3FAE]  }
0x31: {  	[smem:$0x3FB7] =	sst s10  }
0x32: {  	s10 =	sld [smem:$0x3FB5];
	_ =	sdelay $0x3  }
0x33: {  	p0 =	seq.s32 s10, $0x1;
	s10 =	sld [smem:$0x3FB7];
	_ =	sdelay $0x3  }
0x34: {  	[smem:$0x3FB7] =	sst s10  }
0x35: {  	s10 =	sld [smem:$0x3FB6];
	_ =	sdelay $0x3  }
0x36: {  	p1 =	seq.s32 s10, $0x1;
	s10 =	sld [smem:$0x3FB7];
	_ =	sdelay $0x3  }
0x37: {  	[smem:$0x3FB7] =	sst s10  }
0x38: {  	s10 =	sld [smem:$0x3FB8]  }
0x39: {  	_ = 	snop;
	(pc) =	sbr.ind lr, $3  }
0x3a: {  	_ = 	snop  }
0x3b: {  	_ = 	snop  }
0x3c: {  	p2 =	seq.s32 s10, $0x1;
	s10 =	sld [smem:$0x3FB7]  }
0x3d: {  	_ =	shalt  }
0x3e: {  	_ =	shalt  }
0x3f: {  	_ =	shalt  }
0x40: {  	_ =	shalt  }
0x41: {  	_ =	shalt  }
0x42: {  	_ =	shalt  }
0x43: {  	_ =	shalt  }
0x44: {  	_ =	shalt  }
0x45: {  	_ =	shalt  }
0x46: {  	_ =	shalt  }
0x47: {  	_ =	shalt  }
0x48: {  	_ =	shalt  }
0x49: {  	_ =	shalt  }
0x4a: {  	_ =	shalt  }
0x4b: {  	_ =	shalt  }
0x4c: {  	_ =	shalt  }
0x4d: {  	_ =	shalt  }
0x4e: {  	_ =	shalt  }
0x4f: {  	_ =	shalt  }
0x50: {  	_ =	shalt  }
0x51: {  	_ =	shalt  }
0x52: {  	_ =	shalt  }
0x53: {  	_ =	shalt  }
0x54: {  	_ =	shalt  }
0x55: {  	_ =	shalt  }
0x56: {  	_ =	shalt  }
0x57: {  	_ =	shalt  }
0x58: {  	_ =	shalt  }
0x59: {  	_ =	shalt  }
0x5a: {  	_ =	shalt  }
0x5b: {  	_ =	shalt  }
0x5c: {  	_ =	shalt  }
0x5d: {  	_ =	shalt  }
0x5e: {  	_ =	shalt  }
0x5f: {  	_ =	shalt  }
0x60: {  	_ =	shalt  }
0x61: {  	_ =	shalt  }
0x62: {  	_ =	shalt  }
0x63: {  	_ =	shalt  }
0x64: {  	_ =	shalt  }
0x65: {  	_ =	shalt  }
0x66: {  	_ =	shalt  }
0x67: {  	_ =	shalt  }
0x68: {  	_ =	shalt  }
0x69: {  	_ =	shalt  }
0x6a: {  	_ =	shalt  }
0x6b: {  	_ =	shalt  }
0x6c: {  	_ =	shalt  }
0x6d: {  	_ =	shalt  }
0x6e: {  	_ =	shalt  }
0x6f: {  	_ =	shalt  }
0x70: {  	_ =	shalt  }
0x71: {  	_ =	shalt  }
0x72: {  	_ =	shalt  }
0x73: {  	_ =	shalt  }
0x74: {  	_ =	shalt  }
0x75: {  	_ =	shalt  }
0x76: {  	_ =	shalt  }
0x77: {  	_ =	shalt  }
0x78: {  	_ =	shalt  }
0x79: {  	_ =	shalt  }
0x7a: {  	_ =	shalt  }
0x7b: {  	_ =	shalt  }
0x7c: {  	_ =	shalt  }
0x7d: {  	_ =	shalt  }
0x7e: {  	_ =	shalt  }
0x7f: {  	_ =	shalt  }
0x80: {  	_ =	shalt  }
0x81: {  	_ =	shalt  }
0x82: {  	_ =	shalt  }
0x83: {  	_ =	shalt  }
0x84: {  	_ =	shalt  }
0x85: {  	_ =	shalt  }
0x86: {  	_ =	shalt  }
0x87: {  	_ =	shalt  }
.Lfunc_end0:
.L_simem_size_0:
called_computation_lowered:
.L_overlay_start_0:
0x88: {  	s2 =	sld [smem:$0x3FD9]  }
0x89: {  	s3 =	sld [smem:$0x3FFE];
	_ =	sdelay $0x1  }
0x8a: {  	s1 =	srdreg.scid  }
0x8b: {  	s0 =	sand.u32 $0x1, s1  }
0x8c: {  	s17 =	sshll.u32 s0, $0xA;
	s2 =	sadd.s32 s3, s2  }
0x8d: {  	s2 =	sadd.s32 s2, s17  }
0x8e: {  	[smem:$0x3FC3] =	sst s2  }
0x8f: {  	_ = 	snop  }
0x90: {  	s2 =	sld [smem:$0x3FC8]  }
0x91: {  	s18 =	sld [smem:$0x3FD0];
	(tm) =	ssettm $0x1  }
0x92: {  	s4 =	sld [smem:$0x3FFB];
	_ =	sdelay $0x3  }
0x93: {  	_ =	strace s4  }
0x94: {  	s4 =	sld [smem:$0x3FFC];
	_ =	sdelay $0x3  }
0x95: {  	_ =	strace s4  }
0x96: {  	s4 =	sld [smem:$0x3FFD];
	_ =	sdelay $0x3  }
0x97: {  	_ =	strace s4  }
0x98: {  	_ =	strace $0x8FFFFFFF  }
0x99: {  	s19 =	sld [smem:$0x3FDB];
	_ =	sdelay $0x1  }
0x9a: {  	s5 =	simm.s32 $_scs_section_size  }
0x9b: {  	s6 =	simm.s32 $_size__tile_overlayer_lowered;
	s7 =	simm.s32 $_tile_overlayer_lowered  }
0x9c: {  	s22 =	simm.s32 $0x1BFF;
	s21 =	sshll.u32 s7, $0x1;
	s4 =	sadd.s32 s5, s19  }
0x9d: {  	s8 =	simm.s32 $0x0;
	s20 =	sshll.u32 s6, $0x1;
	s6 =	sadd.s32 s21, s4  }
0x9e: {  	[timem:s8], [sflag:s22] =	dma.local [hbm:s6], s20  }
0x9f: {  	_ =	swait.ge [sflag:s22], s20  }
0xa0: {  	s5 =	ssub.s32 $0x0, s20;
	[sflag:s22] =	ssyncset.done $0x0  }
0xa1: {  	[sflag:s22] =	ssyncadd.s32 s5;
	_ =	sdelay $0x1  }
0xa2: {  	s23 =	simm.s32 $0x1B8B  }
0xa3: {  	_ =	swait.ge [sflag:s23], $0x1  }
0xa4: {  	[sflag:s23] =	ssyncset.done $0x0  }
0xa5: {  	s25 =	simm.s32 $0x1B8E;
	s24 =	sld [smem:$0x3FFE];
	[sflag:s23] =	ssyncadd.s32 $0xFFFFFFFF  }
0xa6: {  	s26 =	simm.s32 $execute0_lowered;
	[smem:$0x3FD2] =	sst s25  }
0xa7: {  	s6 =	sshll.u32 s26, $0x1;
	_ =	strace $0x80000046;
	[dreg:$0x1] =	wrdreg $0xFFFFFFFF  }
0xa8: {  	s28 =	simm.s32 $_size_execute0_lowered;
	s4 =	sadd.s32 s4, s6;
	[dreg:$0x0] =	wrdreg $0x0  }
0xa9: {  	s6 =	sshll.u32 s28, $0x1;
	[dreg:$0x2] =	wrdreg s4  }
0xaa: {  	[dreg:$0x3] =	wrdreg s6  }
0xab: {  	[dreg:$0x4] =	wrdreg $0xC0  }
0xac: {  	_ =	task [dreg:s8], $0x5FFFF  }
0xad: {  	[dreg:$0x1] =	wrdreg $0xFFFFFFFF  }
0xae: {  	[dreg:$0x0] =	wrdreg $0x60  }
0xaf: {  	[dreg:$0x2] =	wrdreg s2  }
0xb0: {  	[dreg:$0x3] =	wrdreg s24  }
0xb1: {  	[dreg:$0x4] =	wrdreg s18  }
0xb2: {  	[dreg:$0x5] =	wrdreg $0x9  }
0xb3: {  	_ =	task.clear_ibuf [dreg:s8], $0x6FFFF;
	_ =	strace $0x90000046  }
0xb4: {  	s29 =	simm.s32 $0x9;
	_ =	strace $0x80000048  }
0xb5: {  	_ =	swait.ge [sflag:s29], $0x1  }
0xb6: {  	[sflag:s29] =	ssyncadd.s32 $0xFFFFFFFF  }
0xb7: {  	_ =	strace $0x90000048  }
0xb8: {  	_ =	sfence  }
0xb9: {  	s30 =	sld [smem:$0x0];
	_ =	sdelay $0x2  }
0xba: {  	s31 =	sshll.u32 s1, $0xD;
	s1 =	sshrl.u32 s1, $0x2  }
0xbb: {  	s3 =	sand.u32 $0x4000, s31;
	s1 =	sadd.s32 s1, s30  }
0xbc: {  	s0 =	sor.u32 s3, s0;
	s1 =	sshll.u32 s1, $0x11  }
0xbd: {  	s0 =	sor.u32 s1, s0  }
0xbe: {  	s0 =	sadd.s32 $0x8F2B, s0  }
0xbf: {  	[sflag:s0] =	ssyncadd.remote.s32 $0x1  }
0xc0: {  	_ =	sfence.sel $0xFFFF  }
0xc1: {  	[dreg:$0x0] =	wrdreg $0xFFFFFFFF;
	(pc) =	sbr.abs _section_cstart, $3  }
0xc2: {  	[dreg:$0x1] =	wrdreg $0xFFFFFFFF  }
0xc3: {  	_ =	task.clear_ibuf [dreg:s8], $0x2FFFF;
	_ =	strace $0x9FFFFFFF  }
0xc4: {  	(tm) =	ssettm $0x7FFFFFFF  }
0xc5: {  	_ =	shalt  }
tec
execute0_lowered:
.L_overlay_start_1:
0x0: {  	(tag) =	ssettag $0x1  }
0x1: {  	s1 =	srdreg.scid;
	s0 =	stileid.u32  }
0x2: {  	s2 =	rddreg [dreg:$0x0];
	s29 =	sand.u32 $0x1, s1;
	s26 =	sshll.u32 s0, $0x1  }
0x3: {  	s4 =	rddreg [dreg:$0x1];
	s13 =	sor.u32 s29, s26  }
0x4: {  	s16 =	rddreg [dreg:$0x2];
	s5 =	smul.u32 $0x64, s13  }
0x5: {  	s3 =	simm.s32 $0x0;
	s1 =	rddreg [dreg:$0x3]  }
0x6: {  	[smem:$0x7FF] =	sst s3;
	s4 =	sadd.s32 s5, s4  }
0x7: {  	_ =	strace $0x80000047;
	s5 =	simm.s32 $0xB;
	s4 =	sadd.s32 $0x3C00, s4  }
0x8: {  	[tilespmem:s3], [sflag:$0xB] =	stream.linear.gather [hbm4b:s4+s3], $0x320, $0x38;
	[tilespmem:$0x19380] =	vst v63  }
0x9: {  	_ =	swait.ge [sflag:s5], $0x320  }
0xa: {  	[sflag:s5] =	ssyncset.done $0x0  }
0xb: {  	s6 =	simm.s32 $0xA0;
	s7 =	simm.s32 $0x380;
	[sflag:s5] =	ssyncadd.s32 $0xFFFFFCE0  }
0xc: {  	[tilespmem:s7], [sflag:$0x1] =	stream.indirect.gather [hbm4b:s2+s6], $0x80, s3, s6, $0xb8;
	[tilespmem:$0x19380] =	vst v63  }
0xd: {  	s8 =	simm.s32 $0x5380  }
0xe: {  	[tilespmem:s8], [sflag:$0x2] =	stream.indirect.gather [hbm4b:s2+s6], $0x80, s6, s6, $0xb8;
	[tilespmem:$0x19380] =	vst v63  }
0xf: {  	s9 =	simm.s32 $0x140;
	s10 =	simm.s32 $0xA380;
	s11 =	simm.s32 $0x1  }
0x10: {  	[tilespmem:s10], [sflag:$0x3] =	stream.indirect.gather [hbm4b:s2+s6], $0x80, s9, s6, $0xb8;
	[tilespmem:$0x19380] =	vst v63  }
0x11: {  	s12 =	smul.u32 $0x3200, s13;
	_ =	swait.ge [sflag:s11], $0x5000  }
0x12: {  	[sflag:s11] =	ssyncset.done $0x0  }
0x13: {  	s14 =	simm.s32 $0xF380;
	s12 =	sadd.s32 s16, s12;
	[sflag:s11] =	ssyncadd.s32 $0xFFFFB000  }
0x14: {  	[hbm4b:s12+s3] =	stream.linear.scatter [tilespmem:s7], [sflag:$0x6], $0x5000, $0x38;
	[tilespmem:$0x19380] =	vst v63  }
0x15: {  	s15 =	simm.s32 $0x2;
	s17 =	smul.u32 $0x19000, s13;
	s13 =	simm.s32 $0x1E0  }
0x16: {  	[tilespmem:s14], [sflag:$0x4] =	stream.indirect.gather [hbm4b:s2+s6], $0x80, s13, s6, $0xb8;
	[tilespmem:$0x19380] =	vst v63  }
0x17: {  	s17 =	sshrl.u32 s17, $0x3;
	_ =	swait.ge [sflag:s15], $0x5000  }
0x18: {  	s24 =	sadd.s32 s16, s17;
	[sflag:s15] =	ssyncset.done $0x0  }
0x19: {  	s16 =	sadd.s32 $0xA00, s24;
	[sflag:s15] =	ssyncadd.s32 $0xFFFFB000  }
0x1a: {  	[hbm4b:s16+s3] =	stream.linear.scatter [tilespmem:s8], [sflag:$0x7], $0x5000, $0x38;
	[tilespmem:$0x19380] =	vst v63  }
0x1b: {  	s18 =	simm.s32 $0x14380;
	s19 =	simm.s32 $0x3;
	s17 =	simm.s32 $0x280  }
0x1c: {  	[tilespmem:s18], [sflag:$0x5] =	stream.indirect.gather [hbm4b:s2+s6], $0x80, s17, s6, $0xb8;
	[tilespmem:$0x19380] =	vst v63  }
0x1d: {  	_ =	swait.ge [sflag:s19], $0x5000  }
0x1e: {  	[sflag:s19] =	ssyncset.done $0x0  }
0x1f: {  	s21 =	simm.s32 $0x4;
	s20 =	sadd.s32 $0x1400, s24;
	[sflag:s19] =	ssyncadd.s32 $0xFFFFB000  }
0x20: {  	[hbm4b:s20+s3] =	stream.linear.scatter [tilespmem:s10], [sflag:$0x8], $0x5000, $0x38;
	[tilespmem:$0x19380] =	vst v63  }
0x21: {  	_ =	swait.ge [sflag:s21], $0x5000  }
0x22: {  	[sflag:s21] =	ssyncset.done $0x0  }
0x23: {  	s23 =	simm.s32 $0x5;
	s22 =	sadd.s32 $0x1E00, s24;
	[sflag:s21] =	ssyncadd.s32 $0xFFFFB000  }
0x24: {  	[hbm4b:s22+s3] =	stream.linear.scatter [tilespmem:s14], [sflag:$0x9], $0x5000, $0x38;
	[tilespmem:$0x19380] =	vst v63  }
0x25: {  	_ =	swait.ge [sflag:s23], $0x5000  }
0x26: {  	[sflag:s23] =	ssyncset.done $0x0  }
0x27: {  	s25 =	simm.s32 $0x6;
	s24 =	sadd.s32 $0x2800, s24;
	[sflag:s23] =	ssyncadd.s32 $0xFFFFB000  }
0x28: {  	[hbm4b:s24+s3] =	stream.linear.scatter [tilespmem:s18], [sflag:$0xA], $0x5000, $0x38;
	[tilespmem:$0x19380] =	vst v63  }
0x29: {  	_ =	swait.ge [sflag:s25], $0x5000  }
0x2a: {  	[sflag:s25] =	ssyncset.done $0x0  }
0x2b: {  	s26 =	simm.s32 $0x7;
	[sflag:s25] =	ssyncadd.s32 $0xFFFFB000  }
0x2c: {  	_ =	swait.ge [sflag:s26], $0x5000  }
0x2d: {  	s30 =	ssub.s32 $0x2, s29;
	[sflag:s26] =	ssyncset.done $0x0  }
0x2e: {  	s28 =	simm.s32 $0x8;
	s31 =	sshrl.u32 s30, $0x1;
	[sflag:s26] =	ssyncadd.s32 $0xFFFFB000  }
0x2f: {  	s30 =	ssub.s32 s30, s31;
	_ =	swait.ge [sflag:s28], $0x5000  }
0x30: {  	s31 =	smax.u32 s30, $0x1;
	[sflag:s28] =	ssyncset.done $0x0  }
0x31: {  	s29 =	simm.s32 $0x9;
	p0 =	sne.s32 s31, $0x1;
	[sflag:s28] =	ssyncadd.s32 $0xFFFFB000  }
.Ltmp0:
0x32: {  	_ =	swait.ge [sflag:s29], $0x5000;
	(pc) =	sbr.rel @!p0 .LBB2_2-.Ltmp0, $4  }
0x33: {  	[sflag:s29] =	ssyncset.done $0x0  }
0x34: {  	s30 =	simm.s32 $0xA;
	[sflag:s29] =	ssyncadd.s32 $0xFFFFB000  }
0x35: {  	_ =	swait.ge [sflag:s30], $0x5000  }
0x36: {  	s31 =	sadd.s32 $0xFFFFFFFF, s31;
	[sflag:s30] =	ssyncset.done $0x0  }
.LBB2_1:
0x37: {  	p0 =	sne.s32 s31, $0x1;
	s31 =	sadd.s32 $0xFFFFFFFF, s31;
	[sflag:s30] =	ssyncadd.s32 $0xFFFFB000  }
0x38: {  	[tilespmem:s3], [sflag:$0xB] =	stream.linear.gather [hbm4b:s4+s3], $0x320, $0x38;
	[tilespmem:$0x19380] =	vst v63  }
0x39: {  	_ =	swait.ge [sflag:s5], $0x320  }
0x3a: {  	[sflag:s5] =	ssyncset.done $0x0  }
0x3b: {  	[sflag:s5] =	ssyncadd.s32 $0xFFFFFCE0  }
0x3c: {  	[tilespmem:s7], [sflag:$0x1] =	stream.indirect.gather [hbm4b:s2+s6], $0x80, s3, s6, $0xb8;
	[tilespmem:$0x19380] =	vst v63  }
0x3d: {  	_ = 	snop  }
0x3e: {  	[tilespmem:s8], [sflag:$0x2] =	stream.indirect.gather [hbm4b:s2+s6], $0x80, s6, s6, $0xb8;
	[tilespmem:$0x19380] =	vst v63  }
0x3f: {  	_ = 	snop  }
0x40: {  	[tilespmem:s10], [sflag:$0x3] =	stream.indirect.gather [hbm4b:s2+s6], $0x80, s9, s6, $0xb8;
	[tilespmem:$0x19380] =	vst v63  }
0x41: {  	_ =	swait.ge [sflag:s11], $0x5000  }
0x42: {  	[sflag:s11] =	ssyncset.done $0x0  }
0x43: {  	[sflag:s11] =	ssyncadd.s32 $0xFFFFB000  }
0x44: {  	[hbm4b:s12+s3] =	stream.linear.scatter [tilespmem:s7], [sflag:$0x6], $0x5000, $0x38;
	[tilespmem:$0x19380] =	vst v63  }
0x45: {  	_ = 	snop  }
0x46: {  	[tilespmem:s14], [sflag:$0x4] =	stream.indirect.gather [hbm4b:s2+s6], $0x80, s13, s6, $0xb8;
	[tilespmem:$0x19380] =	vst v63  }
0x47: {  	_ =	swait.ge [sflag:s15], $0x5000  }
0x48: {  	[sflag:s15] =	ssyncset.done $0x0  }
0x49: {  	[sflag:s15] =	ssyncadd.s32 $0xFFFFB000  }
0x4a: {  	[hbm4b:s16+s3] =	stream.linear.scatter [tilespmem:s8], [sflag:$0x7], $0x5000, $0x38;
	[tilespmem:$0x19380] =	vst v63  }
0x4b: {  	_ = 	snop  }
0x4c: {  	[tilespmem:s18], [sflag:$0x5] =	stream.indirect.gather [hbm4b:s2+s6], $0x80, s17, s6, $0xb8;
	[tilespmem:$0x19380] =	vst v63  }
0x4d: {  	_ =	swait.ge [sflag:s19], $0x5000  }
0x4e: {  	[sflag:s19] =	ssyncset.done $0x0  }
0x4f: {  	[sflag:s19] =	ssyncadd.s32 $0xFFFFB000  }
0x50: {  	[hbm4b:s20+s3] =	stream.linear.scatter [tilespmem:s10], [sflag:$0x8], $0x5000, $0x38;
	[tilespmem:$0x19380] =	vst v63  }
0x51: {  	_ =	swait.ge [sflag:s21], $0x5000  }
0x52: {  	[sflag:s21] =	ssyncset.done $0x0  }
0x53: {  	[sflag:s21] =	ssyncadd.s32 $0xFFFFB000  }
0x54: {  	[hbm4b:s22+s3] =	stream.linear.scatter [tilespmem:s14], [sflag:$0x9], $0x5000, $0x38;
	[tilespmem:$0x19380] =	vst v63  }
0x55: {  	_ =	swait.ge [sflag:s23], $0x5000  }
0x56: {  	[sflag:s23] =	ssyncset.done $0x0  }
0x57: {  	[sflag:s23] =	ssyncadd.s32 $0xFFFFB000  }
0x58: {  	[hbm4b:s24+s3] =	stream.linear.scatter [tilespmem:s18], [sflag:$0xA], $0x5000, $0x38;
	[tilespmem:$0x19380] =	vst v63  }
0x59: {  	_ =	swait.ge [sflag:s25], $0x5000  }
0x5a: {  	[sflag:s25] =	ssyncset.done $0x0  }
0x5b: {  	[sflag:s25] =	ssyncadd.s32 $0xFFFFB000  }
0x5c: {  	_ =	swait.ge [sflag:s26], $0x5000  }
0x5d: {  	[sflag:s26] =	ssyncset.done $0x0  }
0x5e: {  	[sflag:s26] =	ssyncadd.s32 $0xFFFFB000  }
0x5f: {  	_ =	swait.ge [sflag:s28], $0x5000  }
0x60: {  	[sflag:s28] =	ssyncset.done $0x0  }
0x61: {  	[sflag:s28] =	ssyncadd.s32 $0xFFFFB000  }
.Ltmp1:
0x62: {  	_ =	swait.ge [sflag:s29], $0x5000;
	(pc) =	sbr.rel @p0 .LBB2_1-.Ltmp1, $4  }
0x63: {  	[sflag:s29] =	ssyncset.done $0x0  }
0x64: {  	[sflag:s29] =	ssyncadd.s32 $0xFFFFB000  }
0x65: {  	_ =	swait.ge [sflag:s30], $0x5000  }
0x66: {  	[sflag:s30] =	ssyncset.done $0x0  }
.LBB2_2:
0x67: {  	[sflag:s30] =	ssyncadd.s32 $0xFFFFB000  }
0x68: {  	_ =	sfence.sel $0x180000  }
0x69: {  	[bflag:$0x0] =	sbarrier.arrive $0xFFFF  }
0x6a: {  	p0 =	sne.s32 s0, $0x0;
	_ =	strace $0x90000047  }
0x6b: {  	s0 =	sadd.s32 @!p0 $0x100000, s1;
	[bflag:$0x2] =	sbarrier.arrive $0xFFFF  }
0x6c: {  	[sflag:s0] =	ssyncadd.tile.s32 @!p0 $0x1;
	_ =	shalt  }
.Lfunc_end2:
_tile_overlayer_lowered:
.L_overlay_start_2:
0x6d: {  	(tag) =	ssettag $0x2  }
0x6e: {  	s0 =	rddreg [dreg:$0x0];
	s2 =	stileid.u32  }
0x6f: {  	s1 =	rddreg [dreg:$0x1];
	p0 =	sne.s32 s2, $0x0  }
0x70: {  	s3 =	rddreg [dreg:$0x2];
	[bflag:$0x3] =	sbarrier.arrive $0xFFFF;
	s2 =	simm.s32 @!p0 $0x1C0B  }
0x71: {  	[timem:s3], [sflag:s2] =	dma.local @!p0 [hbm:s0], s1  }
0x72: {  	s0 =	simm.s32 @!p0 $0xB  }
0x73: {  	_ =	swait.ge @!p0 [sflag:s0], s1  }
0x74: {  	s1 =	ssub.s32 @!p0 $0x0, s1;
	[sflag:s0] =	ssyncset.done @!p0 $0x0  }
0x75: {  	[sflag:s0] =	ssyncadd.s32 @!p0 s1  }
0x76: {  	[bflag:$0x3] =	sbarrier.arrive $0xFFFF  }
0x77: {  	_ =	shalt  }

// kernel: kernel.21.cloned.1.call-start
scs
__scs_entry_jumppad:
0x0: {  	(pc) =	sbr.rel $0x88, $3  }
0x1: {  	(tag) =	ssettag $0x0;
	lr =	simm.s32 $0x1  }
0x2: {  	[smem:$0x3F9C] =	sst lr;
	_ =	strace $0xD0000000  }
0x3: {  	_ = 	snop  }
0x4: {  	_ = 	snop  }
0x5: {  	_ = 	snop  }
0x6: {  	_ = 	snop  }
0x7: {  	_ = 	snop  }
__scs_overlays_trampoline_lowered:
0x8: {  	[smem:$0x3FAB] =	sst s0  }
0x9: {  	[smem:$0x3FAC] =	sst s1  }
0xa: {  	[smem:$0x3FAD] =	sst s2  }
0xb: {  	[smem:$0x3FAE] =	sst s3  }
0xc: {  	[smem:$0x3FAF] =	sst s4  }
0xd: {  	[smem:$0x3FB0] =	sst s5  }
0xe: {  	[smem:$0x3FB1] =	sst s6  }
0xf: {  	[smem:$0x3FB2] =	sst s7  }
0x10: {  	[smem:$0x3FB3] =	sst s8  }
0x11: {  	[smem:$0x3FB4] =	sst s9;
	s0 =	simm.s32 @!p0 $0x0  }
0x12: {  	s1 =	sld [smem:$0x3F9A];
	s0 =	simm.s32 @p0 $0x1  }
0x13: {  	[smem:$0x3FB5] =	sst s0;
	s0 =	simm.s32 @!p1 $0x0  }
0x14: {  	s2 =	sld [smem:$0x3F99];
	s0 =	simm.s32 @p1 $0x1  }
0x15: {  	[smem:$0x3FB6] =	sst s0;
	s0 =	simm.s32 @!p2 $0x0  }
0x16: {  	s3 =	sld [smem:$0x3FDB];
	s0 =	simm.s32 @p2 $0x1  }
0x17: {  	s4 =	simm.s32 $0x1BF5;
	[smem:$0x3FB8] =	sst s0  }
0x18: {  	s0 =	sld [smem:$0x3F9B];
	_ =	swait.ge [sflag:s4], $0x0  }
0x19: {  	s7 =	sld [smem:$0x3F9C]  }
0x1a: {  	s8 =	sadd.s32 $0xFFFFE003, lr  }
0x1b: {  	s9 =	sadd.s32 $0xFFFFFEF7, lr;
	s5 =	simm.s32 $0xFFFFFFFF;
	p2 =	slt.u32 s8, $0xFFFFF086  }
0x1c: {  	p1 =	slt.u32 s9, $0xF7A;
	s5 =	simm.s32 @!p2 $0x0  }
0x1d: {  	s5 =	simm.s32 @p1 $0x1;
	p0 =	seq.s32 s7, s2  }
0x1e: {  	s7 =	smul.u32 @!p0 $0xF7A, s2;
	p2 =	seq.s32 @!p0 s5, $0x0  }
0x1f: {  	s9 =	smul.u32 $0xF7A, s1;
	s8 =	simm.s32 @!p0 $0x1BF5;
	p2 =	por !p2, p0  }
0x20: {  	[sflag:s8] =	ssyncset.s32 @!p0 $0xFFFFF086;
	s6 =	sadd.s32 @!p0 s3, s7;
	s7 =	simm.s32 @!p0 $0x108  }
0x21: {  	s3 =	sadd.s32 s3, s9;
	s6 =	sadd.s32 @!p0 $0x88, s6;
	s7 =	simm.s32 @p2 $0x1082  }
0x22: {  	[simem:s7], [sflag:s8] =	dma.local @!p0 [hbm:s6], $0xF7A  }
0x23: {  	s9 =	sor.u32 $0xD0000000, s2;
	s6 =	simm.s32 $0x108;
	_ =	swait.ge @!p0 [sflag:s8], $0x0  }
0x24: {  	s3 =	sadd.s32 $0x88, s3;
	s6 =	simm.s32 @!p1 $0x1082;
	[sflag:s4] =	ssyncset.s32 $0xFFFFF086  }
0x25: {  	[simem:s6], [sflag:s4] =	dma.local [hbm:s3], $0xF7A  }
0x26: {  	[smem:$0x3F9C] =	sst s1;
	(tag) =	ssettag s2;
	_ =	strace s9  }
0x27: {  	s1 =	sld [smem:$0x3FAC]  }
0x28: {  	s2 =	sld [smem:$0x3FAD]  }
0x29: {  	s4 =	sld [smem:$0x3FAF]  }
0x2a: {  	p0 =	seq.s32 s5, $0x0;
	s5 =	sld [smem:$0x3FB0]  }
0x2b: {  	s6 =	sld [smem:$0x3FB1]  }
0x2c: {  	s7 =	sld [smem:$0x3FB2]  }
0x2d: {  	s3 =	simm.s32 $0x108;
	s8 =	sld [smem:$0x3FB3]  }
0x2e: {  	s3 =	simm.s32 @!p0 $0x1082;
	s9 =	sld [smem:$0x3FB4]  }
0x2f: {  	lr =	sadd.s32 s0, s3;
	s0 =	sld [smem:$0x3FAB]  }
0x30: {  	s3 =	sld [smem:$0x3FAE]  }
0x31: {  	[smem:$0x3FB7] =	sst s10  }
0x32: {  	s10 =	sld [smem:$0x3FB5];
	_ =	sdelay $0x3  }
0x33: {  	p0 =	seq.s32 s10, $0x1;
	s10 =	sld [smem:$0x3FB7];
	_ =	sdelay $0x3  }
0x34: {  	[smem:$0x3FB7] =	sst s10  }
0x35: {  	s10 =	sld [smem:$0x3FB6];
	_ =	sdelay $0x3  }
0x36: {  	p1 =	seq.s32 s10, $0x1;
	s10 =	sld [smem:$0x3FB7];
	_ =	sdelay $0x3  }
0x37: {  	[smem:$0x3FB7] =	sst s10  }
0x38: {  	s10 =	sld [smem:$0x3FB8]  }
0x39: {  	_ = 	snop;
	(pc) =	sbr.ind lr, $3  }
0x3a: {  	_ = 	snop  }
0x3b: {  	_ = 	snop  }
0x3c: {  	p2 =	seq.s32 s10, $0x1;
	s10 =	sld [smem:$0x3FB7]  }
0x3d: {  	_ =	shalt  }
0x3e: {  	_ =	shalt  }
0x3f: {  	_ =	shalt  }
0x40: {  	_ =	shalt  }
0x41: {  	_ =	shalt  }
0x42: {  	_ =	shalt  }
0x43: {  	_ =	shalt  }
0x44: {  	_ =	shalt  }
0x45: {  	_ =	shalt  }
0x46: {  	_ =	shalt  }
0x47: {  	_ =	shalt  }
0x48: {  	_ =	shalt  }
0x49: {  	_ =	shalt  }
0x4a: {  	_ =	shalt  }
0x4b: {  	_ =	shalt  }
0x4c: {  	_ =	shalt  }
0x4d: {  	_ =	shalt  }
0x4e: {  	_ =	shalt  }
0x4f: {  	_ =	shalt  }
0x50: {  	_ =	shalt  }
0x51: {  	_ =	shalt  }
0x52: {  	_ =	shalt  }
0x53: {  	_ =	shalt  }
0x54: {  	_ =	shalt  }
0x55: {  	_ =	shalt  }
0x56: {  	_ =	shalt  }
0x57: {  	_ =	shalt  }
0x58: {  	_ =	shalt  }
0x59: {  	_ =	shalt  }
0x5a: {  	_ =	shalt  }
0x5b: {  	_ =	shalt  }
0x5c: {  	_ =	shalt  }
0x5d: {  	_ =	shalt  }
0x5e: {  	_ =	shalt  }
0x5f: {  	_ =	shalt  }
0x60: {  	_ =	shalt  }
0x61: {  	_ =	shalt  }
0x62: {  	_ =	shalt  }
0x63: {  	_ =	shalt  }
0x64: {  	_ =	shalt  }
0x65: {  	_ =	shalt  }
0x66: {  	_ =	shalt  }
0x67: {  	_ =	shalt  }
0x68: {  	_ =	shalt  }
0x69: {  	_ =	shalt  }
0x6a: {  	_ =	shalt  }
0x6b: {  	_ =	shalt  }
0x6c: {  	_ =	shalt  }
0x6d: {  	_ =	shalt  }
0x6e: {  	_ =	shalt  }
0x6f: {  	_ =	shalt  }
0x70: {  	_ =	shalt  }
0x71: {  	_ =	shalt  }
0x72: {  	_ =	shalt  }
0x73: {  	_ =	shalt  }
0x74: {  	_ =	shalt  }
0x75: {  	_ =	shalt  }
0x76: {  	_ =	shalt  }
0x77: {  	_ =	shalt  }
0x78: {  	_ =	shalt  }
0x79: {  	_ =	shalt  }
0x7a: {  	_ =	shalt  }
0x7b: {  	_ =	shalt  }
0x7c: {  	_ =	shalt  }
0x7d: {  	_ =	shalt  }
0x7e: {  	_ =	shalt  }
0x7f: {  	_ =	shalt  }
0x80: {  	_ =	shalt  }
0x81: {  	_ =	shalt  }
0x82: {  	_ =	shalt  }
0x83: {  	_ =	shalt  }
0x84: {  	_ =	shalt  }
0x85: {  	_ =	shalt  }
0x86: {  	_ =	shalt  }
0x87: {  	_ =	shalt  }
.Lfunc_end0:
.L_simem_size_0:
called_computation.1_lowered:
.L_overlay_start_0:
0x88: {  	s2 =	sld [smem:$0x3FD9]  }
0x89: {  	s3 =	sld [smem:$0x3FFE];
	_ =	sdelay $0x1  }
0x8a: {  	s1 =	srdreg.scid  }
0x8b: {  	s0 =	sand.u32 $0x1, s1  }
0x8c: {  	s17 =	sshll.u32 s0, $0xA;
	s2 =	sadd.s32 s3, s2  }
0x8d: {  	s2 =	sadd.s32 s2, s17  }
0x8e: {  	[smem:$0x3FC3] =	sst s2  }
0x8f: {  	_ = 	snop  }
0x90: {  	s18 =	sld [smem:$0x3FC8];
	(tm) =	ssettm $0x1  }
0x91: {  	s19 =	sld [smem:$0x3FFB];
	_ =	sdelay $0x3  }
0x92: {  	_ =	strace s19  }
0x93: {  	s2 =	sld [smem:$0x3FFC];
	_ =	sdelay $0x3  }
0x94: {  	_ =	strace s2  }
0x95: {  	s2 =	sld [smem:$0x3FFD];
	_ =	sdelay $0x3  }
0x96: {  	_ =	strace s2  }
0x97: {  	_ =	strace $0x8FFFFFFF  }
0x98: {  	s20 =	sld [smem:$0x3FDB];
	_ =	sdelay $0x1  }
0x99: {  	s4 =	simm.s32 $_scs_section_size  }
0x9a: {  	s5 =	simm.s32 $_size__tile_overlayer_lowered;
	s6 =	simm.s32 $_tile_overlayer_lowered  }
0x9b: {  	s7 =	simm.s32 $0x1BFF;
	s21 =	sshll.u32 s6, $0x1;
	s4 =	sadd.s32 s4, s20  }
0x9c: {  	s22 =	simm.s32 $0x0;
	s5 =	sshll.u32 s5, $0x1;
	s6 =	sadd.s32 s21, s4  }
0x9d: {  	[timem:s22], [sflag:s7] =	dma.local [hbm:s6], s5  }
0x9e: {  	_ =	swait.ge [sflag:s7], s5  }
0x9f: {  	s5 =	ssub.s32 $0x0, s5;
	[sflag:s7] =	ssyncset.done $0x0  }
0xa0: {  	[sflag:s7] =	ssyncadd.s32 s5;
	_ =	sdelay $0x1  }
0xa1: {  	s23 =	simm.s32 $0x1B8B  }
0xa2: {  	_ =	swait.ge [sflag:s23], $0x1  }
0xa3: {  	[sflag:s23] =	ssyncset.done $0x0  }
0xa4: {  	[sflag:s23] =	ssyncadd.s32 $0xFFFFFFFF  }
0xa5: {  	s5 =	sld [smem:$0x0]  }
0xa6: {  	s6 =	sand.u32 $0xFFFFFFFE, s1  }
0xa7: {  	p0 =	sne.s32 s1, s6  }
0xa8: {  	s6 =	sshll.u32 @p0 s6, $0xE  }
0xa9: {  	s6 =	sadd.s32 @p0 $0x11B8D, s6;
	s7 =	sshll.u32 @p0 s5, $0x11  }
0xaa: {  	s6 =	sor.u32 @p0 s7, s6  }
0xab: {  	[sflag:s6] =	ssyncadd.remote.s32 @p0 $0x1;
	_ =	sdelay $0x1  }
0xac: {  	s6 =	simm.s32 @p0 $0x1B8D  }
0xad: {  	_ =	swait.eq @p0 [sflag:s6], $0x1  }
0xae: {  	[sflag:s6] =	ssyncadd.s32 @p0 $0xFFFFFFFF  }
0xaf: {  	s7 =	sshll.u32 @!p0 s1, $0xE  }
0xb0: {  	s7 =	sor.u32 @!p0 $0x4000, s7;
	s6 =	simm.s32 @!p0 $0x1B8D  }
0xb1: {  	s5 =	sshll.u32 @!p0 s5, $0x11;
	s7 =	sadd.s32 @!p0 $0x11B8D, s7;
	_ =	swait.eq @!p0 [sflag:s6], $0x1  }
0xb2: {  	s5 =	sor.u32 @!p0 s5, s7;
	[sflag:s6] =	ssyncadd.s32 @!p0 $0xFFFFFFFF  }
0xb3: {  	s25 =	simm.s32 $0x1B8E;
	s24 =	sld [smem:$0x3FFE];
	[sflag:s5] =	ssyncadd.remote.s32 @!p0 $0x1  }
0xb4: {  	s26 =	simm.s32 $execute0_lowered;
	[smem:$0x3FD2] =	sst s25  }
0xb5: {  	s6 =	sshll.u32 s26, $0x1;
	_ =	strace $0x80000049;
	[dreg:$0x1] =	wrdreg $0xFFFFFFFF  }
0xb6: {  	s28 =	simm.s32 $_size_execute0_lowered;
	s4 =	sadd.s32 s4, s6;
	[dreg:$0x0] =	wrdreg $0x0  }
0xb7: {  	s6 =	sshll.u32 s28, $0x1;
	[dreg:$0x2] =	wrdreg s4  }
0xb8: {  	[dreg:$0x3] =	wrdreg s6  }
0xb9: {  	[dreg:$0x4] =	wrdreg $0xC0  }
0xba: {  	_ =	task [dreg:s22], $0x5FFFF  }
0xbb: {  	[dreg:$0x1] =	wrdreg $0xFFFFFFFF  }
0xbc: {  	[dreg:$0x0] =	wrdreg $0x60  }
0xbd: {  	[dreg:$0x2] =	wrdreg s18  }
0xbe: {  	[dreg:$0x3] =	wrdreg s24  }
0xbf: {  	[dreg:$0x4] =	wrdreg $0xA  }
0xc0: {  	_ =	task.clear_ibuf [dreg:s22], $0x5FFFF;
	_ =	strace $0x90000049  }
0xc1: {  	s29 =	simm.s32 $0xA;
	_ =	strace $0x8000004B  }
0xc2: {  	_ =	swait.ge [sflag:s29], $0x1  }
0xc3: {  	[sflag:s29] =	ssyncadd.s32 $0xFFFFFFFF  }
0xc4: {  	_ =	strace $0x9000004B  }
0xc5: {  	_ =	sfence  }
0xc6: {  	s30 =	sld [smem:$0x0];
	_ =	sdelay $0x2  }
0xc7: {  	s31 =	sshll.u32 s1, $0xD;
	s1 =	sshrl.u32 s1, $0x2  }
0xc8: {  	s4 =	sand.u32 $0x4000, s31;
	s1 =	sadd.s32 s1, s30  }
0xc9: {  	s0 =	sor.u32 s4, s0;
	s1 =	sshll.u32 s1, $0x11  }
0xca: {  	s0 =	sor.u32 s1, s0  }
0xcb: {  	s0 =	sadd.s32 $0x8F2B, s0  }
0xcc: {  	[sflag:s0] =	ssyncadd.remote.s32 $0x1  }
0xcd: {  	_ =	sfence.sel $0xFFFF  }
0xce: {  	[dreg:$0x0] =	wrdreg $0xFFFFFFFF;
	(pc) =	sbr.abs _section_cstart, $3  }
0xcf: {  	[dreg:$0x1] =	wrdreg $0xFFFFFFFF  }
0xd0: {  	_ =	task.clear_ibuf [dreg:s22], $0x2FFFF;
	_ =	strace $0x9FFFFFFF  }
0xd1: {  	(tm) =	ssettm $0x7FFFFFFF  }
tec
execute0_lowered:
.L_overlay_start_1:
0x0: {  	(tag) =	ssettag $0x1  }
0x1: {  	s1 =	srdreg.scid;
	s0 =	stileid.u32  }
0x2: {  	s29 =	sand.u32 $0x1, s1;
	s26 =	sshll.u32 s0, $0x1  }
0x3: {  	s13 =	sor.u32 s29, s26  }
0x4: {  	s2 =	rddreg [dreg:$0x0];
	s4 =	smul.u32 $0x64, s13  }
0x5: {  	s12 =	rddreg [dreg:$0x1];
	s3 =	simm.s32 $0x0  }
0x6: {  	s5 =	simm.s32 $0xB;
	[smem:$0x7FF] =	sst s3;
	s4 =	sadd.s32 s4, s12  }
0x7: {  	s1 =	rddreg [dreg:$0x2];
	_ =	strace $0x8000004A;
	s4 =	sadd.s32 $0x4A00, s4  }
0x8: {  	[tilespmem:s3], [sflag:$0xB] =	stream.linear.gather [hbm4b:s4+s3], $0x320, $0x38;
	[tilespmem:$0x19380] =	vst v63  }
0x9: {  	_ =	swait.ge [sflag:s5], $0x320  }
0xa: {  	[sflag:s5] =	ssyncset.done $0x0  }
0xb: {  	s6 =	simm.s32 $0xA0;
	s7 =	simm.s32 $0x380;
	[sflag:s5] =	ssyncadd.s32 $0xFFFFFCE0  }
0xc: {  	[tilespmem:s7], [sflag:$0x1] =	stream.indirect.gather [hbm4b:s2+s6], $0x80, s3, s6, $0xb8;
	[tilespmem:$0x19380] =	vst v63  }
0xd: {  	s8 =	simm.s32 $0x5380  }
0xe: {  	[tilespmem:s8], [sflag:$0x2] =	stream.indirect.gather [hbm4b:s2+s6], $0x80, s6, s6, $0xb8;
	[tilespmem:$0x19380] =	vst v63  }
0xf: {  	s9 =	simm.s32 $0x140;
	s10 =	simm.s32 $0xA380;
	s11 =	simm.s32 $0x1  }
0x10: {  	[tilespmem:s10], [sflag:$0x3] =	stream.indirect.gather [hbm4b:s2+s6], $0x80, s9, s6, $0xb8;
	[tilespmem:$0x19380] =	vst v63  }
0x11: {  	s14 =	smul.u32 $0x3200, s13;
	_ =	swait.ge [sflag:s11], $0x5000  }
0x12: {  	s16 =	sadd.s32 $0xAC00, s12;
	[sflag:s11] =	ssyncset.done $0x0  }
0x13: {  	s15 =	simm.s32 $0x2;
	s12 =	sadd.s32 s16, s14;
	[sflag:s11] =	ssyncadd.s32 $0xFFFFB000  }
0x14: {  	[hbm4b:s12+s3] =	stream.linear.scatter [tilespmem:s7], [sflag:$0x6], $0x5000, $0x38;
	[tilespmem:$0x19380] =	vst v63  }
0x15: {  	s17 =	smul.u32 $0x19000, s13;
	s13 =	simm.s32 $0x1E0;
	s14 =	simm.s32 $0xF380  }
0x16: {  	[tilespmem:s14], [sflag:$0x4] =	stream.indirect.gather [hbm4b:s2+s6], $0x80, s13, s6, $0xb8;
	[tilespmem:$0x19380] =	vst v63  }
0x17: {  	s17 =	sshrl.u32 s17, $0x3;
	_ =	swait.ge [sflag:s15], $0x5000  }
0x18: {  	s24 =	sadd.s32 s16, s17;
	[sflag:s15] =	ssyncset.done $0x0  }
0x19: {  	s16 =	sadd.s32 $0xA00, s24;
	[sflag:s15] =	ssyncadd.s32 $0xFFFFB000  }
0x1a: {  	[hbm4b:s16+s3] =	stream.linear.scatter [tilespmem:s8], [sflag:$0x7], $0x5000, $0x38;
	[tilespmem:$0x19380] =	vst v63  }
0x1b: {  	s18 =	simm.s32 $0x14380;
	s19 =	simm.s32 $0x3;
	s17 =	simm.s32 $0x280  }
0x1c: {  	[tilespmem:s18], [sflag:$0x5] =	stream.indirect.gather [hbm4b:s2+s6], $0x80, s17, s6, $0xb8;
	[tilespmem:$0x19380] =	vst v63  }
0x1d: {  	_ =	swait.ge [sflag:s19], $0x5000  }
0x1e: {  	[sflag:s19] =	ssyncset.done $0x0  }
0x1f: {  	s21 =	simm.s32 $0x4;
	s20 =	sadd.s32 $0x1400, s24;
	[sflag:s19] =	ssyncadd.s32 $0xFFFFB000  }
0x20: {  	[hbm4b:s20+s3] =	stream.linear.scatter [tilespmem:s10], [sflag:$0x8], $0x5000, $0x38;
	[tilespmem:$0x19380] =	vst v63  }
0x21: {  	_ =	swait.ge [sflag:s21], $0x5000  }
0x22: {  	[sflag:s21] =	ssyncset.done $0x0  }
0x23: {  	s23 =	simm.s32 $0x5;
	s22 =	sadd.s32 $0x1E00, s24;
	[sflag:s21] =	ssyncadd.s32 $0xFFFFB000  }
0x24: {  	[hbm4b:s22+s3] =	stream.linear.scatter [tilespmem:s14], [sflag:$0x9], $0x5000, $0x38;
	[tilespmem:$0x19380] =	vst v63  }
0x25: {  	_ =	swait.ge [sflag:s23], $0x5000  }
0x26: {  	[sflag:s23] =	ssyncset.done $0x0  }
0x27: {  	s25 =	simm.s32 $0x6;
	s24 =	sadd.s32 $0x2800, s24;
	[sflag:s23] =	ssyncadd.s32 $0xFFFFB000  }
0x28: {  	[hbm4b:s24+s3] =	stream.linear.scatter [tilespmem:s18], [sflag:$0xA], $0x5000, $0x38;
	[tilespmem:$0x19380] =	vst v63  }
0x29: {  	_ =	swait.ge [sflag:s25], $0x5000  }
0x2a: {  	[sflag:s25] =	ssyncset.done $0x0  }
0x2b: {  	s26 =	simm.s32 $0x7;
	[sflag:s25] =	ssyncadd.s32 $0xFFFFB000  }
0x2c: {  	_ =	swait.ge [sflag:s26], $0x5000  }
0x2d: {  	s30 =	ssub.s32 $0x2, s29;
	[sflag:s26] =	ssyncset.done $0x0  }
0x2e: {  	s28 =	simm.s32 $0x8;
	s31 =	sshrl.u32 s30, $0x1;
	[sflag:s26] =	ssyncadd.s32 $0xFFFFB000  }
0x2f: {  	s30 =	ssub.s32 s30, s31;
	_ =	swait.ge [sflag:s28], $0x5000  }
0x30: {  	s31 =	smax.u32 s30, $0x1;
	[sflag:s28] =	ssyncset.done $0x0  }
0x31: {  	s29 =	simm.s32 $0x9;
	p0 =	sne.s32 s31, $0x1;
	[sflag:s28] =	ssyncadd.s32 $0xFFFFB000  }
.Ltmp0:
0x32: {  	_ =	swait.ge [sflag:s29], $0x5000;
	(pc) =	sbr.rel @!p0 .LBB2_2-.Ltmp0, $4  }
0x33: {  	[sflag:s29] =	ssyncset.done $0x0  }
0x34: {  	s30 =	simm.s32 $0xA;
	[sflag:s29] =	ssyncadd.s32 $0xFFFFB000  }
0x35: {  	_ =	swait.ge [sflag:s30], $0x5000  }
0x36: {  	s31 =	sadd.s32 $0xFFFFFFFF, s31;
	[sflag:s30] =	ssyncset.done $0x0  }
.LBB2_1:
0x37: {  	p0 =	sne.s32 s31, $0x1;
	s31 =	sadd.s32 $0xFFFFFFFF, s31;
	[sflag:s30] =	ssyncadd.s32 $0xFFFFB000  }
0x38: {  	[tilespmem:s3], [sflag:$0xB] =	stream.linear.gather [hbm4b:s4+s3], $0x320, $0x38;
	[tilespmem:$0x19380] =	vst v63  }
0x39: {  	_ =	swait.ge [sflag:s5], $0x320  }
0x3a: {  	[sflag:s5] =	ssyncset.done $0x0  }
0x3b: {  	[sflag:s5] =	ssyncadd.s32 $0xFFFFFCE0  }
0x3c: {  	[tilespmem:s7], [sflag:$0x1] =	stream.indirect.gather [hbm4b:s2+s6], $0x80, s3, s6, $0xb8;
	[tilespmem:$0x19380] =	vst v63  }
0x3d: {  	_ = 	snop  }
0x3e: {  	[tilespmem:s8], [sflag:$0x2] =	stream.indirect.gather [hbm4b:s2+s6], $0x80, s6, s6, $0xb8;
	[tilespmem:$0x19380] =	vst v63  }
0x3f: {  	_ = 	snop  }
0x40: {  	[tilespmem:s10], [sflag:$0x3] =	stream.indirect.gather [hbm4b:s2+s6], $0x80, s9, s6, $0xb8;
	[tilespmem:$0x19380] =	vst v63  }
0x41: {  	_ =	swait.ge [sflag:s11], $0x5000  }
0x42: {  	[sflag:s11] =	ssyncset.done $0x0  }
0x43: {  	[sflag:s11] =	ssyncadd.s32 $0xFFFFB000  }
0x44: {  	[hbm4b:s12+s3] =	stream.linear.scatter [tilespmem:s7], [sflag:$0x6], $0x5000, $0x38;
	[tilespmem:$0x19380] =	vst v63  }
0x45: {  	_ = 	snop  }
0x46: {  	[tilespmem:s14], [sflag:$0x4] =	stream.indirect.gather [hbm4b:s2+s6], $0x80, s13, s6, $0xb8;
	[tilespmem:$0x19380] =	vst v63  }
0x47: {  	_ =	swait.ge [sflag:s15], $0x5000  }
0x48: {  	[sflag:s15] =	ssyncset.done $0x0  }
0x49: {  	[sflag:s15] =	ssyncadd.s32 $0xFFFFB000  }
0x4a: {  	[hbm4b:s16+s3] =	stream.linear.scatter [tilespmem:s8], [sflag:$0x7], $0x5000, $0x38;
	[tilespmem:$0x19380] =	vst v63  }
0x4b: {  	_ = 	snop  }
0x4c: {  	[tilespmem:s18], [sflag:$0x5] =	stream.indirect.gather [hbm4b:s2+s6], $0x80, s17, s6, $0xb8;
	[tilespmem:$0x19380] =	vst v63  }
0x4d: {  	_ =	swait.ge [sflag:s19], $0x5000  }
0x4e: {  	[sflag:s19] =	ssyncset.done $0x0  }
0x4f: {  	[sflag:s19] =	ssyncadd.s32 $0xFFFFB000  }
0x50: {  	[hbm4b:s20+s3] =	stream.linear.scatter [tilespmem:s10], [sflag:$0x8], $0x5000, $0x38;
	[tilespmem:$0x19380] =	vst v63  }
0x51: {  	_ =	swait.ge [sflag:s21], $0x5000  }
0x52: {  	[sflag:s21] =	ssyncset.done $0x0  }
0x53: {  	[sflag:s21] =	ssyncadd.s32 $0xFFFFB000  }
0x54: {  	[hbm4b:s22+s3] =	stream.linear.scatter [tilespmem:s14], [sflag:$0x9], $0x5000, $0x38;
	[tilespmem:$0x19380] =	vst v63  }
0x55: {  	_ =	swait.ge [sflag:s23], $0x5000  }
0x56: {  	[sflag:s23] =	ssyncset.done $0x0  }
0x57: {  	[sflag:s23] =	ssyncadd.s32 $0xFFFFB000  }
0x58: {  	[hbm4b:s24+s3] =	stream.linear.scatter [tilespmem:s18], [sflag:$0xA], $0x5000, $0x38;
	[tilespmem:$0x19380] =	vst v63  }
0x59: {  	_ =	swait.ge [sflag:s25], $0x5000  }
0x5a: {  	[sflag:s25] =	ssyncset.done $0x0  }
0x5b: {  	[sflag:s25] =	ssyncadd.s32 $0xFFFFB000  }
0x5c: {  	_ =	swait.ge [sflag:s26], $0x5000  }
0x5d: {  	[sflag:s26] =	ssyncset.done $0x0  }
0x5e: {  	[sflag:s26] =	ssyncadd.s32 $0xFFFFB000  }
0x5f: {  	_ =	swait.ge [sflag:s28], $0x5000  }
0x60: {  	[sflag:s28] =	ssyncset.done $0x0  }
0x61: {  	[sflag:s28] =	ssyncadd.s32 $0xFFFFB000  }
.Ltmp1:
0x62: {  	_ =	swait.ge [sflag:s29], $0x5000;
	(pc) =	sbr.rel @p0 .LBB2_1-.Ltmp1, $4  }
0x63: {  	[sflag:s29] =	ssyncset.done $0x0  }
0x64: {  	[sflag:s29] =	ssyncadd.s32 $0xFFFFB000  }
0x65: {  	_ =	swait.ge [sflag:s30], $0x5000  }
0x66: {  	[sflag:s30] =	ssyncset.done $0x0  }
.LBB2_2:
0x67: {  	[sflag:s30] =	ssyncadd.s32 $0xFFFFB000  }
0x68: {  	_ =	sfence.sel $0x180000  }
0x69: {  	[bflag:$0x0] =	sbarrier.arrive $0xFFFF  }
0x6a: {  	p0 =	sne.s32 s0, $0x0;
	_ =	strace $0x9000004A  }
0x6b: {  	s0 =	sadd.s32 @!p0 $0x100000, s1;
	[bflag:$0x2] =	sbarrier.arrive $0xFFFF  }
0x6c: {  	[sflag:s0] =	ssyncadd.tile.s32 @!p0 $0x1;
	_ =	shalt  }
.Lfunc_end2:
_tile_overlayer_lowered:
.L_overlay_start_2:
0x6d: {  	(tag) =	ssettag $0x2  }
0x6e: {  	s0 =	rddreg [dreg:$0x0];
	s2 =	stileid.u32  }
0x6f: {  	s1 =	rddreg [dreg:$0x1];
	p0 =	sne.s32 s2, $0x0  }
0x70: {  	s3 =	rddreg [dreg:$0x2];
	[bflag:$0x3] =	sbarrier.arrive $0xFFFF;
	s2 =	simm.s32 @!p0 $0x1C0B  }
0x71: {  	[timem:s3], [sflag:s2] =	dma.local @!p0 [hbm:s0], s1  }
0x72: {  	s0 =	simm.s32 @!p0 $0xB  }
0x73: {  	_ =	swait.ge @!p0 [sflag:s0], s1  }
0x74: {  	s1 =	ssub.s32 @!p0 $0x0, s1;
	[sflag:s0] =	ssyncset.done @!p0 $0x0  }
0x75: {  	[sflag:s0] =	ssyncadd.s32 @!p0 s1  }
0x76: {  	[bflag:$0x3] =	sbarrier.arrive $0xFFFF  }
0x77: {  	_ =	shalt  }

// kernel: kernel.24.cloned.1.call-start
scs
__scs_entry_jumppad:
0x0: {  	(pc) =	sbr.rel $0x88, $3  }
0x1: {  	(tag) =	ssettag $0x0;
	lr =	simm.s32 $0x1  }
0x2: {  	[smem:$0x3F9C] =	sst lr;
	_ =	strace $0xD0000000  }
0x3: {  	_ = 	snop  }
0x4: {  	_ = 	snop  }
0x5: {  	_ = 	snop  }
0x6: {  	_ = 	snop  }
0x7: {  	_ = 	snop  }
__scs_overlays_trampoline_lowered:
0x8: {  	[smem:$0x3FAB] =	sst s0  }
0x9: {  	[smem:$0x3FAC] =	sst s1  }
0xa: {  	[smem:$0x3FAD] =	sst s2  }
0xb: {  	[smem:$0x3FAE] =	sst s3  }
0xc: {  	[smem:$0x3FAF] =	sst s4  }
0xd: {  	[smem:$0x3FB0] =	sst s5  }
0xe: {  	[smem:$0x3FB1] =	sst s6  }
0xf: {  	[smem:$0x3FB2] =	sst s7  }
0x10: {  	[smem:$0x3FB3] =	sst s8  }
0x11: {  	[smem:$0x3FB4] =	sst s9;
	s0 =	simm.s32 @!p0 $0x0  }
0x12: {  	s1 =	sld [smem:$0x3F9A];
	s0 =	simm.s32 @p0 $0x1  }
0x13: {  	[smem:$0x3FB5] =	sst s0;
	s0 =	simm.s32 @!p1 $0x0  }
0x14: {  	s2 =	sld [smem:$0x3F99];
	s0 =	simm.s32 @p1 $0x1  }
0x15: {  	[smem:$0x3FB6] =	sst s0;
	s0 =	simm.s32 @!p2 $0x0  }
0x16: {  	s3 =	sld [smem:$0x3FDB];
	s0 =	simm.s32 @p2 $0x1  }
0x17: {  	s4 =	simm.s32 $0x1BF5;
	[smem:$0x3FB8] =	sst s0  }
0x18: {  	s0 =	sld [smem:$0x3F9B];
	_ =	swait.ge [sflag:s4], $0x0  }
0x19: {  	s7 =	sld [smem:$0x3F9C]  }
0x1a: {  	s8 =	sadd.s32 $0xFFFFE003, lr  }
0x1b: {  	s9 =	sadd.s32 $0xFFFFFEF7, lr;
	s5 =	simm.s32 $0xFFFFFFFF;
	p2 =	slt.u32 s8, $0xFFFFF086  }
0x1c: {  	p1 =	slt.u32 s9, $0xF7A;
	s5 =	simm.s32 @!p2 $0x0  }
0x1d: {  	s5 =	simm.s32 @p1 $0x1;
	p0 =	seq.s32 s7, s2  }
0x1e: {  	s7 =	smul.u32 @!p0 $0xF7A, s2;
	p2 =	seq.s32 @!p0 s5, $0x0  }
0x1f: {  	s9 =	smul.u32 $0xF7A, s1;
	s8 =	simm.s32 @!p0 $0x1BF5;
	p2 =	por !p2, p0  }
0x20: {  	[sflag:s8] =	ssyncset.s32 @!p0 $0xFFFFF086;
	s6 =	sadd.s32 @!p0 s3, s7;
	s7 =	simm.s32 @!p0 $0x108  }
0x21: {  	s3 =	sadd.s32 s3, s9;
	s6 =	sadd.s32 @!p0 $0x88, s6;
	s7 =	simm.s32 @p2 $0x1082  }
0x22: {  	[simem:s7], [sflag:s8] =	dma.local @!p0 [hbm:s6], $0xF7A  }
0x23: {  	s9 =	sor.u32 $0xD0000000, s2;
	s6 =	simm.s32 $0x108;
	_ =	swait.ge @!p0 [sflag:s8], $0x0  }
0x24: {  	s3 =	sadd.s32 $0x88, s3;
	s6 =	simm.s32 @!p1 $0x1082;
	[sflag:s4] =	ssyncset.s32 $0xFFFFF086  }
0x25: {  	[simem:s6], [sflag:s4] =	dma.local [hbm:s3], $0xF7A  }
0x26: {  	[smem:$0x3F9C] =	sst s1;
	(tag) =	ssettag s2;
	_ =	strace s9  }
0x27: {  	s1 =	sld [smem:$0x3FAC]  }
0x28: {  	s2 =	sld [smem:$0x3FAD]  }
0x29: {  	s4 =	sld [smem:$0x3FAF]  }
0x2a: {  	p0 =	seq.s32 s5, $0x0;
	s5 =	sld [smem:$0x3FB0]  }
0x2b: {  	s6 =	sld [smem:$0x3FB1]  }
0x2c: {  	s7 =	sld [smem:$0x3FB2]  }
0x2d: {  	s3 =	simm.s32 $0x108;
	s8 =	sld [smem:$0x3FB3]  }
0x2e: {  	s3 =	simm.s32 @!p0 $0x1082;
	s9 =	sld [smem:$0x3FB4]  }
0x2f: {  	lr =	sadd.s32 s0, s3;
	s0 =	sld [smem:$0x3FAB]  }
0x30: {  	s3 =	sld [smem:$0x3FAE]  }
0x31: {  	[smem:$0x3FB7] =	sst s10  }
0x32: {  	s10 =	sld [smem:$0x3FB5];
	_ =	sdelay $0x3  }
0x33: {  	p0 =	seq.s32 s10, $0x1;
	s10 =	sld [smem:$0x3FB7];
	_ =	sdelay $0x3  }
0x34: {  	[smem:$0x3FB7] =	sst s10  }
0x35: {  	s10 =	sld [smem:$0x3FB6];
	_ =	sdelay $0x3  }
0x36: {  	p1 =	seq.s32 s10, $0x1;
	s10 =	sld [smem:$0x3FB7];
	_ =	sdelay $0x3  }
0x37: {  	[smem:$0x3FB7] =	sst s10  }
0x38: {  	s10 =	sld [smem:$0x3FB8]  }
0x39: {  	_ = 	snop;
	(pc) =	sbr.ind lr, $3  }
0x3a: {  	_ = 	snop  }
0x3b: {  	_ = 	snop  }
0x3c: {  	p2 =	seq.s32 s10, $0x1;
	s10 =	sld [smem:$0x3FB7]  }
0x3d: {  	_ =	shalt  }
0x3e: {  	_ =	shalt  }
0x3f: {  	_ =	shalt  }
0x40: {  	_ =	shalt  }
0x41: {  	_ =	shalt  }
0x42: {  	_ =	shalt  }
0x43: {  	_ =	shalt  }
0x44: {  	_ =	shalt  }
0x45: {  	_ =	shalt  }
0x46: {  	_ =	shalt  }
0x47: {  	_ =	shalt  }
0x48: {  	_ =	shalt  }
0x49: {  	_ =	shalt  }
0x4a: {  	_ =	shalt  }
0x4b: {  	_ =	shalt  }
0x4c: {  	_ =	shalt  }
0x4d: {  	_ =	shalt  }
0x4e: {  	_ =	shalt  }
0x4f: {  	_ =	shalt  }
0x50: {  	_ =	shalt  }
0x51: {  	_ =	shalt  }
0x52: {  	_ =	shalt  }
0x53: {  	_ =	shalt  }
0x54: {  	_ =	shalt  }
0x55: {  	_ =	shalt  }
0x56: {  	_ =	shalt  }
0x57: {  	_ =	shalt  }
0x58: {  	_ =	shalt  }
0x59: {  	_ =	shalt  }
0x5a: {  	_ =	shalt  }
0x5b: {  	_ =	shalt  }
0x5c: {  	_ =	shalt  }
0x5d: {  	_ =	shalt  }
0x5e: {  	_ =	shalt  }
0x5f: {  	_ =	shalt  }
0x60: {  	_ =	shalt  }
0x61: {  	_ =	shalt  }
0x62: {  	_ =	shalt  }
0x63: {  	_ =	shalt  }
0x64: {  	_ =	shalt  }
0x65: {  	_ =	shalt  }
0x66: {  	_ =	shalt  }
0x67: {  	_ =	shalt  }
0x68: {  	_ =	shalt  }
0x69: {  	_ =	shalt  }
0x6a: {  	_ =	shalt  }
0x6b: {  	_ =	shalt  }
0x6c: {  	_ =	shalt  }
0x6d: {  	_ =	shalt  }
0x6e: {  	_ =	shalt  }
0x6f: {  	_ =	shalt  }
0x70: {  	_ =	shalt  }
0x71: {  	_ =	shalt  }
0x72: {  	_ =	shalt  }
0x73: {  	_ =	shalt  }
0x74: {  	_ =	shalt  }
0x75: {  	_ =	shalt  }
0x76: {  	_ =	shalt  }
0x77: {  	_ =	shalt  }
0x78: {  	_ =	shalt  }
0x79: {  	_ =	shalt  }
0x7a: {  	_ =	shalt  }
0x7b: {  	_ =	shalt  }
0x7c: {  	_ =	shalt  }
0x7d: {  	_ =	shalt  }
0x7e: {  	_ =	shalt  }
0x7f: {  	_ =	shalt  }
0x80: {  	_ =	shalt  }
0x81: {  	_ =	shalt  }
0x82: {  	_ =	shalt  }
0x83: {  	_ =	shalt  }
0x84: {  	_ =	shalt  }
0x85: {  	_ =	shalt  }
0x86: {  	_ =	shalt  }
0x87: {  	_ =	shalt  }
.Lfunc_end0:
.L_simem_size_0:
called_computation.2_lowered:
.L_overlay_start_0:
0x88: {  	s2 =	sld [smem:$0x3FD9]  }
0x89: {  	s3 =	sld [smem:$0x3FFE];
	_ =	sdelay $0x1  }
0x8a: {  	s1 =	srdreg.scid  }
0x8b: {  	s0 =	sand.u32 $0x1, s1  }
0x8c: {  	s17 =	sshll.u32 s0, $0xA;
	s2 =	sadd.s32 s3, s2  }
0x8d: {  	s2 =	sadd.s32 s2, s17  }
0x8e: {  	[smem:$0x3FC3] =	sst s2  }
0x8f: {  	_ = 	snop  }
0x90: {  	s18 =	sld [smem:$0x3FC8];
	(tm) =	ssettm $0x1  }
0x91: {  	s19 =	sld [smem:$0x3FFB];
	_ =	sdelay $0x3  }
0x92: {  	_ =	strace s19  }
0x93: {  	s2 =	sld [smem:$0x3FFC];
	_ =	sdelay $0x3  }
0x94: {  	_ =	strace s2  }
0x95: {  	s2 =	sld [smem:$0x3FFD];
	_ =	sdelay $0x3  }
0x96: {  	_ =	strace s2  }
0x97: {  	_ =	strace $0x8FFFFFFF  }
0x98: {  	s20 =	sld [smem:$0x3FDB];
	_ =	sdelay $0x1  }
0x99: {  	s4 =	simm.s32 $_scs_section_size  }
0x9a: {  	s5 =	simm.s32 $_size__tile_overlayer_lowered;
	s6 =	simm.s32 $_tile_overlayer_lowered  }
0x9b: {  	s7 =	simm.s32 $0x1BFF;
	s21 =	sshll.u32 s6, $0x1;
	s4 =	sadd.s32 s4, s20  }
0x9c: {  	s22 =	simm.s32 $0x0;
	s5 =	sshll.u32 s5, $0x1;
	s6 =	sadd.s32 s21, s4  }
0x9d: {  	[timem:s22], [sflag:s7] =	dma.local [hbm:s6], s5  }
0x9e: {  	_ =	swait.ge [sflag:s7], s5  }
0x9f: {  	s5 =	ssub.s32 $0x0, s5;
	[sflag:s7] =	ssyncset.done $0x0  }
0xa0: {  	[sflag:s7] =	ssyncadd.s32 s5;
	_ =	sdelay $0x1  }
0xa1: {  	s23 =	simm.s32 $0x1B8B  }
0xa2: {  	_ =	swait.ge [sflag:s23], $0x1  }
0xa3: {  	[sflag:s23] =	ssyncset.done $0x0  }
0xa4: {  	[sflag:s23] =	ssyncadd.s32 $0xFFFFFFFF  }
0xa5: {  	s5 =	sld [smem:$0x0]  }
0xa6: {  	s6 =	sand.u32 $0xFFFFFFFE, s1  }
0xa7: {  	p0 =	sne.s32 s1, s6  }
0xa8: {  	s6 =	sshll.u32 @p0 s6, $0xE  }
0xa9: {  	s6 =	sadd.s32 @p0 $0x11B8D, s6;
	s7 =	sshll.u32 @p0 s5, $0x11  }
0xaa: {  	s6 =	sor.u32 @p0 s7, s6  }
0xab: {  	[sflag:s6] =	ssyncadd.remote.s32 @p0 $0x1;
	_ =	sdelay $0x1  }
0xac: {  	s6 =	simm.s32 @p0 $0x1B8D  }
0xad: {  	_ =	swait.eq @p0 [sflag:s6], $0x1  }
0xae: {  	[sflag:s6] =	ssyncadd.s32 @p0 $0xFFFFFFFF  }
0xaf: {  	s7 =	sshll.u32 @!p0 s1, $0xE  }
0xb0: {  	s7 =	sor.u32 @!p0 $0x4000, s7;
	s6 =	simm.s32 @!p0 $0x1B8D  }
0xb1: {  	s5 =	sshll.u32 @!p0 s5, $0x11;
	s7 =	sadd.s32 @!p0 $0x11B8D, s7;
	_ =	swait.eq @!p0 [sflag:s6], $0x1  }
0xb2: {  	s5 =	sor.u32 @!p0 s5, s7;
	[sflag:s6] =	ssyncadd.s32 @!p0 $0xFFFFFFFF  }
0xb3: {  	s25 =	simm.s32 $0x1B8E;
	s24 =	sld [smem:$0x3FFE];
	[sflag:s5] =	ssyncadd.remote.s32 @!p0 $0x1  }
0xb4: {  	s26 =	simm.s32 $execute0_lowered;
	[smem:$0x3FD2] =	sst s25  }
0xb5: {  	s6 =	sshll.u32 s26, $0x1;
	_ =	strace $0x8000004C;
	[dreg:$0x1] =	wrdreg $0xFFFFFFFF  }
0xb6: {  	s28 =	simm.s32 $_size_execute0_lowered;
	s4 =	sadd.s32 s4, s6;
	[dreg:$0x0] =	wrdreg $0x0  }
0xb7: {  	s6 =	sshll.u32 s28, $0x1;
	[dreg:$0x2] =	wrdreg s4  }
0xb8: {  	[dreg:$0x3] =	wrdreg s6  }
0xb9: {  	[dreg:$0x4] =	wrdreg $0xC0  }
0xba: {  	_ =	task [dreg:s22], $0x5FFFF  }
0xbb: {  	[dreg:$0x1] =	wrdreg $0xFFFFFFFF  }
0xbc: {  	[dreg:$0x0] =	wrdreg $0x60  }
0xbd: {  	[dreg:$0x2] =	wrdreg s18  }
0xbe: {  	[dreg:$0x3] =	wrdreg s24  }
0xbf: {  	[dreg:$0x4] =	wrdreg $0xB  }
0xc0: {  	_ =	task.clear_ibuf [dreg:s22], $0x5FFFF;
	_ =	strace $0x9000004C  }
0xc1: {  	s29 =	simm.s32 $0xB;
	_ =	strace $0x8000004E  }
0xc2: {  	_ =	swait.ge [sflag:s29], $0x1  }
0xc3: {  	[sflag:s29] =	ssyncadd.s32 $0xFFFFFFFF  }
0xc4: {  	_ =	strace $0x9000004E  }
0xc5: {  	_ =	sfence  }
0xc6: {  	s30 =	sld [smem:$0x0];
	_ =	sdelay $0x2  }
0xc7: {  	s31 =	sshll.u32 s1, $0xD;
	s1 =	sshrl.u32 s1, $0x2  }
0xc8: {  	s4 =	sand.u32 $0x4000, s31;
	s1 =	sadd.s32 s1, s30  }
0xc9: {  	s0 =	sor.u32 s4, s0;
	s1 =	sshll.u32 s1, $0x11  }
0xca: {  	s0 =	sor.u32 s1, s0  }
0xcb: {  	s0 =	sadd.s32 $0x8F2B, s0  }
0xcc: {  	[sflag:s0] =	ssyncadd.remote.s32 $0x1  }
0xcd: {  	_ =	sfence.sel $0xFFFF  }
0xce: {  	[dreg:$0x0] =	wrdreg $0xFFFFFFFF;
	(pc) =	sbr.abs _section_cstart, $3  }
0xcf: {  	[dreg:$0x1] =	wrdreg $0xFFFFFFFF  }
0xd0: {  	_ =	task.clear_ibuf [dreg:s22], $0x2FFFF;
	_ =	strace $0x9FFFFFFF  }
0xd1: {  	(tm) =	ssettm $0x7FFFFFFF  }
tec
execute0_lowered:
.L_overlay_start_1:
0x0: {  	(tag) =	ssettag $0x1  }
0x1: {  	s1 =	srdreg.scid;
	s0 =	stileid.u32  }
0x2: {  	s29 =	sand.u32 $0x1, s1;
	s26 =	sshll.u32 s0, $0x1  }
0x3: {  	s13 =	sor.u32 s29, s26  }
0x4: {  	s2 =	rddreg [dreg:$0x0];
	s4 =	smul.u32 $0x64, s13  }
0x5: {  	s12 =	rddreg [dreg:$0x1];
	s3 =	simm.s32 $0x0  }
0x6: {  	s5 =	simm.s32 $0xB;
	[smem:$0x7FF] =	sst s3;
	s4 =	sadd.s32 s4, s12  }
0x7: {  	s1 =	rddreg [dreg:$0x2];
	_ =	strace $0x8000004D;
	s4 =	sadd.s32 $0x5800, s4  }
0x8: {  	[tilespmem:s3], [sflag:$0xB] =	stream.linear.gather [hbm4b:s4+s3], $0x320, $0x38;
	[tilespmem:$0x19380] =	vst v63  }
0x9: {  	_ =	swait.ge [sflag:s5], $0x320  }
0xa: {  	[sflag:s5] =	ssyncset.done $0x0  }
0xb: {  	s6 =	simm.s32 $0xA0;
	s7 =	simm.s32 $0x380;
	[sflag:s5] =	ssyncadd.s32 $0xFFFFFCE0  }
0xc: {  	[tilespmem:s7], [sflag:$0x1] =	stream.indirect.gather [hbm4b:s2+s6], $0x80, s3, s6, $0xb8;
	[tilespmem:$0x19380] =	vst v63  }
0xd: {  	s8 =	simm.s32 $0x5380  }
0xe: {  	[tilespmem:s8], [sflag:$0x2] =	stream.indirect.gather [hbm4b:s2+s6], $0x80, s6, s6, $0xb8;
	[tilespmem:$0x19380] =	vst v63  }
0xf: {  	s9 =	simm.s32 $0x140;
	s10 =	simm.s32 $0xA380;
	s11 =	simm.s32 $0x1  }
0x10: {  	[tilespmem:s10], [sflag:$0x3] =	stream.indirect.gather [hbm4b:s2+s6], $0x80, s9, s6, $0xb8;
	[tilespmem:$0x19380] =	vst v63  }
0x11: {  	s14 =	smul.u32 $0x3200, s13;
	_ =	swait.ge [sflag:s11], $0x5000  }
0x12: {  	s16 =	sadd.s32 $0x6EC00, s12;
	[sflag:s11] =	ssyncset.done $0x0  }
0x13: {  	s15 =	simm.s32 $0x2;
	s12 =	sadd.s32 s16, s14;
	[sflag:s11] =	ssyncadd.s32 $0xFFFFB000  }
0x14: {  	[hbm4b:s12+s3] =	stream.linear.scatter [tilespmem:s7], [sflag:$0x6], $0x5000, $0x38;
	[tilespmem:$0x19380] =	vst v63  }
0x15: {  	s17 =	smul.u32 $0x19000, s13;
	s13 =	simm.s32 $0x1E0;
	s14 =	simm.s32 $0xF380  }
0x16: {  	[tilespmem:s14], [sflag:$0x4] =	stream.indirect.gather [hbm4b:s2+s6], $0x80, s13, s6, $0xb8;
	[tilespmem:$0x19380] =	vst v63  }
0x17: {  	s17 =	sshrl.u32 s17, $0x3;
	_ =	swait.ge [sflag:s15], $0x5000  }
0x18: {  	s24 =	sadd.s32 s16, s17;
	[sflag:s15] =	ssyncset.done $0x0  }
0x19: {  	s16 =	sadd.s32 $0xA00, s24;
	[sflag:s15] =	ssyncadd.s32 $0xFFFFB000  }
0x1a: {  	[hbm4b:s16+s3] =	stream.linear.scatter [tilespmem:s8], [sflag:$0x7], $0x5000, $0x38;
	[tilespmem:$0x19380] =	vst v63  }
0x1b: {  	s18 =	simm.s32 $0x14380;
	s19 =	simm.s32 $0x3;
	s17 =	simm.s32 $0x280  }
0x1c: {  	[tilespmem:s18], [sflag:$0x5] =	stream.indirect.gather [hbm4b:s2+s6], $0x80, s17, s6, $0xb8;
	[tilespmem:$0x19380] =	vst v63  }
0x1d: {  	_ =	swait.ge [sflag:s19], $0x5000  }
0x1e: {  	[sflag:s19] =	ssyncset.done $0x0  }
0x1f: {  	s21 =	simm.s32 $0x4;
	s20 =	sadd.s32 $0x1400, s24;
	[sflag:s19] =	ssyncadd.s32 $0xFFFFB000  }
0x20: {  	[hbm4b:s20+s3] =	stream.linear.scatter [tilespmem:s10], [sflag:$0x8], $0x5000, $0x38;
	[tilespmem:$0x19380] =	vst v63  }
0x21: {  	_ =	swait.ge [sflag:s21], $0x5000  }
0x22: {  	[sflag:s21] =	ssyncset.done $0x0  }
0x23: {  	s23 =	simm.s32 $0x5;
	s22 =	sadd.s32 $0x1E00, s24;
	[sflag:s21] =	ssyncadd.s32 $0xFFFFB000  }
0x24: {  	[hbm4b:s22+s3] =	stream.linear.scatter [tilespmem:s14], [sflag:$0x9], $0x5000, $0x38;
	[tilespmem:$0x19380] =	vst v63  }
0x25: {  	_ =	swait.ge [sflag:s23], $0x5000  }
0x26: {  	[sflag:s23] =	ssyncset.done $0x0  }
0x27: {  	s25 =	simm.s32 $0x6;
	s24 =	sadd.s32 $0x2800, s24;
	[sflag:s23] =	ssyncadd.s32 $0xFFFFB000  }
0x28: {  	[hbm4b:s24+s3] =	stream.linear.scatter [tilespmem:s18], [sflag:$0xA], $0x5000, $0x38;
	[tilespmem:$0x19380] =	vst v63  }
0x29: {  	_ =	swait.ge [sflag:s25], $0x5000  }
0x2a: {  	[sflag:s25] =	ssyncset.done $0x0  }
0x2b: {  	s26 =	simm.s32 $0x7;
	[sflag:s25] =	ssyncadd.s32 $0xFFFFB000  }
0x2c: {  	_ =	swait.ge [sflag:s26], $0x5000  }
0x2d: {  	s30 =	ssub.s32 $0x2, s29;
	[sflag:s26] =	ssyncset.done $0x0  }
0x2e: {  	s28 =	simm.s32 $0x8;
	s31 =	sshrl.u32 s30, $0x1;
	[sflag:s26] =	ssyncadd.s32 $0xFFFFB000  }
0x2f: {  	s30 =	ssub.s32 s30, s31;
	_ =	swait.ge [sflag:s28], $0x5000  }
0x30: {  	s31 =	smax.u32 s30, $0x1;
	[sflag:s28] =	ssyncset.done $0x0  }
0x31: {  	s29 =	simm.s32 $0x9;
	p0 =	sne.s32 s31, $0x1;
	[sflag:s28] =	ssyncadd.s32 $0xFFFFB000  }
.Ltmp0:
0x32: {  	_ =	swait.ge [sflag:s29], $0x5000;
	(pc) =	sbr.rel @!p0 .LBB2_2-.Ltmp0, $4  }
0x33: {  	[sflag:s29] =	ssyncset.done $0x0  }
0x34: {  	s30 =	simm.s32 $0xA;
	[sflag:s29] =	ssyncadd.s32 $0xFFFFB000  }
0x35: {  	_ =	swait.ge [sflag:s30], $0x5000  }
0x36: {  	s31 =	sadd.s32 $0xFFFFFFFF, s31;
	[sflag:s30] =	ssyncset.done $0x0  }
.LBB2_1:
0x37: {  	p0 =	sne.s32 s31, $0x1;
	s31 =	sadd.s32 $0xFFFFFFFF, s31;
	[sflag:s30] =	ssyncadd.s32 $0xFFFFB000  }
0x38: {  	[tilespmem:s3], [sflag:$0xB] =	stream.linear.gather [hbm4b:s4+s3], $0x320, $0x38;
	[tilespmem:$0x19380] =	vst v63  }
0x39: {  	_ =	swait.ge [sflag:s5], $0x320  }
0x3a: {  	[sflag:s5] =	ssyncset.done $0x0  }
0x3b: {  	[sflag:s5] =	ssyncadd.s32 $0xFFFFFCE0  }
0x3c: {  	[tilespmem:s7], [sflag:$0x1] =	stream.indirect.gather [hbm4b:s2+s6], $0x80, s3, s6, $0xb8;
	[tilespmem:$0x19380] =	vst v63  }
0x3d: {  	_ = 	snop  }
0x3e: {  	[tilespmem:s8], [sflag:$0x2] =	stream.indirect.gather [hbm4b:s2+s6], $0x80, s6, s6, $0xb8;
	[tilespmem:$0x19380] =	vst v63  }
0x3f: {  	_ = 	snop  }
0x40: {  	[tilespmem:s10], [sflag:$0x3] =	stream.indirect.gather [hbm4b:s2+s6], $0x80, s9, s6, $0xb8;
	[tilespmem:$0x19380] =	vst v63  }
0x41: {  	_ =	swait.ge [sflag:s11], $0x5000  }
0x42: {  	[sflag:s11] =	ssyncset.done $0x0  }
0x43: {  	[sflag:s11] =	ssyncadd.s32 $0xFFFFB000  }
0x44: {  	[hbm4b:s12+s3] =	stream.linear.scatter [tilespmem:s7], [sflag:$0x6], $0x5000, $0x38;
	[tilespmem:$0x19380] =	vst v63  }
0x45: {  	_ = 	snop  }
0x46: {  	[tilespmem:s14], [sflag:$0x4] =	stream.indirect.gather [hbm4b:s2+s6], $0x80, s13, s6, $0xb8;
	[tilespmem:$0x19380] =	vst v63  }
0x47: {  	_ =	swait.ge [sflag:s15], $0x5000  }
0x48: {  	[sflag:s15] =	ssyncset.done $0x0  }
0x49: {  	[sflag:s15] =	ssyncadd.s32 $0xFFFFB000  }
0x4a: {  	[hbm4b:s16+s3] =	stream.linear.scatter [tilespmem:s8], [sflag:$0x7], $0x5000, $0x38;
	[tilespmem:$0x19380] =	vst v63  }
0x4b: {  	_ = 	snop  }
0x4c: {  	[tilespmem:s18], [sflag:$0x5] =	stream.indirect.gather [hbm4b:s2+s6], $0x80, s17, s6, $0xb8;
	[tilespmem:$0x19380] =	vst v63  }
0x4d: {  	_ =	swait.ge [sflag:s19], $0x5000  }
0x4e: {  	[sflag:s19] =	ssyncset.done $0x0  }
0x4f: {  	[sflag:s19] =	ssyncadd.s32 $0xFFFFB000  }
0x50: {  	[hbm4b:s20+s3] =	stream.linear.scatter [tilespmem:s10], [sflag:$0x8], $0x5000, $0x38;
	[tilespmem:$0x19380] =	vst v63  }
0x51: {  	_ =	swait.ge [sflag:s21], $0x5000  }
0x52: {  	[sflag:s21] =	ssyncset.done $0x0  }
0x53: {  	[sflag:s21] =	ssyncadd.s32 $0xFFFFB000  }
0x54: {  	[hbm4b:s22+s3] =	stream.linear.scatter [tilespmem:s14], [sflag:$0x9], $0x5000, $0x38;
	[tilespmem:$0x19380] =	vst v63  }
0x55: {  	_ =	swait.ge [sflag:s23], $0x5000  }
0x56: {  	[sflag:s23] =	ssyncset.done $0x0  }
0x57: {  	[sflag:s23] =	ssyncadd.s32 $0xFFFFB000  }
0x58: {  	[hbm4b:s24+s3] =	stream.linear.scatter [tilespmem:s18], [sflag:$0xA], $0x5000, $0x38;
	[tilespmem:$0x19380] =	vst v63  }
0x59: {  	_ =	swait.ge [sflag:s25], $0x5000  }
0x5a: {  	[sflag:s25] =	ssyncset.done $0x0  }
0x5b: {  	[sflag:s25] =	ssyncadd.s32 $0xFFFFB000  }
0x5c: {  	_ =	swait.ge [sflag:s26], $0x5000  }
0x5d: {  	[sflag:s26] =	ssyncset.done $0x0  }
0x5e: {  	[sflag:s26] =	ssyncadd.s32 $0xFFFFB000  }
0x5f: {  	_ =	swait.ge [sflag:s28], $0x5000  }
0x60: {  	[sflag:s28] =	ssyncset.done $0x0  }
0x61: {  	[sflag:s28] =	ssyncadd.s32 $0xFFFFB000  }
.Ltmp1:
0x62: {  	_ =	swait.ge [sflag:s29], $0x5000;
	(pc) =	sbr.rel @p0 .LBB2_1-.Ltmp1, $4  }
0x63: {  	[sflag:s29] =	ssyncset.done $0x0  }
0x64: {  	[sflag:s29] =	ssyncadd.s32 $0xFFFFB000  }
0x65: {  	_ =	swait.ge [sflag:s30], $0x5000  }
0x66: {  	[sflag:s30] =	ssyncset.done $0x0  }
.LBB2_2:
0x67: {  	[sflag:s30] =	ssyncadd.s32 $0xFFFFB000  }
0x68: {  	_ =	sfence.sel $0x180000  }
0x69: {  	[bflag:$0x0] =	sbarrier.arrive $0xFFFF  }
0x6a: {  	p0 =	sne.s32 s0, $0x0;
	_ =	strace $0x9000004D  }
0x6b: {  	s0 =	sadd.s32 @!p0 $0x100000, s1;
	[bflag:$0x2] =	sbarrier.arrive $0xFFFF  }
0x6c: {  	[sflag:s0] =	ssyncadd.tile.s32 @!p0 $0x1;
	_ =	shalt  }
.Lfunc_end2:
_tile_overlayer_lowered:
.L_overlay_start_2:
0x6d: {  	(tag) =	ssettag $0x2  }
0x6e: {  	s0 =	rddreg [dreg:$0x0];
	s2 =	stileid.u32  }
0x6f: {  	s1 =	rddreg [dreg:$0x1];
	p0 =	sne.s32 s2, $0x0  }
0x70: {  	s3 =	rddreg [dreg:$0x2];
	[bflag:$0x3] =	sbarrier.arrive $0xFFFF;
	s2 =	simm.s32 @!p0 $0x1C0B  }
0x71: {  	[timem:s3], [sflag:s2] =	dma.local @!p0 [hbm:s0], s1  }
0x72: {  	s0 =	simm.s32 @!p0 $0xB  }
0x73: {  	_ =	swait.ge @!p0 [sflag:s0], s1  }
0x74: {  	s1 =	ssub.s32 @!p0 $0x0, s1;
	[sflag:s0] =	ssyncset.done @!p0 $0x0  }
0x75: {  	[sflag:s0] =	ssyncadd.s32 @!p0 s1  }
0x76: {  	[bflag:$0x3] =	sbarrier.arrive $0xFFFF  }
0x77: {  	_ =	shalt  }

// kernel: kernel.27.cloned.1.call-start
scs
__scs_entry_jumppad:
0x0: {  	(pc) =	sbr.rel $0x88, $3  }
0x1: {  	(tag) =	ssettag $0x0;
	lr =	simm.s32 $0x1  }
0x2: {  	[smem:$0x3F9C] =	sst lr;
	_ =	strace $0xD0000000  }
0x3: {  	_ = 	snop  }
0x4: {  	_ = 	snop  }
0x5: {  	_ = 	snop  }
0x6: {  	_ = 	snop  }
0x7: {  	_ = 	snop  }
__scs_overlays_trampoline_lowered:
0x8: {  	[smem:$0x3FAB] =	sst s0  }
0x9: {  	[smem:$0x3FAC] =	sst s1  }
0xa: {  	[smem:$0x3FAD] =	sst s2  }
0xb: {  	[smem:$0x3FAE] =	sst s3  }
0xc: {  	[smem:$0x3FAF] =	sst s4  }
0xd: {  	[smem:$0x3FB0] =	sst s5  }
0xe: {  	[smem:$0x3FB1] =	sst s6  }
0xf: {  	[smem:$0x3FB2] =	sst s7  }
0x10: {  	[smem:$0x3FB3] =	sst s8  }
0x11: {  	[smem:$0x3FB4] =	sst s9;
	s0 =	simm.s32 @!p0 $0x0  }
0x12: {  	s1 =	sld [smem:$0x3F9A];
	s0 =	simm.s32 @p0 $0x1  }
0x13: {  	[smem:$0x3FB5] =	sst s0;
	s0 =	simm.s32 @!p1 $0x0  }
0x14: {  	s2 =	sld [smem:$0x3F99];
	s0 =	simm.s32 @p1 $0x1  }
0x15: {  	[smem:$0x3FB6] =	sst s0;
	s0 =	simm.s32 @!p2 $0x0  }
0x16: {  	s3 =	sld [smem:$0x3FDB];
	s0 =	simm.s32 @p2 $0x1  }
0x17: {  	s4 =	simm.s32 $0x1BF5;
	[smem:$0x3FB8] =	sst s0  }
0x18: {  	s0 =	sld [smem:$0x3F9B];
	_ =	swait.ge [sflag:s4], $0x0  }
0x19: {  	s7 =	sld [smem:$0x3F9C]  }
0x1a: {  	s8 =	sadd.s32 $0xFFFFE003, lr  }
0x1b: {  	s9 =	sadd.s32 $0xFFFFFEF7, lr;
	s5 =	simm.s32 $0xFFFFFFFF;
	p2 =	slt.u32 s8, $0xFFFFF086  }
0x1c: {  	p1 =	slt.u32 s9, $0xF7A;
	s5 =	simm.s32 @!p2 $0x0  }
0x1d: {  	s5 =	simm.s32 @p1 $0x1;
	p0 =	seq.s32 s7, s2  }
0x1e: {  	s7 =	smul.u32 @!p0 $0xF7A, s2;
	p2 =	seq.s32 @!p0 s5, $0x0  }
0x1f: {  	s9 =	smul.u32 $0xF7A, s1;
	s8 =	simm.s32 @!p0 $0x1BF5;
	p2 =	por !p2, p0  }
0x20: {  	[sflag:s8] =	ssyncset.s32 @!p0 $0xFFFFF086;
	s6 =	sadd.s32 @!p0 s3, s7;
	s7 =	simm.s32 @!p0 $0x108  }
0x21: {  	s3 =	sadd.s32 s3, s9;
	s6 =	sadd.s32 @!p0 $0x88, s6;
	s7 =	simm.s32 @p2 $0x1082  }
0x22: {  	[simem:s7], [sflag:s8] =	dma.local @!p0 [hbm:s6], $0xF7A  }
0x23: {  	s9 =	sor.u32 $0xD0000000, s2;
	s6 =	simm.s32 $0x108;
	_ =	swait.ge @!p0 [sflag:s8], $0x0  }
0x24: {  	s3 =	sadd.s32 $0x88, s3;
	s6 =	simm.s32 @!p1 $0x1082;
	[sflag:s4] =	ssyncset.s32 $0xFFFFF086  }
0x25: {  	[simem:s6], [sflag:s4] =	dma.local [hbm:s3], $0xF7A  }
0x26: {  	[smem:$0x3F9C] =	sst s1;
	(tag) =	ssettag s2;
	_ =	strace s9  }
0x27: {  	s1 =	sld [smem:$0x3FAC]  }
0x28: {  	s2 =	sld [smem:$0x3FAD]  }
0x29: {  	s4 =	sld [smem:$0x3FAF]  }
0x2a: {  	p0 =	seq.s32 s5, $0x0;
	s5 =	sld [smem:$0x3FB0]  }
0x2b: {  	s6 =	sld [smem:$0x3FB1]  }
0x2c: {  	s7 =	sld [smem:$0x3FB2]  }
0x2d: {  	s3 =	simm.s32 $0x108;
	s8 =	sld [smem:$0x3FB3]  }
0x2e: {  	s3 =	simm.s32 @!p0 $0x1082;
	s9 =	sld [smem:$0x3FB4]  }
0x2f: {  	lr =	sadd.s32 s0, s3;
	s0 =	sld [smem:$0x3FAB]  }
0x30: {  	s3 =	sld [smem:$0x3FAE]  }
0x31: {  	[smem:$0x3FB7] =	sst s10  }
0x32: {  	s10 =	sld [smem:$0x3FB5];
	_ =	sdelay $0x3  }
0x33: {  	p0 =	seq.s32 s10, $0x1;
	s10 =	sld [smem:$0x3FB7];
	_ =	sdelay $0x3  }
0x34: {  	[smem:$0x3FB7] =	sst s10  }
0x35: {  	s10 =	sld [smem:$0x3FB6];
	_ =	sdelay $0x3  }
0x36: {  	p1 =	seq.s32 s10, $0x1;
	s10 =	sld [smem:$0x3FB7];
	_ =	sdelay $0x3  }
0x37: {  	[smem:$0x3FB7] =	sst s10  }
0x38: {  	s10 =	sld [smem:$0x3FB8]  }
0x39: {  	_ = 	snop;
	(pc) =	sbr.ind lr, $3  }
0x3a: {  	_ = 	snop  }
0x3b: {  	_ = 	snop  }
0x3c: {  	p2 =	seq.s32 s10, $0x1;
	s10 =	sld [smem:$0x3FB7]  }
0x3d: {  	_ =	shalt  }
0x3e: {  	_ =	shalt  }
0x3f: {  	_ =	shalt  }
0x40: {  	_ =	shalt  }
0x41: {  	_ =	shalt  }
0x42: {  	_ =	shalt  }
0x43: {  	_ =	shalt  }
0x44: {  	_ =	shalt  }
0x45: {  	_ =	shalt  }
0x46: {  	_ =	shalt  }
0x47: {  	_ =	shalt  }
0x48: {  	_ =	shalt  }
0x49: {  	_ =	shalt  }
0x4a: {  	_ =	shalt  }
0x4b: {  	_ =	shalt  }
0x4c: {  	_ =	shalt  }
0x4d: {  	_ =	shalt  }
0x4e: {  	_ =	shalt  }
0x4f: {  	_ =	shalt  }
0x50: {  	_ =	shalt  }
0x51: {  	_ =	shalt  }
0x52: {  	_ =	shalt  }
0x53: {  	_ =	shalt  }
0x54: {  	_ =	shalt  }
0x55: {  	_ =	shalt  }
0x56: {  	_ =	shalt  }
0x57: {  	_ =	shalt  }
0x58: {  	_ =	shalt  }
0x59: {  	_ =	shalt  }
0x5a: {  	_ =	shalt  }
0x5b: {  	_ =	shalt  }
0x5c: {  	_ =	shalt  }
0x5d: {  	_ =	shalt  }
0x5e: {  	_ =	shalt  }
0x5f: {  	_ =	shalt  }
0x60: {  	_ =	shalt  }
0x61: {  	_ =	shalt  }
0x62: {  	_ =	shalt  }
0x63: {  	_ =	shalt  }
0x64: {  	_ =	shalt  }
0x65: {  	_ =	shalt  }
0x66: {  	_ =	shalt  }
0x67: {  	_ =	shalt  }
0x68: {  	_ =	shalt  }
0x69: {  	_ =	shalt  }
0x6a: {  	_ =	shalt  }
0x6b: {  	_ =	shalt  }
0x6c: {  	_ =	shalt  }
0x6d: {  	_ =	shalt  }
0x6e: {  	_ =	shalt  }
0x6f: {  	_ =	shalt  }
0x70: {  	_ =	shalt  }
0x71: {  	_ =	shalt  }
0x72: {  	_ =	shalt  }
0x73: {  	_ =	shalt  }
0x74: {  	_ =	shalt  }
0x75: {  	_ =	shalt  }
0x76: {  	_ =	shalt  }
0x77: {  	_ =	shalt  }
0x78: {  	_ =	shalt  }
0x79: {  	_ =	shalt  }
0x7a: {  	_ =	shalt  }
0x7b: {  	_ =	shalt  }
0x7c: {  	_ =	shalt  }
0x7d: {  	_ =	shalt  }
0x7e: {  	_ =	shalt  }
0x7f: {  	_ =	shalt  }
0x80: {  	_ =	shalt  }
0x81: {  	_ =	shalt  }
0x82: {  	_ =	shalt  }
0x83: {  	_ =	shalt  }
0x84: {  	_ =	shalt  }
0x85: {  	_ =	shalt  }
0x86: {  	_ =	shalt  }
0x87: {  	_ =	shalt  }
.Lfunc_end0:
.L_simem_size_0:
called_computation.3_lowered:
.L_overlay_start_0:
0x88: {  	s2 =	sld [smem:$0x3FD9]  }
0x89: {  	s3 =	sld [smem:$0x3FFE];
	_ =	sdelay $0x1  }
0x8a: {  	s1 =	srdreg.scid  }
0x8b: {  	s0 =	sand.u32 $0x1, s1  }
0x8c: {  	s17 =	sshll.u32 s0, $0xA;
	s2 =	sadd.s32 s3, s2  }
0x8d: {  	s2 =	sadd.s32 s2, s17  }
0x8e: {  	[smem:$0x3FC3] =	sst s2  }
0x8f: {  	_ = 	snop  }
0x90: {  	s18 =	sld [smem:$0x3FC8];
	(tm) =	ssettm $0x1  }
0x91: {  	s19 =	sld [smem:$0x3FFB];
	_ =	sdelay $0x3  }
0x92: {  	_ =	strace s19  }
0x93: {  	s2 =	sld [smem:$0x3FFC];
	_ =	sdelay $0x3  }
0x94: {  	_ =	strace s2  }
0x95: {  	s2 =	sld [smem:$0x3FFD];
	_ =	sdelay $0x3  }
0x96: {  	_ =	strace s2  }
0x97: {  	_ =	strace $0x8FFFFFFF  }
0x98: {  	s20 =	sld [smem:$0x3FDB];
	_ =	sdelay $0x1  }
0x99: {  	s4 =	simm.s32 $_scs_section_size  }
0x9a: {  	s5 =	simm.s32 $_size__tile_overlayer_lowered;
	s6 =	simm.s32 $_tile_overlayer_lowered  }
0x9b: {  	s7 =	simm.s32 $0x1BFF;
	s21 =	sshll.u32 s6, $0x1;
	s4 =	sadd.s32 s4, s20  }
0x9c: {  	s22 =	simm.s32 $0x0;
	s5 =	sshll.u32 s5, $0x1;
	s6 =	sadd.s32 s21, s4  }
0x9d: {  	[timem:s22], [sflag:s7] =	dma.local [hbm:s6], s5  }
0x9e: {  	_ =	swait.ge [sflag:s7], s5  }
0x9f: {  	s5 =	ssub.s32 $0x0, s5;
	[sflag:s7] =	ssyncset.done $0x0  }
0xa0: {  	[sflag:s7] =	ssyncadd.s32 s5;
	_ =	sdelay $0x1  }
0xa1: {  	s23 =	simm.s32 $0x1B8B  }
0xa2: {  	_ =	swait.ge [sflag:s23], $0x1  }
0xa3: {  	[sflag:s23] =	ssyncset.done $0x0  }
0xa4: {  	[sflag:s23] =	ssyncadd.s32 $0xFFFFFFFF  }
0xa5: {  	s5 =	sld [smem:$0x0]  }
0xa6: {  	s6 =	sand.u32 $0xFFFFFFFE, s1  }
0xa7: {  	p0 =	sne.s32 s1, s6  }
0xa8: {  	s6 =	sshll.u32 @p0 s6, $0xE  }
0xa9: {  	s6 =	sadd.s32 @p0 $0x11B8D, s6;
	s7 =	sshll.u32 @p0 s5, $0x11  }
0xaa: {  	s6 =	sor.u32 @p0 s7, s6  }
0xab: {  	[sflag:s6] =	ssyncadd.remote.s32 @p0 $0x1;
	_ =	sdelay $0x1  }
0xac: {  	s6 =	simm.s32 @p0 $0x1B8D  }
0xad: {  	_ =	swait.eq @p0 [sflag:s6], $0x1  }
0xae: {  	[sflag:s6] =	ssyncadd.s32 @p0 $0xFFFFFFFF  }
0xaf: {  	s7 =	sshll.u32 @!p0 s1, $0xE  }
0xb0: {  	s7 =	sor.u32 @!p0 $0x4000, s7;
	s6 =	simm.s32 @!p0 $0x1B8D  }
0xb1: {  	s5 =	sshll.u32 @!p0 s5, $0x11;
	s7 =	sadd.s32 @!p0 $0x11B8D, s7;
	_ =	swait.eq @!p0 [sflag:s6], $0x1  }
0xb2: {  	s5 =	sor.u32 @!p0 s5, s7;
	[sflag:s6] =	ssyncadd.s32 @!p0 $0xFFFFFFFF  }
0xb3: {  	s25 =	simm.s32 $0x1B8E;
	s24 =	sld [smem:$0x3FFE];
	[sflag:s5] =	ssyncadd.remote.s32 @!p0 $0x1  }
0xb4: {  	s26 =	simm.s32 $execute0_lowered;
	[smem:$0x3FD2] =	sst s25  }
0xb5: {  	s6 =	sshll.u32 s26, $0x1;
	_ =	strace $0x8000004F;
	[dreg:$0x1] =	wrdreg $0xFFFFFFFF  }
0xb6: {  	s28 =	simm.s32 $_size_execute0_lowered;
	s4 =	sadd.s32 s4, s6;
	[dreg:$0x0] =	wrdreg $0x0  }
0xb7: {  	s6 =	sshll.u32 s28, $0x1;
	[dreg:$0x2] =	wrdreg s4  }
0xb8: {  	[dreg:$0x3] =	wrdreg s6  }
0xb9: {  	[dreg:$0x4] =	wrdreg $0xC0  }
0xba: {  	_ =	task [dreg:s22], $0x5FFFF  }
0xbb: {  	[dreg:$0x1] =	wrdreg $0xFFFFFFFF  }
0xbc: {  	[dreg:$0x0] =	wrdreg $0x60  }
0xbd: {  	[dreg:$0x2] =	wrdreg s18  }
0xbe: {  	[dreg:$0x3] =	wrdreg s24  }
0xbf: {  	[dreg:$0x4] =	wrdreg $0xC  }
0xc0: {  	_ =	task.clear_ibuf [dreg:s22], $0x5FFFF;
	_ =	strace $0x9000004F  }
0xc1: {  	s29 =	simm.s32 $0xC;
	_ =	strace $0x80000051  }
0xc2: {  	_ =	swait.ge [sflag:s29], $0x1  }
0xc3: {  	[sflag:s29] =	ssyncadd.s32 $0xFFFFFFFF  }
0xc4: {  	_ =	strace $0x90000051  }
0xc5: {  	_ =	sfence  }
0xc6: {  	s30 =	sld [smem:$0x0];
	_ =	sdelay $0x2  }
0xc7: {  	s31 =	sshll.u32 s1, $0xD;
	s1 =	sshrl.u32 s1, $0x2  }
0xc8: {  	s4 =	sand.u32 $0x4000, s31;
	s1 =	sadd.s32 s1, s30  }
0xc9: {  	s0 =	sor.u32 s4, s0;
	s1 =	sshll.u32 s1, $0x11  }
0xca: {  	s0 =	sor.u32 s1, s0  }
0xcb: {  	s0 =	sadd.s32 $0x8F2B, s0  }
0xcc: {  	[sflag:s0] =	ssyncadd.remote.s32 $0x1  }
0xcd: {  	_ =	sfence.sel $0xFFFF  }
0xce: {  	[dreg:$0x0] =	wrdreg $0xFFFFFFFF;
	(pc) =	sbr.abs _section_cstart, $3  }
0xcf: {  	[dreg:$0x1] =	wrdreg $0xFFFFFFFF  }
0xd0: {  	_ =	task.clear_ibuf [dreg:s22], $0x2FFFF;
	_ =	strace $0x9FFFFFFF  }
0xd1: {  	(tm) =	ssettm $0x7FFFFFFF  }
tec
execute0_lowered:
.L_overlay_start_1:
0x0: {  	(tag) =	ssettag $0x1  }
0x1: {  	s1 =	srdreg.scid;
	s0 =	stileid.u32  }
0x2: {  	s29 =	sand.u32 $0x1, s1;
	s26 =	sshll.u32 s0, $0x1  }
0x3: {  	s13 =	sor.u32 s29, s26  }
0x4: {  	s2 =	rddreg [dreg:$0x0];
	s4 =	smul.u32 $0x64, s13  }
0x5: {  	s12 =	rddreg [dreg:$0x1];
	s3 =	simm.s32 $0x0  }
0x6: {  	s5 =	simm.s32 $0xB;
	[smem:$0x7FF] =	sst s3;
	s4 =	sadd.s32 s4, s12  }
0x7: {  	s1 =	rddreg [dreg:$0x2];
	_ =	strace $0x80000050;
	s4 =	sadd.s32 $0x6600, s4  }
0x8: {  	[tilespmem:s3], [sflag:$0xB] =	stream.linear.gather [hbm4b:s4+s3], $0x320, $0x38;
	[tilespmem:$0x19380] =	vst v63  }
0x9: {  	_ =	swait.ge [sflag:s5], $0x320  }
0xa: {  	[sflag:s5] =	ssyncset.done $0x0  }
0xb: {  	s6 =	simm.s32 $0xA0;
	s7 =	simm.s32 $0x380;
	[sflag:s5] =	ssyncadd.s32 $0xFFFFFCE0  }
0xc: {  	[tilespmem:s7], [sflag:$0x1] =	stream.indirect.gather [hbm4b:s2+s6], $0x80, s3, s6, $0xb8;
	[tilespmem:$0x19380] =	vst v63  }
0xd: {  	s8 =	simm.s32 $0x5380  }
0xe: {  	[tilespmem:s8], [sflag:$0x2] =	stream.indirect.gather [hbm4b:s2+s6], $0x80, s6, s6, $0xb8;
	[tilespmem:$0x19380] =	vst v63  }
0xf: {  	s9 =	simm.s32 $0x140;
	s10 =	simm.s32 $0xA380;
	s11 =	simm.s32 $0x1  }
0x10: {  	[tilespmem:s10], [sflag:$0x3] =	stream.indirect.gather [hbm4b:s2+s6], $0x80, s9, s6, $0xb8;
	[tilespmem:$0x19380] =	vst v63  }
0x11: {  	s14 =	smul.u32 $0x3200, s13;
	_ =	swait.ge [sflag:s11], $0x5000  }
0x12: {  	s16 =	sadd.s32 $0xD2C00, s12;
	[sflag:s11] =	ssyncset.done $0x0  }
0x13: {  	s15 =	simm.s32 $0x2;
	s12 =	sadd.s32 s16, s14;
	[sflag:s11] =	ssyncadd.s32 $0xFFFFB000  }
0x14: {  	[hbm4b:s12+s3] =	stream.linear.scatter [tilespmem:s7], [sflag:$0x6], $0x5000, $0x38;
	[tilespmem:$0x19380] =	vst v63  }
0x15: {  	s17 =	smul.u32 $0x19000, s13;
	s13 =	simm.s32 $0x1E0;
	s14 =	simm.s32 $0xF380  }
0x16: {  	[tilespmem:s14], [sflag:$0x4] =	stream.indirect.gather [hbm4b:s2+s6], $0x80, s13, s6, $0xb8;
	[tilespmem:$0x19380] =	vst v63  }
0x17: {  	s17 =	sshrl.u32 s17, $0x3;
	_ =	swait.ge [sflag:s15], $0x5000  }
0x18: {  	s24 =	sadd.s32 s16, s17;
	[sflag:s15] =	ssyncset.done $0x0  }
0x19: {  	s16 =	sadd.s32 $0xA00, s24;
	[sflag:s15] =	ssyncadd.s32 $0xFFFFB000  }
0x1a: {  	[hbm4b:s16+s3] =	stream.linear.scatter [tilespmem:s8], [sflag:$0x7], $0x5000, $0x38;
	[tilespmem:$0x19380] =	vst v63  }
0x1b: {  	s18 =	simm.s32 $0x14380;
	s19 =	simm.s32 $0x3;
	s17 =	simm.s32 $0x280  }
0x1c: {  	[tilespmem:s18], [sflag:$0x5] =	stream.indirect.gather [hbm4b:s2+s6], $0x80, s17, s6, $0xb8;
	[tilespmem:$0x19380] =	vst v63  }
0x1d: {  	_ =	swait.ge [sflag:s19], $0x5000  }
0x1e: {  	[sflag:s19] =	ssyncset.done $0x0  }
0x1f: {  	s21 =	simm.s32 $0x4;
	s20 =	sadd.s32 $0x1400, s24;
	[sflag:s19] =	ssyncadd.s32 $0xFFFFB000  }
0x20: {  	[hbm4b:s20+s3] =	stream.linear.scatter [tilespmem:s10], [sflag:$0x8], $0x5000, $0x38;
	[tilespmem:$0x19380] =	vst v63  }
0x21: {  	_ =	swait.ge [sflag:s21], $0x5000  }
0x22: {  	[sflag:s21] =	ssyncset.done $0x0  }
0x23: {  	s23 =	simm.s32 $0x5;
	s22 =	sadd.s32 $0x1E00, s24;
	[sflag:s21] =	ssyncadd.s32 $0xFFFFB000  }
0x24: {  	[hbm4b:s22+s3] =	stream.linear.scatter [tilespmem:s14], [sflag:$0x9], $0x5000, $0x38;
	[tilespmem:$0x19380] =	vst v63  }
0x25: {  	_ =	swait.ge [sflag:s23], $0x5000  }
0x26: {  	[sflag:s23] =	ssyncset.done $0x0  }
0x27: {  	s25 =	simm.s32 $0x6;
	s24 =	sadd.s32 $0x2800, s24;
	[sflag:s23] =	ssyncadd.s32 $0xFFFFB000  }
0x28: {  	[hbm4b:s24+s3] =	stream.linear.scatter [tilespmem:s18], [sflag:$0xA], $0x5000, $0x38;
	[tilespmem:$0x19380] =	vst v63  }
0x29: {  	_ =	swait.ge [sflag:s25], $0x5000  }
0x2a: {  	[sflag:s25] =	ssyncset.done $0x0  }
0x2b: {  	s26 =	simm.s32 $0x7;
	[sflag:s25] =	ssyncadd.s32 $0xFFFFB000  }
0x2c: {  	_ =	swait.ge [sflag:s26], $0x5000  }
0x2d: {  	s30 =	ssub.s32 $0x2, s29;
	[sflag:s26] =	ssyncset.done $0x0  }
0x2e: {  	s28 =	simm.s32 $0x8;
	s31 =	sshrl.u32 s30, $0x1;
	[sflag:s26] =	ssyncadd.s32 $0xFFFFB000  }
0x2f: {  	s30 =	ssub.s32 s30, s31;
	_ =	swait.ge [sflag:s28], $0x5000  }
0x30: {  	s31 =	smax.u32 s30, $0x1;
	[sflag:s28] =	ssyncset.done $0x0  }
0x31: {  	s29 =	simm.s32 $0x9;
	p0 =	sne.s32 s31, $0x1;
	[sflag:s28] =	ssyncadd.s32 $0xFFFFB000  }
.Ltmp0:
0x32: {  	_ =	swait.ge [sflag:s29], $0x5000;
	(pc) =	sbr.rel @!p0 .LBB2_2-.Ltmp0, $4  }
0x33: {  	[sflag:s29] =	ssyncset.done $0x0  }
0x34: {  	s30 =	simm.s32 $0xA;
	[sflag:s29] =	ssyncadd.s32 $0xFFFFB000  }
0x35: {  	_ =	swait.ge [sflag:s30], $0x5000  }
0x36: {  	s31 =	sadd.s32 $0xFFFFFFFF, s31;
	[sflag:s30] =	ssyncset.done $0x0  }
.LBB2_1:
0x37: {  	p0 =	sne.s32 s31, $0x1;
	s31 =	sadd.s32 $0xFFFFFFFF, s31;
	[sflag:s30] =	ssyncadd.s32 $0xFFFFB000  }
0x38: {  	[tilespmem:s3], [sflag:$0xB] =	stream.linear.gather [hbm4b:s4+s3], $0x320, $0x38;
	[tilespmem:$0x19380] =	vst v63  }
0x39: {  	_ =	swait.ge [sflag:s5], $0x320  }
0x3a: {  	[sflag:s5] =	ssyncset.done $0x0  }
0x3b: {  	[sflag:s5] =	ssyncadd.s32 $0xFFFFFCE0  }
0x3c: {  	[tilespmem:s7], [sflag:$0x1] =	stream.indirect.gather [hbm4b:s2+s6], $0x80, s3, s6, $0xb8;
	[tilespmem:$0x19380] =	vst v63  }
0x3d: {  	_ = 	snop  }
0x3e: {  	[tilespmem:s8], [sflag:$0x2] =	stream.indirect.gather [hbm4b:s2+s6], $0x80, s6, s6, $0xb8;
	[tilespmem:$0x19380] =	vst v63  }
0x3f: {  	_ = 	snop  }
0x40: {  	[tilespmem:s10], [sflag:$0x3] =	stream.indirect.gather [hbm4b:s2+s6], $0x80, s9, s6, $0xb8;
	[tilespmem:$0x19380] =	vst v63  }
0x41: {  	_ =	swait.ge [sflag:s11], $0x5000  }
0x42: {  	[sflag:s11] =	ssyncset.done $0x0  }
0x43: {  	[sflag:s11] =	ssyncadd.s32 $0xFFFFB000  }
0x44: {  	[hbm4b:s12+s3] =	stream.linear.scatter [tilespmem:s7], [sflag:$0x6], $0x5000, $0x38;
	[tilespmem:$0x19380] =	vst v63  }
0x45: {  	_ = 	snop  }
0x46: {  	[tilespmem:s14], [sflag:$0x4] =	stream.indirect.gather [hbm4b:s2+s6], $0x80, s13, s6, $0xb8;
	[tilespmem:$0x19380] =	vst v63  }
0x47: {  	_ =	swait.ge [sflag:s15], $0x5000  }
0x48: {  	[sflag:s15] =	ssyncset.done $0x0  }
0x49: {  	[sflag:s15] =	ssyncadd.s32 $0xFFFFB000  }
0x4a: {  	[hbm4b:s16+s3] =	stream.linear.scatter [tilespmem:s8], [sflag:$0x7], $0x5000, $0x38;
	[tilespmem:$0x19380] =	vst v63  }
0x4b: {  	_ = 	snop  }
0x4c: {  	[tilespmem:s18], [sflag:$0x5] =	stream.indirect.gather [hbm4b:s2+s6], $0x80, s17, s6, $0xb8;
	[tilespmem:$0x19380] =	vst v63  }
0x4d: {  	_ =	swait.ge [sflag:s19], $0x5000  }
0x4e: {  	[sflag:s19] =	ssyncset.done $0x0  }
0x4f: {  	[sflag:s19] =	ssyncadd.s32 $0xFFFFB000  }
0x50: {  	[hbm4b:s20+s3] =	stream.linear.scatter [tilespmem:s10], [sflag:$0x8], $0x5000, $0x38;
	[tilespmem:$0x19380] =	vst v63  }
0x51: {  	_ =	swait.ge [sflag:s21], $0x5000  }
0x52: {  	[sflag:s21] =	ssyncset.done $0x0  }
0x53: {  	[sflag:s21] =	ssyncadd.s32 $0xFFFFB000  }
0x54: {  	[hbm4b:s22+s3] =	stream.linear.scatter [tilespmem:s14], [sflag:$0x9], $0x5000, $0x38;
	[tilespmem:$0x19380] =	vst v63  }
0x55: {  	_ =	swait.ge [sflag:s23], $0x5000  }
0x56: {  	[sflag:s23] =	ssyncset.done $0x0  }
0x57: {  	[sflag:s23] =	ssyncadd.s32 $0xFFFFB000  }
0x58: {  	[hbm4b:s24+s3] =	stream.linear.scatter [tilespmem:s18], [sflag:$0xA], $0x5000, $0x38;
	[tilespmem:$0x19380] =	vst v63  }
0x59: {  	_ =	swait.ge [sflag:s25], $0x5000  }
0x5a: {  	[sflag:s25] =	ssyncset.done $0x0  }
0x5b: {  	[sflag:s25] =	ssyncadd.s32 $0xFFFFB000  }
0x5c: {  	_ =	swait.ge [sflag:s26], $0x5000  }
0x5d: {  	[sflag:s26] =	ssyncset.done $0x0  }
0x5e: {  	[sflag:s26] =	ssyncadd.s32 $0xFFFFB000  }
0x5f: {  	_ =	swait.ge [sflag:s28], $0x5000  }
0x60: {  	[sflag:s28] =	ssyncset.done $0x0  }
0x61: {  	[sflag:s28] =	ssyncadd.s32 $0xFFFFB000  }
.Ltmp1:
0x62: {  	_ =	swait.ge [sflag:s29], $0x5000;
	(pc) =	sbr.rel @p0 .LBB2_1-.Ltmp1, $4  }
0x63: {  	[sflag:s29] =	ssyncset.done $0x0  }
0x64: {  	[sflag:s29] =	ssyncadd.s32 $0xFFFFB000  }
0x65: {  	_ =	swait.ge [sflag:s30], $0x5000  }
0x66: {  	[sflag:s30] =	ssyncset.done $0x0  }
.LBB2_2:
0x67: {  	[sflag:s30] =	ssyncadd.s32 $0xFFFFB000  }
0x68: {  	_ =	sfence.sel $0x180000  }
0x69: {  	[bflag:$0x0] =	sbarrier.arrive $0xFFFF  }
0x6a: {  	p0 =	sne.s32 s0, $0x0;
	_ =	strace $0x90000050  }
0x6b: {  	s0 =	sadd.s32 @!p0 $0x100000, s1;
	[bflag:$0x2] =	sbarrier.arrive $0xFFFF  }
0x6c: {  	[sflag:s0] =	ssyncadd.tile.s32 @!p0 $0x1;
	_ =	shalt  }
.Lfunc_end2:
_tile_overlayer_lowered:
.L_overlay_start_2:
0x6d: {  	(tag) =	ssettag $0x2  }
0x6e: {  	s0 =	rddreg [dreg:$0x0];
	s2 =	stileid.u32  }
0x6f: {  	s1 =	rddreg [dreg:$0x1];
	p0 =	sne.s32 s2, $0x0  }
0x70: {  	s3 =	rddreg [dreg:$0x2];
	[bflag:$0x3] =	sbarrier.arrive $0xFFFF;
	s2 =	simm.s32 @!p0 $0x1C0B  }
0x71: {  	[timem:s3], [sflag:s2] =	dma.local @!p0 [hbm:s0], s1  }
0x72: {  	s0 =	simm.s32 @!p0 $0xB  }
0x73: {  	_ =	swait.ge @!p0 [sflag:s0], s1  }
0x74: {  	s1 =	ssub.s32 @!p0 $0x0, s1;
	[sflag:s0] =	ssyncset.done @!p0 $0x0  }
0x75: {  	[sflag:s0] =	ssyncadd.s32 @!p0 s1  }
0x76: {  	[bflag:$0x3] =	sbarrier.arrive $0xFFFF  }
0x77: {  	_ =	shalt  }

// kernel: kernel.30.cloned.1.call-start
scs
__scs_entry_jumppad:
0x0: {  	(pc) =	sbr.rel $0x88, $3  }
0x1: {  	(tag) =	ssettag $0x0;
	lr =	simm.s32 $0x1  }
0x2: {  	[smem:$0x3F9C] =	sst lr;
	_ =	strace $0xD0000000  }
0x3: {  	_ = 	snop  }
0x4: {  	_ = 	snop  }
0x5: {  	_ = 	snop  }
0x6: {  	_ = 	snop  }
0x7: {  	_ = 	snop  }
__scs_overlays_trampoline_lowered:
0x8: {  	[smem:$0x3FAB] =	sst s0  }
0x9: {  	[smem:$0x3FAC] =	sst s1  }
0xa: {  	[smem:$0x3FAD] =	sst s2  }
0xb: {  	[smem:$0x3FAE] =	sst s3  }
0xc: {  	[smem:$0x3FAF] =	sst s4  }
0xd: {  	[smem:$0x3FB0] =	sst s5  }
0xe: {  	[smem:$0x3FB1] =	sst s6  }
0xf: {  	[smem:$0x3FB2] =	sst s7  }
0x10: {  	[smem:$0x3FB3] =	sst s8  }
0x11: {  	[smem:$0x3FB4] =	sst s9;
	s0 =	simm.s32 @!p0 $0x0  }
0x12: {  	s1 =	sld [smem:$0x3F9A];
	s0 =	simm.s32 @p0 $0x1  }
0x13: {  	[smem:$0x3FB5] =	sst s0;
	s0 =	simm.s32 @!p1 $0x0  }
0x14: {  	s2 =	sld [smem:$0x3F99];
	s0 =	simm.s32 @p1 $0x1  }
0x15: {  	[smem:$0x3FB6] =	sst s0;
	s0 =	simm.s32 @!p2 $0x0  }
0x16: {  	s3 =	sld [smem:$0x3FDB];
	s0 =	simm.s32 @p2 $0x1  }
0x17: {  	s4 =	simm.s32 $0x1BF5;
	[smem:$0x3FB8] =	sst s0  }
0x18: {  	s0 =	sld [smem:$0x3F9B];
	_ =	swait.ge [sflag:s4], $0x0  }
0x19: {  	s7 =	sld [smem:$0x3F9C]  }
0x1a: {  	s8 =	sadd.s32 $0xFFFFE003, lr  }
0x1b: {  	s9 =	sadd.s32 $0xFFFFFEF7, lr;
	s5 =	simm.s32 $0xFFFFFFFF;
	p2 =	slt.u32 s8, $0xFFFFF086  }
0x1c: {  	p1 =	slt.u32 s9, $0xF7A;
	s5 =	simm.s32 @!p2 $0x0  }
0x1d: {  	s5 =	simm.s32 @p1 $0x1;
	p0 =	seq.s32 s7, s2  }
0x1e: {  	s7 =	smul.u32 @!p0 $0xF7A, s2;
	p2 =	seq.s32 @!p0 s5, $0x0  }
0x1f: {  	s9 =	smul.u32 $0xF7A, s1;
	s8 =	simm.s32 @!p0 $0x1BF5;
	p2 =	por !p2, p0  }
0x20: {  	[sflag:s8] =	ssyncset.s32 @!p0 $0xFFFFF086;
	s6 =	sadd.s32 @!p0 s3, s7;
	s7 =	simm.s32 @!p0 $0x108  }
0x21: {  	s3 =	sadd.s32 s3, s9;
	s6 =	sadd.s32 @!p0 $0x88, s6;
	s7 =	simm.s32 @p2 $0x1082  }
0x22: {  	[simem:s7], [sflag:s8] =	dma.local @!p0 [hbm:s6], $0xF7A  }
0x23: {  	s9 =	sor.u32 $0xD0000000, s2;
	s6 =	simm.s32 $0x108;
	_ =	swait.ge @!p0 [sflag:s8], $0x0  }
0x24: {  	s3 =	sadd.s32 $0x88, s3;
	s6 =	simm.s32 @!p1 $0x1082;
	[sflag:s4] =	ssyncset.s32 $0xFFFFF086  }
0x25: {  	[simem:s6], [sflag:s4] =	dma.local [hbm:s3], $0xF7A  }
0x26: {  	[smem:$0x3F9C] =	sst s1;
	(tag) =	ssettag s2;
	_ =	strace s9  }
0x27: {  	s1 =	sld [smem:$0x3FAC]  }
0x28: {  	s2 =	sld [smem:$0x3FAD]  }
0x29: {  	s4 =	sld [smem:$0x3FAF]  }
0x2a: {  	p0 =	seq.s32 s5, $0x0;
	s5 =	sld [smem:$0x3FB0]  }
0x2b: {  	s6 =	sld [smem:$0x3FB1]  }
0x2c: {  	s7 =	sld [smem:$0x3FB2]  }
0x2d: {  	s3 =	simm.s32 $0x108;
	s8 =	sld [smem:$0x3FB3]  }
0x2e: {  	s3 =	simm.s32 @!p0 $0x1082;
	s9 =	sld [smem:$0x3FB4]  }
0x2f: {  	lr =	sadd.s32 s0, s3;
	s0 =	sld [smem:$0x3FAB]  }
0x30: {  	s3 =	sld [smem:$0x3FAE]  }
0x31: {  	[smem:$0x3FB7] =	sst s10  }
0x32: {  	s10 =	sld [smem:$0x3FB5];
	_ =	sdelay $0x3  }
0x33: {  	p0 =	seq.s32 s10, $0x1;
	s10 =	sld [smem:$0x3FB7];
	_ =	sdelay $0x3  }
0x34: {  	[smem:$0x3FB7] =	sst s10  }
0x35: {  	s10 =	sld [smem:$0x3FB6];
	_ =	sdelay $0x3  }
0x36: {  	p1 =	seq.s32 s10, $0x1;
	s10 =	sld [smem:$0x3FB7];
	_ =	sdelay $0x3  }
0x37: {  	[smem:$0x3FB7] =	sst s10  }
0x38: {  	s10 =	sld [smem:$0x3FB8]  }
0x39: {  	_ = 	snop;
	(pc) =	sbr.ind lr, $3  }
0x3a: {  	_ = 	snop  }
0x3b: {  	_ = 	snop  }
0x3c: {  	p2 =	seq.s32 s10, $0x1;
	s10 =	sld [smem:$0x3FB7]  }
0x3d: {  	_ =	shalt  }
0x3e: {  	_ =	shalt  }
0x3f: {  	_ =	shalt  }
0x40: {  	_ =	shalt  }
0x41: {  	_ =	shalt  }
0x42: {  	_ =	shalt  }
0x43: {  	_ =	shalt  }
0x44: {  	_ =	shalt  }
0x45: {  	_ =	shalt  }
0x46: {  	_ =	shalt  }
0x47: {  	_ =	shalt  }
0x48: {  	_ =	shalt  }
0x49: {  	_ =	shalt  }
0x4a: {  	_ =	shalt  }
0x4b: {  	_ =	shalt  }
0x4c: {  	_ =	shalt  }
0x4d: {  	_ =	shalt  }
0x4e: {  	_ =	shalt  }
0x4f: {  	_ =	shalt  }
0x50: {  	_ =	shalt  }
0x51: {  	_ =	shalt  }
0x52: {  	_ =	shalt  }
0x53: {  	_ =	shalt  }
0x54: {  	_ =	shalt  }
0x55: {  	_ =	shalt  }
0x56: {  	_ =	shalt  }
0x57: {  	_ =	shalt  }
0x58: {  	_ =	shalt  }
0x59: {  	_ =	shalt  }
0x5a: {  	_ =	shalt  }
0x5b: {  	_ =	shalt  }
0x5c: {  	_ =	shalt  }
0x5d: {  	_ =	shalt  }
0x5e: {  	_ =	shalt  }
0x5f: {  	_ =	shalt  }
0x60: {  	_ =	shalt  }
0x61: {  	_ =	shalt  }
0x62: {  	_ =	shalt  }
0x63: {  	_ =	shalt  }
0x64: {  	_ =	shalt  }
0x65: {  	_ =	shalt  }
0x66: {  	_ =	shalt  }
0x67: {  	_ =	shalt  }
0x68: {  	_ =	shalt  }
0x69: {  	_ =	shalt  }
0x6a: {  	_ =	shalt  }
0x6b: {  	_ =	shalt  }
0x6c: {  	_ =	shalt  }
0x6d: {  	_ =	shalt  }
0x6e: {  	_ =	shalt  }
0x6f: {  	_ =	shalt  }
0x70: {  	_ =	shalt  }
0x71: {  	_ =	shalt  }
0x72: {  	_ =	shalt  }
0x73: {  	_ =	shalt  }
0x74: {  	_ =	shalt  }
0x75: {  	_ =	shalt  }
0x76: {  	_ =	shalt  }
0x77: {  	_ =	shalt  }
0x78: {  	_ =	shalt  }
0x79: {  	_ =	shalt  }
0x7a: {  	_ =	shalt  }
0x7b: {  	_ =	shalt  }
0x7c: {  	_ =	shalt  }
0x7d: {  	_ =	shalt  }
0x7e: {  	_ =	shalt  }
0x7f: {  	_ =	shalt  }
0x80: {  	_ =	shalt  }
0x81: {  	_ =	shalt  }
0x82: {  	_ =	shalt  }
0x83: {  	_ =	shalt  }
0x84: {  	_ =	shalt  }
0x85: {  	_ =	shalt  }
0x86: {  	_ =	shalt  }
0x87: {  	_ =	shalt  }
.Lfunc_end0:
.L_simem_size_0:
called_computation.4_lowered:
.L_overlay_start_0:
0x88: {  	s2 =	sld [smem:$0x3FD9]  }
0x89: {  	s3 =	sld [smem:$0x3FFE];
	_ =	sdelay $0x1  }
0x8a: {  	s1 =	srdreg.scid  }
0x8b: {  	s0 =	sand.u32 $0x1, s1  }
0x8c: {  	s17 =	sshll.u32 s0, $0xA;
	s2 =	sadd.s32 s3, s2  }
0x8d: {  	s2 =	sadd.s32 s2, s17  }
0x8e: {  	[smem:$0x3FC3] =	sst s2  }
0x8f: {  	_ = 	snop  }
0x90: {  	s18 =	sld [smem:$0x3FC8];
	(tm) =	ssettm $0x1  }
0x91: {  	s19 =	sld [smem:$0x3FFB];
	_ =	sdelay $0x3  }
0x92: {  	_ =	strace s19  }
0x93: {  	s2 =	sld [smem:$0x3FFC];
	_ =	sdelay $0x3  }
0x94: {  	_ =	strace s2  }
0x95: {  	s2 =	sld [smem:$0x3FFD];
	_ =	sdelay $0x3  }
0x96: {  	_ =	strace s2  }
0x97: {  	_ =	strace $0x8FFFFFFF  }
0x98: {  	s20 =	sld [smem:$0x3FDB];
	_ =	sdelay $0x1  }
0x99: {  	s4 =	simm.s32 $_scs_section_size  }
0x9a: {  	s5 =	simm.s32 $_size__tile_overlayer_lowered;
	s6 =	simm.s32 $_tile_overlayer_lowered  }
0x9b: {  	s7 =	simm.s32 $0x1BFF;
	s21 =	sshll.u32 s6, $0x1;
	s4 =	sadd.s32 s4, s20  }
0x9c: {  	s22 =	simm.s32 $0x0;
	s5 =	sshll.u32 s5, $0x1;
	s6 =	sadd.s32 s21, s4  }
0x9d: {  	[timem:s22], [sflag:s7] =	dma.local [hbm:s6], s5  }
0x9e: {  	_ =	swait.ge [sflag:s7], s5  }
0x9f: {  	s5 =	ssub.s32 $0x0, s5;
	[sflag:s7] =	ssyncset.done $0x0  }
0xa0: {  	[sflag:s7] =	ssyncadd.s32 s5;
	_ =	sdelay $0x1  }
0xa1: {  	s23 =	simm.s32 $0x1B8B  }
0xa2: {  	_ =	swait.ge [sflag:s23], $0x1  }
0xa3: {  	[sflag:s23] =	ssyncset.done $0x0  }
0xa4: {  	[sflag:s23] =	ssyncadd.s32 $0xFFFFFFFF  }
0xa5: {  	s5 =	sld [smem:$0x0]  }
0xa6: {  	s6 =	sand.u32 $0xFFFFFFFE, s1  }
0xa7: {  	p0 =	sne.s32 s1, s6  }
0xa8: {  	s6 =	sshll.u32 @p0 s6, $0xE  }
0xa9: {  	s6 =	sadd.s32 @p0 $0x11B8D, s6;
	s7 =	sshll.u32 @p0 s5, $0x11  }
0xaa: {  	s6 =	sor.u32 @p0 s7, s6  }
0xab: {  	[sflag:s6] =	ssyncadd.remote.s32 @p0 $0x1;
	_ =	sdelay $0x1  }
0xac: {  	s6 =	simm.s32 @p0 $0x1B8D  }
0xad: {  	_ =	swait.eq @p0 [sflag:s6], $0x1  }
0xae: {  	[sflag:s6] =	ssyncadd.s32 @p0 $0xFFFFFFFF  }
0xaf: {  	s7 =	sshll.u32 @!p0 s1, $0xE  }
0xb0: {  	s7 =	sor.u32 @!p0 $0x4000, s7;
	s6 =	simm.s32 @!p0 $0x1B8D  }
0xb1: {  	s5 =	sshll.u32 @!p0 s5, $0x11;
	s7 =	sadd.s32 @!p0 $0x11B8D, s7;
	_ =	swait.eq @!p0 [sflag:s6], $0x1  }
0xb2: {  	s5 =	sor.u32 @!p0 s5, s7;
	[sflag:s6] =	ssyncadd.s32 @!p0 $0xFFFFFFFF  }
0xb3: {  	s25 =	simm.s32 $0x1B8E;
	s24 =	sld [smem:$0x3FFE];
	[sflag:s5] =	ssyncadd.remote.s32 @!p0 $0x1  }
0xb4: {  	s26 =	simm.s32 $execute0_lowered;
	[smem:$0x3FD2] =	sst s25  }
0xb5: {  	s6 =	sshll.u32 s26, $0x1;
	_ =	strace $0x80000052;
	[dreg:$0x1] =	wrdreg $0xFFFFFFFF  }
0xb6: {  	s28 =	simm.s32 $_size_execute0_lowered;
	s4 =	sadd.s32 s4, s6;
	[dreg:$0x0] =	wrdreg $0x0  }
0xb7: {  	s6 =	sshll.u32 s28, $0x1;
	[dreg:$0x2] =	wrdreg s4  }
0xb8: {  	[dreg:$0x3] =	wrdreg s6  }
0xb9: {  	[dreg:$0x4] =	wrdreg $0xC0  }
0xba: {  	_ =	task [dreg:s22], $0x5FFFF  }
0xbb: {  	[dreg:$0x1] =	wrdreg $0xFFFFFFFF  }
0xbc: {  	[dreg:$0x0] =	wrdreg $0x60  }
0xbd: {  	[dreg:$0x2] =	wrdreg s18  }
0xbe: {  	[dreg:$0x3] =	wrdreg s24  }
0xbf: {  	[dreg:$0x4] =	wrdreg $0xD  }
0xc0: {  	_ =	task.clear_ibuf [dreg:s22], $0x5FFFF;
	_ =	strace $0x90000052  }
0xc1: {  	s29 =	simm.s32 $0xD;
	_ =	strace $0x80000054  }
0xc2: {  	_ =	swait.ge [sflag:s29], $0x1  }
0xc3: {  	[sflag:s29] =	ssyncadd.s32 $0xFFFFFFFF  }
0xc4: {  	_ =	strace $0x90000054  }
0xc5: {  	_ =	sfence  }
0xc6: {  	s30 =	sld [smem:$0x0];
	_ =	sdelay $0x2  }
0xc7: {  	s31 =	sshll.u32 s1, $0xD;
	s1 =	sshrl.u32 s1, $0x2  }
0xc8: {  	s4 =	sand.u32 $0x4000, s31;
	s1 =	sadd.s32 s1, s30  }
0xc9: {  	s0 =	sor.u32 s4, s0;
	s1 =	sshll.u32 s1, $0x11  }
0xca: {  	s0 =	sor.u32 s1, s0  }
0xcb: {  	s0 =	sadd.s32 $0x8F2B, s0  }
0xcc: {  	[sflag:s0] =	ssyncadd.remote.s32 $0x1  }
0xcd: {  	_ =	sfence.sel $0xFFFF  }
0xce: {  	[dreg:$0x0] =	wrdreg $0xFFFFFFFF;
	(pc) =	sbr.abs _section_cstart, $3  }
0xcf: {  	[dreg:$0x1] =	wrdreg $0xFFFFFFFF  }
0xd0: {  	_ =	task.clear_ibuf [dreg:s22], $0x2FFFF;
	_ =	strace $0x9FFFFFFF  }
0xd1: {  	(tm) =	ssettm $0x7FFFFFFF  }
tec
execute0_lowered:
.L_overlay_start_1:
0x0: {  	(tag) =	ssettag $0x1  }
0x1: {  	s1 =	srdreg.scid;
	s0 =	stileid.u32  }
0x2: {  	s29 =	sand.u32 $0x1, s1;
	s26 =	sshll.u32 s0, $0x1  }
0x3: {  	s13 =	sor.u32 s29, s26  }
0x4: {  	s2 =	rddreg [dreg:$0x0];
	s4 =	smul.u32 $0x64, s13  }
0x5: {  	s12 =	rddreg [dreg:$0x1];
	s3 =	simm.s32 $0x0  }
0x6: {  	s5 =	simm.s32 $0xB;
	[smem:$0x7FF] =	sst s3;
	s4 =	sadd.s32 s4, s12  }
0x7: {  	s1 =	rddreg [dreg:$0x2];
	_ =	strace $0x80000053;
	s4 =	sadd.s32 $0x7400, s4  }
0x8: {  	[tilespmem:s3], [sflag:$0xB] =	stream.linear.gather [hbm4b:s4+s3], $0x320, $0x38;
	[tilespmem:$0x19380] =	vst v63  }
0x9: {  	_ =	swait.ge [sflag:s5], $0x320  }
0xa: {  	[sflag:s5] =	ssyncset.done $0x0  }
0xb: {  	s6 =	simm.s32 $0xA0;
	s7 =	simm.s32 $0x380;
	[sflag:s5] =	ssyncadd.s32 $0xFFFFFCE0  }
0xc: {  	[tilespmem:s7], [sflag:$0x1] =	stream.indirect.gather [hbm4b:s2+s6], $0x80, s3, s6, $0xb8;
	[tilespmem:$0x19380] =	vst v63  }
0xd: {  	s8 =	simm.s32 $0x5380  }
0xe: {  	[tilespmem:s8], [sflag:$0x2] =	stream.indirect.gather [hbm4b:s2+s6], $0x80, s6, s6, $0xb8;
	[tilespmem:$0x19380] =	vst v63  }
0xf: {  	s9 =	simm.s32 $0x140;
	s10 =	simm.s32 $0xA380;
	s11 =	simm.s32 $0x1  }
0x10: {  	[tilespmem:s10], [sflag:$0x3] =	stream.indirect.gather [hbm4b:s2+s6], $0x80, s9, s6, $0xb8;
	[tilespmem:$0x19380] =	vst v63  }
0x11: {  	s14 =	smul.u32 $0x3200, s13;
	_ =	swait.ge [sflag:s11], $0x5000  }
0x12: {  	s16 =	sadd.s32 $0x136C00, s12;
	[sflag:s11] =	ssyncset.done $0x0  }
0x13: {  	s15 =	simm.s32 $0x2;
	s12 =	sadd.s32 s16, s14;
	[sflag:s11] =	ssyncadd.s32 $0xFFFFB000  }
0x14: {  	[hbm4b:s12+s3] =	stream.linear.scatter [tilespmem:s7], [sflag:$0x6], $0x5000, $0x38;
	[tilespmem:$0x19380] =	vst v63  }
0x15: {  	s17 =	smul.u32 $0x19000, s13;
	s13 =	simm.s32 $0x1E0;
	s14 =	simm.s32 $0xF380  }
0x16: {  	[tilespmem:s14], [sflag:$0x4] =	stream.indirect.gather [hbm4b:s2+s6], $0x80, s13, s6, $0xb8;
	[tilespmem:$0x19380] =	vst v63  }
0x17: {  	s17 =	sshrl.u32 s17, $0x3;
	_ =	swait.ge [sflag:s15], $0x5000  }
0x18: {  	s24 =	sadd.s32 s16, s17;
	[sflag:s15] =	ssyncset.done $0x0  }
0x19: {  	s16 =	sadd.s32 $0xA00, s24;
	[sflag:s15] =	ssyncadd.s32 $0xFFFFB000  }
0x1a: {  	[hbm4b:s16+s3] =	stream.linear.scatter [tilespmem:s8], [sflag:$0x7], $0x5000, $0x38;
	[tilespmem:$0x19380] =	vst v63  }
0x1b: {  	s18 =	simm.s32 $0x14380;
	s19 =	simm.s32 $0x3;
	s17 =	simm.s32 $0x280  }
0x1c: {  	[tilespmem:s18], [sflag:$0x5] =	stream.indirect.gather [hbm4b:s2+s6], $0x80, s17, s6, $0xb8;
	[tilespmem:$0x19380] =	vst v63  }
0x1d: {  	_ =	swait.ge [sflag:s19], $0x5000  }
0x1e: {  	[sflag:s19] =	ssyncset.done $0x0  }
0x1f: {  	s21 =	simm.s32 $0x4;
	s20 =	sadd.s32 $0x1400, s24;
	[sflag:s19] =	ssyncadd.s32 $0xFFFFB000  }
0x20: {  	[hbm4b:s20+s3] =	stream.linear.scatter [tilespmem:s10], [sflag:$0x8], $0x5000, $0x38;
	[tilespmem:$0x19380] =	vst v63  }
0x21: {  	_ =	swait.ge [sflag:s21], $0x5000  }
0x22: {  	[sflag:s21] =	ssyncset.done $0x0  }
0x23: {  	s23 =	simm.s32 $0x5;
	s22 =	sadd.s32 $0x1E00, s24;
	[sflag:s21] =	ssyncadd.s32 $0xFFFFB000  }
0x24: {  	[hbm4b:s22+s3] =	stream.linear.scatter [tilespmem:s14], [sflag:$0x9], $0x5000, $0x38;
	[tilespmem:$0x19380] =	vst v63  }
0x25: {  	_ =	swait.ge [sflag:s23], $0x5000  }
0x26: {  	[sflag:s23] =	ssyncset.done $0x0  }
0x27: {  	s25 =	simm.s32 $0x6;
	s24 =	sadd.s32 $0x2800, s24;
	[sflag:s23] =	ssyncadd.s32 $0xFFFFB000  }
0x28: {  	[hbm4b:s24+s3] =	stream.linear.scatter [tilespmem:s18], [sflag:$0xA], $0x5000, $0x38;
	[tilespmem:$0x19380] =	vst v63  }
0x29: {  	_ =	swait.ge [sflag:s25], $0x5000  }
0x2a: {  	[sflag:s25] =	ssyncset.done $0x0  }
0x2b: {  	s26 =	simm.s32 $0x7;
	[sflag:s25] =	ssyncadd.s32 $0xFFFFB000  }
0x2c: {  	_ =	swait.ge [sflag:s26], $0x5000  }
0x2d: {  	s30 =	ssub.s32 $0x2, s29;
	[sflag:s26] =	ssyncset.done $0x0  }
0x2e: {  	s28 =	simm.s32 $0x8;
	s31 =	sshrl.u32 s30, $0x1;
	[sflag:s26] =	ssyncadd.s32 $0xFFFFB000  }
0x2f: {  	s30 =	ssub.s32 s30, s31;
	_ =	swait.ge [sflag:s28], $0x5000  }
0x30: {  	s31 =	smax.u32 s30, $0x1;
	[sflag:s28] =	ssyncset.done $0x0  }
0x31: {  	s29 =	simm.s32 $0x9;
	p0 =	sne.s32 s31, $0x1;
	[sflag:s28] =	ssyncadd.s32 $0xFFFFB000  }
.Ltmp0:
0x32: {  	_ =	swait.ge [sflag:s29], $0x5000;
	(pc) =	sbr.rel @!p0 .LBB2_2-.Ltmp0, $4  }
0x33: {  	[sflag:s29] =	ssyncset.done $0x0  }
0x34: {  	s30 =	simm.s32 $0xA;
	[sflag:s29] =	ssyncadd.s32 $0xFFFFB000  }
0x35: {  	_ =	swait.ge [sflag:s30], $0x5000  }
0x36: {  	s31 =	sadd.s32 $0xFFFFFFFF, s31;
	[sflag:s30] =	ssyncset.done $0x0  }
.LBB2_1:
0x37: {  	p0 =	sne.s32 s31, $0x1;
	s31 =	sadd.s32 $0xFFFFFFFF, s31;
	[sflag:s30] =	ssyncadd.s32 $0xFFFFB000  }
0x38: {  	[tilespmem:s3], [sflag:$0xB] =	stream.linear.gather [hbm4b:s4+s3], $0x320, $0x38;
	[tilespmem:$0x19380] =	vst v63  }
0x39: {  	_ =	swait.ge [sflag:s5], $0x320  }
0x3a: {  	[sflag:s5] =	ssyncset.done $0x0  }
0x3b: {  	[sflag:s5] =	ssyncadd.s32 $0xFFFFFCE0  }
0x3c: {  	[tilespmem:s7], [sflag:$0x1] =	stream.indirect.gather [hbm4b:s2+s6], $0x80, s3, s6, $0xb8;
	[tilespmem:$0x19380] =	vst v63  }
0x3d: {  	_ = 	snop  }
0x3e: {  	[tilespmem:s8], [sflag:$0x2] =	stream.indirect.gather [hbm4b:s2+s6], $0x80, s6, s6, $0xb8;
	[tilespmem:$0x19380] =	vst v63  }
0x3f: {  	_ = 	snop  }
0x40: {  	[tilespmem:s10], [sflag:$0x3] =	stream.indirect.gather [hbm4b:s2+s6], $0x80, s9, s6, $0xb8;
	[tilespmem:$0x19380] =	vst v63  }
0x41: {  	_ =	swait.ge [sflag:s11], $0x5000  }
0x42: {  	[sflag:s11] =	ssyncset.done $0x0  }
0x43: {  	[sflag:s11] =	ssyncadd.s32 $0xFFFFB000  }
0x44: {  	[hbm4b:s12+s3] =	stream.linear.scatter [tilespmem:s7], [sflag:$0x6], $0x5000, $0x38;
	[tilespmem:$0x19380] =	vst v63  }
0x45: {  	_ = 	snop  }
0x46: {  	[tilespmem:s14], [sflag:$0x4] =	stream.indirect.gather [hbm4b:s2+s6], $0x80, s13, s6, $0xb8;
	[tilespmem:$0x19380] =	vst v63  }
0x47: {  	_ =	swait.ge [sflag:s15], $0x5000  }
0x48: {  	[sflag:s15] =	ssyncset.done $0x0  }
0x49: {  	[sflag:s15] =	ssyncadd.s32 $0xFFFFB000  }
0x4a: {  	[hbm4b:s16+s3] =	stream.linear.scatter [tilespmem:s8], [sflag:$0x7], $0x5000, $0x38;
	[tilespmem:$0x19380] =	vst v63  }
0x4b: {  	_ = 	snop  }
0x4c: {  	[tilespmem:s18], [sflag:$0x5] =	stream.indirect.gather [hbm4b:s2+s6], $0x80, s17, s6, $0xb8;
	[tilespmem:$0x19380] =	vst v63  }
0x4d: {  	_ =	swait.ge [sflag:s19], $0x5000  }
0x4e: {  	[sflag:s19] =	ssyncset.done $0x0  }
0x4f: {  	[sflag:s19] =	ssyncadd.s32 $0xFFFFB000  }
0x50: {  	[hbm4b:s20+s3] =	stream.linear.scatter [tilespmem:s10], [sflag:$0x8], $0x5000, $0x38;
	[tilespmem:$0x19380] =	vst v63  }
0x51: {  	_ =	swait.ge [sflag:s21], $0x5000  }
0x52: {  	[sflag:s21] =	ssyncset.done $0x0  }
0x53: {  	[sflag:s21] =	ssyncadd.s32 $0xFFFFB000  }
0x54: {  	[hbm4b:s22+s3] =	stream.linear.scatter [tilespmem:s14], [sflag:$0x9], $0x5000, $0x38;
	[tilespmem:$0x19380] =	vst v63  }
0x55: {  	_ =	swait.ge [sflag:s23], $0x5000  }
0x56: {  	[sflag:s23] =	ssyncset.done $0x0  }
0x57: {  	[sflag:s23] =	ssyncadd.s32 $0xFFFFB000  }
0x58: {  	[hbm4b:s24+s3] =	stream.linear.scatter [tilespmem:s18], [sflag:$0xA], $0x5000, $0x38;
	[tilespmem:$0x19380] =	vst v63  }
0x59: {  	_ =	swait.ge [sflag:s25], $0x5000  }
0x5a: {  	[sflag:s25] =	ssyncset.done $0x0  }
0x5b: {  	[sflag:s25] =	ssyncadd.s32 $0xFFFFB000  }
0x5c: {  	_ =	swait.ge [sflag:s26], $0x5000  }
0x5d: {  	[sflag:s26] =	ssyncset.done $0x0  }
0x5e: {  	[sflag:s26] =	ssyncadd.s32 $0xFFFFB000  }
0x5f: {  	_ =	swait.ge [sflag:s28], $0x5000  }
0x60: {  	[sflag:s28] =	ssyncset.done $0x0  }
0x61: {  	[sflag:s28] =	ssyncadd.s32 $0xFFFFB000  }
.Ltmp1:
0x62: {  	_ =	swait.ge [sflag:s29], $0x5000;
	(pc) =	sbr.rel @p0 .LBB2_1-.Ltmp1, $4  }
0x63: {  	[sflag:s29] =	ssyncset.done $0x0  }
0x64: {  	[sflag:s29] =	ssyncadd.s32 $0xFFFFB000  }
0x65: {  	_ =	swait.ge [sflag:s30], $0x5000  }
0x66: {  	[sflag:s30] =	ssyncset.done $0x0  }
.LBB2_2:
0x67: {  	[sflag:s30] =	ssyncadd.s32 $0xFFFFB000  }
0x68: {  	_ =	sfence.sel $0x180000  }
0x69: {  	[bflag:$0x0] =	sbarrier.arrive $0xFFFF  }
0x6a: {  	p0 =	sne.s32 s0, $0x0;
	_ =	strace $0x90000053  }
0x6b: {  	s0 =	sadd.s32 @!p0 $0x100000, s1;
	[bflag:$0x2] =	sbarrier.arrive $0xFFFF  }
0x6c: {  	[sflag:s0] =	ssyncadd.tile.s32 @!p0 $0x1;
	_ =	shalt  }
.Lfunc_end2:
_tile_overlayer_lowered:
.L_overlay_start_2:
0x6d: {  	(tag) =	ssettag $0x2  }
0x6e: {  	s0 =	rddreg [dreg:$0x0];
	s2 =	stileid.u32  }
0x6f: {  	s1 =	rddreg [dreg:$0x1];
	p0 =	sne.s32 s2, $0x0  }
0x70: {  	s3 =	rddreg [dreg:$0x2];
	[bflag:$0x3] =	sbarrier.arrive $0xFFFF;
	s2 =	simm.s32 @!p0 $0x1C0B  }
0x71: {  	[timem:s3], [sflag:s2] =	dma.local @!p0 [hbm:s0], s1  }
0x72: {  	s0 =	simm.s32 @!p0 $0xB  }
0x73: {  	_ =	swait.ge @!p0 [sflag:s0], s1  }
0x74: {  	s1 =	ssub.s32 @!p0 $0x0, s1;
	[sflag:s0] =	ssyncset.done @!p0 $0x0  }
0x75: {  	[sflag:s0] =	ssyncadd.s32 @!p0 s1  }
0x76: {  	[bflag:$0x3] =	sbarrier.arrive $0xFFFF  }
0x77: {  	_ =	shalt  }

// kernel: kernel.33.cloned.1.call-start
scs
__scs_entry_jumppad:
0x0: {  	(pc) =	sbr.rel $0x88, $3  }
0x1: {  	(tag) =	ssettag $0x0;
	lr =	simm.s32 $0x1  }
0x2: {  	[smem:$0x3F9C] =	sst lr;
	_ =	strace $0xD0000000  }
0x3: {  	_ = 	snop  }
0x4: {  	_ = 	snop  }
0x5: {  	_ = 	snop  }
0x6: {  	_ = 	snop  }
0x7: {  	_ = 	snop  }
__scs_overlays_trampoline_lowered:
0x8: {  	[smem:$0x3FAB] =	sst s0  }
0x9: {  	[smem:$0x3FAC] =	sst s1  }
0xa: {  	[smem:$0x3FAD] =	sst s2  }
0xb: {  	[smem:$0x3FAE] =	sst s3  }
0xc: {  	[smem:$0x3FAF] =	sst s4  }
0xd: {  	[smem:$0x3FB0] =	sst s5  }
0xe: {  	[smem:$0x3FB1] =	sst s6  }
0xf: {  	[smem:$0x3FB2] =	sst s7  }
0x10: {  	[smem:$0x3FB3] =	sst s8  }
0x11: {  	[smem:$0x3FB4] =	sst s9;
	s0 =	simm.s32 @!p0 $0x0  }
0x12: {  	s1 =	sld [smem:$0x3F9A];
	s0 =	simm.s32 @p0 $0x1  }
0x13: {  	[smem:$0x3FB5] =	sst s0;
	s0 =	simm.s32 @!p1 $0x0  }
0x14: {  	s2 =	sld [smem:$0x3F99];
	s0 =	simm.s32 @p1 $0x1  }
0x15: {  	[smem:$0x3FB6] =	sst s0;
	s0 =	simm.s32 @!p2 $0x0  }
0x16: {  	s3 =	sld [smem:$0x3FDB];
	s0 =	simm.s32 @p2 $0x1  }
0x17: {  	s4 =	simm.s32 $0x1BF5;
	[smem:$0x3FB8] =	sst s0  }
0x18: {  	s0 =	sld [smem:$0x3F9B];
	_ =	swait.ge [sflag:s4], $0x0  }
0x19: {  	s7 =	sld [smem:$0x3F9C]  }
0x1a: {  	s8 =	sadd.s32 $0xFFFFE003, lr  }
0x1b: {  	s9 =	sadd.s32 $0xFFFFFEF7, lr;
	s5 =	simm.s32 $0xFFFFFFFF;
	p2 =	slt.u32 s8, $0xFFFFF086  }
0x1c: {  	p1 =	slt.u32 s9, $0xF7A;
	s5 =	simm.s32 @!p2 $0x0  }
0x1d: {  	s5 =	simm.s32 @p1 $0x1;
	p0 =	seq.s32 s7, s2  }
0x1e: {  	s7 =	smul.u32 @!p0 $0xF7A, s2;
	p2 =	seq.s32 @!p0 s5, $0x0  }
0x1f: {  	s9 =	smul.u32 $0xF7A, s1;
	s8 =	simm.s32 @!p0 $0x1BF5;
	p2 =	por !p2, p0  }
0x20: {  	[sflag:s8] =	ssyncset.s32 @!p0 $0xFFFFF086;
	s6 =	sadd.s32 @!p0 s3, s7;
	s7 =	simm.s32 @!p0 $0x108  }
0x21: {  	s3 =	sadd.s32 s3, s9;
	s6 =	sadd.s32 @!p0 $0x88, s6;
	s7 =	simm.s32 @p2 $0x1082  }
0x22: {  	[simem:s7], [sflag:s8] =	dma.local @!p0 [hbm:s6], $0xF7A  }
0x23: {  	s9 =	sor.u32 $0xD0000000, s2;
	s6 =	simm.s32 $0x108;
	_ =	swait.ge @!p0 [sflag:s8], $0x0  }
0x24: {  	s3 =	sadd.s32 $0x88, s3;
	s6 =	simm.s32 @!p1 $0x1082;
	[sflag:s4] =	ssyncset.s32 $0xFFFFF086  }
0x25: {  	[simem:s6], [sflag:s4] =	dma.local [hbm:s3], $0xF7A  }
0x26: {  	[smem:$0x3F9C] =	sst s1;
	(tag) =	ssettag s2;
	_ =	strace s9  }
0x27: {  	s1 =	sld [smem:$0x3FAC]  }
0x28: {  	s2 =	sld [smem:$0x3FAD]  }
0x29: {  	s4 =	sld [smem:$0x3FAF]  }
0x2a: {  	p0 =	seq.s32 s5, $0x0;
	s5 =	sld [smem:$0x3FB0]  }
0x2b: {  	s6 =	sld [smem:$0x3FB1]  }
0x2c: {  	s7 =	sld [smem:$0x3FB2]  }
0x2d: {  	s3 =	simm.s32 $0x108;
	s8 =	sld [smem:$0x3FB3]  }
0x2e: {  	s3 =	simm.s32 @!p0 $0x1082;
	s9 =	sld [smem:$0x3FB4]  }
0x2f: {  	lr =	sadd.s32 s0, s3;
	s0 =	sld [smem:$0x3FAB]  }
0x30: {  	s3 =	sld [smem:$0x3FAE]  }
0x31: {  	[smem:$0x3FB7] =	sst s10  }
0x32: {  	s10 =	sld [smem:$0x3FB5];
	_ =	sdelay $0x3  }
0x33: {  	p0 =	seq.s32 s10, $0x1;
	s10 =	sld [smem:$0x3FB7];
	_ =	sdelay $0x3  }
0x34: {  	[smem:$0x3FB7] =	sst s10  }
0x35: {  	s10 =	sld [smem:$0x3FB6];
	_ =	sdelay $0x3  }
0x36: {  	p1 =	seq.s32 s10, $0x1;
	s10 =	sld [smem:$0x3FB7];
	_ =	sdelay $0x3  }
0x37: {  	[smem:$0x3FB7] =	sst s10  }
0x38: {  	s10 =	sld [smem:$0x3FB8]  }
0x39: {  	_ = 	snop;
	(pc) =	sbr.ind lr, $3  }
0x3a: {  	_ = 	snop  }
0x3b: {  	_ = 	snop  }
0x3c: {  	p2 =	seq.s32 s10, $0x1;
	s10 =	sld [smem:$0x3FB7]  }
0x3d: {  	_ =	shalt  }
0x3e: {  	_ =	shalt  }
0x3f: {  	_ =	shalt  }
0x40: {  	_ =	shalt  }
0x41: {  	_ =	shalt  }
0x42: {  	_ =	shalt  }
0x43: {  	_ =	shalt  }
0x44: {  	_ =	shalt  }
0x45: {  	_ =	shalt  }
0x46: {  	_ =	shalt  }
0x47: {  	_ =	shalt  }
0x48: {  	_ =	shalt  }
0x49: {  	_ =	shalt  }
0x4a: {  	_ =	shalt  }
0x4b: {  	_ =	shalt  }
0x4c: {  	_ =	shalt  }
0x4d: {  	_ =	shalt  }
0x4e: {  	_ =	shalt  }
0x4f: {  	_ =	shalt  }
0x50: {  	_ =	shalt  }
0x51: {  	_ =	shalt  }
0x52: {  	_ =	shalt  }
0x53: {  	_ =	shalt  }
0x54: {  	_ =	shalt  }
0x55: {  	_ =	shalt  }
0x56: {  	_ =	shalt  }
0x57: {  	_ =	shalt  }
0x58: {  	_ =	shalt  }
0x59: {  	_ =	shalt  }
0x5a: {  	_ =	shalt  }
0x5b: {  	_ =	shalt  }
0x5c: {  	_ =	shalt  }
0x5d: {  	_ =	shalt  }
0x5e: {  	_ =	shalt  }
0x5f: {  	_ =	shalt  }
0x60: {  	_ =	shalt  }
0x61: {  	_ =	shalt  }
0x62: {  	_ =	shalt  }
0x63: {  	_ =	shalt  }
0x64: {  	_ =	shalt  }
0x65: {  	_ =	shalt  }
0x66: {  	_ =	shalt  }
0x67: {  	_ =	shalt  }
0x68: {  	_ =	shalt  }
0x69: {  	_ =	shalt  }
0x6a: {  	_ =	shalt  }
0x6b: {  	_ =	shalt  }
0x6c: {  	_ =	shalt  }
0x6d: {  	_ =	shalt  }
0x6e: {  	_ =	shalt  }
0x6f: {  	_ =	shalt  }
0x70: {  	_ =	shalt  }
0x71: {  	_ =	shalt  }
0x72: {  	_ =	shalt  }
0x73: {  	_ =	shalt  }
0x74: {  	_ =	shalt  }
0x75: {  	_ =	shalt  }
0x76: {  	_ =	shalt  }
0x77: {  	_ =	shalt  }
0x78: {  	_ =	shalt  }
0x79: {  	_ =	shalt  }
0x7a: {  	_ =	shalt  }
0x7b: {  	_ =	shalt  }
0x7c: {  	_ =	shalt  }
0x7d: {  	_ =	shalt  }
0x7e: {  	_ =	shalt  }
0x7f: {  	_ =	shalt  }
0x80: {  	_ =	shalt  }
0x81: {  	_ =	shalt  }
0x82: {  	_ =	shalt  }
0x83: {  	_ =	shalt  }
0x84: {  	_ =	shalt  }
0x85: {  	_ =	shalt  }
0x86: {  	_ =	shalt  }
0x87: {  	_ =	shalt  }
.Lfunc_end0:
.L_simem_size_0:
called_computation.5_lowered:
.L_overlay_start_0:
0x88: {  	s2 =	sld [smem:$0x3FD9]  }
0x89: {  	s3 =	sld [smem:$0x3FFE];
	_ =	sdelay $0x1  }
0x8a: {  	s1 =	srdreg.scid  }
0x8b: {  	s0 =	sand.u32 $0x1, s1  }
0x8c: {  	s17 =	sshll.u32 s0, $0xA;
	s2 =	sadd.s32 s3, s2  }
0x8d: {  	s2 =	sadd.s32 s2, s17  }
0x8e: {  	[smem:$0x3FC3] =	sst s2  }
0x8f: {  	_ = 	snop  }
0x90: {  	s18 =	sld [smem:$0x3FC8];
	(tm) =	ssettm $0x1  }
0x91: {  	s19 =	sld [smem:$0x3FFB];
	_ =	sdelay $0x3  }
0x92: {  	_ =	strace s19  }
0x93: {  	s2 =	sld [smem:$0x3FFC];
	_ =	sdelay $0x3  }
0x94: {  	_ =	strace s2  }
0x95: {  	s2 =	sld [smem:$0x3FFD];
	_ =	sdelay $0x3  }
0x96: {  	_ =	strace s2  }
0x97: {  	_ =	strace $0x8FFFFFFF  }
0x98: {  	s20 =	sld [smem:$0x3FDB];
	_ =	sdelay $0x1  }
0x99: {  	s4 =	simm.s32 $_scs_section_size  }
0x9a: {  	s5 =	simm.s32 $_size__tile_overlayer_lowered;
	s6 =	simm.s32 $_tile_overlayer_lowered  }
0x9b: {  	s7 =	simm.s32 $0x1BFF;
	s21 =	sshll.u32 s6, $0x1;
	s4 =	sadd.s32 s4, s20  }
0x9c: {  	s22 =	simm.s32 $0x0;
	s5 =	sshll.u32 s5, $0x1;
	s6 =	sadd.s32 s21, s4  }
0x9d: {  	[timem:s22], [sflag:s7] =	dma.local [hbm:s6], s5  }
0x9e: {  	_ =	swait.ge [sflag:s7], s5  }
0x9f: {  	s5 =	ssub.s32 $0x0, s5;
	[sflag:s7] =	ssyncset.done $0x0  }
0xa0: {  	[sflag:s7] =	ssyncadd.s32 s5;
	_ =	sdelay $0x1  }
0xa1: {  	s23 =	simm.s32 $0x1B8B  }
0xa2: {  	_ =	swait.ge [sflag:s23], $0x1  }
0xa3: {  	[sflag:s23] =	ssyncset.done $0x0  }
0xa4: {  	[sflag:s23] =	ssyncadd.s32 $0xFFFFFFFF  }
0xa5: {  	s5 =	sld [smem:$0x0]  }
0xa6: {  	s6 =	sand.u32 $0xFFFFFFFE, s1  }
0xa7: {  	p0 =	sne.s32 s1, s6  }
0xa8: {  	s6 =	sshll.u32 @p0 s6, $0xE  }
0xa9: {  	s6 =	sadd.s32 @p0 $0x11B8D, s6;
	s7 =	sshll.u32 @p0 s5, $0x11  }
0xaa: {  	s6 =	sor.u32 @p0 s7, s6  }
0xab: {  	[sflag:s6] =	ssyncadd.remote.s32 @p0 $0x1;
	_ =	sdelay $0x1  }
0xac: {  	s6 =	simm.s32 @p0 $0x1B8D  }
0xad: {  	_ =	swait.eq @p0 [sflag:s6], $0x1  }
0xae: {  	[sflag:s6] =	ssyncadd.s32 @p0 $0xFFFFFFFF  }
0xaf: {  	s7 =	sshll.u32 @!p0 s1, $0xE  }
0xb0: {  	s7 =	sor.u32 @!p0 $0x4000, s7;
	s6 =	simm.s32 @!p0 $0x1B8D  }
0xb1: {  	s5 =	sshll.u32 @!p0 s5, $0x11;
	s7 =	sadd.s32 @!p0 $0x11B8D, s7;
	_ =	swait.eq @!p0 [sflag:s6], $0x1  }
0xb2: {  	s5 =	sor.u32 @!p0 s5, s7;
	[sflag:s6] =	ssyncadd.s32 @!p0 $0xFFFFFFFF  }
0xb3: {  	s25 =	simm.s32 $0x1B8E;
	s24 =	sld [smem:$0x3FFE];
	[sflag:s5] =	ssyncadd.remote.s32 @!p0 $0x1  }
0xb4: {  	s26 =	simm.s32 $execute0_lowered;
	[smem:$0x3FD2] =	sst s25  }
0xb5: {  	s6 =	sshll.u32 s26, $0x1;
	_ =	strace $0x80000055;
	[dreg:$0x1] =	wrdreg $0xFFFFFFFF  }
0xb6: {  	s28 =	simm.s32 $_size_execute0_lowered;
	s4 =	sadd.s32 s4, s6;
	[dreg:$0x0] =	wrdreg $0x0  }
0xb7: {  	s6 =	sshll.u32 s28, $0x1;
	[dreg:$0x2] =	wrdreg s4  }
0xb8: {  	[dreg:$0x3] =	wrdreg s6  }
0xb9: {  	[dreg:$0x4] =	wrdreg $0xC0  }
0xba: {  	_ =	task [dreg:s22], $0x5FFFF  }
0xbb: {  	[dreg:$0x1] =	wrdreg $0xFFFFFFFF  }
0xbc: {  	[dreg:$0x0] =	wrdreg $0x60  }
0xbd: {  	[dreg:$0x2] =	wrdreg s18  }
0xbe: {  	[dreg:$0x3] =	wrdreg s24  }
0xbf: {  	[dreg:$0x4] =	wrdreg $0xE  }
0xc0: {  	_ =	task.clear_ibuf [dreg:s22], $0x5FFFF;
	_ =	strace $0x90000055  }
0xc1: {  	s29 =	simm.s32 $0xE;
	_ =	strace $0x80000057  }
0xc2: {  	_ =	swait.ge [sflag:s29], $0x1  }
0xc3: {  	[sflag:s29] =	ssyncadd.s32 $0xFFFFFFFF  }
0xc4: {  	_ =	strace $0x90000057  }
0xc5: {  	_ =	sfence  }
0xc6: {  	s30 =	sld [smem:$0x0];
	_ =	sdelay $0x2  }
0xc7: {  	s31 =	sshll.u32 s1, $0xD;
	s1 =	sshrl.u32 s1, $0x2  }
0xc8: {  	s4 =	sand.u32 $0x4000, s31;
	s1 =	sadd.s32 s1, s30  }
0xc9: {  	s0 =	sor.u32 s4, s0;
	s1 =	sshll.u32 s1, $0x11  }
0xca: {  	s0 =	sor.u32 s1, s0  }
0xcb: {  	s0 =	sadd.s32 $0x8F2B, s0  }
0xcc: {  	[sflag:s0] =	ssyncadd.remote.s32 $0x1  }
0xcd: {  	_ =	sfence.sel $0xFFFF  }
0xce: {  	[dreg:$0x0] =	wrdreg $0xFFFFFFFF;
	(pc) =	sbr.abs _section_cstart, $3  }
0xcf: {  	[dreg:$0x1] =	wrdreg $0xFFFFFFFF  }
0xd0: {  	_ =	task.clear_ibuf [dreg:s22], $0x2FFFF;
	_ =	strace $0x9FFFFFFF  }
0xd1: {  	(tm) =	ssettm $0x7FFFFFFF  }
tec
execute0_lowered:
.L_overlay_start_1:
0x0: {  	(tag) =	ssettag $0x1  }
0x1: {  	s1 =	srdreg.scid;
	s0 =	stileid.u32  }
0x2: {  	s29 =	sand.u32 $0x1, s1;
	s26 =	sshll.u32 s0, $0x1  }
0x3: {  	s13 =	sor.u32 s29, s26  }
0x4: {  	s2 =	rddreg [dreg:$0x0];
	s4 =	smul.u32 $0x64, s13  }
0x5: {  	s12 =	rddreg [dreg:$0x1];
	s3 =	simm.s32 $0x0  }
0x6: {  	s5 =	simm.s32 $0xB;
	[smem:$0x7FF] =	sst s3;
	s4 =	sadd.s32 s4, s12  }
0x7: {  	s1 =	rddreg [dreg:$0x2];
	_ =	strace $0x80000056;
	s4 =	sadd.s32 $0x8200, s4  }
0x8: {  	[tilespmem:s3], [sflag:$0xB] =	stream.linear.gather [hbm4b:s4+s3], $0x320, $0x38;
	[tilespmem:$0x19380] =	vst v63  }
0x9: {  	_ =	swait.ge [sflag:s5], $0x320  }
0xa: {  	[sflag:s5] =	ssyncset.done $0x0  }
0xb: {  	s6 =	simm.s32 $0xA0;
	s7 =	simm.s32 $0x380;
	[sflag:s5] =	ssyncadd.s32 $0xFFFFFCE0  }
0xc: {  	[tilespmem:s7], [sflag:$0x1] =	stream.indirect.gather [hbm4b:s2+s6], $0x80, s3, s6, $0xb8;
	[tilespmem:$0x19380] =	vst v63  }
0xd: {  	s8 =	simm.s32 $0x5380  }
0xe: {  	[tilespmem:s8], [sflag:$0x2] =	stream.indirect.gather [hbm4b:s2+s6], $0x80, s6, s6, $0xb8;
	[tilespmem:$0x19380] =	vst v63  }
0xf: {  	s9 =	simm.s32 $0x140;
	s10 =	simm.s32 $0xA380;
	s11 =	simm.s32 $0x1  }
0x10: {  	[tilespmem:s10], [sflag:$0x3] =	stream.indirect.gather [hbm4b:s2+s6], $0x80, s9, s6, $0xb8;
	[tilespmem:$0x19380] =	vst v63  }
0x11: {  	s14 =	smul.u32 $0x3200, s13;
	_ =	swait.ge [sflag:s11], $0x5000  }
0x12: {  	s16 =	sadd.s32 $0x19AC00, s12;
	[sflag:s11] =	ssyncset.done $0x0  }
0x13: {  	s15 =	simm.s32 $0x2;
	s12 =	sadd.s32 s16, s14;
	[sflag:s11] =	ssyncadd.s32 $0xFFFFB000  }
0x14: {  	[hbm4b:s12+s3] =	stream.linear.scatter [tilespmem:s7], [sflag:$0x6], $0x5000, $0x38;
	[tilespmem:$0x19380] =	vst v63  }
0x15: {  	s17 =	smul.u32 $0x19000, s13;
	s13 =	simm.s32 $0x1E0;
	s14 =	simm.s32 $0xF380  }
0x16: {  	[tilespmem:s14], [sflag:$0x4] =	stream.indirect.gather [hbm4b:s2+s6], $0x80, s13, s6, $0xb8;
	[tilespmem:$0x19380] =	vst v63  }
0x17: {  	s17 =	sshrl.u32 s17, $0x3;
	_ =	swait.ge [sflag:s15], $0x5000  }
0x18: {  	s24 =	sadd.s32 s16, s17;
	[sflag:s15] =	ssyncset.done $0x0  }
0x19: {  	s16 =	sadd.s32 $0xA00, s24;
	[sflag:s15] =	ssyncadd.s32 $0xFFFFB000  }
0x1a: {  	[hbm4b:s16+s3] =	stream.linear.scatter [tilespmem:s8], [sflag:$0x7], $0x5000, $0x38;
	[tilespmem:$0x19380] =	vst v63  }
0x1b: {  	s18 =	simm.s32 $0x14380;
	s19 =	simm.s32 $0x3;
	s17 =	simm.s32 $0x280  }
0x1c: {  	[tilespmem:s18], [sflag:$0x5] =	stream.indirect.gather [hbm4b:s2+s6], $0x80, s17, s6, $0xb8;
	[tilespmem:$0x19380] =	vst v63  }
0x1d: {  	_ =	swait.ge [sflag:s19], $0x5000  }
0x1e: {  	[sflag:s19] =	ssyncset.done $0x0  }
0x1f: {  	s21 =	simm.s32 $0x4;
	s20 =	sadd.s32 $0x1400, s24;
	[sflag:s19] =	ssyncadd.s32 $0xFFFFB000  }
0x20: {  	[hbm4b:s20+s3] =	stream.linear.scatter [tilespmem:s10], [sflag:$0x8], $0x5000, $0x38;
	[tilespmem:$0x19380] =	vst v63  }
0x21: {  	_ =	swait.ge [sflag:s21], $0x5000  }
0x22: {  	[sflag:s21] =	ssyncset.done $0x0  }
0x23: {  	s23 =	simm.s32 $0x5;
	s22 =	sadd.s32 $0x1E00, s24;
	[sflag:s21] =	ssyncadd.s32 $0xFFFFB000  }
0x24: {  	[hbm4b:s22+s3] =	stream.linear.scatter [tilespmem:s14], [sflag:$0x9], $0x5000, $0x38;
	[tilespmem:$0x19380] =	vst v63  }
0x25: {  	_ =	swait.ge [sflag:s23], $0x5000  }
0x26: {  	[sflag:s23] =	ssyncset.done $0x0  }
0x27: {  	s25 =	simm.s32 $0x6;
	s24 =	sadd.s32 $0x2800, s24;
	[sflag:s23] =	ssyncadd.s32 $0xFFFFB000  }
0x28: {  	[hbm4b:s24+s3] =	stream.linear.scatter [tilespmem:s18], [sflag:$0xA], $0x5000, $0x38;
	[tilespmem:$0x19380] =	vst v63  }
0x29: {  	_ =	swait.ge [sflag:s25], $0x5000  }
0x2a: {  	[sflag:s25] =	ssyncset.done $0x0  }
0x2b: {  	s26 =	simm.s32 $0x7;
	[sflag:s25] =	ssyncadd.s32 $0xFFFFB000  }
0x2c: {  	_ =	swait.ge [sflag:s26], $0x5000  }
0x2d: {  	s30 =	ssub.s32 $0x2, s29;
	[sflag:s26] =	ssyncset.done $0x0  }
0x2e: {  	s28 =	simm.s32 $0x8;
	s31 =	sshrl.u32 s30, $0x1;
	[sflag:s26] =	ssyncadd.s32 $0xFFFFB000  }
0x2f: {  	s30 =	ssub.s32 s30, s31;
	_ =	swait.ge [sflag:s28], $0x5000  }
0x30: {  	s31 =	smax.u32 s30, $0x1;
	[sflag:s28] =	ssyncset.done $0x0  }
0x31: {  	s29 =	simm.s32 $0x9;
	p0 =	sne.s32 s31, $0x1;
	[sflag:s28] =	ssyncadd.s32 $0xFFFFB000  }
.Ltmp0:
0x32: {  	_ =	swait.ge [sflag:s29], $0x5000;
	(pc) =	sbr.rel @!p0 .LBB2_2-.Ltmp0, $4  }
0x33: {  	[sflag:s29] =	ssyncset.done $0x0  }
0x34: {  	s30 =	simm.s32 $0xA;
	[sflag:s29] =	ssyncadd.s32 $0xFFFFB000  }
0x35: {  	_ =	swait.ge [sflag:s30], $0x5000  }
0x36: {  	s31 =	sadd.s32 $0xFFFFFFFF, s31;
	[sflag:s30] =	ssyncset.done $0x0  }
.LBB2_1:
0x37: {  	p0 =	sne.s32 s31, $0x1;
	s31 =	sadd.s32 $0xFFFFFFFF, s31;
	[sflag:s30] =	ssyncadd.s32 $0xFFFFB000  }
0x38: {  	[tilespmem:s3], [sflag:$0xB] =	stream.linear.gather [hbm4b:s4+s3], $0x320, $0x38;
	[tilespmem:$0x19380] =	vst v63  }
0x39: {  	_ =	swait.ge [sflag:s5], $0x320  }
0x3a: {  	[sflag:s5] =	ssyncset.done $0x0  }
0x3b: {  	[sflag:s5] =	ssyncadd.s32 $0xFFFFFCE0  }
0x3c: {  	[tilespmem:s7], [sflag:$0x1] =	stream.indirect.gather [hbm4b:s2+s6], $0x80, s3, s6, $0xb8;
	[tilespmem:$0x19380] =	vst v63  }
0x3d: {  	_ = 	snop  }
0x3e: {  	[tilespmem:s8], [sflag:$0x2] =	stream.indirect.gather [hbm4b:s2+s6], $0x80, s6, s6, $0xb8;
	[tilespmem:$0x19380] =	vst v63  }
0x3f: {  	_ = 	snop  }
0x40: {  	[tilespmem:s10], [sflag:$0x3] =	stream.indirect.gather [hbm4b:s2+s6], $0x80, s9, s6, $0xb8;
	[tilespmem:$0x19380] =	vst v63  }
0x41: {  	_ =	swait.ge [sflag:s11], $0x5000  }
0x42: {  	[sflag:s11] =	ssyncset.done $0x0  }
0x43: {  	[sflag:s11] =	ssyncadd.s32 $0xFFFFB000  }
0x44: {  	[hbm4b:s12+s3] =	stream.linear.scatter [tilespmem:s7], [sflag:$0x6], $0x5000, $0x38;
	[tilespmem:$0x19380] =	vst v63  }
0x45: {  	_ = 	snop  }
0x46: {  	[tilespmem:s14], [sflag:$0x4] =	stream.indirect.gather [hbm4b:s2+s6], $0x80, s13, s6, $0xb8;
	[tilespmem:$0x19380] =	vst v63  }
0x47: {  	_ =	swait.ge [sflag:s15], $0x5000  }
0x48: {  	[sflag:s15] =	ssyncset.done $0x0  }
0x49: {  	[sflag:s15] =	ssyncadd.s32 $0xFFFFB000  }
0x4a: {  	[hbm4b:s16+s3] =	stream.linear.scatter [tilespmem:s8], [sflag:$0x7], $0x5000, $0x38;
	[tilespmem:$0x19380] =	vst v63  }
0x4b: {  	_ = 	snop  }
0x4c: {  	[tilespmem:s18], [sflag:$0x5] =	stream.indirect.gather [hbm4b:s2+s6], $0x80, s17, s6, $0xb8;
	[tilespmem:$0x19380] =	vst v63  }
0x4d: {  	_ =	swait.ge [sflag:s19], $0x5000  }
0x4e: {  	[sflag:s19] =	ssyncset.done $0x0  }
0x4f: {  	[sflag:s19] =	ssyncadd.s32 $0xFFFFB000  }
0x50: {  	[hbm4b:s20+s3] =	stream.linear.scatter [tilespmem:s10], [sflag:$0x8], $0x5000, $0x38;
	[tilespmem:$0x19380] =	vst v63  }
0x51: {  	_ =	swait.ge [sflag:s21], $0x5000  }
0x52: {  	[sflag:s21] =	ssyncset.done $0x0  }
0x53: {  	[sflag:s21] =	ssyncadd.s32 $0xFFFFB000  }
0x54: {  	[hbm4b:s22+s3] =	stream.linear.scatter [tilespmem:s14], [sflag:$0x9], $0x5000, $0x38;
	[tilespmem:$0x19380] =	vst v63  }
0x55: {  	_ =	swait.ge [sflag:s23], $0x5000  }
0x56: {  	[sflag:s23] =	ssyncset.done $0x0  }
0x57: {  	[sflag:s23] =	ssyncadd.s32 $0xFFFFB000  }
0x58: {  	[hbm4b:s24+s3] =	stream.linear.scatter [tilespmem:s18], [sflag:$0xA], $0x5000, $0x38;
	[tilespmem:$0x19380] =	vst v63  }
0x59: {  	_ =	swait.ge [sflag:s25], $0x5000  }
0x5a: {  	[sflag:s25] =	ssyncset.done $0x0  }
0x5b: {  	[sflag:s25] =	ssyncadd.s32 $0xFFFFB000  }
0x5c: {  	_ =	swait.ge [sflag:s26], $0x5000  }
0x5d: {  	[sflag:s26] =	ssyncset.done $0x0  }
0x5e: {  	[sflag:s26] =	ssyncadd.s32 $0xFFFFB000  }
0x5f: {  	_ =	swait.ge [sflag:s28], $0x5000  }
0x60: {  	[sflag:s28] =	ssyncset.done $0x0  }
0x61: {  	[sflag:s28] =	ssyncadd.s32 $0xFFFFB000  }
.Ltmp1:
0x62: {  	_ =	swait.ge [sflag:s29], $0x5000;
	(pc) =	sbr.rel @p0 .LBB2_1-.Ltmp1, $4  }
0x63: {  	[sflag:s29] =	ssyncset.done $0x0  }
0x64: {  	[sflag:s29] =	ssyncadd.s32 $0xFFFFB000  }
0x65: {  	_ =	swait.ge [sflag:s30], $0x5000  }
0x66: {  	[sflag:s30] =	ssyncset.done $0x0  }
.LBB2_2:
0x67: {  	[sflag:s30] =	ssyncadd.s32 $0xFFFFB000  }
0x68: {  	_ =	sfence.sel $0x180000  }
0x69: {  	[bflag:$0x0] =	sbarrier.arrive $0xFFFF  }
0x6a: {  	p0 =	sne.s32 s0, $0x0;
	_ =	strace $0x90000056  }
0x6b: {  	s0 =	sadd.s32 @!p0 $0x100000, s1;
	[bflag:$0x2] =	sbarrier.arrive $0xFFFF  }
0x6c: {  	[sflag:s0] =	ssyncadd.tile.s32 @!p0 $0x1;
	_ =	shalt  }
.Lfunc_end2:
_tile_overlayer_lowered:
.L_overlay_start_2:
0x6d: {  	(tag) =	ssettag $0x2  }
0x6e: {  	s0 =	rddreg [dreg:$0x0];
	s2 =	stileid.u32  }
0x6f: {  	s1 =	rddreg [dreg:$0x1];
	p0 =	sne.s32 s2, $0x0  }
0x70: {  	s3 =	rddreg [dreg:$0x2];
	[bflag:$0x3] =	sbarrier.arrive $0xFFFF;
	s2 =	simm.s32 @!p0 $0x1C0B  }
0x71: {  	[timem:s3], [sflag:s2] =	dma.local @!p0 [hbm:s0], s1  }
0x72: {  	s0 =	simm.s32 @!p0 $0xB  }
0x73: {  	_ =	swait.ge @!p0 [sflag:s0], s1  }
0x74: {  	s1 =	ssub.s32 @!p0 $0x0, s1;
	[sflag:s0] =	ssyncset.done @!p0 $0x0  }
0x75: {  	[sflag:s0] =	ssyncadd.s32 @!p0 s1  }
0x76: {  	[bflag:$0x3] =	sbarrier.arrive $0xFFFF  }
0x77: {  	_ =	shalt  }

// kernel: kernel.36.cloned.1.call-start
scs
__scs_entry_jumppad:
0x0: {  	(pc) =	sbr.rel $0x88, $3  }
0x1: {  	(tag) =	ssettag $0x0;
	lr =	simm.s32 $0x1  }
0x2: {  	[smem:$0x3F9C] =	sst lr;
	_ =	strace $0xD0000000  }
0x3: {  	_ = 	snop  }
0x4: {  	_ = 	snop  }
0x5: {  	_ = 	snop  }
0x6: {  	_ = 	snop  }
0x7: {  	_ = 	snop  }
__scs_overlays_trampoline_lowered:
0x8: {  	[smem:$0x3FAB] =	sst s0  }
0x9: {  	[smem:$0x3FAC] =	sst s1  }
0xa: {  	[smem:$0x3FAD] =	sst s2  }
0xb: {  	[smem:$0x3FAE] =	sst s3  }
0xc: {  	[smem:$0x3FAF] =	sst s4  }
0xd: {  	[smem:$0x3FB0] =	sst s5  }
0xe: {  	[smem:$0x3FB1] =	sst s6  }
0xf: {  	[smem:$0x3FB2] =	sst s7  }
0x10: {  	[smem:$0x3FB3] =	sst s8  }
0x11: {  	[smem:$0x3FB4] =	sst s9;
	s0 =	simm.s32 @!p0 $0x0  }
0x12: {  	s1 =	sld [smem:$0x3F9A];
	s0 =	simm.s32 @p0 $0x1  }
0x13: {  	[smem:$0x3FB5] =	sst s0;
	s0 =	simm.s32 @!p1 $0x0  }
0x14: {  	s2 =	sld [smem:$0x3F99];
	s0 =	simm.s32 @p1 $0x1  }
0x15: {  	[smem:$0x3FB6] =	sst s0;
	s0 =	simm.s32 @!p2 $0x0  }
0x16: {  	s3 =	sld [smem:$0x3FDB];
	s0 =	simm.s32 @p2 $0x1  }
0x17: {  	s4 =	simm.s32 $0x1BF5;
	[smem:$0x3FB8] =	sst s0  }
0x18: {  	s0 =	sld [smem:$0x3F9B];
	_ =	swait.ge [sflag:s4], $0x0  }
0x19: {  	s7 =	sld [smem:$0x3F9C]  }
0x1a: {  	s8 =	sadd.s32 $0xFFFFE003, lr  }
0x1b: {  	s9 =	sadd.s32 $0xFFFFFEF7, lr;
	s5 =	simm.s32 $0xFFFFFFFF;
	p2 =	slt.u32 s8, $0xFFFFF086  }
0x1c: {  	p1 =	slt.u32 s9, $0xF7A;
	s5 =	simm.s32 @!p2 $0x0  }
0x1d: {  	s5 =	simm.s32 @p1 $0x1;
	p0 =	seq.s32 s7, s2  }
0x1e: {  	s7 =	smul.u32 @!p0 $0xF7A, s2;
	p2 =	seq.s32 @!p0 s5, $0x0  }
0x1f: {  	s9 =	smul.u32 $0xF7A, s1;
	s8 =	simm.s32 @!p0 $0x1BF5;
	p2 =	por !p2, p0  }
0x20: {  	[sflag:s8] =	ssyncset.s32 @!p0 $0xFFFFF086;
	s6 =	sadd.s32 @!p0 s3, s7;
	s7 =	simm.s32 @!p0 $0x108  }
0x21: {  	s3 =	sadd.s32 s3, s9;
	s6 =	sadd.s32 @!p0 $0x88, s6;
	s7 =	simm.s32 @p2 $0x1082  }
0x22: {  	[simem:s7], [sflag:s8] =	dma.local @!p0 [hbm:s6], $0xF7A  }
0x23: {  	s9 =	sor.u32 $0xD0000000, s2;
	s6 =	simm.s32 $0x108;
	_ =	swait.ge @!p0 [sflag:s8], $0x0  }
0x24: {  	s3 =	sadd.s32 $0x88, s3;
	s6 =	simm.s32 @!p1 $0x1082;
	[sflag:s4] =	ssyncset.s32 $0xFFFFF086  }
0x25: {  	[simem:s6], [sflag:s4] =	dma.local [hbm:s3], $0xF7A  }
0x26: {  	[smem:$0x3F9C] =	sst s1;
	(tag) =	ssettag s2;
	_ =	strace s9  }
0x27: {  	s1 =	sld [smem:$0x3FAC]  }
0x28: {  	s2 =	sld [smem:$0x3FAD]  }
0x29: {  	s4 =	sld [smem:$0x3FAF]  }
0x2a: {  	p0 =	seq.s32 s5, $0x0;
	s5 =	sld [smem:$0x3FB0]  }
0x2b: {  	s6 =	sld [smem:$0x3FB1]  }
0x2c: {  	s7 =	sld [smem:$0x3FB2]  }
0x2d: {  	s3 =	simm.s32 $0x108;
	s8 =	sld [smem:$0x3FB3]  }
0x2e: {  	s3 =	simm.s32 @!p0 $0x1082;
	s9 =	sld [smem:$0x3FB4]  }
0x2f: {  	lr =	sadd.s32 s0, s3;
	s0 =	sld [smem:$0x3FAB]  }
0x30: {  	s3 =	sld [smem:$0x3FAE]  }
0x31: {  	[smem:$0x3FB7] =	sst s10  }
0x32: {  	s10 =	sld [smem:$0x3FB5];
	_ =	sdelay $0x3  }
0x33: {  	p0 =	seq.s32 s10, $0x1;
	s10 =	sld [smem:$0x3FB7];
	_ =	sdelay $0x3  }
0x34: {  	[smem:$0x3FB7] =	sst s10  }
0x35: {  	s10 =	sld [smem:$0x3FB6];
	_ =	sdelay $0x3  }
0x36: {  	p1 =	seq.s32 s10, $0x1;
	s10 =	sld [smem:$0x3FB7];
	_ =	sdelay $0x3  }
0x37: {  	[smem:$0x3FB7] =	sst s10  }
0x38: {  	s10 =	sld [smem:$0x3FB8]  }
0x39: {  	_ = 	snop;
	(pc) =	sbr.ind lr, $3  }
0x3a: {  	_ = 	snop  }
0x3b: {  	_ = 	snop  }
0x3c: {  	p2 =	seq.s32 s10, $0x1;
	s10 =	sld [smem:$0x3FB7]  }
0x3d: {  	_ =	shalt  }
0x3e: {  	_ =	shalt  }
0x3f: {  	_ =	shalt  }
0x40: {  	_ =	shalt  }
0x41: {  	_ =	shalt  }
0x42: {  	_ =	shalt  }
0x43: {  	_ =	shalt  }
0x44: {  	_ =	shalt  }
0x45: {  	_ =	shalt  }
0x46: {  	_ =	shalt  }
0x47: {  	_ =	shalt  }
0x48: {  	_ =	shalt  }
0x49: {  	_ =	shalt  }
0x4a: {  	_ =	shalt  }
0x4b: {  	_ =	shalt  }
0x4c: {  	_ =	shalt  }
0x4d: {  	_ =	shalt  }
0x4e: {  	_ =	shalt  }
0x4f: {  	_ =	shalt  }
0x50: {  	_ =	shalt  }
0x51: {  	_ =	shalt  }
0x52: {  	_ =	shalt  }
0x53: {  	_ =	shalt  }
0x54: {  	_ =	shalt  }
0x55: {  	_ =	shalt  }
0x56: {  	_ =	shalt  }
0x57: {  	_ =	shalt  }
0x58: {  	_ =	shalt  }
0x59: {  	_ =	shalt  }
0x5a: {  	_ =	shalt  }
0x5b: {  	_ =	shalt  }
0x5c: {  	_ =	shalt  }
0x5d: {  	_ =	shalt  }
0x5e: {  	_ =	shalt  }
0x5f: {  	_ =	shalt  }
0x60: {  	_ =	shalt  }
0x61: {  	_ =	shalt  }
0x62: {  	_ =	shalt  }
0x63: {  	_ =	shalt  }
0x64: {  	_ =	shalt  }
0x65: {  	_ =	shalt  }
0x66: {  	_ =	shalt  }
0x67: {  	_ =	shalt  }
0x68: {  	_ =	shalt  }
0x69: {  	_ =	shalt  }
0x6a: {  	_ =	shalt  }
0x6b: {  	_ =	shalt  }
0x6c: {  	_ =	shalt  }
0x6d: {  	_ =	shalt  }
0x6e: {  	_ =	shalt  }
0x6f: {  	_ =	shalt  }
0x70: {  	_ =	shalt  }
0x71: {  	_ =	shalt  }
0x72: {  	_ =	shalt  }
0x73: {  	_ =	shalt  }
0x74: {  	_ =	shalt  }
0x75: {  	_ =	shalt  }
0x76: {  	_ =	shalt  }
0x77: {  	_ =	shalt  }
0x78: {  	_ =	shalt  }
0x79: {  	_ =	shalt  }
0x7a: {  	_ =	shalt  }
0x7b: {  	_ =	shalt  }
0x7c: {  	_ =	shalt  }
0x7d: {  	_ =	shalt  }
0x7e: {  	_ =	shalt  }
0x7f: {  	_ =	shalt  }
0x80: {  	_ =	shalt  }
0x81: {  	_ =	shalt  }
0x82: {  	_ =	shalt  }
0x83: {  	_ =	shalt  }
0x84: {  	_ =	shalt  }
0x85: {  	_ =	shalt  }
0x86: {  	_ =	shalt  }
0x87: {  	_ =	shalt  }
.Lfunc_end0:
.L_simem_size_0:
called_computation.6_lowered:
.L_overlay_start_0:
0x88: {  	s2 =	sld [smem:$0x3FD9]  }
0x89: {  	s3 =	sld [smem:$0x3FFE];
	_ =	sdelay $0x1  }
0x8a: {  	s1 =	srdreg.scid  }
0x8b: {  	s0 =	sand.u32 $0x1, s1  }
0x8c: {  	s17 =	sshll.u32 s0, $0xA;
	s2 =	sadd.s32 s3, s2  }
0x8d: {  	s2 =	sadd.s32 s2, s17  }
0x8e: {  	[smem:$0x3FC3] =	sst s2  }
0x8f: {  	_ = 	snop  }
0x90: {  	s18 =	sld [smem:$0x3FC8];
	(tm) =	ssettm $0x1  }
0x91: {  	s19 =	sld [smem:$0x3FFB];
	_ =	sdelay $0x3  }
0x92: {  	_ =	strace s19  }
0x93: {  	s2 =	sld [smem:$0x3FFC];
	_ =	sdelay $0x3  }
0x94: {  	_ =	strace s2  }
0x95: {  	s2 =	sld [smem:$0x3FFD];
	_ =	sdelay $0x3  }
0x96: {  	_ =	strace s2  }
0x97: {  	_ =	strace $0x8FFFFFFF  }
0x98: {  	s20 =	sld [smem:$0x3FDB];
	_ =	sdelay $0x1  }
0x99: {  	s4 =	simm.s32 $_scs_section_size  }
0x9a: {  	s5 =	simm.s32 $_size__tile_overlayer_lowered;
	s6 =	simm.s32 $_tile_overlayer_lowered  }
0x9b: {  	s7 =	simm.s32 $0x1BFF;
	s21 =	sshll.u32 s6, $0x1;
	s4 =	sadd.s32 s4, s20  }
0x9c: {  	s22 =	simm.s32 $0x0;
	s5 =	sshll.u32 s5, $0x1;
	s6 =	sadd.s32 s21, s4  }
0x9d: {  	[timem:s22], [sflag:s7] =	dma.local [hbm:s6], s5  }
0x9e: {  	_ =	swait.ge [sflag:s7], s5  }
0x9f: {  	s5 =	ssub.s32 $0x0, s5;
	[sflag:s7] =	ssyncset.done $0x0  }
0xa0: {  	[sflag:s7] =	ssyncadd.s32 s5;
	_ =	sdelay $0x1  }
0xa1: {  	s23 =	simm.s32 $0x1B8B  }
0xa2: {  	_ =	swait.ge [sflag:s23], $0x1  }
0xa3: {  	[sflag:s23] =	ssyncset.done $0x0  }
0xa4: {  	[sflag:s23] =	ssyncadd.s32 $0xFFFFFFFF  }
0xa5: {  	s5 =	sld [smem:$0x0]  }
0xa6: {  	s6 =	sand.u32 $0xFFFFFFFE, s1  }
0xa7: {  	p0 =	sne.s32 s1, s6  }
0xa8: {  	s6 =	sshll.u32 @p0 s6, $0xE  }
0xa9: {  	s6 =	sadd.s32 @p0 $0x11B8D, s6;
	s7 =	sshll.u32 @p0 s5, $0x11  }
0xaa: {  	s6 =	sor.u32 @p0 s7, s6  }
0xab: {  	[sflag:s6] =	ssyncadd.remote.s32 @p0 $0x1;
	_ =	sdelay $0x1  }
0xac: {  	s6 =	simm.s32 @p0 $0x1B8D  }
0xad: {  	_ =	swait.eq @p0 [sflag:s6], $0x1  }
0xae: {  	[sflag:s6] =	ssyncadd.s32 @p0 $0xFFFFFFFF  }
0xaf: {  	s7 =	sshll.u32 @!p0 s1, $0xE  }
0xb0: {  	s7 =	sor.u32 @!p0 $0x4000, s7;
	s6 =	simm.s32 @!p0 $0x1B8D  }
0xb1: {  	s5 =	sshll.u32 @!p0 s5, $0x11;
	s7 =	sadd.s32 @!p0 $0x11B8D, s7;
	_ =	swait.eq @!p0 [sflag:s6], $0x1  }
0xb2: {  	s5 =	sor.u32 @!p0 s5, s7;
	[sflag:s6] =	ssyncadd.s32 @!p0 $0xFFFFFFFF  }
0xb3: {  	s25 =	simm.s32 $0x1B8E;
	s24 =	sld [smem:$0x3FFE];
	[sflag:s5] =	ssyncadd.remote.s32 @!p0 $0x1  }
0xb4: {  	s26 =	simm.s32 $execute0_lowered;
	[smem:$0x3FD2] =	sst s25  }
0xb5: {  	s6 =	sshll.u32 s26, $0x1;
	_ =	strace $0x80000058;
	[dreg:$0x1] =	wrdreg $0xFFFFFFFF  }
0xb6: {  	s28 =	simm.s32 $_size_execute0_lowered;
	s4 =	sadd.s32 s4, s6;
	[dreg:$0x0] =	wrdreg $0x0  }
0xb7: {  	s6 =	sshll.u32 s28, $0x1;
	[dreg:$0x2] =	wrdreg s4  }
0xb8: {  	[dreg:$0x3] =	wrdreg s6  }
0xb9: {  	[dreg:$0x4] =	wrdreg $0xC0  }
0xba: {  	_ =	task [dreg:s22], $0x5FFFF  }
0xbb: {  	[dreg:$0x1] =	wrdreg $0xFFFFFFFF  }
0xbc: {  	[dreg:$0x0] =	wrdreg $0x60  }
0xbd: {  	[dreg:$0x2] =	wrdreg s18  }
0xbe: {  	[dreg:$0x3] =	wrdreg s24  }
0xbf: {  	[dreg:$0x4] =	wrdreg $0xF  }
0xc0: {  	_ =	task.clear_ibuf [dreg:s22], $0x5FFFF;
	_ =	strace $0x90000058  }
0xc1: {  	s29 =	simm.s32 $0xF;
	_ =	strace $0x8000005A  }
0xc2: {  	_ =	swait.ge [sflag:s29], $0x1  }
0xc3: {  	[sflag:s29] =	ssyncadd.s32 $0xFFFFFFFF  }
0xc4: {  	_ =	strace $0x9000005A  }
0xc5: {  	_ =	sfence  }
0xc6: {  	s30 =	sld [smem:$0x0];
	_ =	sdelay $0x2  }
0xc7: {  	s31 =	sshll.u32 s1, $0xD;
	s1 =	sshrl.u32 s1, $0x2  }
0xc8: {  	s4 =	sand.u32 $0x4000, s31;
	s1 =	sadd.s32 s1, s30  }
0xc9: {  	s0 =	sor.u32 s4, s0;
	s1 =	sshll.u32 s1, $0x11  }
0xca: {  	s0 =	sor.u32 s1, s0  }
0xcb: {  	s0 =	sadd.s32 $0x8F2B, s0  }
0xcc: {  	[sflag:s0] =	ssyncadd.remote.s32 $0x1  }
0xcd: {  	_ =	sfence.sel $0xFFFF  }
0xce: {  	[dreg:$0x0] =	wrdreg $0xFFFFFFFF;
	(pc) =	sbr.abs _section_cstart, $3  }
0xcf: {  	[dreg:$0x1] =	wrdreg $0xFFFFFFFF  }
0xd0: {  	_ =	task.clear_ibuf [dreg:s22], $0x2FFFF;
	_ =	strace $0x9FFFFFFF  }
0xd1: {  	(tm) =	ssettm $0x7FFFFFFF  }
tec
execute0_lowered:
.L_overlay_start_1:
0x0: {  	(tag) =	ssettag $0x1  }
0x1: {  	s1 =	srdreg.scid;
	s0 =	stileid.u32  }
0x2: {  	s29 =	sand.u32 $0x1, s1;
	s26 =	sshll.u32 s0, $0x1  }
0x3: {  	s13 =	sor.u32 s29, s26  }
0x4: {  	s2 =	rddreg [dreg:$0x0];
	s4 =	smul.u32 $0x64, s13  }
0x5: {  	s12 =	rddreg [dreg:$0x1];
	s3 =	simm.s32 $0x0  }
0x6: {  	s5 =	simm.s32 $0xB;
	[smem:$0x7FF] =	sst s3;
	s4 =	sadd.s32 s4, s12  }
0x7: {  	s1 =	rddreg [dreg:$0x2];
	_ =	strace $0x80000059;
	s4 =	sadd.s32 $0x9000, s4  }
0x8: {  	[tilespmem:s3], [sflag:$0xB] =	stream.linear.gather [hbm4b:s4+s3], $0x320, $0x38;
	[tilespmem:$0x19380] =	vst v63  }
0x9: {  	_ =	swait.ge [sflag:s5], $0x320  }
0xa: {  	[sflag:s5] =	ssyncset.done $0x0  }
0xb: {  	s6 =	simm.s32 $0xA0;
	s7 =	simm.s32 $0x380;
	[sflag:s5] =	ssyncadd.s32 $0xFFFFFCE0  }
0xc: {  	[tilespmem:s7], [sflag:$0x1] =	stream.indirect.gather [hbm4b:s2+s6], $0x80, s3, s6, $0xb8;
	[tilespmem:$0x19380] =	vst v63  }
0xd: {  	s8 =	simm.s32 $0x5380  }
0xe: {  	[tilespmem:s8], [sflag:$0x2] =	stream.indirect.gather [hbm4b:s2+s6], $0x80, s6, s6, $0xb8;
	[tilespmem:$0x19380] =	vst v63  }
0xf: {  	s9 =	simm.s32 $0x140;
	s10 =	simm.s32 $0xA380;
	s11 =	simm.s32 $0x1  }
0x10: {  	[tilespmem:s10], [sflag:$0x3] =	stream.indirect.gather [hbm4b:s2+s6], $0x80, s9, s6, $0xb8;
	[tilespmem:$0x19380] =	vst v63  }
0x11: {  	s14 =	smul.u32 $0x3200, s13;
	_ =	swait.ge [sflag:s11], $0x5000  }
0x12: {  	s16 =	sadd.s32 $0x1FEC00, s12;
	[sflag:s11] =	ssyncset.done $0x0  }
0x13: {  	s15 =	simm.s32 $0x2;
	s12 =	sadd.s32 s16, s14;
	[sflag:s11] =	ssyncadd.s32 $0xFFFFB000  }
0x14: {  	[hbm4b:s12+s3] =	stream.linear.scatter [tilespmem:s7], [sflag:$0x6], $0x5000, $0x38;
	[tilespmem:$0x19380] =	vst v63  }
0x15: {  	s17 =	smul.u32 $0x19000, s13;
	s13 =	simm.s32 $0x1E0;
	s14 =	simm.s32 $0xF380  }
0x16: {  	[tilespmem:s14], [sflag:$0x4] =	stream.indirect.gather [hbm4b:s2+s6], $0x80, s13, s6, $0xb8;
	[tilespmem:$0x19380] =	vst v63  }
0x17: {  	s17 =	sshrl.u32 s17, $0x3;
	_ =	swait.ge [sflag:s15], $0x5000  }
0x18: {  	s24 =	sadd.s32 s16, s17;
	[sflag:s15] =	ssyncset.done $0x0  }
0x19: {  	s16 =	sadd.s32 $0xA00, s24;
	[sflag:s15] =	ssyncadd.s32 $0xFFFFB000  }
0x1a: {  	[hbm4b:s16+s3] =	stream.linear.scatter [tilespmem:s8], [sflag:$0x7], $0x5000, $0x38;
	[tilespmem:$0x19380] =	vst v63  }
0x1b: {  	s18 =	simm.s32 $0x14380;
	s19 =	simm.s32 $0x3;
	s17 =	simm.s32 $0x280  }
0x1c: {  	[tilespmem:s18], [sflag:$0x5] =	stream.indirect.gather [hbm4b:s2+s6], $0x80, s17, s6, $0xb8;
	[tilespmem:$0x19380] =	vst v63  }
0x1d: {  	_ =	swait.ge [sflag:s19], $0x5000  }
0x1e: {  	[sflag:s19] =	ssyncset.done $0x0  }
0x1f: {  	s21 =	simm.s32 $0x4;
	s20 =	sadd.s32 $0x1400, s24;
	[sflag:s19] =	ssyncadd.s32 $0xFFFFB000  }
0x20: {  	[hbm4b:s20+s3] =	stream.linear.scatter [tilespmem:s10], [sflag:$0x8], $0x5000, $0x38;
	[tilespmem:$0x19380] =	vst v63  }
0x21: {  	_ =	swait.ge [sflag:s21], $0x5000  }
0x22: {  	[sflag:s21] =	ssyncset.done $0x0  }
0x23: {  	s23 =	simm.s32 $0x5;
	s22 =	sadd.s32 $0x1E00, s24;
	[sflag:s21] =	ssyncadd.s32 $0xFFFFB000  }
0x24: {  	[hbm4b:s22+s3] =	stream.linear.scatter [tilespmem:s14], [sflag:$0x9], $0x5000, $0x38;
	[tilespmem:$0x19380] =	vst v63  }
0x25: {  	_ =	swait.ge [sflag:s23], $0x5000  }
0x26: {  	[sflag:s23] =	ssyncset.done $0x0  }
0x27: {  	s25 =	simm.s32 $0x6;
	s24 =	sadd.s32 $0x2800, s24;
	[sflag:s23] =	ssyncadd.s32 $0xFFFFB000  }
0x28: {  	[hbm4b:s24+s3] =	stream.linear.scatter [tilespmem:s18], [sflag:$0xA], $0x5000, $0x38;
	[tilespmem:$0x19380] =	vst v63  }
0x29: {  	_ =	swait.ge [sflag:s25], $0x5000  }
0x2a: {  	[sflag:s25] =	ssyncset.done $0x0  }
0x2b: {  	s26 =	simm.s32 $0x7;
	[sflag:s25] =	ssyncadd.s32 $0xFFFFB000  }
0x2c: {  	_ =	swait.ge [sflag:s26], $0x5000  }
0x2d: {  	s30 =	ssub.s32 $0x2, s29;
	[sflag:s26] =	ssyncset.done $0x0  }
0x2e: {  	s28 =	simm.s32 $0x8;
	s31 =	sshrl.u32 s30, $0x1;
	[sflag:s26] =	ssyncadd.s32 $0xFFFFB000  }
0x2f: {  	s30 =	ssub.s32 s30, s31;
	_ =	swait.ge [sflag:s28], $0x5000  }
0x30: {  	s31 =	smax.u32 s30, $0x1;
	[sflag:s28] =	ssyncset.done $0x0  }
0x31: {  	s29 =	simm.s32 $0x9;
	p0 =	sne.s32 s31, $0x1;
	[sflag:s28] =	ssyncadd.s32 $0xFFFFB000  }
.Ltmp0:
0x32: {  	_ =	swait.ge [sflag:s29], $0x5000;
	(pc) =	sbr.rel @!p0 .LBB2_2-.Ltmp0, $4  }
0x33: {  	[sflag:s29] =	ssyncset.done $0x0  }
0x34: {  	s30 =	simm.s32 $0xA;
	[sflag:s29] =	ssyncadd.s32 $0xFFFFB000  }
0x35: {  	_ =	swait.ge [sflag:s30], $0x5000  }
0x36: {  	s31 =	sadd.s32 $0xFFFFFFFF, s31;
	[sflag:s30] =	ssyncset.done $0x0  }
.LBB2_1:
0x37: {  	p0 =	sne.s32 s31, $0x1;
	s31 =	sadd.s32 $0xFFFFFFFF, s31;
	[sflag:s30] =	ssyncadd.s32 $0xFFFFB000  }
0x38: {  	[tilespmem:s3], [sflag:$0xB] =	stream.linear.gather [hbm4b:s4+s3], $0x320, $0x38;
	[tilespmem:$0x19380] =	vst v63  }
0x39: {  	_ =	swait.ge [sflag:s5], $0x320  }
0x3a: {  	[sflag:s5] =	ssyncset.done $0x0  }
0x3b: {  	[sflag:s5] =	ssyncadd.s32 $0xFFFFFCE0  }
0x3c: {  	[tilespmem:s7], [sflag:$0x1] =	stream.indirect.gather [hbm4b:s2+s6], $0x80, s3, s6, $0xb8;
	[tilespmem:$0x19380] =	vst v63  }
0x3d: {  	_ = 	snop  }
0x3e: {  	[tilespmem:s8], [sflag:$0x2] =	stream.indirect.gather [hbm4b:s2+s6], $0x80, s6, s6, $0xb8;
	[tilespmem:$0x19380] =	vst v63  }
0x3f: {  	_ = 	snop  }
0x40: {  	[tilespmem:s10], [sflag:$0x3] =	stream.indirect.gather [hbm4b:s2+s6], $0x80, s9, s6, $0xb8;
	[tilespmem:$0x19380] =	vst v63  }
0x41: {  	_ =	swait.ge [sflag:s11], $0x5000  }
0x42: {  	[sflag:s11] =	ssyncset.done $0x0  }
0x43: {  	[sflag:s11] =	ssyncadd.s32 $0xFFFFB000  }
0x44: {  	[hbm4b:s12+s3] =	stream.linear.scatter [tilespmem:s7], [sflag:$0x6], $0x5000, $0x38;
	[tilespmem:$0x19380] =	vst v63  }
0x45: {  	_ = 	snop  }
0x46: {  	[tilespmem:s14], [sflag:$0x4] =	stream.indirect.gather [hbm4b:s2+s6], $0x80, s13, s6, $0xb8;
	[tilespmem:$0x19380] =	vst v63  }
0x47: {  	_ =	swait.ge [sflag:s15], $0x5000  }
0x48: {  	[sflag:s15] =	ssyncset.done $0x0  }
0x49: {  	[sflag:s15] =	ssyncadd.s32 $0xFFFFB000  }
0x4a: {  	[hbm4b:s16+s3] =	stream.linear.scatter [tilespmem:s8], [sflag:$0x7], $0x5000, $0x38;
	[tilespmem:$0x19380] =	vst v63  }
0x4b: {  	_ = 	snop  }
0x4c: {  	[tilespmem:s18], [sflag:$0x5] =	stream.indirect.gather [hbm4b:s2+s6], $0x80, s17, s6, $0xb8;
	[tilespmem:$0x19380] =	vst v63  }
0x4d: {  	_ =	swait.ge [sflag:s19], $0x5000  }
0x4e: {  	[sflag:s19] =	ssyncset.done $0x0  }
0x4f: {  	[sflag:s19] =	ssyncadd.s32 $0xFFFFB000  }
0x50: {  	[hbm4b:s20+s3] =	stream.linear.scatter [tilespmem:s10], [sflag:$0x8], $0x5000, $0x38;
	[tilespmem:$0x19380] =	vst v63  }
0x51: {  	_ =	swait.ge [sflag:s21], $0x5000  }
0x52: {  	[sflag:s21] =	ssyncset.done $0x0  }
0x53: {  	[sflag:s21] =	ssyncadd.s32 $0xFFFFB000  }
0x54: {  	[hbm4b:s22+s3] =	stream.linear.scatter [tilespmem:s14], [sflag:$0x9], $0x5000, $0x38;
	[tilespmem:$0x19380] =	vst v63  }
0x55: {  	_ =	swait.ge [sflag:s23], $0x5000  }
0x56: {  	[sflag:s23] =	ssyncset.done $0x0  }
0x57: {  	[sflag:s23] =	ssyncadd.s32 $0xFFFFB000  }
0x58: {  	[hbm4b:s24+s3] =	stream.linear.scatter [tilespmem:s18], [sflag:$0xA], $0x5000, $0x38;
	[tilespmem:$0x19380] =	vst v63  }
0x59: {  	_ =	swait.ge [sflag:s25], $0x5000  }
0x5a: {  	[sflag:s25] =	ssyncset.done $0x0  }
0x5b: {  	[sflag:s25] =	ssyncadd.s32 $0xFFFFB000  }
0x5c: {  	_ =	swait.ge [sflag:s26], $0x5000  }
0x5d: {  	[sflag:s26] =	ssyncset.done $0x0  }
0x5e: {  	[sflag:s26] =	ssyncadd.s32 $0xFFFFB000  }
0x5f: {  	_ =	swait.ge [sflag:s28], $0x5000  }
0x60: {  	[sflag:s28] =	ssyncset.done $0x0  }
0x61: {  	[sflag:s28] =	ssyncadd.s32 $0xFFFFB000  }
.Ltmp1:
0x62: {  	_ =	swait.ge [sflag:s29], $0x5000;
	(pc) =	sbr.rel @p0 .LBB2_1-.Ltmp1, $4  }
0x63: {  	[sflag:s29] =	ssyncset.done $0x0  }
0x64: {  	[sflag:s29] =	ssyncadd.s32 $0xFFFFB000  }
0x65: {  	_ =	swait.ge [sflag:s30], $0x5000  }
0x66: {  	[sflag:s30] =	ssyncset.done $0x0  }
.LBB2_2:
0x67: {  	[sflag:s30] =	ssyncadd.s32 $0xFFFFB000  }
0x68: {  	_ =	sfence.sel $0x180000  }
0x69: {  	[bflag:$0x0] =	sbarrier.arrive $0xFFFF  }
0x6a: {  	p0 =	sne.s32 s0, $0x0;
	_ =	strace $0x90000059  }
0x6b: {  	s0 =	sadd.s32 @!p0 $0x100000, s1;
	[bflag:$0x2] =	sbarrier.arrive $0xFFFF  }
0x6c: {  	[sflag:s0] =	ssyncadd.tile.s32 @!p0 $0x1;
	_ =	shalt  }
.Lfunc_end2:
_tile_overlayer_lowered:
.L_overlay_start_2:
0x6d: {  	(tag) =	ssettag $0x2  }
0x6e: {  	s0 =	rddreg [dreg:$0x0];
	s2 =	stileid.u32  }
0x6f: {  	s1 =	rddreg [dreg:$0x1];
	p0 =	sne.s32 s2, $0x0  }
0x70: {  	s3 =	rddreg [dreg:$0x2];
	[bflag:$0x3] =	sbarrier.arrive $0xFFFF;
	s2 =	simm.s32 @!p0 $0x1C0B  }
0x71: {  	[timem:s3], [sflag:s2] =	dma.local @!p0 [hbm:s0], s1  }
0x72: {  	s0 =	simm.s32 @!p0 $0xB  }
0x73: {  	_ =	swait.ge @!p0 [sflag:s0], s1  }
0x74: {  	s1 =	ssub.s32 @!p0 $0x0, s1;
	[sflag:s0] =	ssyncset.done @!p0 $0x0  }
0x75: {  	[sflag:s0] =	ssyncadd.s32 @!p0 s1  }
0x76: {  	[bflag:$0x3] =	sbarrier.arrive $0xFFFF  }
0x77: {  	_ =	shalt  }

// kernel: kernel.39.cloned.1.call-start
scs
__scs_entry_jumppad:
0x0: {  	(pc) =	sbr.rel $0x88, $3  }
0x1: {  	(tag) =	ssettag $0x0;
	lr =	simm.s32 $0x1  }
0x2: {  	[smem:$0x3F9C] =	sst lr;
	_ =	strace $0xD0000000  }
0x3: {  	_ = 	snop  }
0x4: {  	_ = 	snop  }
0x5: {  	_ = 	snop  }
0x6: {  	_ = 	snop  }
0x7: {  	_ = 	snop  }
__scs_overlays_trampoline_lowered:
0x8: {  	[smem:$0x3FAB] =	sst s0  }
0x9: {  	[smem:$0x3FAC] =	sst s1  }
0xa: {  	[smem:$0x3FAD] =	sst s2  }
0xb: {  	[smem:$0x3FAE] =	sst s3  }
0xc: {  	[smem:$0x3FAF] =	sst s4  }
0xd: {  	[smem:$0x3FB0] =	sst s5  }
0xe: {  	[smem:$0x3FB1] =	sst s6  }
0xf: {  	[smem:$0x3FB2] =	sst s7  }
0x10: {  	[smem:$0x3FB3] =	sst s8  }
0x11: {  	[smem:$0x3FB4] =	sst s9;
	s0 =	simm.s32 @!p0 $0x0  }
0x12: {  	s1 =	sld [smem:$0x3F9A];
	s0 =	simm.s32 @p0 $0x1  }
0x13: {  	[smem:$0x3FB5] =	sst s0;
	s0 =	simm.s32 @!p1 $0x0  }
0x14: {  	s2 =	sld [smem:$0x3F99];
	s0 =	simm.s32 @p1 $0x1  }
0x15: {  	[smem:$0x3FB6] =	sst s0;
	s0 =	simm.s32 @!p2 $0x0  }
0x16: {  	s3 =	sld [smem:$0x3FDB];
	s0 =	simm.s32 @p2 $0x1  }
0x17: {  	s4 =	simm.s32 $0x1BF5;
	[smem:$0x3FB8] =	sst s0  }
0x18: {  	s0 =	sld [smem:$0x3F9B];
	_ =	swait.ge [sflag:s4], $0x0  }
0x19: {  	s7 =	sld [smem:$0x3F9C]  }
0x1a: {  	s8 =	sadd.s32 $0xFFFFE003, lr  }
0x1b: {  	s9 =	sadd.s32 $0xFFFFFEF7, lr;
	s5 =	simm.s32 $0xFFFFFFFF;
	p2 =	slt.u32 s8, $0xFFFFF086  }
0x1c: {  	p1 =	slt.u32 s9, $0xF7A;
	s5 =	simm.s32 @!p2 $0x0  }
0x1d: {  	s5 =	simm.s32 @p1 $0x1;
	p0 =	seq.s32 s7, s2  }
0x1e: {  	s7 =	smul.u32 @!p0 $0xF7A, s2;
	p2 =	seq.s32 @!p0 s5, $0x0  }
0x1f: {  	s9 =	smul.u32 $0xF7A, s1;
	s8 =	simm.s32 @!p0 $0x1BF5;
	p2 =	por !p2, p0  }
0x20: {  	[sflag:s8] =	ssyncset.s32 @!p0 $0xFFFFF086;
	s6 =	sadd.s32 @!p0 s3, s7;
	s7 =	simm.s32 @!p0 $0x108  }
0x21: {  	s3 =	sadd.s32 s3, s9;
	s6 =	sadd.s32 @!p0 $0x88, s6;
	s7 =	simm.s32 @p2 $0x1082  }
0x22: {  	[simem:s7], [sflag:s8] =	dma.local @!p0 [hbm:s6], $0xF7A  }
0x23: {  	s9 =	sor.u32 $0xD0000000, s2;
	s6 =	simm.s32 $0x108;
	_ =	swait.ge @!p0 [sflag:s8], $0x0  }
0x24: {  	s3 =	sadd.s32 $0x88, s3;
	s6 =	simm.s32 @!p1 $0x1082;
	[sflag:s4] =	ssyncset.s32 $0xFFFFF086  }
0x25: {  	[simem:s6], [sflag:s4] =	dma.local [hbm:s3], $0xF7A  }
0x26: {  	[smem:$0x3F9C] =	sst s1;
	(tag) =	ssettag s2;
	_ =	strace s9  }
0x27: {  	s1 =	sld [smem:$0x3FAC]  }
0x28: {  	s2 =	sld [smem:$0x3FAD]  }
0x29: {  	s4 =	sld [smem:$0x3FAF]  }
0x2a: {  	p0 =	seq.s32 s5, $0x0;
	s5 =	sld [smem:$0x3FB0]  }
0x2b: {  	s6 =	sld [smem:$0x3FB1]  }
0x2c: {  	s7 =	sld [smem:$0x3FB2]  }
0x2d: {  	s3 =	simm.s32 $0x108;
	s8 =	sld [smem:$0x3FB3]  }
0x2e: {  	s3 =	simm.s32 @!p0 $0x1082;
	s9 =	sld [smem:$0x3FB4]  }
0x2f: {  	lr =	sadd.s32 s0, s3;
	s0 =	sld [smem:$0x3FAB]  }
0x30: {  	s3 =	sld [smem:$0x3FAE]  }
0x31: {  	[smem:$0x3FB7] =	sst s10  }
0x32: {  	s10 =	sld [smem:$0x3FB5];
	_ =	sdelay $0x3  }
0x33: {  	p0 =	seq.s32 s10, $0x1;
	s10 =	sld [smem:$0x3FB7];
	_ =	sdelay $0x3  }
0x34: {  	[smem:$0x3FB7] =	sst s10  }
0x35: {  	s10 =	sld [smem:$0x3FB6];
	_ =	sdelay $0x3  }
0x36: {  	p1 =	seq.s32 s10, $0x1;
	s10 =	sld [smem:$0x3FB7];
	_ =	sdelay $0x3  }
0x37: {  	[smem:$0x3FB7] =	sst s10  }
0x38: {  	s10 =	sld [smem:$0x3FB8]  }
0x39: {  	_ = 	snop;
	(pc) =	sbr.ind lr, $3  }
0x3a: {  	_ = 	snop  }
0x3b: {  	_ = 	snop  }
0x3c: {  	p2 =	seq.s32 s10, $0x1;
	s10 =	sld [smem:$0x3FB7]  }
0x3d: {  	_ =	shalt  }
0x3e: {  	_ =	shalt  }
0x3f: {  	_ =	shalt  }
0x40: {  	_ =	shalt  }
0x41: {  	_ =	shalt  }
0x42: {  	_ =	shalt  }
0x43: {  	_ =	shalt  }
0x44: {  	_ =	shalt  }
0x45: {  	_ =	shalt  }
0x46: {  	_ =	shalt  }
0x47: {  	_ =	shalt  }
0x48: {  	_ =	shalt  }
0x49: {  	_ =	shalt  }
0x4a: {  	_ =	shalt  }
0x4b: {  	_ =	shalt  }
0x4c: {  	_ =	shalt  }
0x4d: {  	_ =	shalt  }
0x4e: {  	_ =	shalt  }
0x4f: {  	_ =	shalt  }
0x50: {  	_ =	shalt  }
0x51: {  	_ =	shalt  }
0x52: {  	_ =	shalt  }
0x53: {  	_ =	shalt  }
0x54: {  	_ =	shalt  }
0x55: {  	_ =	shalt  }
0x56: {  	_ =	shalt  }
0x57: {  	_ =	shalt  }
0x58: {  	_ =	shalt  }
0x59: {  	_ =	shalt  }
0x5a: {  	_ =	shalt  }
0x5b: {  	_ =	shalt  }
0x5c: {  	_ =	shalt  }
0x5d: {  	_ =	shalt  }
0x5e: {  	_ =	shalt  }
0x5f: {  	_ =	shalt  }
0x60: {  	_ =	shalt  }
0x61: {  	_ =	shalt  }
0x62: {  	_ =	shalt  }
0x63: {  	_ =	shalt  }
0x64: {  	_ =	shalt  }
0x65: {  	_ =	shalt  }
0x66: {  	_ =	shalt  }
0x67: {  	_ =	shalt  }
0x68: {  	_ =	shalt  }
0x69: {  	_ =	shalt  }
0x6a: {  	_ =	shalt  }
0x6b: {  	_ =	shalt  }
0x6c: {  	_ =	shalt  }
0x6d: {  	_ =	shalt  }
0x6e: {  	_ =	shalt  }
0x6f: {  	_ =	shalt  }
0x70: {  	_ =	shalt  }
0x71: {  	_ =	shalt  }
0x72: {  	_ =	shalt  }
0x73: {  	_ =	shalt  }
0x74: {  	_ =	shalt  }
0x75: {  	_ =	shalt  }
0x76: {  	_ =	shalt  }
0x77: {  	_ =	shalt  }
0x78: {  	_ =	shalt  }
0x79: {  	_ =	shalt  }
0x7a: {  	_ =	shalt  }
0x7b: {  	_ =	shalt  }
0x7c: {  	_ =	shalt  }
0x7d: {  	_ =	shalt  }
0x7e: {  	_ =	shalt  }
0x7f: {  	_ =	shalt  }
0x80: {  	_ =	shalt  }
0x81: {  	_ =	shalt  }
0x82: {  	_ =	shalt  }
0x83: {  	_ =	shalt  }
0x84: {  	_ =	shalt  }
0x85: {  	_ =	shalt  }
0x86: {  	_ =	shalt  }
0x87: {  	_ =	shalt  }
.Lfunc_end0:
.L_simem_size_0:
called_computation.7_lowered:
.L_overlay_start_0:
0x88: {  	s2 =	sld [smem:$0x3FD9]  }
0x89: {  	s3 =	sld [smem:$0x3FFE];
	_ =	sdelay $0x1  }
0x8a: {  	s1 =	srdreg.scid  }
0x8b: {  	s0 =	sand.u32 $0x1, s1  }
0x8c: {  	s17 =	sshll.u32 s0, $0xA;
	s2 =	sadd.s32 s3, s2  }
0x8d: {  	s2 =	sadd.s32 s2, s17  }
0x8e: {  	[smem:$0x3FC3] =	sst s2  }
0x8f: {  	_ = 	snop  }
0x90: {  	s18 =	sld [smem:$0x3FC8];
	(tm) =	ssettm $0x1  }
0x91: {  	s19 =	sld [smem:$0x3FFB];
	_ =	sdelay $0x3  }
0x92: {  	_ =	strace s19  }
0x93: {  	s2 =	sld [smem:$0x3FFC];
	_ =	sdelay $0x3  }
0x94: {  	_ =	strace s2  }
0x95: {  	s2 =	sld [smem:$0x3FFD];
	_ =	sdelay $0x3  }
0x96: {  	_ =	strace s2  }
0x97: {  	_ =	strace $0x8FFFFFFF  }
0x98: {  	s20 =	sld [smem:$0x3FDB];
	_ =	sdelay $0x1  }
0x99: {  	s4 =	simm.s32 $_scs_section_size  }
0x9a: {  	s5 =	simm.s32 $_size__tile_overlayer_lowered;
	s6 =	simm.s32 $_tile_overlayer_lowered  }
0x9b: {  	s7 =	simm.s32 $0x1BFF;
	s21 =	sshll.u32 s6, $0x1;
	s4 =	sadd.s32 s4, s20  }
0x9c: {  	s22 =	simm.s32 $0x0;
	s5 =	sshll.u32 s5, $0x1;
	s6 =	sadd.s32 s21, s4  }
0x9d: {  	[timem:s22], [sflag:s7] =	dma.local [hbm:s6], s5  }
0x9e: {  	_ =	swait.ge [sflag:s7], s5  }
0x9f: {  	s5 =	ssub.s32 $0x0, s5;
	[sflag:s7] =	ssyncset.done $0x0  }
0xa0: {  	[sflag:s7] =	ssyncadd.s32 s5;
	_ =	sdelay $0x1  }
0xa1: {  	s23 =	simm.s32 $0x1B8B  }
0xa2: {  	_ =	swait.ge [sflag:s23], $0x1  }
0xa3: {  	[sflag:s23] =	ssyncset.done $0x0  }
0xa4: {  	[sflag:s23] =	ssyncadd.s32 $0xFFFFFFFF  }
0xa5: {  	s5 =	sld [smem:$0x0]  }
0xa6: {  	s6 =	sand.u32 $0xFFFFFFFE, s1  }
0xa7: {  	p0 =	sne.s32 s1, s6  }
0xa8: {  	s6 =	sshll.u32 @p0 s6, $0xE  }
0xa9: {  	s6 =	sadd.s32 @p0 $0x11B8D, s6;
	s7 =	sshll.u32 @p0 s5, $0x11  }
0xaa: {  	s6 =	sor.u32 @p0 s7, s6  }
0xab: {  	[sflag:s6] =	ssyncadd.remote.s32 @p0 $0x1;
	_ =	sdelay $0x1  }
0xac: {  	s6 =	simm.s32 @p0 $0x1B8D  }
0xad: {  	_ =	swait.eq @p0 [sflag:s6], $0x1  }
0xae: {  	[sflag:s6] =	ssyncadd.s32 @p0 $0xFFFFFFFF  }
0xaf: {  	s7 =	sshll.u32 @!p0 s1, $0xE  }
0xb0: {  	s7 =	sor.u32 @!p0 $0x4000, s7;
	s6 =	simm.s32 @!p0 $0x1B8D  }
0xb1: {  	s5 =	sshll.u32 @!p0 s5, $0x11;
	s7 =	sadd.s32 @!p0 $0x11B8D, s7;
	_ =	swait.eq @!p0 [sflag:s6], $0x1  }
0xb2: {  	s5 =	sor.u32 @!p0 s5, s7;
	[sflag:s6] =	ssyncadd.s32 @!p0 $0xFFFFFFFF  }
0xb3: {  	s25 =	simm.s32 $0x1B8E;
	s24 =	sld [smem:$0x3FFE];
	[sflag:s5] =	ssyncadd.remote.s32 @!p0 $0x1  }
0xb4: {  	s26 =	simm.s32 $execute0_lowered;
	[smem:$0x3FD2] =	sst s25  }
0xb5: {  	s6 =	sshll.u32 s26, $0x1;
	_ =	strace $0x8000005B;
	[dreg:$0x1] =	wrdreg $0xFFFFFFFF  }
0xb6: {  	s28 =	simm.s32 $_size_execute0_lowered;
	s4 =	sadd.s32 s4, s6;
	[dreg:$0x0] =	wrdreg $0x0  }
0xb7: {  	s6 =	sshll.u32 s28, $0x1;
	[dreg:$0x2] =	wrdreg s4  }
0xb8: {  	[dreg:$0x3] =	wrdreg s6  }
0xb9: {  	[dreg:$0x4] =	wrdreg $0xC0  }
0xba: {  	_ =	task [dreg:s22], $0x5FFFF  }
0xbb: {  	[dreg:$0x1] =	wrdreg $0xFFFFFFFF  }
0xbc: {  	[dreg:$0x0] =	wrdreg $0x60  }
0xbd: {  	[dreg:$0x2] =	wrdreg s18  }
0xbe: {  	[dreg:$0x3] =	wrdreg s24  }
0xbf: {  	[dreg:$0x4] =	wrdreg $0x10  }
0xc0: {  	_ =	task.clear_ibuf [dreg:s22], $0x5FFFF;
	_ =	strace $0x9000005B  }
0xc1: {  	s29 =	simm.s32 $0x10;
	_ =	strace $0x8000005D  }
0xc2: {  	_ =	swait.ge [sflag:s29], $0x1  }
0xc3: {  	[sflag:s29] =	ssyncadd.s32 $0xFFFFFFFF  }
0xc4: {  	_ =	strace $0x9000005D  }
0xc5: {  	_ =	sfence  }
0xc6: {  	s30 =	sld [smem:$0x0];
	_ =	sdelay $0x2  }
0xc7: {  	s31 =	sshll.u32 s1, $0xD;
	s1 =	sshrl.u32 s1, $0x2  }
0xc8: {  	s4 =	sand.u32 $0x4000, s31;
	s1 =	sadd.s32 s1, s30  }
0xc9: {  	s0 =	sor.u32 s4, s0;
	s1 =	sshll.u32 s1, $0x11  }
0xca: {  	s0 =	sor.u32 s1, s0  }
0xcb: {  	s0 =	sadd.s32 $0x8F2B, s0  }
0xcc: {  	[sflag:s0] =	ssyncadd.remote.s32 $0x1  }
0xcd: {  	_ =	sfence.sel $0xFFFF  }
0xce: {  	[dreg:$0x0] =	wrdreg $0xFFFFFFFF;
	(pc) =	sbr.abs _section_cstart, $3  }
0xcf: {  	[dreg:$0x1] =	wrdreg $0xFFFFFFFF  }
0xd0: {  	_ =	task.clear_ibuf [dreg:s22], $0x2FFFF;
	_ =	strace $0x9FFFFFFF  }
0xd1: {  	(tm) =	ssettm $0x7FFFFFFF  }
tec
execute0_lowered:
.L_overlay_start_1:
0x0: {  	(tag) =	ssettag $0x1  }
0x1: {  	s1 =	srdreg.scid;
	s0 =	stileid.u32  }
0x2: {  	s29 =	sand.u32 $0x1, s1;
	s26 =	sshll.u32 s0, $0x1  }
0x3: {  	s13 =	sor.u32 s29, s26  }
0x4: {  	s2 =	rddreg [dreg:$0x0];
	s4 =	smul.u32 $0x64, s13  }
0x5: {  	s12 =	rddreg [dreg:$0x1];
	s3 =	simm.s32 $0x0  }
0x6: {  	s5 =	simm.s32 $0xB;
	[smem:$0x7FF] =	sst s3;
	s4 =	sadd.s32 s4, s12  }
0x7: {  	s1 =	rddreg [dreg:$0x2];
	_ =	strace $0x8000005C;
	s4 =	sadd.s32 $0x9E00, s4  }
0x8: {  	[tilespmem:s3], [sflag:$0xB] =	stream.linear.gather [hbm4b:s4+s3], $0x320, $0x38;
	[tilespmem:$0x19380] =	vst v63  }
0x9: {  	_ =	swait.ge [sflag:s5], $0x320  }
0xa: {  	[sflag:s5] =	ssyncset.done $0x0  }
0xb: {  	s6 =	simm.s32 $0xA0;
	s7 =	simm.s32 $0x380;
	[sflag:s5] =	ssyncadd.s32 $0xFFFFFCE0  }
0xc: {  	[tilespmem:s7], [sflag:$0x1] =	stream.indirect.gather [hbm4b:s2+s6], $0x80, s3, s6, $0xb8;
	[tilespmem:$0x19380] =	vst v63  }
0xd: {  	s8 =	simm.s32 $0x5380  }
0xe: {  	[tilespmem:s8], [sflag:$0x2] =	stream.indirect.gather [hbm4b:s2+s6], $0x80, s6, s6, $0xb8;
	[tilespmem:$0x19380] =	vst v63  }
0xf: {  	s9 =	simm.s32 $0x140;
	s10 =	simm.s32 $0xA380;
	s11 =	simm.s32 $0x1  }
0x10: {  	[tilespmem:s10], [sflag:$0x3] =	stream.indirect.gather [hbm4b:s2+s6], $0x80, s9, s6, $0xb8;
	[tilespmem:$0x19380] =	vst v63  }
0x11: {  	s14 =	smul.u32 $0x3200, s13;
	_ =	swait.ge [sflag:s11], $0x5000  }
0x12: {  	s16 =	sadd.s32 $0x262C00, s12;
	[sflag:s11] =	ssyncset.done $0x0  }
0x13: {  	s15 =	simm.s32 $0x2;
	s12 =	sadd.s32 s16, s14;
	[sflag:s11] =	ssyncadd.s32 $0xFFFFB000  }
0x14: {  	[hbm4b:s12+s3] =	stream.linear.scatter [tilespmem:s7], [sflag:$0x6], $0x5000, $0x38;
	[tilespmem:$0x19380] =	vst v63  }
0x15: {  	s17 =	smul.u32 $0x19000, s13;
	s13 =	simm.s32 $0x1E0;
	s14 =	simm.s32 $0xF380  }
0x16: {  	[tilespmem:s14], [sflag:$0x4] =	stream.indirect.gather [hbm4b:s2+s6], $0x80, s13, s6, $0xb8;
	[tilespmem:$0x19380] =	vst v63  }
0x17: {  	s17 =	sshrl.u32 s17, $0x3;
	_ =	swait.ge [sflag:s15], $0x5000  }
0x18: {  	s24 =	sadd.s32 s16, s17;
	[sflag:s15] =	ssyncset.done $0x0  }
0x19: {  	s16 =	sadd.s32 $0xA00, s24;
	[sflag:s15] =	ssyncadd.s32 $0xFFFFB000  }
0x1a: {  	[hbm4b:s16+s3] =	stream.linear.scatter [tilespmem:s8], [sflag:$0x7], $0x5000, $0x38;
	[tilespmem:$0x19380] =	vst v63  }
0x1b: {  	s18 =	simm.s32 $0x14380;
	s19 =	simm.s32 $0x3;
	s17 =	simm.s32 $0x280  }
0x1c: {  	[tilespmem:s18], [sflag:$0x5] =	stream.indirect.gather [hbm4b:s2+s6], $0x80, s17, s6, $0xb8;
	[tilespmem:$0x19380] =	vst v63  }
0x1d: {  	_ =	swait.ge [sflag:s19], $0x5000  }
0x1e: {  	[sflag:s19] =	ssyncset.done $0x0  }
0x1f: {  	s21 =	simm.s32 $0x4;
	s20 =	sadd.s32 $0x1400, s24;
	[sflag:s19] =	ssyncadd.s32 $0xFFFFB000  }
0x20: {  	[hbm4b:s20+s3] =	stream.linear.scatter [tilespmem:s10], [sflag:$0x8], $0x5000, $0x38;
	[tilespmem:$0x19380] =	vst v63  }
0x21: {  	_ =	swait.ge [sflag:s21], $0x5000  }
0x22: {  	[sflag:s21] =	ssyncset.done $0x0  }
0x23: {  	s23 =	simm.s32 $0x5;
	s22 =	sadd.s32 $0x1E00, s24;
	[sflag:s21] =	ssyncadd.s32 $0xFFFFB000  }
0x24: {  	[hbm4b:s22+s3] =	stream.linear.scatter [tilespmem:s14], [sflag:$0x9], $0x5000, $0x38;
	[tilespmem:$0x19380] =	vst v63  }
0x25: {  	_ =	swait.ge [sflag:s23], $0x5000  }
0x26: {  	[sflag:s23] =	ssyncset.done $0x0  }
0x27: {  	s25 =	simm.s32 $0x6;
	s24 =	sadd.s32 $0x2800, s24;
	[sflag:s23] =	ssyncadd.s32 $0xFFFFB000  }
0x28: {  	[hbm4b:s24+s3] =	stream.linear.scatter [tilespmem:s18], [sflag:$0xA], $0x5000, $0x38;
	[tilespmem:$0x19380] =	vst v63  }
0x29: {  	_ =	swait.ge [sflag:s25], $0x5000  }
0x2a: {  	[sflag:s25] =	ssyncset.done $0x0  }
0x2b: {  	s26 =	simm.s32 $0x7;
	[sflag:s25] =	ssyncadd.s32 $0xFFFFB000  }
0x2c: {  	_ =	swait.ge [sflag:s26], $0x5000  }
0x2d: {  	s30 =	ssub.s32 $0x2, s29;
	[sflag:s26] =	ssyncset.done $0x0  }
0x2e: {  	s28 =	simm.s32 $0x8;
	s31 =	sshrl.u32 s30, $0x1;
	[sflag:s26] =	ssyncadd.s32 $0xFFFFB000  }
0x2f: {  	s30 =	ssub.s32 s30, s31;
	_ =	swait.ge [sflag:s28], $0x5000  }
0x30: {  	s31 =	smax.u32 s30, $0x1;
	[sflag:s28] =	ssyncset.done $0x0  }
0x31: {  	s29 =	simm.s32 $0x9;
	p0 =	sne.s32 s31, $0x1;
	[sflag:s28] =	ssyncadd.s32 $0xFFFFB000  }
.Ltmp0:
0x32: {  	_ =	swait.ge [sflag:s29], $0x5000;
	(pc) =	sbr.rel @!p0 .LBB2_2-.Ltmp0, $4  }
0x33: {  	[sflag:s29] =	ssyncset.done $0x0  }
0x34: {  	s30 =	simm.s32 $0xA;
	[sflag:s29] =	ssyncadd.s32 $0xFFFFB000  }
0x35: {  	_ =	swait.ge [sflag:s30], $0x5000  }
0x36: {  	s31 =	sadd.s32 $0xFFFFFFFF, s31;
	[sflag:s30] =	ssyncset.done $0x0  }
.LBB2_1:
0x37: {  	p0 =	sne.s32 s31, $0x1;
	s31 =	sadd.s32 $0xFFFFFFFF, s31;
	[sflag:s30] =	ssyncadd.s32 $0xFFFFB000  }
0x38: {  	[tilespmem:s3], [sflag:$0xB] =	stream.linear.gather [hbm4b:s4+s3], $0x320, $0x38;
	[tilespmem:$0x19380] =	vst v63  }
0x39: {  	_ =	swait.ge [sflag:s5], $0x320  }
0x3a: {  	[sflag:s5] =	ssyncset.done $0x0  }
0x3b: {  	[sflag:s5] =	ssyncadd.s32 $0xFFFFFCE0  }
0x3c: {  	[tilespmem:s7], [sflag:$0x1] =	stream.indirect.gather [hbm4b:s2+s6], $0x80, s3, s6, $0xb8;
	[tilespmem:$0x19380] =	vst v63  }
0x3d: {  	_ = 	snop  }
0x3e: {  	[tilespmem:s8], [sflag:$0x2] =	stream.indirect.gather [hbm4b:s2+s6], $0x80, s6, s6, $0xb8;
	[tilespmem:$0x19380] =	vst v63  }
0x3f: {  	_ = 	snop  }
0x40: {  	[tilespmem:s10], [sflag:$0x3] =	stream.indirect.gather [hbm4b:s2+s6], $0x80, s9, s6, $0xb8;
	[tilespmem:$0x19380] =	vst v63  }
0x41: {  	_ =	swait.ge [sflag:s11], $0x5000  }
0x42: {  	[sflag:s11] =	ssyncset.done $0x0  }
0x43: {  	[sflag:s11] =	ssyncadd.s32 $0xFFFFB000  }
0x44: {  	[hbm4b:s12+s3] =	stream.linear.scatter [tilespmem:s7], [sflag:$0x6], $0x5000, $0x38;
	[tilespmem:$0x19380] =	vst v63  }
0x45: {  	_ = 	snop  }
0x46: {  	[tilespmem:s14], [sflag:$0x4] =	stream.indirect.gather [hbm4b:s2+s6], $0x80, s13, s6, $0xb8;
	[tilespmem:$0x19380] =	vst v63  }
0x47: {  	_ =	swait.ge [sflag:s15], $0x5000  }
0x48: {  	[sflag:s15] =	ssyncset.done $0x0  }
0x49: {  	[sflag:s15] =	ssyncadd.s32 $0xFFFFB000  }
0x4a: {  	[hbm4b:s16+s3] =	stream.linear.scatter [tilespmem:s8], [sflag:$0x7], $0x5000, $0x38;
	[tilespmem:$0x19380] =	vst v63  }
0x4b: {  	_ = 	snop  }
0x4c: {  	[tilespmem:s18], [sflag:$0x5] =	stream.indirect.gather [hbm4b:s2+s6], $0x80, s17, s6, $0xb8;
	[tilespmem:$0x19380] =	vst v63  }
0x4d: {  	_ =	swait.ge [sflag:s19], $0x5000  }
0x4e: {  	[sflag:s19] =	ssyncset.done $0x0  }
0x4f: {  	[sflag:s19] =	ssyncadd.s32 $0xFFFFB000  }
0x50: {  	[hbm4b:s20+s3] =	stream.linear.scatter [tilespmem:s10], [sflag:$0x8], $0x5000, $0x38;
	[tilespmem:$0x19380] =	vst v63  }
0x51: {  	_ =	swait.ge [sflag:s21], $0x5000  }
0x52: {  	[sflag:s21] =	ssyncset.done $0x0  }
0x53: {  	[sflag:s21] =	ssyncadd.s32 $0xFFFFB000  }
0x54: {  	[hbm4b:s22+s3] =	stream.linear.scatter [tilespmem:s14], [sflag:$0x9], $0x5000, $0x38;
	[tilespmem:$0x19380] =	vst v63  }
0x55: {  	_ =	swait.ge [sflag:s23], $0x5000  }
0x56: {  	[sflag:s23] =	ssyncset.done $0x0  }
0x57: {  	[sflag:s23] =	ssyncadd.s32 $0xFFFFB000  }
0x58: {  	[hbm4b:s24+s3] =	stream.linear.scatter [tilespmem:s18], [sflag:$0xA], $0x5000, $0x38;
	[tilespmem:$0x19380] =	vst v63  }
0x59: {  	_ =	swait.ge [sflag:s25], $0x5000  }
0x5a: {  	[sflag:s25] =	ssyncset.done $0x0  }
0x5b: {  	[sflag:s25] =	ssyncadd.s32 $0xFFFFB000  }
0x5c: {  	_ =	swait.ge [sflag:s26], $0x5000  }
0x5d: {  	[sflag:s26] =	ssyncset.done $0x0  }
0x5e: {  	[sflag:s26] =	ssyncadd.s32 $0xFFFFB000  }
0x5f: {  	_ =	swait.ge [sflag:s28], $0x5000  }
0x60: {  	[sflag:s28] =	ssyncset.done $0x0  }
0x61: {  	[sflag:s28] =	ssyncadd.s32 $0xFFFFB000  }
.Ltmp1:
0x62: {  	_ =	swait.ge [sflag:s29], $0x5000;
	(pc) =	sbr.rel @p0 .LBB2_1-.Ltmp1, $4  }
0x63: {  	[sflag:s29] =	ssyncset.done $0x0  }
0x64: {  	[sflag:s29] =	ssyncadd.s32 $0xFFFFB000  }
0x65: {  	_ =	swait.ge [sflag:s30], $0x5000  }
0x66: {  	[sflag:s30] =	ssyncset.done $0x0  }
.LBB2_2:
0x67: {  	[sflag:s30] =	ssyncadd.s32 $0xFFFFB000  }
0x68: {  	_ =	sfence.sel $0x180000  }
0x69: {  	[bflag:$0x0] =	sbarrier.arrive $0xFFFF  }
0x6a: {  	p0 =	sne.s32 s0, $0x0;
	_ =	strace $0x9000005C  }
0x6b: {  	s0 =	sadd.s32 @!p0 $0x100000, s1;
	[bflag:$0x2] =	sbarrier.arrive $0xFFFF  }
0x6c: {  	[sflag:s0] =	ssyncadd.tile.s32 @!p0 $0x1;
	_ =	shalt  }
.Lfunc_end2:
_tile_overlayer_lowered:
.L_overlay_start_2:
0x6d: {  	(tag) =	ssettag $0x2  }
0x6e: {  	s0 =	rddreg [dreg:$0x0];
	s2 =	stileid.u32  }
0x6f: {  	s1 =	rddreg [dreg:$0x1];
	p0 =	sne.s32 s2, $0x0  }
0x70: {  	s3 =	rddreg [dreg:$0x2];
	[bflag:$0x3] =	sbarrier.arrive $0xFFFF;
	s2 =	simm.s32 @!p0 $0x1C0B  }
0x71: {  	[timem:s3], [sflag:s2] =	dma.local @!p0 [hbm:s0], s1  }
0x72: {  	s0 =	simm.s32 @!p0 $0xB  }
0x73: {  	_ =	swait.ge @!p0 [sflag:s0], s1  }
0x74: {  	s1 =	ssub.s32 @!p0 $0x0, s1;
	[sflag:s0] =	ssyncset.done @!p0 $0x0  }
0x75: {  	[sflag:s0] =	ssyncadd.s32 @!p0 s1  }
0x76: {  	[bflag:$0x3] =	sbarrier.arrive $0xFFFF  }
0x77: {  	_ =	shalt  }

</sc_bundles>
